<compile_context>
chip_gen: v7x
topology: tpu7x:2x2x1
jax: 0.10.2.dev20260603
libtpu: 0.0.44.dev20260713+nightly
codegen_flags: <defaults>
</compile_context>

<pallas_src>
import functools

import jax
import jax.numpy as jnp
from jax import lax
from jax.experimental import pallas as pl
from jax.experimental.pallas import tpu as pltpu
from jax.experimental.pallas import tpu_sc as plsc

N = 10000
E = 320000
D = 128
H = 128
DE = 16
DX = 160

BE = 3200

NC, NS = 2, 16
NW = NC * NS
EW = E // NW
CG = 80
NCH = EW // CG
NP = NCH // 2
NSL = 5
NCS = NCH // NSL
NPS = NCS // 2
NPT = N // NS


def _sc_gather_body(t_hbm, idx_hbm, z_hbm,
                    t_sh, idx_v, bufA, bufB,
                    sinA, sinB, soutA, soutB):
    sid = lax.axis_index("s")
    wid = sid * NC + lax.axis_index("c")
    tsl = pl.ds(sid * 2 * NPT, 2 * NPT)
    pltpu.sync_copy(t_hbm.at[tsl], t_sh.at[tsl])
    plsc.subcore_barrier()

    def start_in(jj, buf, sin):
        pltpu.async_copy(t_sh.at[idx_v.at[jj]], buf, sin)

    def wait_in(jj, buf, sin):
        pltpu.make_async_copy(t_sh.at[idx_v.at[jj]], buf, sin).wait()

    def add_rows(buf):
        def add_row(r, _):
            for u in range(DX // 32):
                sl = pl.ds(u * 32, 32)
                buf[r, sl] = buf[r, sl] + buf[CG + r, sl]
            return 0
        lax.fori_loop(0, CG, add_row, 0, unroll=2)

    for slab in range(NSL):
        sbase = wid * EW + slab * NCS * CG

        def start_out(jj, buf, sout):
            pltpu.async_copy(buf.at[pl.ds(0, CG)],
                             z_hbm.at[pl.ds(sbase + jj * CG, CG)], sout)

        def wait_out(jj, buf, sout):
            pltpu.make_async_copy(buf.at[pl.ds(0, CG)],
                                  z_hbm.at[pl.ds(sbase + jj * CG, CG)],
                                  sout).wait()

        pltpu.sync_copy(idx_hbm.at[wid, slab], idx_v)
        start_in(0, bufA, sinA)

        def pair(p, _):
            ja = 2 * p
            jb = 2 * p + 1

            @pl.when(p > 0)
            def _():
                wait_out(jb - 2, bufB, soutB)
            start_in(jb, bufB, sinB)
            wait_in(ja, bufA, sinA)
            add_rows(bufA)
            start_out(ja, bufA, soutA)
            wait_in(jb, bufB, sinB)
            add_rows(bufB)
            start_out(jb, bufB, soutB)
            wait_out(ja, bufA, soutA)
            start_in(ja + 2, bufA, sinA)
            return 0

        lax.fori_loop(0, NPS, pair, 0)
        jt = NCS - 1
        wait_in(jt, bufA, sinA)
        add_rows(bufA)
        start_out(jt, bufA, soutA)
        wait_out(jt - 1, bufB, soutB)
        wait_out(jt, bufA, soutA)


def _sc_gather(t, row, col):
    idxc = jnp.concatenate(
        [row.reshape(NW, NSL, NCS, 1, CG),
         (col + N).reshape(NW, NSL, NCS, 1, CG)], axis=3
    ).reshape(NW, NSL, NCS, 2 * CG)
    mesh = plsc.VectorSubcoreMesh(core_axis_name="c", subcore_axis_name="s",
                                  num_cores=NC, num_subcores=NS)
    f = pl.kernel(
        _sc_gather_body,
        out_type=jax.ShapeDtypeStruct((E, DX), jnp.bfloat16),
        mesh=mesh,
        scratch_types=[
            pltpu.VMEM_SHARED((2 * N, DX), jnp.bfloat16),
            pltpu.VMEM((NCS, 2 * CG), jnp.int32),
            pltpu.VMEM((2 * CG, DX), jnp.bfloat16),
            pltpu.VMEM((2 * CG, DX), jnp.bfloat16),
            pltpu.SemaphoreType.DMA,
            pltpu.SemaphoreType.DMA,
            pltpu.SemaphoreType.DMA,
            pltpu.SemaphoreType.DMA,
        ],
        compiler_params=pltpu.CompilerParams(use_tc_tiling_on_sc=False),
    )
    return f(t, idxc)


def _sc_scatter_body(ef_hbm, row_hbm, zer_hbm, agg_hbm,
                     agg_sh, row_v, efA, efB, sinA, sinB, sscA, sscB):
    sid = lax.axis_index("s")
    cid = lax.axis_index("c")
    wid = sid * NC + cid
    tsl = pl.ds(sid * 624, 624)
    rem = pl.ds(624 * NS, N - 624 * NS)
    pltpu.sync_copy(zer_hbm.at[tsl], agg_sh.at[tsl])

    @pl.when(sid == 0)
    def _():
        pltpu.sync_copy(zer_hbm.at[rem], agg_sh.at[rem])
    pltpu.sync_copy(row_hbm.at[wid], row_v)
    plsc.subcore_barrier()

    def start_in(j, efb, sin):
        pltpu.async_copy(ef_hbm.at[pl.ds(wid * EW + j * CG, CG)], efb, sin)

    def wait_in(j, efb, sin):
        pltpu.make_async_copy(ef_hbm.at[pl.ds(wid * EW + j * CG, CG)], efb,
                              sin).wait()

    def start_sc(j, efb, ssc):
        pltpu.async_copy(efb, agg_sh.at[row_v.at[j]], ssc, add=True)

    def wait_sc(j, efb, ssc):
        pltpu.make_async_copy(efb, agg_sh.at[row_v.at[j]], ssc).wait()

    start_in(0, efA, sinA)

    def pair(p, _):
        ja = 2 * p
        jb = 2 * p + 1

        @pl.when(p > 0)
        def _():
            wait_sc(jb - 2, efB, sscB)
        start_in(jb, efB, sinB)
        wait_in(ja, efA, sinA)
        start_sc(ja, efA, sscA)
        wait_in(jb, efB, sinB)
        start_sc(jb, efB, sscB)
        wait_sc(ja, efA, sscA)
        start_in(ja + 2, efA, sinA)
        return 0

    lax.fori_loop(0, NP, pair, 0)
    jt = NCH - 1
    wait_in(jt, efA, sinA)
    start_sc(jt, efA, sscA)
    wait_sc(jt - 1, efB, sscB)
    wait_sc(jt, efA, sscA)
    plsc.subcore_barrier()
    pltpu.sync_copy(agg_sh.at[tsl], agg_hbm.at[cid, tsl])

    @pl.when(sid == 0)
    def _():
        pltpu.sync_copy(agg_sh.at[rem], agg_hbm.at[cid, rem])


def _sc_scatter(ef, row):
    row2 = row.reshape(NW, NCH, CG)
    zer = jnp.zeros((N, H), jnp.float32)
    mesh = plsc.VectorSubcoreMesh(core_axis_name="c", subcore_axis_name="s",
                                  num_cores=NC, num_subcores=NS)
    f = pl.kernel(
        _sc_scatter_body,
        out_type=jax.ShapeDtypeStruct((NC, N, H), jnp.float32),
        mesh=mesh,
        scratch_types=[
            pltpu.VMEM_SHARED((N, H), jnp.float32),
            pltpu.VMEM((NCH, CG), jnp.int32),
            pltpu.VMEM((CG, H), jnp.float32),
            pltpu.VMEM((CG, H), jnp.float32),
            pltpu.SemaphoreType.DMA,
            pltpu.SemaphoreType.DMA,
            pltpu.SemaphoreType.DMA,
            pltpu.SemaphoreType.DMA,
        ],
    )
    return f(ef, row2, zer)


def _pre_body(h_ref, c_ref, ws_ref, wd_ref, t_ref):
    h = h_ref[...]
    c = c_ref[...]
    pad = jnp.zeros((N, DX - D - 3), jnp.float32)
    t_ref[pl.ds(0, N), :] = jnp.concatenate(
        [jnp.dot(h, ws_ref[...], preferred_element_type=jnp.float32), c, pad],
        axis=1).astype(jnp.bfloat16)
    t_ref[pl.ds(N, N), :] = jnp.concatenate(
        [jnp.dot(h, wd_ref[...], preferred_element_type=jnp.float32), -c, pad],
        axis=1).astype(jnp.bfloat16)


def _edge_body(z_ref, ea_ref, wr_ref, w1a_ref, b1_ref, w2_ref, b2_ref, out_ref):
    z = z_ref[...].astype(jnp.float32)
    cd = z[:, D:DX]
    radial = jnp.sum(cd * cd, axis=1, keepdims=True)
    x = (z[:, :D] + radial * wr_ref[...] + b1_ref[...]
         + jnp.dot(ea_ref[...], w1a_ref[...], preferred_element_type=jnp.float32))
    m = x * jax.nn.sigmoid(x)
    y = jnp.dot(m.astype(jnp.bfloat16), w2_ref[...],
                preferred_element_type=jnp.float32) + b2_ref[...]
    out_ref[...] = y * jax.nn.sigmoid(y)


def _node_body(h_ref, a0_ref, a1_ref, w1h_ref, w1a_ref, b1_ref, w2_ref, b2_ref, out_ref):
    agg = a0_ref[...] + a1_ref[...]
    x = (jnp.dot(h_ref[...], w1h_ref[...], preferred_element_type=jnp.float32)
         + jnp.dot(agg, w1a_ref[...], preferred_element_type=jnp.float32)
         + b1_ref[...])
    m = x * jax.nn.sigmoid(x)
    out_ref[...] = h_ref[...] + jnp.dot(m, w2_ref[...],
                                        preferred_element_type=jnp.float32) + b2_ref[...]


def kernel(h, edge_index, coord, edge_attr, W1e, b1e, W2e, b2e, W1n, b1n, W2n, b2n):
    row = edge_index[0]
    col = edge_index[1]

    t = pl.pallas_call(
        _pre_body,
        out_shape=jax.ShapeDtypeStruct((2 * N, DX), jnp.bfloat16),
    )(h, coord, W1e[:D], W1e[D:2 * D])

    z = _sc_gather(t, row, col)

    grid = (E // BE,)
    ef = pl.pallas_call(
        _edge_body,
        grid=grid,
        in_specs=[
            pl.BlockSpec((BE, DX), lambda i: (i, 0)),
            pl.BlockSpec((BE, DE), lambda i: (i, 0)),
            pl.BlockSpec((1, H), lambda i: (0, 0)),
            pl.BlockSpec((DE, H), lambda i: (0, 0)),
            pl.BlockSpec((1, H), lambda i: (0, 0)),
            pl.BlockSpec((H, H), lambda i: (0, 0)),
            pl.BlockSpec((1, H), lambda i: (0, 0)),
        ],
        out_specs=pl.BlockSpec((BE, H), lambda i: (i, 0)),
        out_shape=jax.ShapeDtypeStruct((E, H), jnp.float32),
    )(z, edge_attr, W1e[2 * D][None, :], W1e[2 * D + 1:], b1e[None, :],
      W2e.astype(jnp.bfloat16), b2e[None, :])

    aggp = _sc_scatter(ef, row)

    h_out = pl.pallas_call(
        _node_body,
        out_shape=jax.ShapeDtypeStruct((N, D), jnp.float32),
    )(h, aggp[0], aggp[1], W1n[:D], W1n[D:], b1n[None, :], W2n, b2n[None, :])

    return (h_out, coord, ef)

# --- scband reference (transcript-rebuilt; emitter-appended) ---
"""Pipeline reference for scband-e-gcl-59871844106306 (READ-ONLY COPY).

The authoritative reference and input builder live on the scoring server;
editing this copy changes nothing except your own understanding.
"""

import jax, jax.numpy as jnp
import numpy as np

N = 10000
E = 320000
D = 128   # input_nf = output_nf
H = 128   # hidden_nf
DE = 16   # edges_in_d


def setup_inputs(seed: int = 0) -> dict:
    key = jax.random.key(seed)
    ks = jax.random.split(key, 16)
    h = jax.random.normal(ks[0], (N, D), dtype=jnp.float32)
    edge_index = jax.random.randint(ks[1], (2, E), 0, N, dtype=jnp.int32)
    coord = jax.random.normal(ks[2], (N, 3), dtype=jnp.float32)
    edge_attr = jax.random.normal(ks[3], (E, DE), dtype=jnp.float32)
    # edge_mlp: Linear(2*D + DE + 1 -> H), SiLU, Linear(H -> H), SiLU
    in_e = 2 * D + DE + 1
    W1e = jax.random.normal(ks[4], (in_e, H), dtype=jnp.float32) / np.sqrt(in_e)
    b1e = jnp.zeros((H,), dtype=jnp.float32)
    W2e = jax.random.normal(ks[5], (H, H), dtype=jnp.float32) / np.sqrt(H)
    b2e = jnp.zeros((H,), dtype=jnp.float32)
    # node_mlp: Linear(D + H -> H), SiLU, Linear(H -> D)
    in_n = D + H
    W1n = jax.random.normal(ks[6], (in_n, H), dtype=jnp.float32) / np.sqrt(in_n)
    b1n = jnp.zeros((H,), dtype=jnp.float32)
    W2n = jax.random.normal(ks[7], (H, D), dtype=jnp.float32) / np.sqrt(H)
    b2n = jnp.zeros((D,), dtype=jnp.float32)
    return {
        "h": h, "edge_index": edge_index, "coord": coord, "edge_attr": edge_attr,
        "W1e": W1e, "b1e": b1e, "W2e": W2e, "b2e": b2e,
        "W1n": W1n, "b1n": b1n, "W2n": W2n, "b2n": b2n,
    }


def reference(h, edge_index, coord, edge_attr, W1e, b1e, W2e, b2e, W1n, b1n, W2n, b2n):
    row = edge_index[0]
    col = edge_index[1]
    # coord2radial (normalize=False)
    coord_diff = coord[row] - coord[col]
    radial = jnp.sum(coord_diff ** 2, axis=1, keepdims=True)
    # edge_model (attention=False, edge_attr provided)
    src = jnp.take(h, row, axis=0)
    dst = jnp.take(h, col, axis=0)
    edge_in = jnp.concatenate([src, dst, radial, edge_attr], axis=1)
    m = jax.nn.silu(edge_in @ W1e + b1e)
    edge_feat = jax.nn.silu(m @ W2e + b2e)
    # update_coords=False: coord passes through unchanged
    # node_model: unsorted_segment_sum over row, then node MLP, residual add
    agg = jax.ops.segment_sum(edge_feat, row, num_segments=N)
    node_in = jnp.concatenate([h, agg], axis=1)
    hmid = jax.nn.silu(node_in @ W1n + b1n)
    h_out = h + (hmid @ W2n + b2n)
    return (h_out, coord, edge_feat)

if __name__ == "__main__":
    import jax
    _d = setup_inputs()
    print(jax.jit(kernel)(*tuple(_d.values())))

</pallas_src>

<mosaic_0001>
#map = affine_map<(d0, d1) -> (0, 0)>
#map1 = affine_map<(d0, d1) -> (0, 0, 0, 0)>
module attributes {stable_mosaic.version = 14 : i64} {
  func.func @_sc_gather_body(%arg0: i32, %arg1: i32, %arg2: memref<20000x160xbf16, #tpu.memory_space<hbm>>, %arg3: memref<32x5x25x160xi32, #tpu.memory_space<hbm>>, %arg4: memref<320000x160xbf16, #tpu.memory_space<hbm>>, %arg5: memref<20000x160xbf16, #tpu.memory_space<vmem_shared>>, %arg6: memref<25x160xi32, #tpu.memory_space<vmem>>, %arg7: memref<160x160xbf16, #tpu.memory_space<vmem>>, %arg8: memref<160x160xbf16, #tpu.memory_space<vmem>>, %arg9: memref<!tpu.dma_semaphore, #tpu.memory_space<semaphore_mem>>, %arg10: memref<!tpu.dma_semaphore, #tpu.memory_space<semaphore_mem>>, %arg11: memref<!tpu.dma_semaphore, #tpu.memory_space<semaphore_mem>>, %arg12: memref<!tpu.dma_semaphore, #tpu.memory_space<semaphore_mem>>) attributes {dimension_semantics = [#tpu.dimension_semantics<core_parallel>, #tpu.dimension_semantics<subcore_parallel>], iteration_bounds = array<i64: 2, 16>, scalar_prefetch = 0 : i64, scratch_operands = 8 : i64, tpu.core_type = #tpu.core_type<sc_vector_subcore>, window_params = [{transform_indices = #map}, {transform_indices = #map1}, {transform_indices = #map}]} {
    %mul3A = arith.constant 2 : i32
    %mul3A_0 = arith.muli %arg1, %mul3A : i32
    %add3A = arith.addi %mul3A_0, %arg0 : i32
    %mul3A_1 = arith.constant 2 : i32
    %mul3A_2 = arith.muli %arg1, %mul3A_1 : i32
    %mul3A_3 = arith.constant 625 : i32
    %mul3A_4 = arith.muli %mul3A_2, %mul3A_3 : i32
    "tpu.region"() ({
      %run_scoped3A_346 = tpu.sem_alloc : memref<!tpu.dma_semaphore, #tpu.memory_space<semaphore_mem>>
      %dma_start3A_347 = arith.constant 0 : i32
      %dma_start3A_348 = tpu.memref_slice %arg5[%mul3A_4, %dma_start3A_347] : memref<20000x160xbf16, #tpu.memory_space<vmem_shared>> -> memref<1250x160xbf16, #tpu.memory_space<vmem_shared>>
      %dma_start3A_349 = arith.constant 0 : i32
      %dma_start3A_350 = tpu.memref_slice %arg2[%mul3A_4, %dma_start3A_349] : memref<20000x160xbf16, #tpu.memory_space<hbm>> -> memref<1250x160xbf16, #tpu.memory_space<hbm>>
      tpu.enqueue_dma source(%dma_start3A_350 : memref<1250x160xbf16, #tpu.memory_space<hbm>>) target(%dma_start3A_348 : memref<1250x160xbf16, #tpu.memory_space<vmem_shared>>) target_semaphore(%run_scoped3A_346 : memref<!tpu.dma_semaphore, #tpu.memory_space<semaphore_mem>>)
      %dma_wait3A_351 = arith.constant 0 : i32
      %dma_wait3A_352 = tpu.memref_slice %arg5[%mul3A_4, %dma_wait3A_351] : memref<20000x160xbf16, #tpu.memory_space<vmem_shared>> -> memref<1250x160xbf16, #tpu.memory_space<vmem_shared>>
      %dma_wait3A_353 = arith.constant 0 : i32
      %dma_wait3A_354 = tpu.memref_slice %arg2[%mul3A_4, %dma_wait3A_353] : memref<20000x160xbf16, #tpu.memory_space<hbm>> -> memref<1250x160xbf16, #tpu.memory_space<hbm>>
      tpu.wait_dma2 semaphore(%run_scoped3A_346 : memref<!tpu.dma_semaphore, #tpu.memory_space<semaphore_mem>>) src(%dma_wait3A_354 : memref<1250x160xbf16, #tpu.memory_space<hbm>>) dst(%dma_wait3A_352 : memref<1250x160xbf16, #tpu.memory_space<vmem_shared>>)
      tpu.yield
    }) : () -> ()
    %barrier3A = arith.constant 0 : index
    tpu.barrier barrier_id(%barrier3A)
    %mul3A_5 = arith.constant 10000 : i32
    %mul3A_6 = arith.muli %add3A, %mul3A_5 : i32
    %add3A_7 = arith.constant 0 : i32
    %add3A_8 = arith.addi %mul3A_6, %add3A_7 : i32
    %run_scoped3A = arith.constant 0 : i32
    "tpu.region"() ({
      %run_scoped3A_346 = tpu.sem_alloc : memref<!tpu.dma_semaphore, #tpu.memory_space<semaphore_mem>>
      %dma_start3A_347 = arith.constant 0 : i32
      %dma_start3A_348 = arith.constant 0 : i32
      %dma_start3A_349 = tpu.memref_slice %arg3[%add3A, %run_scoped3A, %dma_start3A_347, %dma_start3A_348] : memref<32x5x25x160xi32, #tpu.memory_space<hbm>> -> memref<1x1x25x160xi32, #tpu.memory_space<hbm>>
      %dma_start3A_350 = tpu.memref_squeeze %dma_start3A_349 : memref<1x1x25x160xi32, #tpu.memory_space<hbm>> -> memref<25x160xi32, #tpu.memory_space<hbm>>
      %dma_start3A_351 = arith.constant 0 : i32
      %dma_start3A_352 = arith.constant 0 : i32
      %dma_start3A_353 = tpu.memref_slice %arg3[%add3A, %run_scoped3A, %dma_start3A_351, %dma_start3A_352] : memref<32x5x25x160xi32, #tpu.memory_space<hbm>> -> memref<1x1x25x160xi32, #tpu.memory_space<hbm>>
      %dma_start3A_354 = tpu.memref_squeeze %dma_start3A_353 : memref<1x1x25x160xi32, #tpu.memory_space<hbm>> -> memref<25x160xi32, #tpu.memory_space<hbm>>
      tpu.enqueue_dma source(%dma_start3A_354 : memref<25x160xi32, #tpu.memory_space<hbm>>) target(%arg6 : memref<25x160xi32, #tpu.memory_space<vmem>>) target_semaphore(%run_scoped3A_346 : memref<!tpu.dma_semaphore, #tpu.memory_space<semaphore_mem>>)
      %dma_wait3A_355 = arith.constant 0 : i32
      %dma_wait3A_356 = arith.constant 0 : i32
      %dma_wait3A_357 = tpu.memref_slice %arg3[%add3A, %run_scoped3A, %dma_wait3A_355, %dma_wait3A_356] : memref<32x5x25x160xi32, #tpu.memory_space<hbm>> -> memref<1x1x25x160xi32, #tpu.memory_space<hbm>>
      %dma_wait3A_358 = tpu.memref_squeeze %dma_wait3A_357 : memref<1x1x25x160xi32, #tpu.memory_space<hbm>> -> memref<25x160xi32, #tpu.memory_space<hbm>>
      %dma_wait3A_359 = arith.constant 0 : i32
      %dma_wait3A_360 = arith.constant 0 : i32
      %dma_wait3A_361 = tpu.memref_slice %arg3[%add3A, %run_scoped3A, %dma_wait3A_359, %dma_wait3A_360] : memref<32x5x25x160xi32, #tpu.memory_space<hbm>> -> memref<1x1x25x160xi32, #tpu.memory_space<hbm>>
      %dma_wait3A_362 = tpu.memref_squeeze %dma_wait3A_361 : memref<1x1x25x160xi32, #tpu.memory_space<hbm>> -> memref<25x160xi32, #tpu.memory_space<hbm>>
      tpu.wait_dma2 semaphore(%run_scoped3A_346 : memref<!tpu.dma_semaphore, #tpu.memory_space<semaphore_mem>>) src(%dma_wait3A_362 : memref<25x160xi32, #tpu.memory_space<hbm>>) dst(%arg6 : memref<25x160xi32, #tpu.memory_space<vmem>>)
      tpu.yield
    }) : () -> ()
    %dma_start3A = arith.constant 0 : i32
    %dma_start3A_9 = arith.constant 0 : i32
    %dma_start3A_10 = tpu.memref_slice %arg6[%dma_start3A, %dma_start3A_9] : memref<25x160xi32, #tpu.memory_space<vmem>> -> memref<1x160xi32, #tpu.memory_space<vmem>>
    %dma_start3A_11 = tpu.memref_squeeze %dma_start3A_10 : memref<1x160xi32, #tpu.memory_space<vmem>> -> memref<160xi32, #tpu.memory_space<vmem>>
    %dma_start3A_12 = arith.constant 0 : i32
    %dma_start3A_13 = arith.constant 0 : i32
    %dma_start3A_14 = tpu.memref_slice %arg5[%dma_start3A_12, %dma_start3A_13] : memref<20000x160xbf16, #tpu.memory_space<vmem_shared>> -> memref<20000x160xbf16, #tpu.memory_space<vmem_shared>>
    tpu.enqueue_indirect_dma source(%dma_start3A_14 : memref<20000x160xbf16, #tpu.memory_space<vmem_shared>>) target(%arg7 : memref<160x160xbf16, #tpu.memory_space<vmem>>) offsets(%dma_start3A_11 : memref<160xi32, #tpu.memory_space<vmem>>) semaphore(%arg9 : memref<!tpu.dma_semaphore, #tpu.memory_space<semaphore_mem>>)
    %scan3A = arith.constant 0 : i32
    %scan3A_15 = arith.constant 0 : i32
    %scan3A_16 = arith.constant 12 : i32
    %scan3A_17 = arith.addi %scan3A_15, %scan3A_16 : i32
    %scan3A_18 = arith.constant 1 : i32
    %scan3A_19 = scf.for %scan3A_346 = %scan3A_15 to %scan3A_17 step %scan3A_18 iter_args(%scan3A_347 = %scan3A) -> (i32)  : i32 {
      %mul3A_348 = arith.constant 2 : i32
      %mul3A_349 = arith.muli %mul3A_348, %scan3A_346 : i32
      %mul3A_350 = arith.constant 2 : i32
      %mul3A_351 = arith.muli %mul3A_350, %scan3A_346 : i32
      %add3A_352 = arith.constant 1 : i32
      %add3A_353 = arith.addi %mul3A_351, %add3A_352 : i32
      %gt3A = arith.constant 0 : i32
      %gt3A_354 = arith.cmpi sgt, %scan3A_346, %gt3A : i32
      %convert_element_type3A = arith.extui %gt3A_354 : i1 to i32
      %cond3A = arith.constant 0 : i32
      %cond3A_355 = arith.cmpi ne, %convert_element_type3A, %cond3A : i32
      scf.if %cond3A_355 {
        %sub3A = arith.constant 2 : i32
        %sub3A_436 = arith.subi %add3A_353, %sub3A : i32
        %mul3A_437 = arith.constant 80 : i32
        %mul3A_438 = arith.muli %sub3A_436, %mul3A_437 : i32
        %add3A_439 = arith.addi %add3A_8, %mul3A_438 : i32
        %dma_wait3A_440 = arith.constant 0 : i32
        %dma_wait3A_441 = arith.constant 0 : i32
        %dma_wait3A_442 = tpu.memref_slice %arg8[%dma_wait3A_440, %dma_wait3A_441] : memref<160x160xbf16, #tpu.memory_space<vmem>> -> memref<80x160xbf16, #tpu.memory_space<vmem>>
        %dma_wait3A_443 = arith.constant 0 : i32
        %dma_wait3A_444 = tpu.memref_slice %arg4[%add3A_439, %dma_wait3A_443] : memref<320000x160xbf16, #tpu.memory_space<hbm>> -> memref<80x160xbf16, #tpu.memory_space<hbm>>
        %dma_wait3A_445 = arith.constant 0 : i32
        %dma_wait3A_446 = tpu.memref_slice %arg4[%add3A_439, %dma_wait3A_445] : memref<320000x160xbf16, #tpu.memory_space<hbm>> -> memref<80x160xbf16, #tpu.memory_space<hbm>>
        %dma_wait3A_447 = arith.constant 0 : i32
        %dma_wait3A_448 = arith.constant 0 : i32
        %dma_wait3A_449 = tpu.memref_slice %arg8[%dma_wait3A_447, %dma_wait3A_448] : memref<160x160xbf16, #tpu.memory_space<vmem>> -> memref<80x160xbf16, #tpu.memory_space<vmem>>
        tpu.wait_dma2 semaphore(%arg12 : memref<!tpu.dma_semaphore, #tpu.memory_space<semaphore_mem>>) src(%dma_wait3A_449 : memref<80x160xbf16, #tpu.memory_space<vmem>>) dst(%dma_wait3A_446 : memref<80x160xbf16, #tpu.memory_space<hbm>>)
      } else {
      }
      %dma_start3A_356 = arith.constant 0 : i32
      %dma_start3A_357 = tpu.memref_slice %arg6[%add3A_353, %dma_start3A_356] : memref<25x160xi32, #tpu.memory_space<vmem>> -> memref<1x160xi32, #tpu.memory_space<vmem>>
      %dma_start3A_358 = tpu.memref_squeeze %dma_start3A_357 : memref<1x160xi32, #tpu.memory_space<vmem>> -> memref<160xi32, #tpu.memory_space<vmem>>
      %dma_start3A_359 = arith.constant 0 : i32
      %dma_start3A_360 = arith.constant 0 : i32
      %dma_start3A_361 = tpu.memref_slice %arg5[%dma_start3A_359, %dma_start3A_360] : memref<20000x160xbf16, #tpu.memory_space<vmem_shared>> -> memref<20000x160xbf16, #tpu.memory_space<vmem_shared>>
      tpu.enqueue_indirect_dma source(%dma_start3A_361 : memref<20000x160xbf16, #tpu.memory_space<vmem_shared>>) target(%arg8 : memref<160x160xbf16, #tpu.memory_space<vmem>>) offsets(%dma_start3A_358 : memref<160xi32, #tpu.memory_space<vmem>>) semaphore(%arg10 : memref<!tpu.dma_semaphore, #tpu.memory_space<semaphore_mem>>)
      %dma_wait3A_362 = arith.constant 0 : i32
      %dma_wait3A_363 = tpu.memref_slice %arg6[%mul3A_349, %dma_wait3A_362] : memref<25x160xi32, #tpu.memory_space<vmem>> -> memref<1x160xi32, #tpu.memory_space<vmem>>
      %dma_wait3A_364 = tpu.memref_squeeze %dma_wait3A_363 : memref<1x160xi32, #tpu.memory_space<vmem>> -> memref<160xi32, #tpu.memory_space<vmem>>
      %dma_wait3A_365 = arith.constant 0 : i32
      %dma_wait3A_366 = arith.constant 0 : i32
      %dma_wait3A_367 = tpu.memref_slice %arg5[%dma_wait3A_365, %dma_wait3A_366] : memref<20000x160xbf16, #tpu.memory_space<vmem_shared>> -> memref<20000x160xbf16, #tpu.memory_space<vmem_shared>>
      tpu.wait_indirect_dma semaphore(%arg9 : memref<!tpu.dma_semaphore, #tpu.memory_space<semaphore_mem>>) src(%dma_wait3A_367 : memref<20000x160xbf16, #tpu.memory_space<vmem_shared>>) dst(%arg7 : memref<160x160xbf16, #tpu.memory_space<vmem>>)
      %scan3A_368 = arith.constant 0 : i32
      %scan3A_369 = arith.constant 0 : i32
      %scan3A_370 = arith.constant 80 : i32
      %scan3A_371 = arith.addi %scan3A_369, %scan3A_370 : i32
      %scan3A_372 = arith.constant 2 : i32
      %scan3A_373 = scf.for %scan3A_436 = %scan3A_369 to %scan3A_371 step %scan3A_372 iter_args(%scan3A_437 = %scan3A_368) -> (i32)  : i32 {
        %get3A = arith.index_cast %scan3A_436 : i32 to index
        %get3A_438 = arith.constant 0 : index
        %get3A_439 = tpu.vector_load %arg7[%get3A, %get3A_438] {strides = array<i32>} : memref<160x160xbf16, #tpu.memory_space<vmem>>, vector<1x32xbf16>,
        %get3A_440 = vector.shape_cast %get3A_439 : vector<1x32xbf16> to vector<32xbf16>
        %add3A_441 = arith.constant 80 : i32
        %add3A_442 = arith.addi %add3A_441, %scan3A_436 : i32
        %get3A_443 = arith.index_cast %add3A_442 : i32 to index
        %get3A_444 = arith.constant 0 : index
        %get3A_445 = tpu.vector_load %arg7[%get3A_443, %get3A_444] {strides = array<i32>} : memref<160x160xbf16, #tpu.memory_space<vmem>>, vector<1x32xbf16>,
        %get3A_446 = vector.shape_cast %get3A_445 : vector<1x32xbf16> to vector<32xbf16>
        %add3A_447 = arith.addf %get3A_440, %get3A_446 : vector<32xbf16>
        %swap3A = arith.index_cast %scan3A_436 : i32 to index
        %swap3A_448 = arith.constant 0 : index
        %swap3A_449 = tpu.vector_load %arg7[%swap3A, %swap3A_448] {strides = array<i32>} : memref<160x160xbf16, #tpu.memory_space<vmem>>, vector<1x32xbf16>,
        %swap3A_450 = vector.shape_cast %swap3A_449 : vector<1x32xbf16> to vector<32xbf16>
        %swap3A_451 = vector.shape_cast %add3A_447 : vector<32xbf16> to vector<1x32xbf16>
        tpu.vector_store %arg7[%swap3A, %swap3A_448], %swap3A_451 {strides = array<i32>} : memref<160x160xbf16, #tpu.memory_space<vmem>>, vector<1x32xbf16>,
        %get3A_452 = arith.index_cast %scan3A_436 : i32 to index
        %get3A_453 = arith.constant 32 : index
        %get3A_454 = tpu.vector_load %arg7[%get3A_452, %get3A_453] {strides = array<i32>} : memref<160x160xbf16, #tpu.memory_space<vmem>>, vector<1x32xbf16>,
        %get3A_455 = vector.shape_cast %get3A_454 : vector<1x32xbf16> to vector<32xbf16>
        %add3A_456 = arith.constant 80 : i32
        %add3A_457 = arith.addi %add3A_456, %scan3A_436 : i32
        %get3A_458 = arith.index_cast %add3A_457 : i32 to index
        %get3A_459 = arith.constant 32 : index
        %get3A_460 = tpu.vector_load %arg7[%get3A_458, %get3A_459] {strides = array<i32>} : memref<160x160xbf16, #tpu.memory_space<vmem>>, vector<1x32xbf16>,
        %get3A_461 = vector.shape_cast %get3A_460 : vector<1x32xbf16> to vector<32xbf16>
        %add3A_462 = arith.addf %get3A_455, %get3A_461 : vector<32xbf16>
        %swap3A_463 = arith.index_cast %scan3A_436 : i32 to index
        %swap3A_464 = arith.constant 32 : index
        %swap3A_465 = tpu.vector_load %arg7[%swap3A_463, %swap3A_464] {strides = array<i32>} : memref<160x160xbf16, #tpu.memory_space<vmem>>, vector<1x32xbf16>,
        %swap3A_466 = vector.shape_cast %swap3A_465 : vector<1x32xbf16> to vector<32xbf16>
        %swap3A_467 = vector.shape_cast %add3A_462 : vector<32xbf16> to vector<1x32xbf16>
        tpu.vector_store %arg7[%swap3A_463, %swap3A_464], %swap3A_467 {strides = array<i32>} : memref<160x160xbf16, #tpu.memory_space<vmem>>, vector<1x32xbf16>,
        %get3A_468 = arith.index_cast %scan3A_436 : i32 to index
        %get3A_469 = arith.constant 64 : index
        %get3A_470 = tpu.vector_load %arg7[%get3A_468, %get3A_469] {strides = array<i32>} : memref<160x160xbf16, #tpu.memory_space<vmem>>, vector<1x32xbf16>,
        %get3A_471 = vector.shape_cast %get3A_470 : vector<1x32xbf16> to vector<32xbf16>
        %add3A_472 = arith.constant 80 : i32
        %add3A_473 = arith.addi %add3A_472, %scan3A_436 : i32
        %get3A_474 = arith.index_cast %add3A_473 : i32 to index
        %get3A_475 = arith.constant 64 : index
        %get3A_476 = tpu.vector_load %arg7[%get3A_474, %get3A_475] {strides = array<i32>} : memref<160x160xbf16, #tpu.memory_space<vmem>>, vector<1x32xbf16>,
        %get3A_477 = vector.shape_cast %get3A_476 : vector<1x32xbf16> to vector<32xbf16>
        %add3A_478 = arith.addf %get3A_471, %get3A_477 : vector<32xbf16>
        %swap3A_479 = arith.index_cast %scan3A_436 : i32 to index
        %swap3A_480 = arith.constant 64 : index
        %swap3A_481 = tpu.vector_load %arg7[%swap3A_479, %swap3A_480] {strides = array<i32>} : memref<160x160xbf16, #tpu.memory_space<vmem>>, vector<1x32xbf16>,
        %swap3A_482 = vector.shape_cast %swap3A_481 : vector<1x32xbf16> to vector<32xbf16>
        %swap3A_483 = vector.shape_cast %add3A_478 : vector<32xbf16> to vector<1x32xbf16>
        tpu.vector_store %arg7[%swap3A_479, %swap3A_480], %swap3A_483 {strides = array<i32>} : memref<160x160xbf16, #tpu.memory_space<vmem>>, vector<1x32xbf16>,
        %get3A_484 = arith.index_cast %scan3A_436 : i32 to index
        %get3A_485 = arith.constant 96 : index
        %get3A_486 = tpu.vector_load %arg7[%get3A_484, %get3A_485] {strides = array<i32>} : memref<160x160xbf16, #tpu.memory_space<vmem>>, vector<1x32xbf16>,
        %get3A_487 = vector.shape_cast %get3A_486 : vector<1x32xbf16> to vector<32xbf16>
        %add3A_488 = arith.constant 80 : i32
        %add3A_489 = arith.addi %add3A_488, %scan3A_436 : i32
        %get3A_490 = arith.index_cast %add3A_489 : i32 to index
        %get3A_491 = arith.constant 96 : index
        %get3A_492 = tpu.vector_load %arg7[%get3A_490, %get3A_491] {strides = array<i32>} : memref<160x160xbf16, #tpu.memory_space<vmem>>, vector<1x32xbf16>,
        %get3A_493 = vector.shape_cast %get3A_492 : vector<1x32xbf16> to vector<32xbf16>
        %add3A_494 = arith.addf %get3A_487, %get3A_493 : vector<32xbf16>
        %swap3A_495 = arith.index_cast %scan3A_436 : i32 to index
        %swap3A_496 = arith.constant 96 : index
        %swap3A_497 = tpu.vector_load %arg7[%swap3A_495, %swap3A_496] {strides = array<i32>} : memref<160x160xbf16, #tpu.memory_space<vmem>>, vector<1x32xbf16>,
        %swap3A_498 = vector.shape_cast %swap3A_497 : vector<1x32xbf16> to vector<32xbf16>
        %swap3A_499 = vector.shape_cast %add3A_494 : vector<32xbf16> to vector<1x32xbf16>
        tpu.vector_store %arg7[%swap3A_495, %swap3A_496], %swap3A_499 {strides = array<i32>} : memref<160x160xbf16, #tpu.memory_space<vmem>>, vector<1x32xbf16>,
        %get3A_500 = arith.index_cast %scan3A_436 : i32 to index
        %get3A_501 = arith.constant 128 : index
        %get3A_502 = tpu.vector_load %arg7[%get3A_500, %get3A_501] {strides = array<i32>} : memref<160x160xbf16, #tpu.memory_space<vmem>>, vector<1x32xbf16>,
        %get3A_503 = vector.shape_cast %get3A_502 : vector<1x32xbf16> to vector<32xbf16>
        %add3A_504 = arith.constant 80 : i32
        %add3A_505 = arith.addi %add3A_504, %scan3A_436 : i32
        %get3A_506 = arith.index_cast %add3A_505 : i32 to index
        %get3A_507 = arith.constant 128 : index
        %get3A_508 = tpu.vector_load %arg7[%get3A_506, %get3A_507] {strides = array<i32>} : memref<160x160xbf16, #tpu.memory_space<vmem>>, vector<1x32xbf16>,
        %get3A_509 = vector.shape_cast %get3A_508 : vector<1x32xbf16> to vector<32xbf16>
        %add3A_510 = arith.addf %get3A_503, %get3A_509 : vector<32xbf16>
        %swap3A_511 = arith.index_cast %scan3A_436 : i32 to index
        %swap3A_512 = arith.constant 128 : index
        %swap3A_513 = tpu.vector_load %arg7[%swap3A_511, %swap3A_512] {strides = array<i32>} : memref<160x160xbf16, #tpu.memory_space<vmem>>, vector<1x32xbf16>,
        %swap3A_514 = vector.shape_cast %swap3A_513 : vector<1x32xbf16> to vector<32xbf16>
        %swap3A_515 = vector.shape_cast %add3A_510 : vector<32xbf16> to vector<1x32xbf16>
        tpu.vector_store %arg7[%swap3A_511, %swap3A_512], %swap3A_515 {strides = array<i32>} : memref<160x160xbf16, #tpu.memory_space<vmem>>, vector<1x32xbf16>,
        %scan3A_516 = arith.constant 0 : i32
        %scan3A_517 = arith.constant 1 : i32
        %scan3A_518 = arith.addi %scan3A_436, %scan3A_517 : i32
        %get3A_519 = arith.index_cast %scan3A_518 : i32 to index
        %get3A_520 = arith.constant 0 : index
        %get3A_521 = tpu.vector_load %arg7[%get3A_519, %get3A_520] {strides = array<i32>} : memref<160x160xbf16, #tpu.memory_space<vmem>>, vector<1x32xbf16>,
        %get3A_522 = vector.shape_cast %get3A_521 : vector<1x32xbf16> to vector<32xbf16>
        %add3A_523 = arith.constant 80 : i32
        %add3A_524 = arith.addi %add3A_523, %scan3A_518 : i32
        %get3A_525 = arith.index_cast %add3A_524 : i32 to index
        %get3A_526 = arith.constant 0 : index
        %get3A_527 = tpu.vector_load %arg7[%get3A_525, %get3A_526] {strides = array<i32>} : memref<160x160xbf16, #tpu.memory_space<vmem>>, vector<1x32xbf16>,
        %get3A_528 = vector.shape_cast %get3A_527 : vector<1x32xbf16> to vector<32xbf16>
        %add3A_529 = arith.addf %get3A_522, %get3A_528 : vector<32xbf16>
        %swap3A_530 = arith.index_cast %scan3A_518 : i32 to index
        %swap3A_531 = arith.constant 0 : index
        %swap3A_532 = tpu.vector_load %arg7[%swap3A_530, %swap3A_531] {strides = array<i32>} : memref<160x160xbf16, #tpu.memory_space<vmem>>, vector<1x32xbf16>,
        %swap3A_533 = vector.shape_cast %swap3A_532 : vector<1x32xbf16> to vector<32xbf16>
        %swap3A_534 = vector.shape_cast %add3A_529 : vector<32xbf16> to vector<1x32xbf16>
        tpu.vector_store %arg7[%swap3A_530, %swap3A_531], %swap3A_534 {strides = array<i32>} : memref<160x160xbf16, #tpu.memory_space<vmem>>, vector<1x32xbf16>,
        %get3A_535 = arith.index_cast %scan3A_518 : i32 to index
        %get3A_536 = arith.constant 32 : index
        %get3A_537 = tpu.vector_load %arg7[%get3A_535, %get3A_536] {strides = array<i32>} : memref<160x160xbf16, #tpu.memory_space<vmem>>, vector<1x32xbf16>,
        %get3A_538 = vector.shape_cast %get3A_537 : vector<1x32xbf16> to vector<32xbf16>
        %add3A_539 = arith.constant 80 : i32
        %add3A_540 = arith.addi %add3A_539, %scan3A_518 : i32
        %get3A_541 = arith.index_cast %add3A_540 : i32 to index
        %get3A_542 = arith.constant 32 : index
        %get3A_543 = tpu.vector_load %arg7[%get3A_541, %get3A_542] {strides = array<i32>} : memref<160x160xbf16, #tpu.memory_space<vmem>>, vector<1x32xbf16>,
        %get3A_544 = vector.shape_cast %get3A_543 : vector<1x32xbf16> to vector<32xbf16>
        %add3A_545 = arith.addf %get3A_538, %get3A_544 : vector<32xbf16>
        %swap3A_546 = arith.index_cast %scan3A_518 : i32 to index
        %swap3A_547 = arith.constant 32 : index
        %swap3A_548 = tpu.vector_load %arg7[%swap3A_546, %swap3A_547] {strides = array<i32>} : memref<160x160xbf16, #tpu.memory_space<vmem>>, vector<1x32xbf16>,
        %swap3A_549 = vector.shape_cast %swap3A_548 : vector<1x32xbf16> to vector<32xbf16>
        %swap3A_550 = vector.shape_cast %add3A_545 : vector<32xbf16> to vector<1x32xbf16>
        tpu.vector_store %arg7[%swap3A_546, %swap3A_547], %swap3A_550 {strides = array<i32>} : memref<160x160xbf16, #tpu.memory_space<vmem>>, vector<1x32xbf16>,
        %get3A_551 = arith.index_cast %scan3A_518 : i32 to index
        %get3A_552 = arith.constant 64 : index
        %get3A_553 = tpu.vector_load %arg7[%get3A_551, %get3A_552] {strides = array<i32>} : memref<160x160xbf16, #tpu.memory_space<vmem>>, vector<1x32xbf16>,
        %get3A_554 = vector.shape_cast %get3A_553 : vector<1x32xbf16> to vector<32xbf16>
        %add3A_555 = arith.constant 80 : i32
        %add3A_556 = arith.addi %add3A_555, %scan3A_518 : i32
        %get3A_557 = arith.index_cast %add3A_556 : i32 to index
        %get3A_558 = arith.constant 64 : index
        %get3A_559 = tpu.vector_load %arg7[%get3A_557, %get3A_558] {strides = array<i32>} : memref<160x160xbf16, #tpu.memory_space<vmem>>, vector<1x32xbf16>,
        %get3A_560 = vector.shape_cast %get3A_559 : vector<1x32xbf16> to vector<32xbf16>
        %add3A_561 = arith.addf %get3A_554, %get3A_560 : vector<32xbf16>
        %swap3A_562 = arith.index_cast %scan3A_518 : i32 to index
        %swap3A_563 = arith.constant 64 : index
        %swap3A_564 = tpu.vector_load %arg7[%swap3A_562, %swap3A_563] {strides = array<i32>} : memref<160x160xbf16, #tpu.memory_space<vmem>>, vector<1x32xbf16>,
        %swap3A_565 = vector.shape_cast %swap3A_564 : vector<1x32xbf16> to vector<32xbf16>
        %swap3A_566 = vector.shape_cast %add3A_561 : vector<32xbf16> to vector<1x32xbf16>
        tpu.vector_store %arg7[%swap3A_562, %swap3A_563], %swap3A_566 {strides = array<i32>} : memref<160x160xbf16, #tpu.memory_space<vmem>>, vector<1x32xbf16>,
        %get3A_567 = arith.index_cast %scan3A_518 : i32 to index
        %get3A_568 = arith.constant 96 : index
        %get3A_569 = tpu.vector_load %arg7[%get3A_567, %get3A_568] {strides = array<i32>} : memref<160x160xbf16, #tpu.memory_space<vmem>>, vector<1x32xbf16>,
        %get3A_570 = vector.shape_cast %get3A_569 : vector<1x32xbf16> to vector<32xbf16>
        %add3A_571 = arith.constant 80 : i32
        %add3A_572 = arith.addi %add3A_571, %scan3A_518 : i32
        %get3A_573 = arith.index_cast %add3A_572 : i32 to index
        %get3A_574 = arith.constant 96 : index
        %get3A_575 = tpu.vector_load %arg7[%get3A_573, %get3A_574] {strides = array<i32>} : memref<160x160xbf16, #tpu.memory_space<vmem>>, vector<1x32xbf16>,
        %get3A_576 = vector.shape_cast %get3A_575 : vector<1x32xbf16> to vector<32xbf16>
        %add3A_577 = arith.addf %get3A_570, %get3A_576 : vector<32xbf16>
        %swap3A_578 = arith.index_cast %scan3A_518 : i32 to index
        %swap3A_579 = arith.constant 96 : index
        %swap3A_580 = tpu.vector_load %arg7[%swap3A_578, %swap3A_579] {strides = array<i32>} : memref<160x160xbf16, #tpu.memory_space<vmem>>, vector<1x32xbf16>,
        %swap3A_581 = vector.shape_cast %swap3A_580 : vector<1x32xbf16> to vector<32xbf16>
        %swap3A_582 = vector.shape_cast %add3A_577 : vector<32xbf16> to vector<1x32xbf16>
        tpu.vector_store %arg7[%swap3A_578, %swap3A_579], %swap3A_582 {strides = array<i32>} : memref<160x160xbf16, #tpu.memory_space<vmem>>, vector<1x32xbf16>,
        %get3A_583 = arith.index_cast %scan3A_518 : i32 to index
        %get3A_584 = arith.constant 128 : index
        %get3A_585 = tpu.vector_load %arg7[%get3A_583, %get3A_584] {strides = array<i32>} : memref<160x160xbf16, #tpu.memory_space<vmem>>, vector<1x32xbf16>,
        %get3A_586 = vector.shape_cast %get3A_585 : vector<1x32xbf16> to vector<32xbf16>
        %add3A_587 = arith.constant 80 : i32
        %add3A_588 = arith.addi %add3A_587, %scan3A_518 : i32
        %get3A_589 = arith.index_cast %add3A_588 : i32 to index
        %get3A_590 = arith.constant 128 : index
        %get3A_591 = tpu.vector_load %arg7[%get3A_589, %get3A_590] {strides = array<i32>} : memref<160x160xbf16, #tpu.memory_space<vmem>>, vector<1x32xbf16>,
        %get3A_592 = vector.shape_cast %get3A_591 : vector<1x32xbf16> to vector<32xbf16>
        %add3A_593 = arith.addf %get3A_586, %get3A_592 : vector<32xbf16>
        %swap3A_594 = arith.index_cast %scan3A_518 : i32 to index
        %swap3A_595 = arith.constant 128 : index
        %swap3A_596 = tpu.vector_load %arg7[%swap3A_594, %swap3A_595] {strides = array<i32>} : memref<160x160xbf16, #tpu.memory_space<vmem>>, vector<1x32xbf16>,
        %swap3A_597 = vector.shape_cast %swap3A_596 : vector<1x32xbf16> to vector<32xbf16>
        %swap3A_598 = vector.shape_cast %add3A_593 : vector<32xbf16> to vector<1x32xbf16>
        tpu.vector_store %arg7[%swap3A_594, %swap3A_595], %swap3A_598 {strides = array<i32>} : memref<160x160xbf16, #tpu.memory_space<vmem>>, vector<1x32xbf16>,
        %scan3A_599 = arith.constant 0 : i32
        scf.yield %scan3A_599 : i32
      }
      %scan3A_374 = arith.constant 80 : i32
      %mul3A_375 = arith.constant 80 : i32
      %mul3A_376 = arith.muli %mul3A_349, %mul3A_375 : i32
      %add3A_377 = arith.addi %add3A_8, %mul3A_376 : i32
      %dma_start3A_378 = arith.constant 0 : i32
      %dma_start3A_379 = arith.constant 0 : i32
      %dma_start3A_380 = tpu.memref_slice %arg7[%dma_start3A_378, %dma_start3A_379] : memref<160x160xbf16, #tpu.memory_space<vmem>> -> memref<80x160xbf16, #tpu.memory_space<vmem>>
      %dma_start3A_381 = arith.constant 0 : i32
      %dma_start3A_382 = tpu.memref_slice %arg4[%add3A_377, %dma_start3A_381] : memref<320000x160xbf16, #tpu.memory_space<hbm>> -> memref<80x160xbf16, #tpu.memory_space<hbm>>
      %dma_start3A_383 = arith.constant 0 : i32
      %dma_start3A_384 = tpu.memref_slice %arg4[%add3A_377, %dma_start3A_383] : memref<320000x160xbf16, #tpu.memory_space<hbm>> -> memref<80x160xbf16, #tpu.memory_space<hbm>>
      %dma_start3A_385 = arith.constant 0 : i32
      %dma_start3A_386 = arith.constant 0 : i32
      %dma_start3A_387 = tpu.memref_slice %arg7[%dma_start3A_385, %dma_start3A_386] : memref<160x160xbf16, #tpu.memory_space<vmem>> -> memref<80x160xbf16, #tpu.memory_space<vmem>>
      tpu.enqueue_dma source(%dma_start3A_387 : memref<80x160xbf16, #tpu.memory_space<vmem>>) target(%dma_start3A_384 : memref<80x160xbf16, #tpu.memory_space<hbm>>) target_semaphore(%arg11 : memref<!tpu.dma_semaphore, #tpu.memory_space<semaphore_mem>>)
      %dma_wait3A_388 = arith.constant 0 : i32
      %dma_wait3A_389 = tpu.memref_slice %arg6[%add3A_353, %dma_wait3A_388] : memref<25x160xi32, #tpu.memory_space<vmem>> -> memref<1x160xi32, #tpu.memory_space<vmem>>
      %dma_wait3A_390 = tpu.memref_squeeze %dma_wait3A_389 : memref<1x160xi32, #tpu.memory_space<vmem>> -> memref<160xi32, #tpu.memory_space<vmem>>
      %dma_wait3A_391 = arith.constant 0 : i32
      %dma_wait3A_392 = arith.constant 0 : i32
      %dma_wait3A_393 = tpu.memref_slice %arg5[%dma_wait3A_391, %dma_wait3A_392] : memref<20000x160xbf16, #tpu.memory_space<vmem_shared>> -> memref<20000x160xbf16, #tpu.memory_space<vmem_shared>>
      tpu.wait_indirect_dma semaphore(%arg10 : memref<!tpu.dma_semaphore, #tpu.memory_space<semaphore_mem>>) src(%dma_wait3A_393 : memref<20000x160xbf16, #tpu.memory_space<vmem_shared>>) dst(%arg8 : memref<160x160xbf16, #tpu.memory_space<vmem>>)
      %scan3A_394 = arith.constant 0 : i32
      %scan3A_395 = arith.constant 0 : i32
      %scan3A_396 = arith.constant 80 : i32
      %scan3A_397 = arith.addi %scan3A_395, %scan3A_396 : i32
      %scan3A_398 = arith.constant 2 : i32
      %scan3A_399 = scf.for %scan3A_436 = %scan3A_395 to %scan3A_397 step %scan3A_398 iter_args(%scan3A_437 = %scan3A_394) -> (i32)  : i32 {
        %get3A = arith.index_cast %scan3A_436 : i32 to index
        %get3A_438 = arith.constant 0 : index
        %get3A_439 = tpu.vector_load %arg8[%get3A, %get3A_438] {strides = array<i32>} : memref<160x160xbf16, #tpu.memory_space<vmem>>, vector<1x32xbf16>,
        %get3A_440 = vector.shape_cast %get3A_439 : vector<1x32xbf16> to vector<32xbf16>
        %add3A_441 = arith.constant 80 : i32
        %add3A_442 = arith.addi %add3A_441, %scan3A_436 : i32
        %get3A_443 = arith.index_cast %add3A_442 : i32 to index
        %get3A_444 = arith.constant 0 : index
        %get3A_445 = tpu.vector_load %arg8[%get3A_443, %get3A_444] {strides = array<i32>} : memref<160x160xbf16, #tpu.memory_space<vmem>>, vector<1x32xbf16>,
        %get3A_446 = vector.shape_cast %get3A_445 : vector<1x32xbf16> to vector<32xbf16>
        %add3A_447 = arith.addf %get3A_440, %get3A_446 : vector<32xbf16>
        %swap3A = arith.index_cast %scan3A_436 : i32 to index
        %swap3A_448 = arith.constant 0 : index
        %swap3A_449 = tpu.vector_load %arg8[%swap3A, %swap3A_448] {strides = array<i32>} : memref<160x160xbf16, #tpu.memory_space<vmem>>, vector<1x32xbf16>,
        %swap3A_450 = vector.shape_cast %swap3A_449 : vector<1x32xbf16> to vector<32xbf16>
        %swap3A_451 = vector.shape_cast %add3A_447 : vector<32xbf16> to vector<1x32xbf16>
        tpu.vector_store %arg8[%swap3A, %swap3A_448], %swap3A_451 {strides = array<i32>} : memref<160x160xbf16, #tpu.memory_space<vmem>>, vector<1x32xbf16>,
        %get3A_452 = arith.index_cast %scan3A_436 : i32 to index
        %get3A_453 = arith.constant 32 : index
        %get3A_454 = tpu.vector_load %arg8[%get3A_452, %get3A_453] {strides = array<i32>} : memref<160x160xbf16, #tpu.memory_space<vmem>>, vector<1x32xbf16>,
        %get3A_455 = vector.shape_cast %get3A_454 : vector<1x32xbf16> to vector<32xbf16>
        %add3A_456 = arith.constant 80 : i32
        %add3A_457 = arith.addi %add3A_456, %scan3A_436 : i32
        %get3A_458 = arith.index_cast %add3A_457 : i32 to index
        %get3A_459 = arith.constant 32 : index
        %get3A_460 = tpu.vector_load %arg8[%get3A_458, %get3A_459] {strides = array<i32>} : memref<160x160xbf16, #tpu.memory_space<vmem>>, vector<1x32xbf16>,
        %get3A_461 = vector.shape_cast %get3A_460 : vector<1x32xbf16> to vector<32xbf16>
        %add3A_462 = arith.addf %get3A_455, %get3A_461 : vector<32xbf16>
        %swap3A_463 = arith.index_cast %scan3A_436 : i32 to index
        %swap3A_464 = arith.constant 32 : index
        %swap3A_465 = tpu.vector_load %arg8[%swap3A_463, %swap3A_464] {strides = array<i32>} : memref<160x160xbf16, #tpu.memory_space<vmem>>, vector<1x32xbf16>,
        %swap3A_466 = vector.shape_cast %swap3A_465 : vector<1x32xbf16> to vector<32xbf16>
        %swap3A_467 = vector.shape_cast %add3A_462 : vector<32xbf16> to vector<1x32xbf16>
        tpu.vector_store %arg8[%swap3A_463, %swap3A_464], %swap3A_467 {strides = array<i32>} : memref<160x160xbf16, #tpu.memory_space<vmem>>, vector<1x32xbf16>,
        %get3A_468 = arith.index_cast %scan3A_436 : i32 to index
        %get3A_469 = arith.constant 64 : index
        %get3A_470 = tpu.vector_load %arg8[%get3A_468, %get3A_469] {strides = array<i32>} : memref<160x160xbf16, #tpu.memory_space<vmem>>, vector<1x32xbf16>,
        %get3A_471 = vector.shape_cast %get3A_470 : vector<1x32xbf16> to vector<32xbf16>
        %add3A_472 = arith.constant 80 : i32
        %add3A_473 = arith.addi %add3A_472, %scan3A_436 : i32
        %get3A_474 = arith.index_cast %add3A_473 : i32 to index
        %get3A_475 = arith.constant 64 : index
        %get3A_476 = tpu.vector_load %arg8[%get3A_474, %get3A_475] {strides = array<i32>} : memref<160x160xbf16, #tpu.memory_space<vmem>>, vector<1x32xbf16>,
        %get3A_477 = vector.shape_cast %get3A_476 : vector<1x32xbf16> to vector<32xbf16>
        %add3A_478 = arith.addf %get3A_471, %get3A_477 : vector<32xbf16>
        %swap3A_479 = arith.index_cast %scan3A_436 : i32 to index
        %swap3A_480 = arith.constant 64 : index
        %swap3A_481 = tpu.vector_load %arg8[%swap3A_479, %swap3A_480] {strides = array<i32>} : memref<160x160xbf16, #tpu.memory_space<vmem>>, vector<1x32xbf16>,
        %swap3A_482 = vector.shape_cast %swap3A_481 : vector<1x32xbf16> to vector<32xbf16>
        %swap3A_483 = vector.shape_cast %add3A_478 : vector<32xbf16> to vector<1x32xbf16>
        tpu.vector_store %arg8[%swap3A_479, %swap3A_480], %swap3A_483 {strides = array<i32>} : memref<160x160xbf16, #tpu.memory_space<vmem>>, vector<1x32xbf16>,
        %get3A_484 = arith.index_cast %scan3A_436 : i32 to index
        %get3A_485 = arith.constant 96 : index
        %get3A_486 = tpu.vector_load %arg8[%get3A_484, %get3A_485] {strides = array<i32>} : memref<160x160xbf16, #tpu.memory_space<vmem>>, vector<1x32xbf16>,
        %get3A_487 = vector.shape_cast %get3A_486 : vector<1x32xbf16> to vector<32xbf16>
        %add3A_488 = arith.constant 80 : i32
        %add3A_489 = arith.addi %add3A_488, %scan3A_436 : i32
        %get3A_490 = arith.index_cast %add3A_489 : i32 to index
        %get3A_491 = arith.constant 96 : index
        %get3A_492 = tpu.vector_load %arg8[%get3A_490, %get3A_491] {strides = array<i32>} : memref<160x160xbf16, #tpu.memory_space<vmem>>, vector<1x32xbf16>,
        %get3A_493 = vector.shape_cast %get3A_492 : vector<1x32xbf16> to vector<32xbf16>
        %add3A_494 = arith.addf %get3A_487, %get3A_493 : vector<32xbf16>
        %swap3A_495 = arith.index_cast %scan3A_436 : i32 to index
        %swap3A_496 = arith.constant 96 : index
        %swap3A_497 = tpu.vector_load %arg8[%swap3A_495, %swap3A_496] {strides = array<i32>} : memref<160x160xbf16, #tpu.memory_space<vmem>>, vector<1x32xbf16>,
        %swap3A_498 = vector.shape_cast %swap3A_497 : vector<1x32xbf16> to vector<32xbf16>
        %swap3A_499 = vector.shape_cast %add3A_494 : vector<32xbf16> to vector<1x32xbf16>
        tpu.vector_store %arg8[%swap3A_495, %swap3A_496], %swap3A_499 {strides = array<i32>} : memref<160x160xbf16, #tpu.memory_space<vmem>>, vector<1x32xbf16>,
        %get3A_500 = arith.index_cast %scan3A_436 : i32 to index
        %get3A_501 = arith.constant 128 : index
        %get3A_502 = tpu.vector_load %arg8[%get3A_500, %get3A_501] {strides = array<i32>} : memref<160x160xbf16, #tpu.memory_space<vmem>>, vector<1x32xbf16>,
        %get3A_503 = vector.shape_cast %get3A_502 : vector<1x32xbf16> to vector<32xbf16>
        %add3A_504 = arith.constant 80 : i32
        %add3A_505 = arith.addi %add3A_504, %scan3A_436 : i32
        %get3A_506 = arith.index_cast %add3A_505 : i32 to index
        %get3A_507 = arith.constant 128 : index
        %get3A_508 = tpu.vector_load %arg8[%get3A_506, %get3A_507] {strides = array<i32>} : memref<160x160xbf16, #tpu.memory_space<vmem>>, vector<1x32xbf16>,
        %get3A_509 = vector.shape_cast %get3A_508 : vector<1x32xbf16> to vector<32xbf16>
        %add3A_510 = arith.addf %get3A_503, %get3A_509 : vector<32xbf16>
        %swap3A_511 = arith.index_cast %scan3A_436 : i32 to index
        %swap3A_512 = arith.constant 128 : index
        %swap3A_513 = tpu.vector_load %arg8[%swap3A_511, %swap3A_512] {strides = array<i32>} : memref<160x160xbf16, #tpu.memory_space<vmem>>, vector<1x32xbf16>,
        %swap3A_514 = vector.shape_cast %swap3A_513 : vector<1x32xbf16> to vector<32xbf16>
        %swap3A_515 = vector.shape_cast %add3A_510 : vector<32xbf16> to vector<1x32xbf16>
        tpu.vector_store %arg8[%swap3A_511, %swap3A_512], %swap3A_515 {strides = array<i32>} : memref<160x160xbf16, #tpu.memory_space<vmem>>, vector<1x32xbf16>,
        %scan3A_516 = arith.constant 0 : i32
        %scan3A_517 = arith.constant 1 : i32
        %scan3A_518 = arith.addi %scan3A_436, %scan3A_517 : i32
        %get3A_519 = arith.index_cast %scan3A_518 : i32 to index
        %get3A_520 = arith.constant 0 : index
        %get3A_521 = tpu.vector_load %arg8[%get3A_519, %get3A_520] {strides = array<i32>} : memref<160x160xbf16, #tpu.memory_space<vmem>>, vector<1x32xbf16>,
        %get3A_522 = vector.shape_cast %get3A_521 : vector<1x32xbf16> to vector<32xbf16>
        %add3A_523 = arith.constant 80 : i32
        %add3A_524 = arith.addi %add3A_523, %scan3A_518 : i32
        %get3A_525 = arith.index_cast %add3A_524 : i32 to index
        %get3A_526 = arith.constant 0 : index
        %get3A_527 = tpu.vector_load %arg8[%get3A_525, %get3A_526] {strides = array<i32>} : memref<160x160xbf16, #tpu.memory_space<vmem>>, vector<1x32xbf16>,
        %get3A_528 = vector.shape_cast %get3A_527 : vector<1x32xbf16> to vector<32xbf16>
        %add3A_529 = arith.addf %get3A_522, %get3A_528 : vector<32xbf16>
        %swap3A_530 = arith.index_cast %scan3A_518 : i32 to index
        %swap3A_531 = arith.constant 0 : index
        %swap3A_532 = tpu.vector_load %arg8[%swap3A_530, %swap3A_531] {strides = array<i32>} : memref<160x160xbf16, #tpu.memory_space<vmem>>, vector<1x32xbf16>,
        %swap3A_533 = vector.shape_cast %swap3A_532 : vector<1x32xbf16> to vector<32xbf16>
        %swap3A_534 = vector.shape_cast %add3A_529 : vector<32xbf16> to vector<1x32xbf16>
        tpu.vector_store %arg8[%swap3A_530, %swap3A_531], %swap3A_534 {strides = array<i32>} : memref<160x160xbf16, #tpu.memory_space<vmem>>, vector<1x32xbf16>,
        %get3A_535 = arith.index_cast %scan3A_518 : i32 to index
        %get3A_536 = arith.constant 32 : index
        %get3A_537 = tpu.vector_load %arg8[%get3A_535, %get3A_536] {strides = array<i32>} : memref<160x160xbf16, #tpu.memory_space<vmem>>, vector<1x32xbf16>,
        %get3A_538 = vector.shape_cast %get3A_537 : vector<1x32xbf16> to vector<32xbf16>
        %add3A_539 = arith.constant 80 : i32
        %add3A_540 = arith.addi %add3A_539, %scan3A_518 : i32
        %get3A_541 = arith.index_cast %add3A_540 : i32 to index
        %get3A_542 = arith.constant 32 : index
        %get3A_543 = tpu.vector_load %arg8[%get3A_541, %get3A_542] {strides = array<i32>} : memref<160x160xbf16, #tpu.memory_space<vmem>>, vector<1x32xbf16>,
        %get3A_544 = vector.shape_cast %get3A_543 : vector<1x32xbf16> to vector<32xbf16>
        %add3A_545 = arith.addf %get3A_538, %get3A_544 : vector<32xbf16>
        %swap3A_546 = arith.index_cast %scan3A_518 : i32 to index
        %swap3A_547 = arith.constant 32 : index
        %swap3A_548 = tpu.vector_load %arg8[%swap3A_546, %swap3A_547] {strides = array<i32>} : memref<160x160xbf16, #tpu.memory_space<vmem>>, vector<1x32xbf16>,
        %swap3A_549 = vector.shape_cast %swap3A_548 : vector<1x32xbf16> to vector<32xbf16>
        %swap3A_550 = vector.shape_cast %add3A_545 : vector<32xbf16> to vector<1x32xbf16>
        tpu.vector_store %arg8[%swap3A_546, %swap3A_547], %swap3A_550 {strides = array<i32>} : memref<160x160xbf16, #tpu.memory_space<vmem>>, vector<1x32xbf16>,
        %get3A_551 = arith.index_cast %scan3A_518 : i32 to index
        %get3A_552 = arith.constant 64 : index
        %get3A_553 = tpu.vector_load %arg8[%get3A_551, %get3A_552] {strides = array<i32>} : memref<160x160xbf16, #tpu.memory_space<vmem>>, vector<1x32xbf16>,
        %get3A_554 = vector.shape_cast %get3A_553 : vector<1x32xbf16> to vector<32xbf16>
        %add3A_555 = arith.constant 80 : i32
        %add3A_556 = arith.addi %add3A_555, %scan3A_518 : i32
        %get3A_557 = arith.index_cast %add3A_556 : i32 to index
        %get3A_558 = arith.constant 64 : index
        %get3A_559 = tpu.vector_load %arg8[%get3A_557, %get3A_558] {strides = array<i32>} : memref<160x160xbf16, #tpu.memory_space<vmem>>, vector<1x32xbf16>,
        %get3A_560 = vector.shape_cast %get3A_559 : vector<1x32xbf16> to vector<32xbf16>
        %add3A_561 = arith.addf %get3A_554, %get3A_560 : vector<32xbf16>
        %swap3A_562 = arith.index_cast %scan3A_518 : i32 to index
        %swap3A_563 = arith.constant 64 : index
        %swap3A_564 = tpu.vector_load %arg8[%swap3A_562, %swap3A_563] {strides = array<i32>} : memref<160x160xbf16, #tpu.memory_space<vmem>>, vector<1x32xbf16>,
        %swap3A_565 = vector.shape_cast %swap3A_564 : vector<1x32xbf16> to vector<32xbf16>
        %swap3A_566 = vector.shape_cast %add3A_561 : vector<32xbf16> to vector<1x32xbf16>
        tpu.vector_store %arg8[%swap3A_562, %swap3A_563], %swap3A_566 {strides = array<i32>} : memref<160x160xbf16, #tpu.memory_space<vmem>>, vector<1x32xbf16>,
        %get3A_567 = arith.index_cast %scan3A_518 : i32 to index
        %get3A_568 = arith.constant 96 : index
        %get3A_569 = tpu.vector_load %arg8[%get3A_567, %get3A_568] {strides = array<i32>} : memref<160x160xbf16, #tpu.memory_space<vmem>>, vector<1x32xbf16>,
        %get3A_570 = vector.shape_cast %get3A_569 : vector<1x32xbf16> to vector<32xbf16>
        %add3A_571 = arith.constant 80 : i32
        %add3A_572 = arith.addi %add3A_571, %scan3A_518 : i32
        %get3A_573 = arith.index_cast %add3A_572 : i32 to index
        %get3A_574 = arith.constant 96 : index
        %get3A_575 = tpu.vector_load %arg8[%get3A_573, %get3A_574] {strides = array<i32>} : memref<160x160xbf16, #tpu.memory_space<vmem>>, vector<1x32xbf16>,
        %get3A_576 = vector.shape_cast %get3A_575 : vector<1x32xbf16> to vector<32xbf16>
        %add3A_577 = arith.addf %get3A_570, %get3A_576 : vector<32xbf16>
        %swap3A_578 = arith.index_cast %scan3A_518 : i32 to index
        %swap3A_579 = arith.constant 96 : index
        %swap3A_580 = tpu.vector_load %arg8[%swap3A_578, %swap3A_579] {strides = array<i32>} : memref<160x160xbf16, #tpu.memory_space<vmem>>, vector<1x32xbf16>,
        %swap3A_581 = vector.shape_cast %swap3A_580 : vector<1x32xbf16> to vector<32xbf16>
        %swap3A_582 = vector.shape_cast %add3A_577 : vector<32xbf16> to vector<1x32xbf16>
        tpu.vector_store %arg8[%swap3A_578, %swap3A_579], %swap3A_582 {strides = array<i32>} : memref<160x160xbf16, #tpu.memory_space<vmem>>, vector<1x32xbf16>,
        %get3A_583 = arith.index_cast %scan3A_518 : i32 to index
        %get3A_584 = arith.constant 128 : index
        %get3A_585 = tpu.vector_load %arg8[%get3A_583, %get3A_584] {strides = array<i32>} : memref<160x160xbf16, #tpu.memory_space<vmem>>, vector<1x32xbf16>,
        %get3A_586 = vector.shape_cast %get3A_585 : vector<1x32xbf16> to vector<32xbf16>
        %add3A_587 = arith.constant 80 : i32
        %add3A_588 = arith.addi %add3A_587, %scan3A_518 : i32
        %get3A_589 = arith.index_cast %add3A_588 : i32 to index
        %get3A_590 = arith.constant 128 : index
        %get3A_591 = tpu.vector_load %arg8[%get3A_589, %get3A_590] {strides = array<i32>} : memref<160x160xbf16, #tpu.memory_space<vmem>>, vector<1x32xbf16>,
        %get3A_592 = vector.shape_cast %get3A_591 : vector<1x32xbf16> to vector<32xbf16>
        %add3A_593 = arith.addf %get3A_586, %get3A_592 : vector<32xbf16>
        %swap3A_594 = arith.index_cast %scan3A_518 : i32 to index
        %swap3A_595 = arith.constant 128 : index
        %swap3A_596 = tpu.vector_load %arg8[%swap3A_594, %swap3A_595] {strides = array<i32>} : memref<160x160xbf16, #tpu.memory_space<vmem>>, vector<1x32xbf16>,
        %swap3A_597 = vector.shape_cast %swap3A_596 : vector<1x32xbf16> to vector<32xbf16>
        %swap3A_598 = vector.shape_cast %add3A_593 : vector<32xbf16> to vector<1x32xbf16>
        tpu.vector_store %arg8[%swap3A_594, %swap3A_595], %swap3A_598 {strides = array<i32>} : memref<160x160xbf16, #tpu.memory_space<vmem>>, vector<1x32xbf16>,
        %scan3A_599 = arith.constant 0 : i32
        scf.yield %scan3A_599 : i32
      }
      %scan3A_400 = arith.constant 80 : i32
      %mul3A_401 = arith.constant 80 : i32
      %mul3A_402 = arith.muli %add3A_353, %mul3A_401 : i32
      %add3A_403 = arith.addi %add3A_8, %mul3A_402 : i32
      %dma_start3A_404 = arith.constant 0 : i32
      %dma_start3A_405 = arith.constant 0 : i32
      %dma_start3A_406 = tpu.memref_slice %arg8[%dma_start3A_404, %dma_start3A_405] : memref<160x160xbf16, #tpu.memory_space<vmem>> -> memref<80x160xbf16, #tpu.memory_space<vmem>>
      %dma_start3A_407 = arith.constant 0 : i32
      %dma_start3A_408 = tpu.memref_slice %arg4[%add3A_403, %dma_start3A_407] : memref<320000x160xbf16, #tpu.memory_space<hbm>> -> memref<80x160xbf16, #tpu.memory_space<hbm>>
      %dma_start3A_409 = arith.constant 0 : i32
      %dma_start3A_410 = tpu.memref_slice %arg4[%add3A_403, %dma_start3A_409] : memref<320000x160xbf16, #tpu.memory_space<hbm>> -> memref<80x160xbf16, #tpu.memory_space<hbm>>
      %dma_start3A_411 = arith.constant 0 : i32
      %dma_start3A_412 = arith.constant 0 : i32
      %dma_start3A_413 = tpu.memref_slice %arg8[%dma_start3A_411, %dma_start3A_412] : memref<160x160xbf16, #tpu.memory_space<vmem>> -> memref<80x160xbf16, #tpu.memory_space<vmem>>
      tpu.enqueue_dma source(%dma_start3A_413 : memref<80x160xbf16, #tpu.memory_space<vmem>>) target(%dma_start3A_410 : memref<80x160xbf16, #tpu.memory_space<hbm>>) target_semaphore(%arg12 : memref<!tpu.dma_semaphore, #tpu.memory_space<semaphore_mem>>)
      %mul3A_414 = arith.constant 80 : i32
      %mul3A_415 = arith.muli %mul3A_349, %mul3A_414 : i32
      %add3A_416 = arith.addi %add3A_8, %mul3A_415 : i32
      %dma_wait3A_417 = arith.constant 0 : i32
      %dma_wait3A_418 = arith.constant 0 : i32
      %dma_wait3A_419 = tpu.memref_slice %arg7[%dma_wait3A_417, %dma_wait3A_418] : memref<160x160xbf16, #tpu.memory_space<vmem>> -> memref<80x160xbf16, #tpu.memory_space<vmem>>
      %dma_wait3A_420 = arith.constant 0 : i32
      %dma_wait3A_421 = tpu.memref_slice %arg4[%add3A_416, %dma_wait3A_420] : memref<320000x160xbf16, #tpu.memory_space<hbm>> -> memref<80x160xbf16, #tpu.memory_space<hbm>>
      %dma_wait3A_422 = arith.constant 0 : i32
      %dma_wait3A_423 = tpu.memref_slice %arg4[%add3A_416, %dma_wait3A_422] : memref<320000x160xbf16, #tpu.memory_space<hbm>> -> memref<80x160xbf16, #tpu.memory_space<hbm>>
      %dma_wait3A_424 = arith.constant 0 : i32
      %dma_wait3A_425 = arith.constant 0 : i32
      %dma_wait3A_426 = tpu.memref_slice %arg7[%dma_wait3A_424, %dma_wait3A_425] : memref<160x160xbf16, #tpu.memory_space<vmem>> -> memref<80x160xbf16, #tpu.memory_space<vmem>>
      tpu.wait_dma2 semaphore(%arg11 : memref<!tpu.dma_semaphore, #tpu.memory_space<semaphore_mem>>) src(%dma_wait3A_426 : memref<80x160xbf16, #tpu.memory_space<vmem>>) dst(%dma_wait3A_423 : memref<80x160xbf16, #tpu.memory_space<hbm>>)
      %add3A_427 = arith.constant 2 : i32
      %add3A_428 = arith.addi %mul3A_349, %add3A_427 : i32
      %dma_start3A_429 = arith.constant 0 : i32
      %dma_start3A_430 = tpu.memref_slice %arg6[%add3A_428, %dma_start3A_429] : memref<25x160xi32, #tpu.memory_space<vmem>> -> memref<1x160xi32, #tpu.memory_space<vmem>>
      %dma_start3A_431 = tpu.memref_squeeze %dma_start3A_430 : memref<1x160xi32, #tpu.memory_space<vmem>> -> memref<160xi32, #tpu.memory_space<vmem>>
      %dma_start3A_432 = arith.constant 0 : i32
      %dma_start3A_433 = arith.constant 0 : i32
      %dma_start3A_434 = tpu.memref_slice %arg5[%dma_start3A_432, %dma_start3A_433] : memref<20000x160xbf16, #tpu.memory_space<vmem_shared>> -> memref<20000x160xbf16, #tpu.memory_space<vmem_shared>>
      tpu.enqueue_indirect_dma source(%dma_start3A_434 : memref<20000x160xbf16, #tpu.memory_space<vmem_shared>>) target(%arg7 : memref<160x160xbf16, #tpu.memory_space<vmem>>) offsets(%dma_start3A_431 : memref<160xi32, #tpu.memory_space<vmem>>) semaphore(%arg9 : memref<!tpu.dma_semaphore, #tpu.memory_space<semaphore_mem>>)
      %scan3A_435 = arith.constant 0 : i32
      scf.yield %scan3A_435 : i32
    }
    %scan3A_20 = arith.constant 12 : i32
    %dma_wait3A = arith.constant 24 : i32
    %dma_wait3A_21 = arith.constant 0 : i32
    %dma_wait3A_22 = tpu.memref_slice %arg6[%dma_wait3A, %dma_wait3A_21] : memref<25x160xi32, #tpu.memory_space<vmem>> -> memref<1x160xi32, #tpu.memory_space<vmem>>
    %dma_wait3A_23 = tpu.memref_squeeze %dma_wait3A_22 : memref<1x160xi32, #tpu.memory_space<vmem>> -> memref<160xi32, #tpu.memory_space<vmem>>
    %dma_wait3A_24 = arith.constant 0 : i32
    %dma_wait3A_25 = arith.constant 0 : i32
    %dma_wait3A_26 = tpu.memref_slice %arg5[%dma_wait3A_24, %dma_wait3A_25] : memref<20000x160xbf16, #tpu.memory_space<vmem_shared>> -> memref<20000x160xbf16, #tpu.memory_space<vmem_shared>>
    tpu.wait_indirect_dma semaphore(%arg9 : memref<!tpu.dma_semaphore, #tpu.memory_space<semaphore_mem>>) src(%dma_wait3A_26 : memref<20000x160xbf16, #tpu.memory_space<vmem_shared>>) dst(%arg7 : memref<160x160xbf16, #tpu.memory_space<vmem>>)
    %scan3A_27 = arith.constant 0 : i32
    %scan3A_28 = arith.constant 0 : i32
    %scan3A_29 = arith.constant 80 : i32
    %scan3A_30 = arith.addi %scan3A_28, %scan3A_29 : i32
    %scan3A_31 = arith.constant 2 : i32
    %scan3A_32 = scf.for %scan3A_346 = %scan3A_28 to %scan3A_30 step %scan3A_31 iter_args(%scan3A_347 = %scan3A_27) -> (i32)  : i32 {
      %get3A = arith.index_cast %scan3A_346 : i32 to index
      %get3A_348 = arith.constant 0 : index
      %get3A_349 = tpu.vector_load %arg7[%get3A, %get3A_348] {strides = array<i32>} : memref<160x160xbf16, #tpu.memory_space<vmem>>, vector<1x32xbf16>,
      %get3A_350 = vector.shape_cast %get3A_349 : vector<1x32xbf16> to vector<32xbf16>
      %add3A_351 = arith.constant 80 : i32
      %add3A_352 = arith.addi %add3A_351, %scan3A_346 : i32
      %get3A_353 = arith.index_cast %add3A_352 : i32 to index
      %get3A_354 = arith.constant 0 : index
      %get3A_355 = tpu.vector_load %arg7[%get3A_353, %get3A_354] {strides = array<i32>} : memref<160x160xbf16, #tpu.memory_space<vmem>>, vector<1x32xbf16>,
      %get3A_356 = vector.shape_cast %get3A_355 : vector<1x32xbf16> to vector<32xbf16>
      %add3A_357 = arith.addf %get3A_350, %get3A_356 : vector<32xbf16>
      %swap3A = arith.index_cast %scan3A_346 : i32 to index
      %swap3A_358 = arith.constant 0 : index
      %swap3A_359 = tpu.vector_load %arg7[%swap3A, %swap3A_358] {strides = array<i32>} : memref<160x160xbf16, #tpu.memory_space<vmem>>, vector<1x32xbf16>,
      %swap3A_360 = vector.shape_cast %swap3A_359 : vector<1x32xbf16> to vector<32xbf16>
      %swap3A_361 = vector.shape_cast %add3A_357 : vector<32xbf16> to vector<1x32xbf16>
      tpu.vector_store %arg7[%swap3A, %swap3A_358], %swap3A_361 {strides = array<i32>} : memref<160x160xbf16, #tpu.memory_space<vmem>>, vector<1x32xbf16>,
      %get3A_362 = arith.index_cast %scan3A_346 : i32 to index
      %get3A_363 = arith.constant 32 : index
      %get3A_364 = tpu.vector_load %arg7[%get3A_362, %get3A_363] {strides = array<i32>} : memref<160x160xbf16, #tpu.memory_space<vmem>>, vector<1x32xbf16>,
      %get3A_365 = vector.shape_cast %get3A_364 : vector<1x32xbf16> to vector<32xbf16>
      %add3A_366 = arith.constant 80 : i32
      %add3A_367 = arith.addi %add3A_366, %scan3A_346 : i32
      %get3A_368 = arith.index_cast %add3A_367 : i32 to index
      %get3A_369 = arith.constant 32 : index
      %get3A_370 = tpu.vector_load %arg7[%get3A_368, %get3A_369] {strides = array<i32>} : memref<160x160xbf16, #tpu.memory_space<vmem>>, vector<1x32xbf16>,
      %get3A_371 = vector.shape_cast %get3A_370 : vector<1x32xbf16> to vector<32xbf16>
      %add3A_372 = arith.addf %get3A_365, %get3A_371 : vector<32xbf16>
      %swap3A_373 = arith.index_cast %scan3A_346 : i32 to index
      %swap3A_374 = arith.constant 32 : index
      %swap3A_375 = tpu.vector_load %arg7[%swap3A_373, %swap3A_374] {strides = array<i32>} : memref<160x160xbf16, #tpu.memory_space<vmem>>, vector<1x32xbf16>,
      %swap3A_376 = vector.shape_cast %swap3A_375 : vector<1x32xbf16> to vector<32xbf16>
      %swap3A_377 = vector.shape_cast %add3A_372 : vector<32xbf16> to vector<1x32xbf16>
      tpu.vector_store %arg7[%swap3A_373, %swap3A_374], %swap3A_377 {strides = array<i32>} : memref<160x160xbf16, #tpu.memory_space<vmem>>, vector<1x32xbf16>,
      %get3A_378 = arith.index_cast %scan3A_346 : i32 to index
      %get3A_379 = arith.constant 64 : index
      %get3A_380 = tpu.vector_load %arg7[%get3A_378, %get3A_379] {strides = array<i32>} : memref<160x160xbf16, #tpu.memory_space<vmem>>, vector<1x32xbf16>,
      %get3A_381 = vector.shape_cast %get3A_380 : vector<1x32xbf16> to vector<32xbf16>
      %add3A_382 = arith.constant 80 : i32
      %add3A_383 = arith.addi %add3A_382, %scan3A_346 : i32
      %get3A_384 = arith.index_cast %add3A_383 : i32 to index
      %get3A_385 = arith.constant 64 : index
      %get3A_386 = tpu.vector_load %arg7[%get3A_384, %get3A_385] {strides = array<i32>} : memref<160x160xbf16, #tpu.memory_space<vmem>>, vector<1x32xbf16>,
      %get3A_387 = vector.shape_cast %get3A_386 : vector<1x32xbf16> to vector<32xbf16>
      %add3A_388 = arith.addf %get3A_381, %get3A_387 : vector<32xbf16>
      %swap3A_389 = arith.index_cast %scan3A_346 : i32 to index
      %swap3A_390 = arith.constant 64 : index
      %swap3A_391 = tpu.vector_load %arg7[%swap3A_389, %swap3A_390] {strides = array<i32>} : memref<160x160xbf16, #tpu.memory_space<vmem>>, vector<1x32xbf16>,
      %swap3A_392 = vector.shape_cast %swap3A_391 : vector<1x32xbf16> to vector<32xbf16>
      %swap3A_393 = vector.shape_cast %add3A_388 : vector<32xbf16> to vector<1x32xbf16>
      tpu.vector_store %arg7[%swap3A_389, %swap3A_390], %swap3A_393 {strides = array<i32>} : memref<160x160xbf16, #tpu.memory_space<vmem>>, vector<1x32xbf16>,
      %get3A_394 = arith.index_cast %scan3A_346 : i32 to index
      %get3A_395 = arith.constant 96 : index
      %get3A_396 = tpu.vector_load %arg7[%get3A_394, %get3A_395] {strides = array<i32>} : memref<160x160xbf16, #tpu.memory_space<vmem>>, vector<1x32xbf16>,
      %get3A_397 = vector.shape_cast %get3A_396 : vector<1x32xbf16> to vector<32xbf16>
      %add3A_398 = arith.constant 80 : i32
      %add3A_399 = arith.addi %add3A_398, %scan3A_346 : i32
      %get3A_400 = arith.index_cast %add3A_399 : i32 to index
      %get3A_401 = arith.constant 96 : index
      %get3A_402 = tpu.vector_load %arg7[%get3A_400, %get3A_401] {strides = array<i32>} : memref<160x160xbf16, #tpu.memory_space<vmem>>, vector<1x32xbf16>,
      %get3A_403 = vector.shape_cast %get3A_402 : vector<1x32xbf16> to vector<32xbf16>
      %add3A_404 = arith.addf %get3A_397, %get3A_403 : vector<32xbf16>
      %swap3A_405 = arith.index_cast %scan3A_346 : i32 to index
      %swap3A_406 = arith.constant 96 : index
      %swap3A_407 = tpu.vector_load %arg7[%swap3A_405, %swap3A_406] {strides = array<i32>} : memref<160x160xbf16, #tpu.memory_space<vmem>>, vector<1x32xbf16>,
      %swap3A_408 = vector.shape_cast %swap3A_407 : vector<1x32xbf16> to vector<32xbf16>
      %swap3A_409 = vector.shape_cast %add3A_404 : vector<32xbf16> to vector<1x32xbf16>
      tpu.vector_store %arg7[%swap3A_405, %swap3A_406], %swap3A_409 {strides = array<i32>} : memref<160x160xbf16, #tpu.memory_space<vmem>>, vector<1x32xbf16>,
      %get3A_410 = arith.index_cast %scan3A_346 : i32 to index
      %get3A_411 = arith.constant 128 : index
      %get3A_412 = tpu.vector_load %arg7[%get3A_410, %get3A_411] {strides = array<i32>} : memref<160x160xbf16, #tpu.memory_space<vmem>>, vector<1x32xbf16>,
      %get3A_413 = vector.shape_cast %get3A_412 : vector<1x32xbf16> to vector<32xbf16>
      %add3A_414 = arith.constant 80 : i32
      %add3A_415 = arith.addi %add3A_414, %scan3A_346 : i32
      %get3A_416 = arith.index_cast %add3A_415 : i32 to index
      %get3A_417 = arith.constant 128 : index
      %get3A_418 = tpu.vector_load %arg7[%get3A_416, %get3A_417] {strides = array<i32>} : memref<160x160xbf16, #tpu.memory_space<vmem>>, vector<1x32xbf16>,
      %get3A_419 = vector.shape_cast %get3A_418 : vector<1x32xbf16> to vector<32xbf16>
      %add3A_420 = arith.addf %get3A_413, %get3A_419 : vector<32xbf16>
      %swap3A_421 = arith.index_cast %scan3A_346 : i32 to index
      %swap3A_422 = arith.constant 128 : index
      %swap3A_423 = tpu.vector_load %arg7[%swap3A_421, %swap3A_422] {strides = array<i32>} : memref<160x160xbf16, #tpu.memory_space<vmem>>, vector<1x32xbf16>,
      %swap3A_424 = vector.shape_cast %swap3A_423 : vector<1x32xbf16> to vector<32xbf16>
      %swap3A_425 = vector.shape_cast %add3A_420 : vector<32xbf16> to vector<1x32xbf16>
      tpu.vector_store %arg7[%swap3A_421, %swap3A_422], %swap3A_425 {strides = array<i32>} : memref<160x160xbf16, #tpu.memory_space<vmem>>, vector<1x32xbf16>,
      %scan3A_426 = arith.constant 0 : i32
      %scan3A_427 = arith.constant 1 : i32
      %scan3A_428 = arith.addi %scan3A_346, %scan3A_427 : i32
      %get3A_429 = arith.index_cast %scan3A_428 : i32 to index
      %get3A_430 = arith.constant 0 : index
      %get3A_431 = tpu.vector_load %arg7[%get3A_429, %get3A_430] {strides = array<i32>} : memref<160x160xbf16, #tpu.memory_space<vmem>>, vector<1x32xbf16>,
      %get3A_432 = vector.shape_cast %get3A_431 : vector<1x32xbf16> to vector<32xbf16>
      %add3A_433 = arith.constant 80 : i32
      %add3A_434 = arith.addi %add3A_433, %scan3A_428 : i32
      %get3A_435 = arith.index_cast %add3A_434 : i32 to index
      %get3A_436 = arith.constant 0 : index
      %get3A_437 = tpu.vector_load %arg7[%get3A_435, %get3A_436] {strides = array<i32>} : memref<160x160xbf16, #tpu.memory_space<vmem>>, vector<1x32xbf16>,
      %get3A_438 = vector.shape_cast %get3A_437 : vector<1x32xbf16> to vector<32xbf16>
      %add3A_439 = arith.addf %get3A_432, %get3A_438 : vector<32xbf16>
      %swap3A_440 = arith.index_cast %scan3A_428 : i32 to index
      %swap3A_441 = arith.constant 0 : index
      %swap3A_442 = tpu.vector_load %arg7[%swap3A_440, %swap3A_441] {strides = array<i32>} : memref<160x160xbf16, #tpu.memory_space<vmem>>, vector<1x32xbf16>,
      %swap3A_443 = vector.shape_cast %swap3A_442 : vector<1x32xbf16> to vector<32xbf16>
      %swap3A_444 = vector.shape_cast %add3A_439 : vector<32xbf16> to vector<1x32xbf16>
      tpu.vector_store %arg7[%swap3A_440, %swap3A_441], %swap3A_444 {strides = array<i32>} : memref<160x160xbf16, #tpu.memory_space<vmem>>, vector<1x32xbf16>,
      %get3A_445 = arith.index_cast %scan3A_428 : i32 to index
      %get3A_446 = arith.constant 32 : index
      %get3A_447 = tpu.vector_load %arg7[%get3A_445, %get3A_446] {strides = array<i32>} : memref<160x160xbf16, #tpu.memory_space<vmem>>, vector<1x32xbf16>,
      %get3A_448 = vector.shape_cast %get3A_447 : vector<1x32xbf16> to vector<32xbf16>
      %add3A_449 = arith.constant 80 : i32
      %add3A_450 = arith.addi %add3A_449, %scan3A_428 : i32
      %get3A_451 = arith.index_cast %add3A_450 : i32 to index
      %get3A_452 = arith.constant 32 : index
      %get3A_453 = tpu.vector_load %arg7[%get3A_451, %get3A_452] {strides = array<i32>} : memref<160x160xbf16, #tpu.memory_space<vmem>>, vector<1x32xbf16>,
      %get3A_454 = vector.shape_cast %get3A_453 : vector<1x32xbf16> to vector<32xbf16>
      %add3A_455 = arith.addf %get3A_448, %get3A_454 : vector<32xbf16>
      %swap3A_456 = arith.index_cast %scan3A_428 : i32 to index
      %swap3A_457 = arith.constant 32 : index
      %swap3A_458 = tpu.vector_load %arg7[%swap3A_456, %swap3A_457] {strides = array<i32>} : memref<160x160xbf16, #tpu.memory_space<vmem>>, vector<1x32xbf16>,
      %swap3A_459 = vector.shape_cast %swap3A_458 : vector<1x32xbf16> to vector<32xbf16>
      %swap3A_460 = vector.shape_cast %add3A_455 : vector<32xbf16> to vector<1x32xbf16>
      tpu.vector_store %arg7[%swap3A_456, %swap3A_457], %swap3A_460 {strides = array<i32>} : memref<160x160xbf16, #tpu.memory_space<vmem>>, vector<1x32xbf16>,
      %get3A_461 = arith.index_cast %scan3A_428 : i32 to index
      %get3A_462 = arith.constant 64 : index
      %get3A_463 = tpu.vector_load %arg7[%get3A_461, %get3A_462] {strides = array<i32>} : memref<160x160xbf16, #tpu.memory_space<vmem>>, vector<1x32xbf16>,
      %get3A_464 = vector.shape_cast %get3A_463 : vector<1x32xbf16> to vector<32xbf16>
      %add3A_465 = arith.constant 80 : i32
      %add3A_466 = arith.addi %add3A_465, %scan3A_428 : i32
      %get3A_467 = arith.index_cast %add3A_466 : i32 to index
      %get3A_468 = arith.constant 64 : index
      %get3A_469 = tpu.vector_load %arg7[%get3A_467, %get3A_468] {strides = array<i32>} : memref<160x160xbf16, #tpu.memory_space<vmem>>, vector<1x32xbf16>,
      %get3A_470 = vector.shape_cast %get3A_469 : vector<1x32xbf16> to vector<32xbf16>
      %add3A_471 = arith.addf %get3A_464, %get3A_470 : vector<32xbf16>
      %swap3A_472 = arith.index_cast %scan3A_428 : i32 to index
      %swap3A_473 = arith.constant 64 : index
      %swap3A_474 = tpu.vector_load %arg7[%swap3A_472, %swap3A_473] {strides = array<i32>} : memref<160x160xbf16, #tpu.memory_space<vmem>>, vector<1x32xbf16>,
      %swap3A_475 = vector.shape_cast %swap3A_474 : vector<1x32xbf16> to vector<32xbf16>
      %swap3A_476 = vector.shape_cast %add3A_471 : vector<32xbf16> to vector<1x32xbf16>
      tpu.vector_store %arg7[%swap3A_472, %swap3A_473], %swap3A_476 {strides = array<i32>} : memref<160x160xbf16, #tpu.memory_space<vmem>>, vector<1x32xbf16>,
      %get3A_477 = arith.index_cast %scan3A_428 : i32 to index
      %get3A_478 = arith.constant 96 : index
      %get3A_479 = tpu.vector_load %arg7[%get3A_477, %get3A_478] {strides = array<i32>} : memref<160x160xbf16, #tpu.memory_space<vmem>>, vector<1x32xbf16>,
      %get3A_480 = vector.shape_cast %get3A_479 : vector<1x32xbf16> to vector<32xbf16>
      %add3A_481 = arith.constant 80 : i32
      %add3A_482 = arith.addi %add3A_481, %scan3A_428 : i32
      %get3A_483 = arith.index_cast %add3A_482 : i32 to index
      %get3A_484 = arith.constant 96 : index
      %get3A_485 = tpu.vector_load %arg7[%get3A_483, %get3A_484] {strides = array<i32>} : memref<160x160xbf16, #tpu.memory_space<vmem>>, vector<1x32xbf16>,
      %get3A_486 = vector.shape_cast %get3A_485 : vector<1x32xbf16> to vector<32xbf16>
      %add3A_487 = arith.addf %get3A_480, %get3A_486 : vector<32xbf16>
      %swap3A_488 = arith.index_cast %scan3A_428 : i32 to index
      %swap3A_489 = arith.constant 96 : index
      %swap3A_490 = tpu.vector_load %arg7[%swap3A_488, %swap3A_489] {strides = array<i32>} : memref<160x160xbf16, #tpu.memory_space<vmem>>, vector<1x32xbf16>,
      %swap3A_491 = vector.shape_cast %swap3A_490 : vector<1x32xbf16> to vector<32xbf16>
      %swap3A_492 = vector.shape_cast %add3A_487 : vector<32xbf16> to vector<1x32xbf16>
      tpu.vector_store %arg7[%swap3A_488, %swap3A_489], %swap3A_492 {strides = array<i32>} : memref<160x160xbf16, #tpu.memory_space<vmem>>, vector<1x32xbf16>,
      %get3A_493 = arith.index_cast %scan3A_428 : i32 to index
      %get3A_494 = arith.constant 128 : index
      %get3A_495 = tpu.vector_load %arg7[%get3A_493, %get3A_494] {strides = array<i32>} : memref<160x160xbf16, #tpu.memory_space<vmem>>, vector<1x32xbf16>,
      %get3A_496 = vector.shape_cast %get3A_495 : vector<1x32xbf16> to vector<32xbf16>
      %add3A_497 = arith.constant 80 : i32
      %add3A_498 = arith.addi %add3A_497, %scan3A_428 : i32
      %get3A_499 = arith.index_cast %add3A_498 : i32 to index
      %get3A_500 = arith.constant 128 : index
      %get3A_501 = tpu.vector_load %arg7[%get3A_499, %get3A_500] {strides = array<i32>} : memref<160x160xbf16, #tpu.memory_space<vmem>>, vector<1x32xbf16>,
      %get3A_502 = vector.shape_cast %get3A_501 : vector<1x32xbf16> to vector<32xbf16>
      %add3A_503 = arith.addf %get3A_496, %get3A_502 : vector<32xbf16>
      %swap3A_504 = arith.index_cast %scan3A_428 : i32 to index
      %swap3A_505 = arith.constant 128 : index
      %swap3A_506 = tpu.vector_load %arg7[%swap3A_504, %swap3A_505] {strides = array<i32>} : memref<160x160xbf16, #tpu.memory_space<vmem>>, vector<1x32xbf16>,
      %swap3A_507 = vector.shape_cast %swap3A_506 : vector<1x32xbf16> to vector<32xbf16>
      %swap3A_508 = vector.shape_cast %add3A_503 : vector<32xbf16> to vector<1x32xbf16>
      tpu.vector_store %arg7[%swap3A_504, %swap3A_505], %swap3A_508 {strides = array<i32>} : memref<160x160xbf16, #tpu.memory_space<vmem>>, vector<1x32xbf16>,
      %scan3A_509 = arith.constant 0 : i32
      scf.yield %scan3A_509 : i32
    }
    %scan3A_33 = arith.constant 80 : i32
    %add3A_34 = arith.constant 1920 : i32
    %add3A_35 = arith.addi %add3A_8, %add3A_34 : i32
    %dma_start3A_36 = arith.constant 0 : i32
    %dma_start3A_37 = arith.constant 0 : i32
    %dma_start3A_38 = tpu.memref_slice %arg7[%dma_start3A_36, %dma_start3A_37] : memref<160x160xbf16, #tpu.memory_space<vmem>> -> memref<80x160xbf16, #tpu.memory_space<vmem>>
    %dma_start3A_39 = arith.constant 0 : i32
    %dma_start3A_40 = tpu.memref_slice %arg4[%add3A_35, %dma_start3A_39] : memref<320000x160xbf16, #tpu.memory_space<hbm>> -> memref<80x160xbf16, #tpu.memory_space<hbm>>
    %dma_start3A_41 = arith.constant 0 : i32
    %dma_start3A_42 = tpu.memref_slice %arg4[%add3A_35, %dma_start3A_41] : memref<320000x160xbf16, #tpu.memory_space<hbm>> -> memref<80x160xbf16, #tpu.memory_space<hbm>>
    %dma_start3A_43 = arith.constant 0 : i32
    %dma_start3A_44 = arith.constant 0 : i32
    %dma_start3A_45 = tpu.memref_slice %arg7[%dma_start3A_43, %dma_start3A_44] : memref<160x160xbf16, #tpu.memory_space<vmem>> -> memref<80x160xbf16, #tpu.memory_space<vmem>>
    tpu.enqueue_dma source(%dma_start3A_45 : memref<80x160xbf16, #tpu.memory_space<vmem>>) target(%dma_start3A_42 : memref<80x160xbf16, #tpu.memory_space<hbm>>) target_semaphore(%arg11 : memref<!tpu.dma_semaphore, #tpu.memory_space<semaphore_mem>>)
    %add3A_46 = arith.constant 1840 : i32
    %add3A_47 = arith.addi %add3A_8, %add3A_46 : i32
    %dma_wait3A_48 = arith.constant 0 : i32
    %dma_wait3A_49 = arith.constant 0 : i32
    %dma_wait3A_50 = tpu.memref_slice %arg8[%dma_wait3A_48, %dma_wait3A_49] : memref<160x160xbf16, #tpu.memory_space<vmem>> -> memref<80x160xbf16, #tpu.memory_space<vmem>>
    %dma_wait3A_51 = arith.constant 0 : i32
    %dma_wait3A_52 = tpu.memref_slice %arg4[%add3A_47, %dma_wait3A_51] : memref<320000x160xbf16, #tpu.memory_space<hbm>> -> memref<80x160xbf16, #tpu.memory_space<hbm>>
    %dma_wait3A_53 = arith.constant 0 : i32
    %dma_wait3A_54 = tpu.memref_slice %arg4[%add3A_47, %dma_wait3A_53] : memref<320000x160xbf16, #tpu.memory_space<hbm>> -> memref<80x160xbf16, #tpu.memory_space<hbm>>
    %dma_wait3A_55 = arith.constant 0 : i32
    %dma_wait3A_56 = arith.constant 0 : i32
    %dma_wait3A_57 = tpu.memref_slice %arg8[%dma_wait3A_55, %dma_wait3A_56] : memref<160x160xbf16, #tpu.memory_space<vmem>> -> memref<80x160xbf16, #tpu.memory_space<vmem>>
    tpu.wait_dma2 semaphore(%arg12 : memref<!tpu.dma_semaphore, #tpu.memory_space<semaphore_mem>>) src(%dma_wait3A_57 : memref<80x160xbf16, #tpu.memory_space<vmem>>) dst(%dma_wait3A_54 : memref<80x160xbf16, #tpu.memory_space<hbm>>)
    %add3A_58 = arith.constant 1920 : i32
    %add3A_59 = arith.addi %add3A_8, %add3A_58 : i32
    %dma_wait3A_60 = arith.constant 0 : i32
    %dma_wait3A_61 = arith.constant 0 : i32
    %dma_wait3A_62 = tpu.memref_slice %arg7[%dma_wait3A_60, %dma_wait3A_61] : memref<160x160xbf16, #tpu.memory_space<vmem>> -> memref<80x160xbf16, #tpu.memory_space<vmem>>
    %dma_wait3A_63 = arith.constant 0 : i32
    %dma_wait3A_64 = tpu.memref_slice %arg4[%add3A_59, %dma_wait3A_63] : memref<320000x160xbf16, #tpu.memory_space<hbm>> -> memref<80x160xbf16, #tpu.memory_space<hbm>>
    %dma_wait3A_65 = arith.constant 0 : i32
    %dma_wait3A_66 = tpu.memref_slice %arg4[%add3A_59, %dma_wait3A_65] : memref<320000x160xbf16, #tpu.memory_space<hbm>> -> memref<80x160xbf16, #tpu.memory_space<hbm>>
    %dma_wait3A_67 = arith.constant 0 : i32
    %dma_wait3A_68 = arith.constant 0 : i32
    %dma_wait3A_69 = tpu.memref_slice %arg7[%dma_wait3A_67, %dma_wait3A_68] : memref<160x160xbf16, #tpu.memory_space<vmem>> -> memref<80x160xbf16, #tpu.memory_space<vmem>>
    tpu.wait_dma2 semaphore(%arg11 : memref<!tpu.dma_semaphore, #tpu.memory_space<semaphore_mem>>) src(%dma_wait3A_69 : memref<80x160xbf16, #tpu.memory_space<vmem>>) dst(%dma_wait3A_66 : memref<80x160xbf16, #tpu.memory_space<hbm>>)
    %mul3A_70 = arith.constant 10000 : i32
    %mul3A_71 = arith.muli %add3A, %mul3A_70 : i32
    %add3A_72 = arith.constant 2000 : i32
    %add3A_73 = arith.addi %mul3A_71, %add3A_72 : i32
    %run_scoped3A_74 = arith.constant 1 : i32
    "tpu.region"() ({
      %run_scoped3A_346 = tpu.sem_alloc : memref<!tpu.dma_semaphore, #tpu.memory_space<semaphore_mem>>
      %dma_start3A_347 = arith.constant 0 : i32
      %dma_start3A_348 = arith.constant 0 : i32
      %dma_start3A_349 = tpu.memref_slice %arg3[%add3A, %run_scoped3A_74, %dma_start3A_347, %dma_start3A_348] : memref<32x5x25x160xi32, #tpu.memory_space<hbm>> -> memref<1x1x25x160xi32, #tpu.memory_space<hbm>>
      %dma_start3A_350 = tpu.memref_squeeze %dma_start3A_349 : memref<1x1x25x160xi32, #tpu.memory_space<hbm>> -> memref<25x160xi32, #tpu.memory_space<hbm>>
      %dma_start3A_351 = arith.constant 0 : i32
      %dma_start3A_352 = arith.constant 0 : i32
      %dma_start3A_353 = tpu.memref_slice %arg3[%add3A, %run_scoped3A_74, %dma_start3A_351, %dma_start3A_352] : memref<32x5x25x160xi32, #tpu.memory_space<hbm>> -> memref<1x1x25x160xi32, #tpu.memory_space<hbm>>
      %dma_start3A_354 = tpu.memref_squeeze %dma_start3A_353 : memref<1x1x25x160xi32, #tpu.memory_space<hbm>> -> memref<25x160xi32, #tpu.memory_space<hbm>>
      tpu.enqueue_dma source(%dma_start3A_354 : memref<25x160xi32, #tpu.memory_space<hbm>>) target(%arg6 : memref<25x160xi32, #tpu.memory_space<vmem>>) target_semaphore(%run_scoped3A_346 : memref<!tpu.dma_semaphore, #tpu.memory_space<semaphore_mem>>)
      %dma_wait3A_355 = arith.constant 0 : i32
      %dma_wait3A_356 = arith.constant 0 : i32
      %dma_wait3A_357 = tpu.memref_slice %arg3[%add3A, %run_scoped3A_74, %dma_wait3A_355, %dma_wait3A_356] : memref<32x5x25x160xi32, #tpu.memory_space<hbm>> -> memref<1x1x25x160xi32, #tpu.memory_space<hbm>>
      %dma_wait3A_358 = tpu.memref_squeeze %dma_wait3A_357 : memref<1x1x25x160xi32, #tpu.memory_space<hbm>> -> memref<25x160xi32, #tpu.memory_space<hbm>>
      %dma_wait3A_359 = arith.constant 0 : i32
      %dma_wait3A_360 = arith.constant 0 : i32
      %dma_wait3A_361 = tpu.memref_slice %arg3[%add3A, %run_scoped3A_74, %dma_wait3A_359, %dma_wait3A_360] : memref<32x5x25x160xi32, #tpu.memory_space<hbm>> -> memref<1x1x25x160xi32, #tpu.memory_space<hbm>>
      %dma_wait3A_362 = tpu.memref_squeeze %dma_wait3A_361 : memref<1x1x25x160xi32, #tpu.memory_space<hbm>> -> memref<25x160xi32, #tpu.memory_space<hbm>>
      tpu.wait_dma2 semaphore(%run_scoped3A_346 : memref<!tpu.dma_semaphore, #tpu.memory_space<semaphore_mem>>) src(%dma_wait3A_362 : memref<25x160xi32, #tpu.memory_space<hbm>>) dst(%arg6 : memref<25x160xi32, #tpu.memory_space<vmem>>)
      tpu.yield
    }) : () -> ()
    %dma_start3A_75 = arith.constant 0 : i32
    %dma_start3A_76 = arith.constant 0 : i32
    %dma_start3A_77 = tpu.memref_slice %arg6[%dma_start3A_75, %dma_start3A_76] : memref<25x160xi32, #tpu.memory_space<vmem>> -> memref<1x160xi32, #tpu.memory_space<vmem>>
    %dma_start3A_78 = tpu.memref_squeeze %dma_start3A_77 : memref<1x160xi32, #tpu.memory_space<vmem>> -> memref<160xi32, #tpu.memory_space<vmem>>
    %dma_start3A_79 = arith.constant 0 : i32
    %dma_start3A_80 = arith.constant 0 : i32
    %dma_start3A_81 = tpu.memref_slice %arg5[%dma_start3A_79, %dma_start3A_80] : memref<20000x160xbf16, #tpu.memory_space<vmem_shared>> -> memref<20000x160xbf16, #tpu.memory_space<vmem_shared>>
    tpu.enqueue_indirect_dma source(%dma_start3A_81 : memref<20000x160xbf16, #tpu.memory_space<vmem_shared>>) target(%arg7 : memref<160x160xbf16, #tpu.memory_space<vmem>>) offsets(%dma_start3A_78 : memref<160xi32, #tpu.memory_space<vmem>>) semaphore(%arg9 : memref<!tpu.dma_semaphore, #tpu.memory_space<semaphore_mem>>)
    %scan3A_82 = arith.constant 0 : i32
    %scan3A_83 = arith.constant 0 : i32
    %scan3A_84 = arith.constant 12 : i32
    %scan3A_85 = arith.addi %scan3A_83, %scan3A_84 : i32
    %scan3A_86 = arith.constant 1 : i32
    %scan3A_87 = scf.for %scan3A_346 = %scan3A_83 to %scan3A_85 step %scan3A_86 iter_args(%scan3A_347 = %scan3A_82) -> (i32)  : i32 {
      %mul3A_348 = arith.constant 2 : i32
      %mul3A_349 = arith.muli %mul3A_348, %scan3A_346 : i32
      %mul3A_350 = arith.constant 2 : i32
      %mul3A_351 = arith.muli %mul3A_350, %scan3A_346 : i32
      %add3A_352 = arith.constant 1 : i32
      %add3A_353 = arith.addi %mul3A_351, %add3A_352 : i32
      %gt3A = arith.constant 0 : i32
      %gt3A_354 = arith.cmpi sgt, %scan3A_346, %gt3A : i32
      %convert_element_type3A = arith.extui %gt3A_354 : i1 to i32
      %cond3A = arith.constant 0 : i32
      %cond3A_355 = arith.cmpi ne, %convert_element_type3A, %cond3A : i32
      scf.if %cond3A_355 {
        %sub3A = arith.constant 2 : i32
        %sub3A_436 = arith.subi %add3A_353, %sub3A : i32
        %mul3A_437 = arith.constant 80 : i32
        %mul3A_438 = arith.muli %sub3A_436, %mul3A_437 : i32
        %add3A_439 = arith.addi %add3A_73, %mul3A_438 : i32
        %dma_wait3A_440 = arith.constant 0 : i32
        %dma_wait3A_441 = arith.constant 0 : i32
        %dma_wait3A_442 = tpu.memref_slice %arg8[%dma_wait3A_440, %dma_wait3A_441] : memref<160x160xbf16, #tpu.memory_space<vmem>> -> memref<80x160xbf16, #tpu.memory_space<vmem>>
        %dma_wait3A_443 = arith.constant 0 : i32
        %dma_wait3A_444 = tpu.memref_slice %arg4[%add3A_439, %dma_wait3A_443] : memref<320000x160xbf16, #tpu.memory_space<hbm>> -> memref<80x160xbf16, #tpu.memory_space<hbm>>
        %dma_wait3A_445 = arith.constant 0 : i32
        %dma_wait3A_446 = tpu.memref_slice %arg4[%add3A_439, %dma_wait3A_445] : memref<320000x160xbf16, #tpu.memory_space<hbm>> -> memref<80x160xbf16, #tpu.memory_space<hbm>>
        %dma_wait3A_447 = arith.constant 0 : i32
        %dma_wait3A_448 = arith.constant 0 : i32
        %dma_wait3A_449 = tpu.memref_slice %arg8[%dma_wait3A_447, %dma_wait3A_448] : memref<160x160xbf16, #tpu.memory_space<vmem>> -> memref<80x160xbf16, #tpu.memory_space<vmem>>
        tpu.wait_dma2 semaphore(%arg12 : memref<!tpu.dma_semaphore, #tpu.memory_space<semaphore_mem>>) src(%dma_wait3A_449 : memref<80x160xbf16, #tpu.memory_space<vmem>>) dst(%dma_wait3A_446 : memref<80x160xbf16, #tpu.memory_space<hbm>>)
      } else {
      }
      %dma_start3A_356 = arith.constant 0 : i32
      %dma_start3A_357 = tpu.memref_slice %arg6[%add3A_353, %dma_start3A_356] : memref<25x160xi32, #tpu.memory_space<vmem>> -> memref<1x160xi32, #tpu.memory_space<vmem>>
      %dma_start3A_358 = tpu.memref_squeeze %dma_start3A_357 : memref<1x160xi32, #tpu.memory_space<vmem>> -> memref<160xi32, #tpu.memory_space<vmem>>
      %dma_start3A_359 = arith.constant 0 : i32
      %dma_start3A_360 = arith.constant 0 : i32
      %dma_start3A_361 = tpu.memref_slice %arg5[%dma_start3A_359, %dma_start3A_360] : memref<20000x160xbf16, #tpu.memory_space<vmem_shared>> -> memref<20000x160xbf16, #tpu.memory_space<vmem_shared>>
      tpu.enqueue_indirect_dma source(%dma_start3A_361 : memref<20000x160xbf16, #tpu.memory_space<vmem_shared>>) target(%arg8 : memref<160x160xbf16, #tpu.memory_space<vmem>>) offsets(%dma_start3A_358 : memref<160xi32, #tpu.memory_space<vmem>>) semaphore(%arg10 : memref<!tpu.dma_semaphore, #tpu.memory_space<semaphore_mem>>)
      %dma_wait3A_362 = arith.constant 0 : i32
      %dma_wait3A_363 = tpu.memref_slice %arg6[%mul3A_349, %dma_wait3A_362] : memref<25x160xi32, #tpu.memory_space<vmem>> -> memref<1x160xi32, #tpu.memory_space<vmem>>
      %dma_wait3A_364 = tpu.memref_squeeze %dma_wait3A_363 : memref<1x160xi32, #tpu.memory_space<vmem>> -> memref<160xi32, #tpu.memory_space<vmem>>
      %dma_wait3A_365 = arith.constant 0 : i32
      %dma_wait3A_366 = arith.constant 0 : i32
      %dma_wait3A_367 = tpu.memref_slice %arg5[%dma_wait3A_365, %dma_wait3A_366] : memref<20000x160xbf16, #tpu.memory_space<vmem_shared>> -> memref<20000x160xbf16, #tpu.memory_space<vmem_shared>>
      tpu.wait_indirect_dma semaphore(%arg9 : memref<!tpu.dma_semaphore, #tpu.memory_space<semaphore_mem>>) src(%dma_wait3A_367 : memref<20000x160xbf16, #tpu.memory_space<vmem_shared>>) dst(%arg7 : memref<160x160xbf16, #tpu.memory_space<vmem>>)
      %scan3A_368 = arith.constant 0 : i32
      %scan3A_369 = arith.constant 0 : i32
      %scan3A_370 = arith.constant 80 : i32
      %scan3A_371 = arith.addi %scan3A_369, %scan3A_370 : i32
      %scan3A_372 = arith.constant 2 : i32
      %scan3A_373 = scf.for %scan3A_436 = %scan3A_369 to %scan3A_371 step %scan3A_372 iter_args(%scan3A_437 = %scan3A_368) -> (i32)  : i32 {
        %get3A = arith.index_cast %scan3A_436 : i32 to index
        %get3A_438 = arith.constant 0 : index
        %get3A_439 = tpu.vector_load %arg7[%get3A, %get3A_438] {strides = array<i32>} : memref<160x160xbf16, #tpu.memory_space<vmem>>, vector<1x32xbf16>,
        %get3A_440 = vector.shape_cast %get3A_439 : vector<1x32xbf16> to vector<32xbf16>
        %add3A_441 = arith.constant 80 : i32
        %add3A_442 = arith.addi %add3A_441, %scan3A_436 : i32
        %get3A_443 = arith.index_cast %add3A_442 : i32 to index
        %get3A_444 = arith.constant 0 : index
        %get3A_445 = tpu.vector_load %arg7[%get3A_443, %get3A_444] {strides = array<i32>} : memref<160x160xbf16, #tpu.memory_space<vmem>>, vector<1x32xbf16>,
        %get3A_446 = vector.shape_cast %get3A_445 : vector<1x32xbf16> to vector<32xbf16>
        %add3A_447 = arith.addf %get3A_440, %get3A_446 : vector<32xbf16>
        %swap3A = arith.index_cast %scan3A_436 : i32 to index
        %swap3A_448 = arith.constant 0 : index
        %swap3A_449 = tpu.vector_load %arg7[%swap3A, %swap3A_448] {strides = array<i32>} : memref<160x160xbf16, #tpu.memory_space<vmem>>, vector<1x32xbf16>,
        %swap3A_450 = vector.shape_cast %swap3A_449 : vector<1x32xbf16> to vector<32xbf16>
        %swap3A_451 = vector.shape_cast %add3A_447 : vector<32xbf16> to vector<1x32xbf16>
        tpu.vector_store %arg7[%swap3A, %swap3A_448], %swap3A_451 {strides = array<i32>} : memref<160x160xbf16, #tpu.memory_space<vmem>>, vector<1x32xbf16>,
        %get3A_452 = arith.index_cast %scan3A_436 : i32 to index
        %get3A_453 = arith.constant 32 : index
        %get3A_454 = tpu.vector_load %arg7[%get3A_452, %get3A_453] {strides = array<i32>} : memref<160x160xbf16, #tpu.memory_space<vmem>>, vector<1x32xbf16>,
        %get3A_455 = vector.shape_cast %get3A_454 : vector<1x32xbf16> to vector<32xbf16>
        %add3A_456 = arith.constant 80 : i32
        %add3A_457 = arith.addi %add3A_456, %scan3A_436 : i32
        %get3A_458 = arith.index_cast %add3A_457 : i32 to index
        %get3A_459 = arith.constant 32 : index
        %get3A_460 = tpu.vector_load %arg7[%get3A_458, %get3A_459] {strides = array<i32>} : memref<160x160xbf16, #tpu.memory_space<vmem>>, vector<1x32xbf16>,
        %get3A_461 = vector.shape_cast %get3A_460 : vector<1x32xbf16> to vector<32xbf16>
        %add3A_462 = arith.addf %get3A_455, %get3A_461 : vector<32xbf16>
        %swap3A_463 = arith.index_cast %scan3A_436 : i32 to index
        %swap3A_464 = arith.constant 32 : index
        %swap3A_465 = tpu.vector_load %arg7[%swap3A_463, %swap3A_464] {strides = array<i32>} : memref<160x160xbf16, #tpu.memory_space<vmem>>, vector<1x32xbf16>,
        %swap3A_466 = vector.shape_cast %swap3A_465 : vector<1x32xbf16> to vector<32xbf16>
        %swap3A_467 = vector.shape_cast %add3A_462 : vector<32xbf16> to vector<1x32xbf16>
        tpu.vector_store %arg7[%swap3A_463, %swap3A_464], %swap3A_467 {strides = array<i32>} : memref<160x160xbf16, #tpu.memory_space<vmem>>, vector<1x32xbf16>,
        %get3A_468 = arith.index_cast %scan3A_436 : i32 to index
        %get3A_469 = arith.constant 64 : index
        %get3A_470 = tpu.vector_load %arg7[%get3A_468, %get3A_469] {strides = array<i32>} : memref<160x160xbf16, #tpu.memory_space<vmem>>, vector<1x32xbf16>,
        %get3A_471 = vector.shape_cast %get3A_470 : vector<1x32xbf16> to vector<32xbf16>
        %add3A_472 = arith.constant 80 : i32
        %add3A_473 = arith.addi %add3A_472, %scan3A_436 : i32
        %get3A_474 = arith.index_cast %add3A_473 : i32 to index
        %get3A_475 = arith.constant 64 : index
        %get3A_476 = tpu.vector_load %arg7[%get3A_474, %get3A_475] {strides = array<i32>} : memref<160x160xbf16, #tpu.memory_space<vmem>>, vector<1x32xbf16>,
        %get3A_477 = vector.shape_cast %get3A_476 : vector<1x32xbf16> to vector<32xbf16>
        %add3A_478 = arith.addf %get3A_471, %get3A_477 : vector<32xbf16>
        %swap3A_479 = arith.index_cast %scan3A_436 : i32 to index
        %swap3A_480 = arith.constant 64 : index
        %swap3A_481 = tpu.vector_load %arg7[%swap3A_479, %swap3A_480] {strides = array<i32>} : memref<160x160xbf16, #tpu.memory_space<vmem>>, vector<1x32xbf16>,
        %swap3A_482 = vector.shape_cast %swap3A_481 : vector<1x32xbf16> to vector<32xbf16>
        %swap3A_483 = vector.shape_cast %add3A_478 : vector<32xbf16> to vector<1x32xbf16>
        tpu.vector_store %arg7[%swap3A_479, %swap3A_480], %swap3A_483 {strides = array<i32>} : memref<160x160xbf16, #tpu.memory_space<vmem>>, vector<1x32xbf16>,
        %get3A_484 = arith.index_cast %scan3A_436 : i32 to index
        %get3A_485 = arith.constant 96 : index
        %get3A_486 = tpu.vector_load %arg7[%get3A_484, %get3A_485] {strides = array<i32>} : memref<160x160xbf16, #tpu.memory_space<vmem>>, vector<1x32xbf16>,
        %get3A_487 = vector.shape_cast %get3A_486 : vector<1x32xbf16> to vector<32xbf16>
        %add3A_488 = arith.constant 80 : i32
        %add3A_489 = arith.addi %add3A_488, %scan3A_436 : i32
        %get3A_490 = arith.index_cast %add3A_489 : i32 to index
        %get3A_491 = arith.constant 96 : index
        %get3A_492 = tpu.vector_load %arg7[%get3A_490, %get3A_491] {strides = array<i32>} : memref<160x160xbf16, #tpu.memory_space<vmem>>, vector<1x32xbf16>,
        %get3A_493 = vector.shape_cast %get3A_492 : vector<1x32xbf16> to vector<32xbf16>
        %add3A_494 = arith.addf %get3A_487, %get3A_493 : vector<32xbf16>
        %swap3A_495 = arith.index_cast %scan3A_436 : i32 to index
        %swap3A_496 = arith.constant 96 : index
        %swap3A_497 = tpu.vector_load %arg7[%swap3A_495, %swap3A_496] {strides = array<i32>} : memref<160x160xbf16, #tpu.memory_space<vmem>>, vector<1x32xbf16>,
        %swap3A_498 = vector.shape_cast %swap3A_497 : vector<1x32xbf16> to vector<32xbf16>
        %swap3A_499 = vector.shape_cast %add3A_494 : vector<32xbf16> to vector<1x32xbf16>
        tpu.vector_store %arg7[%swap3A_495, %swap3A_496], %swap3A_499 {strides = array<i32>} : memref<160x160xbf16, #tpu.memory_space<vmem>>, vector<1x32xbf16>,
        %get3A_500 = arith.index_cast %scan3A_436 : i32 to index
        %get3A_501 = arith.constant 128 : index
        %get3A_502 = tpu.vector_load %arg7[%get3A_500, %get3A_501] {strides = array<i32>} : memref<160x160xbf16, #tpu.memory_space<vmem>>, vector<1x32xbf16>,
        %get3A_503 = vector.shape_cast %get3A_502 : vector<1x32xbf16> to vector<32xbf16>
        %add3A_504 = arith.constant 80 : i32
        %add3A_505 = arith.addi %add3A_504, %scan3A_436 : i32
        %get3A_506 = arith.index_cast %add3A_505 : i32 to index
        %get3A_507 = arith.constant 128 : index
        %get3A_508 = tpu.vector_load %arg7[%get3A_506, %get3A_507] {strides = array<i32>} : memref<160x160xbf16, #tpu.memory_space<vmem>>, vector<1x32xbf16>,
        %get3A_509 = vector.shape_cast %get3A_508 : vector<1x32xbf16> to vector<32xbf16>
        %add3A_510 = arith.addf %get3A_503, %get3A_509 : vector<32xbf16>
        %swap3A_511 = arith.index_cast %scan3A_436 : i32 to index
        %swap3A_512 = arith.constant 128 : index
        %swap3A_513 = tpu.vector_load %arg7[%swap3A_511, %swap3A_512] {strides = array<i32>} : memref<160x160xbf16, #tpu.memory_space<vmem>>, vector<1x32xbf16>,
        %swap3A_514 = vector.shape_cast %swap3A_513 : vector<1x32xbf16> to vector<32xbf16>
        %swap3A_515 = vector.shape_cast %add3A_510 : vector<32xbf16> to vector<1x32xbf16>
        tpu.vector_store %arg7[%swap3A_511, %swap3A_512], %swap3A_515 {strides = array<i32>} : memref<160x160xbf16, #tpu.memory_space<vmem>>, vector<1x32xbf16>,
        %scan3A_516 = arith.constant 0 : i32
        %scan3A_517 = arith.constant 1 : i32
        %scan3A_518 = arith.addi %scan3A_436, %scan3A_517 : i32
        %get3A_519 = arith.index_cast %scan3A_518 : i32 to index
        %get3A_520 = arith.constant 0 : index
        %get3A_521 = tpu.vector_load %arg7[%get3A_519, %get3A_520] {strides = array<i32>} : memref<160x160xbf16, #tpu.memory_space<vmem>>, vector<1x32xbf16>,
        %get3A_522 = vector.shape_cast %get3A_521 : vector<1x32xbf16> to vector<32xbf16>
        %add3A_523 = arith.constant 80 : i32
        %add3A_524 = arith.addi %add3A_523, %scan3A_518 : i32
        %get3A_525 = arith.index_cast %add3A_524 : i32 to index
        %get3A_526 = arith.constant 0 : index
        %get3A_527 = tpu.vector_load %arg7[%get3A_525, %get3A_526] {strides = array<i32>} : memref<160x160xbf16, #tpu.memory_space<vmem>>, vector<1x32xbf16>,
        %get3A_528 = vector.shape_cast %get3A_527 : vector<1x32xbf16> to vector<32xbf16>
        %add3A_529 = arith.addf %get3A_522, %get3A_528 : vector<32xbf16>
        %swap3A_530 = arith.index_cast %scan3A_518 : i32 to index
        %swap3A_531 = arith.constant 0 : index
        %swap3A_532 = tpu.vector_load %arg7[%swap3A_530, %swap3A_531] {strides = array<i32>} : memref<160x160xbf16, #tpu.memory_space<vmem>>, vector<1x32xbf16>,
        %swap3A_533 = vector.shape_cast %swap3A_532 : vector<1x32xbf16> to vector<32xbf16>
        %swap3A_534 = vector.shape_cast %add3A_529 : vector<32xbf16> to vector<1x32xbf16>
        tpu.vector_store %arg7[%swap3A_530, %swap3A_531], %swap3A_534 {strides = array<i32>} : memref<160x160xbf16, #tpu.memory_space<vmem>>, vector<1x32xbf16>,
        %get3A_535 = arith.index_cast %scan3A_518 : i32 to index
        %get3A_536 = arith.constant 32 : index
        %get3A_537 = tpu.vector_load %arg7[%get3A_535, %get3A_536] {strides = array<i32>} : memref<160x160xbf16, #tpu.memory_space<vmem>>, vector<1x32xbf16>,
        %get3A_538 = vector.shape_cast %get3A_537 : vector<1x32xbf16> to vector<32xbf16>
        %add3A_539 = arith.constant 80 : i32
        %add3A_540 = arith.addi %add3A_539, %scan3A_518 : i32
        %get3A_541 = arith.index_cast %add3A_540 : i32 to index
        %get3A_542 = arith.constant 32 : index
        %get3A_543 = tpu.vector_load %arg7[%get3A_541, %get3A_542] {strides = array<i32>} : memref<160x160xbf16, #tpu.memory_space<vmem>>, vector<1x32xbf16>,
        %get3A_544 = vector.shape_cast %get3A_543 : vector<1x32xbf16> to vector<32xbf16>
        %add3A_545 = arith.addf %get3A_538, %get3A_544 : vector<32xbf16>
        %swap3A_546 = arith.index_cast %scan3A_518 : i32 to index
        %swap3A_547 = arith.constant 32 : index
        %swap3A_548 = tpu.vector_load %arg7[%swap3A_546, %swap3A_547] {strides = array<i32>} : memref<160x160xbf16, #tpu.memory_space<vmem>>, vector<1x32xbf16>,
        %swap3A_549 = vector.shape_cast %swap3A_548 : vector<1x32xbf16> to vector<32xbf16>
        %swap3A_550 = vector.shape_cast %add3A_545 : vector<32xbf16> to vector<1x32xbf16>
        tpu.vector_store %arg7[%swap3A_546, %swap3A_547], %swap3A_550 {strides = array<i32>} : memref<160x160xbf16, #tpu.memory_space<vmem>>, vector<1x32xbf16>,
        %get3A_551 = arith.index_cast %scan3A_518 : i32 to index
        %get3A_552 = arith.constant 64 : index
        %get3A_553 = tpu.vector_load %arg7[%get3A_551, %get3A_552] {strides = array<i32>} : memref<160x160xbf16, #tpu.memory_space<vmem>>, vector<1x32xbf16>,
        %get3A_554 = vector.shape_cast %get3A_553 : vector<1x32xbf16> to vector<32xbf16>
        %add3A_555 = arith.constant 80 : i32
        %add3A_556 = arith.addi %add3A_555, %scan3A_518 : i32
        %get3A_557 = arith.index_cast %add3A_556 : i32 to index
        %get3A_558 = arith.constant 64 : index
        %get3A_559 = tpu.vector_load %arg7[%get3A_557, %get3A_558] {strides = array<i32>} : memref<160x160xbf16, #tpu.memory_space<vmem>>, vector<1x32xbf16>,
        %get3A_560 = vector.shape_cast %get3A_559 : vector<1x32xbf16> to vector<32xbf16>
        %add3A_561 = arith.addf %get3A_554, %get3A_560 : vector<32xbf16>
        %swap3A_562 = arith.index_cast %scan3A_518 : i32 to index
        %swap3A_563 = arith.constant 64 : index
        %swap3A_564 = tpu.vector_load %arg7[%swap3A_562, %swap3A_563] {strides = array<i32>} : memref<160x160xbf16, #tpu.memory_space<vmem>>, vector<1x32xbf16>,
        %swap3A_565 = vector.shape_cast %swap3A_564 : vector<1x32xbf16> to vector<32xbf16>
        %swap3A_566 = vector.shape_cast %add3A_561 : vector<32xbf16> to vector<1x32xbf16>
        tpu.vector_store %arg7[%swap3A_562, %swap3A_563], %swap3A_566 {strides = array<i32>} : memref<160x160xbf16, #tpu.memory_space<vmem>>, vector<1x32xbf16>,
        %get3A_567 = arith.index_cast %scan3A_518 : i32 to index
        %get3A_568 = arith.constant 96 : index
        %get3A_569 = tpu.vector_load %arg7[%get3A_567, %get3A_568] {strides = array<i32>} : memref<160x160xbf16, #tpu.memory_space<vmem>>, vector<1x32xbf16>,
        %get3A_570 = vector.shape_cast %get3A_569 : vector<1x32xbf16> to vector<32xbf16>
        %add3A_571 = arith.constant 80 : i32
        %add3A_572 = arith.addi %add3A_571, %scan3A_518 : i32
        %get3A_573 = arith.index_cast %add3A_572 : i32 to index
        %get3A_574 = arith.constant 96 : index
        %get3A_575 = tpu.vector_load %arg7[%get3A_573, %get3A_574] {strides = array<i32>} : memref<160x160xbf16, #tpu.memory_space<vmem>>, vector<1x32xbf16>,
        %get3A_576 = vector.shape_cast %get3A_575 : vector<1x32xbf16> to vector<32xbf16>
        %add3A_577 = arith.addf %get3A_570, %get3A_576 : vector<32xbf16>
        %swap3A_578 = arith.index_cast %scan3A_518 : i32 to index
        %swap3A_579 = arith.constant 96 : index
        %swap3A_580 = tpu.vector_load %arg7[%swap3A_578, %swap3A_579] {strides = array<i32>} : memref<160x160xbf16, #tpu.memory_space<vmem>>, vector<1x32xbf16>,
        %swap3A_581 = vector.shape_cast %swap3A_580 : vector<1x32xbf16> to vector<32xbf16>
        %swap3A_582 = vector.shape_cast %add3A_577 : vector<32xbf16> to vector<1x32xbf16>
        tpu.vector_store %arg7[%swap3A_578, %swap3A_579], %swap3A_582 {strides = array<i32>} : memref<160x160xbf16, #tpu.memory_space<vmem>>, vector<1x32xbf16>,
        %get3A_583 = arith.index_cast %scan3A_518 : i32 to index
        %get3A_584 = arith.constant 128 : index
        %get3A_585 = tpu.vector_load %arg7[%get3A_583, %get3A_584] {strides = array<i32>} : memref<160x160xbf16, #tpu.memory_space<vmem>>, vector<1x32xbf16>,
        %get3A_586 = vector.shape_cast %get3A_585 : vector<1x32xbf16> to vector<32xbf16>
        %add3A_587 = arith.constant 80 : i32
        %add3A_588 = arith.addi %add3A_587, %scan3A_518 : i32
        %get3A_589 = arith.index_cast %add3A_588 : i32 to index
        %get3A_590 = arith.constant 128 : index
        %get3A_591 = tpu.vector_load %arg7[%get3A_589, %get3A_590] {strides = array<i32>} : memref<160x160xbf16, #tpu.memory_space<vmem>>, vector<1x32xbf16>,
        %get3A_592 = vector.shape_cast %get3A_591 : vector<1x32xbf16> to vector<32xbf16>
        %add3A_593 = arith.addf %get3A_586, %get3A_592 : vector<32xbf16>
        %swap3A_594 = arith.index_cast %scan3A_518 : i32 to index
        %swap3A_595 = arith.constant 128 : index
        %swap3A_596 = tpu.vector_load %arg7[%swap3A_594, %swap3A_595] {strides = array<i32>} : memref<160x160xbf16, #tpu.memory_space<vmem>>, vector<1x32xbf16>,
        %swap3A_597 = vector.shape_cast %swap3A_596 : vector<1x32xbf16> to vector<32xbf16>
        %swap3A_598 = vector.shape_cast %add3A_593 : vector<32xbf16> to vector<1x32xbf16>
        tpu.vector_store %arg7[%swap3A_594, %swap3A_595], %swap3A_598 {strides = array<i32>} : memref<160x160xbf16, #tpu.memory_space<vmem>>, vector<1x32xbf16>,
        %scan3A_599 = arith.constant 0 : i32
        scf.yield %scan3A_599 : i32
      }
      %scan3A_374 = arith.constant 80 : i32
      %mul3A_375 = arith.constant 80 : i32
      %mul3A_376 = arith.muli %mul3A_349, %mul3A_375 : i32
      %add3A_377 = arith.addi %add3A_73, %mul3A_376 : i32
      %dma_start3A_378 = arith.constant 0 : i32
      %dma_start3A_379 = arith.constant 0 : i32
      %dma_start3A_380 = tpu.memref_slice %arg7[%dma_start3A_378, %dma_start3A_379] : memref<160x160xbf16, #tpu.memory_space<vmem>> -> memref<80x160xbf16, #tpu.memory_space<vmem>>
      %dma_start3A_381 = arith.constant 0 : i32
      %dma_start3A_382 = tpu.memref_slice %arg4[%add3A_377, %dma_start3A_381] : memref<320000x160xbf16, #tpu.memory_space<hbm>> -> memref<80x160xbf16, #tpu.memory_space<hbm>>
      %dma_start3A_383 = arith.constant 0 : i32
      %dma_start3A_384 = tpu.memref_slice %arg4[%add3A_377, %dma_start3A_383] : memref<320000x160xbf16, #tpu.memory_space<hbm>> -> memref<80x160xbf16, #tpu.memory_space<hbm>>
      %dma_start3A_385 = arith.constant 0 : i32
      %dma_start3A_386 = arith.constant 0 : i32
      %dma_start3A_387 = tpu.memref_slice %arg7[%dma_start3A_385, %dma_start3A_386] : memref<160x160xbf16, #tpu.memory_space<vmem>> -> memref<80x160xbf16, #tpu.memory_space<vmem>>
      tpu.enqueue_dma source(%dma_start3A_387 : memref<80x160xbf16, #tpu.memory_space<vmem>>) target(%dma_start3A_384 : memref<80x160xbf16, #tpu.memory_space<hbm>>) target_semaphore(%arg11 : memref<!tpu.dma_semaphore, #tpu.memory_space<semaphore_mem>>)
      %dma_wait3A_388 = arith.constant 0 : i32
      %dma_wait3A_389 = tpu.memref_slice %arg6[%add3A_353, %dma_wait3A_388] : memref<25x160xi32, #tpu.memory_space<vmem>> -> memref<1x160xi32, #tpu.memory_space<vmem>>
      %dma_wait3A_390 = tpu.memref_squeeze %dma_wait3A_389 : memref<1x160xi32, #tpu.memory_space<vmem>> -> memref<160xi32, #tpu.memory_space<vmem>>
      %dma_wait3A_391 = arith.constant 0 : i32
      %dma_wait3A_392 = arith.constant 0 : i32
      %dma_wait3A_393 = tpu.memref_slice %arg5[%dma_wait3A_391, %dma_wait3A_392] : memref<20000x160xbf16, #tpu.memory_space<vmem_shared>> -> memref<20000x160xbf16, #tpu.memory_space<vmem_shared>>
      tpu.wait_indirect_dma semaphore(%arg10 : memref<!tpu.dma_semaphore, #tpu.memory_space<semaphore_mem>>) src(%dma_wait3A_393 : memref<20000x160xbf16, #tpu.memory_space<vmem_shared>>) dst(%arg8 : memref<160x160xbf16, #tpu.memory_space<vmem>>)
      %scan3A_394 = arith.constant 0 : i32
      %scan3A_395 = arith.constant 0 : i32
      %scan3A_396 = arith.constant 80 : i32
      %scan3A_397 = arith.addi %scan3A_395, %scan3A_396 : i32
      %scan3A_398 = arith.constant 2 : i32
      %scan3A_399 = scf.for %scan3A_436 = %scan3A_395 to %scan3A_397 step %scan3A_398 iter_args(%scan3A_437 = %scan3A_394) -> (i32)  : i32 {
        %get3A = arith.index_cast %scan3A_436 : i32 to index
        %get3A_438 = arith.constant 0 : index
        %get3A_439 = tpu.vector_load %arg8[%get3A, %get3A_438] {strides = array<i32>} : memref<160x160xbf16, #tpu.memory_space<vmem>>, vector<1x32xbf16>,
        %get3A_440 = vector.shape_cast %get3A_439 : vector<1x32xbf16> to vector<32xbf16>
        %add3A_441 = arith.constant 80 : i32
        %add3A_442 = arith.addi %add3A_441, %scan3A_436 : i32
        %get3A_443 = arith.index_cast %add3A_442 : i32 to index
        %get3A_444 = arith.constant 0 : index
        %get3A_445 = tpu.vector_load %arg8[%get3A_443, %get3A_444] {strides = array<i32>} : memref<160x160xbf16, #tpu.memory_space<vmem>>, vector<1x32xbf16>,
        %get3A_446 = vector.shape_cast %get3A_445 : vector<1x32xbf16> to vector<32xbf16>
        %add3A_447 = arith.addf %get3A_440, %get3A_446 : vector<32xbf16>
        %swap3A = arith.index_cast %scan3A_436 : i32 to index
        %swap3A_448 = arith.constant 0 : index
        %swap3A_449 = tpu.vector_load %arg8[%swap3A, %swap3A_448] {strides = array<i32>} : memref<160x160xbf16, #tpu.memory_space<vmem>>, vector<1x32xbf16>,
        %swap3A_450 = vector.shape_cast %swap3A_449 : vector<1x32xbf16> to vector<32xbf16>
        %swap3A_451 = vector.shape_cast %add3A_447 : vector<32xbf16> to vector<1x32xbf16>
        tpu.vector_store %arg8[%swap3A, %swap3A_448], %swap3A_451 {strides = array<i32>} : memref<160x160xbf16, #tpu.memory_space<vmem>>, vector<1x32xbf16>,
        %get3A_452 = arith.index_cast %scan3A_436 : i32 to index
        %get3A_453 = arith.constant 32 : index
        %get3A_454 = tpu.vector_load %arg8[%get3A_452, %get3A_453] {strides = array<i32>} : memref<160x160xbf16, #tpu.memory_space<vmem>>, vector<1x32xbf16>,
        %get3A_455 = vector.shape_cast %get3A_454 : vector<1x32xbf16> to vector<32xbf16>
        %add3A_456 = arith.constant 80 : i32
        %add3A_457 = arith.addi %add3A_456, %scan3A_436 : i32
        %get3A_458 = arith.index_cast %add3A_457 : i32 to index
        %get3A_459 = arith.constant 32 : index
        %get3A_460 = tpu.vector_load %arg8[%get3A_458, %get3A_459] {strides = array<i32>} : memref<160x160xbf16, #tpu.memory_space<vmem>>, vector<1x32xbf16>,
        %get3A_461 = vector.shape_cast %get3A_460 : vector<1x32xbf16> to vector<32xbf16>
        %add3A_462 = arith.addf %get3A_455, %get3A_461 : vector<32xbf16>
        %swap3A_463 = arith.index_cast %scan3A_436 : i32 to index
        %swap3A_464 = arith.constant 32 : index
        %swap3A_465 = tpu.vector_load %arg8[%swap3A_463, %swap3A_464] {strides = array<i32>} : memref<160x160xbf16, #tpu.memory_space<vmem>>, vector<1x32xbf16>,
        %swap3A_466 = vector.shape_cast %swap3A_465 : vector<1x32xbf16> to vector<32xbf16>
        %swap3A_467 = vector.shape_cast %add3A_462 : vector<32xbf16> to vector<1x32xbf16>
        tpu.vector_store %arg8[%swap3A_463, %swap3A_464], %swap3A_467 {strides = array<i32>} : memref<160x160xbf16, #tpu.memory_space<vmem>>, vector<1x32xbf16>,
        %get3A_468 = arith.index_cast %scan3A_436 : i32 to index
        %get3A_469 = arith.constant 64 : index
        %get3A_470 = tpu.vector_load %arg8[%get3A_468, %get3A_469] {strides = array<i32>} : memref<160x160xbf16, #tpu.memory_space<vmem>>, vector<1x32xbf16>,
        %get3A_471 = vector.shape_cast %get3A_470 : vector<1x32xbf16> to vector<32xbf16>
        %add3A_472 = arith.constant 80 : i32
        %add3A_473 = arith.addi %add3A_472, %scan3A_436 : i32
        %get3A_474 = arith.index_cast %add3A_473 : i32 to index
        %get3A_475 = arith.constant 64 : index
        %get3A_476 = tpu.vector_load %arg8[%get3A_474, %get3A_475] {strides = array<i32>} : memref<160x160xbf16, #tpu.memory_space<vmem>>, vector<1x32xbf16>,
        %get3A_477 = vector.shape_cast %get3A_476 : vector<1x32xbf16> to vector<32xbf16>
        %add3A_478 = arith.addf %get3A_471, %get3A_477 : vector<32xbf16>
        %swap3A_479 = arith.index_cast %scan3A_436 : i32 to index
        %swap3A_480 = arith.constant 64 : index
        %swap3A_481 = tpu.vector_load %arg8[%swap3A_479, %swap3A_480] {strides = array<i32>} : memref<160x160xbf16, #tpu.memory_space<vmem>>, vector<1x32xbf16>,
        %swap3A_482 = vector.shape_cast %swap3A_481 : vector<1x32xbf16> to vector<32xbf16>
        %swap3A_483 = vector.shape_cast %add3A_478 : vector<32xbf16> to vector<1x32xbf16>
        tpu.vector_store %arg8[%swap3A_479, %swap3A_480], %swap3A_483 {strides = array<i32>} : memref<160x160xbf16, #tpu.memory_space<vmem>>, vector<1x32xbf16>,
        %get3A_484 = arith.index_cast %scan3A_436 : i32 to index
        %get3A_485 = arith.constant 96 : index
        %get3A_486 = tpu.vector_load %arg8[%get3A_484, %get3A_485] {strides = array<i32>} : memref<160x160xbf16, #tpu.memory_space<vmem>>, vector<1x32xbf16>,
        %get3A_487 = vector.shape_cast %get3A_486 : vector<1x32xbf16> to vector<32xbf16>
        %add3A_488 = arith.constant 80 : i32
        %add3A_489 = arith.addi %add3A_488, %scan3A_436 : i32
        %get3A_490 = arith.index_cast %add3A_489 : i32 to index
        %get3A_491 = arith.constant 96 : index
        %get3A_492 = tpu.vector_load %arg8[%get3A_490, %get3A_491] {strides = array<i32>} : memref<160x160xbf16, #tpu.memory_space<vmem>>, vector<1x32xbf16>,
        %get3A_493 = vector.shape_cast %get3A_492 : vector<1x32xbf16> to vector<32xbf16>
        %add3A_494 = arith.addf %get3A_487, %get3A_493 : vector<32xbf16>
        %swap3A_495 = arith.index_cast %scan3A_436 : i32 to index
        %swap3A_496 = arith.constant 96 : index
        %swap3A_497 = tpu.vector_load %arg8[%swap3A_495, %swap3A_496] {strides = array<i32>} : memref<160x160xbf16, #tpu.memory_space<vmem>>, vector<1x32xbf16>,
        %swap3A_498 = vector.shape_cast %swap3A_497 : vector<1x32xbf16> to vector<32xbf16>
        %swap3A_499 = vector.shape_cast %add3A_494 : vector<32xbf16> to vector<1x32xbf16>
        tpu.vector_store %arg8[%swap3A_495, %swap3A_496], %swap3A_499 {strides = array<i32>} : memref<160x160xbf16, #tpu.memory_space<vmem>>, vector<1x32xbf16>,
        %get3A_500 = arith.index_cast %scan3A_436 : i32 to index
        %get3A_501 = arith.constant 128 : index
        %get3A_502 = tpu.vector_load %arg8[%get3A_500, %get3A_501] {strides = array<i32>} : memref<160x160xbf16, #tpu.memory_space<vmem>>, vector<1x32xbf16>,
        %get3A_503 = vector.shape_cast %get3A_502 : vector<1x32xbf16> to vector<32xbf16>
        %add3A_504 = arith.constant 80 : i32
        %add3A_505 = arith.addi %add3A_504, %scan3A_436 : i32
        %get3A_506 = arith.index_cast %add3A_505 : i32 to index
        %get3A_507 = arith.constant 128 : index
        %get3A_508 = tpu.vector_load %arg8[%get3A_506, %get3A_507] {strides = array<i32>} : memref<160x160xbf16, #tpu.memory_space<vmem>>, vector<1x32xbf16>,
        %get3A_509 = vector.shape_cast %get3A_508 : vector<1x32xbf16> to vector<32xbf16>
        %add3A_510 = arith.addf %get3A_503, %get3A_509 : vector<32xbf16>
        %swap3A_511 = arith.index_cast %scan3A_436 : i32 to index
        %swap3A_512 = arith.constant 128 : index
        %swap3A_513 = tpu.vector_load %arg8[%swap3A_511, %swap3A_512] {strides = array<i32>} : memref<160x160xbf16, #tpu.memory_space<vmem>>, vector<1x32xbf16>,
        %swap3A_514 = vector.shape_cast %swap3A_513 : vector<1x32xbf16> to vector<32xbf16>
        %swap3A_515 = vector.shape_cast %add3A_510 : vector<32xbf16> to vector<1x32xbf16>
        tpu.vector_store %arg8[%swap3A_511, %swap3A_512], %swap3A_515 {strides = array<i32>} : memref<160x160xbf16, #tpu.memory_space<vmem>>, vector<1x32xbf16>,
        %scan3A_516 = arith.constant 0 : i32
        %scan3A_517 = arith.constant 1 : i32
        %scan3A_518 = arith.addi %scan3A_436, %scan3A_517 : i32
        %get3A_519 = arith.index_cast %scan3A_518 : i32 to index
        %get3A_520 = arith.constant 0 : index
        %get3A_521 = tpu.vector_load %arg8[%get3A_519, %get3A_520] {strides = array<i32>} : memref<160x160xbf16, #tpu.memory_space<vmem>>, vector<1x32xbf16>,
        %get3A_522 = vector.shape_cast %get3A_521 : vector<1x32xbf16> to vector<32xbf16>
        %add3A_523 = arith.constant 80 : i32
        %add3A_524 = arith.addi %add3A_523, %scan3A_518 : i32
        %get3A_525 = arith.index_cast %add3A_524 : i32 to index
        %get3A_526 = arith.constant 0 : index
        %get3A_527 = tpu.vector_load %arg8[%get3A_525, %get3A_526] {strides = array<i32>} : memref<160x160xbf16, #tpu.memory_space<vmem>>, vector<1x32xbf16>,
        %get3A_528 = vector.shape_cast %get3A_527 : vector<1x32xbf16> to vector<32xbf16>
        %add3A_529 = arith.addf %get3A_522, %get3A_528 : vector<32xbf16>
        %swap3A_530 = arith.index_cast %scan3A_518 : i32 to index
        %swap3A_531 = arith.constant 0 : index
        %swap3A_532 = tpu.vector_load %arg8[%swap3A_530, %swap3A_531] {strides = array<i32>} : memref<160x160xbf16, #tpu.memory_space<vmem>>, vector<1x32xbf16>,
        %swap3A_533 = vector.shape_cast %swap3A_532 : vector<1x32xbf16> to vector<32xbf16>
        %swap3A_534 = vector.shape_cast %add3A_529 : vector<32xbf16> to vector<1x32xbf16>
        tpu.vector_store %arg8[%swap3A_530, %swap3A_531], %swap3A_534 {strides = array<i32>} : memref<160x160xbf16, #tpu.memory_space<vmem>>, vector<1x32xbf16>,
        %get3A_535 = arith.index_cast %scan3A_518 : i32 to index
        %get3A_536 = arith.constant 32 : index
        %get3A_537 = tpu.vector_load %arg8[%get3A_535, %get3A_536] {strides = array<i32>} : memref<160x160xbf16, #tpu.memory_space<vmem>>, vector<1x32xbf16>,
        %get3A_538 = vector.shape_cast %get3A_537 : vector<1x32xbf16> to vector<32xbf16>
        %add3A_539 = arith.constant 80 : i32
        %add3A_540 = arith.addi %add3A_539, %scan3A_518 : i32
        %get3A_541 = arith.index_cast %add3A_540 : i32 to index
        %get3A_542 = arith.constant 32 : index
        %get3A_543 = tpu.vector_load %arg8[%get3A_541, %get3A_542] {strides = array<i32>} : memref<160x160xbf16, #tpu.memory_space<vmem>>, vector<1x32xbf16>,
        %get3A_544 = vector.shape_cast %get3A_543 : vector<1x32xbf16> to vector<32xbf16>
        %add3A_545 = arith.addf %get3A_538, %get3A_544 : vector<32xbf16>
        %swap3A_546 = arith.index_cast %scan3A_518 : i32 to index
        %swap3A_547 = arith.constant 32 : index
        %swap3A_548 = tpu.vector_load %arg8[%swap3A_546, %swap3A_547] {strides = array<i32>} : memref<160x160xbf16, #tpu.memory_space<vmem>>, vector<1x32xbf16>,
        %swap3A_549 = vector.shape_cast %swap3A_548 : vector<1x32xbf16> to vector<32xbf16>
        %swap3A_550 = vector.shape_cast %add3A_545 : vector<32xbf16> to vector<1x32xbf16>
        tpu.vector_store %arg8[%swap3A_546, %swap3A_547], %swap3A_550 {strides = array<i32>} : memref<160x160xbf16, #tpu.memory_space<vmem>>, vector<1x32xbf16>,
        %get3A_551 = arith.index_cast %scan3A_518 : i32 to index
        %get3A_552 = arith.constant 64 : index
        %get3A_553 = tpu.vector_load %arg8[%get3A_551, %get3A_552] {strides = array<i32>} : memref<160x160xbf16, #tpu.memory_space<vmem>>, vector<1x32xbf16>,
        %get3A_554 = vector.shape_cast %get3A_553 : vector<1x32xbf16> to vector<32xbf16>
        %add3A_555 = arith.constant 80 : i32
        %add3A_556 = arith.addi %add3A_555, %scan3A_518 : i32
        %get3A_557 = arith.index_cast %add3A_556 : i32 to index
        %get3A_558 = arith.constant 64 : index
        %get3A_559 = tpu.vector_load %arg8[%get3A_557, %get3A_558] {strides = array<i32>} : memref<160x160xbf16, #tpu.memory_space<vmem>>, vector<1x32xbf16>,
        %get3A_560 = vector.shape_cast %get3A_559 : vector<1x32xbf16> to vector<32xbf16>
        %add3A_561 = arith.addf %get3A_554, %get3A_560 : vector<32xbf16>
        %swap3A_562 = arith.index_cast %scan3A_518 : i32 to index
        %swap3A_563 = arith.constant 64 : index
        %swap3A_564 = tpu.vector_load %arg8[%swap3A_562, %swap3A_563] {strides = array<i32>} : memref<160x160xbf16, #tpu.memory_space<vmem>>, vector<1x32xbf16>,
        %swap3A_565 = vector.shape_cast %swap3A_564 : vector<1x32xbf16> to vector<32xbf16>
        %swap3A_566 = vector.shape_cast %add3A_561 : vector<32xbf16> to vector<1x32xbf16>
        tpu.vector_store %arg8[%swap3A_562, %swap3A_563], %swap3A_566 {strides = array<i32>} : memref<160x160xbf16, #tpu.memory_space<vmem>>, vector<1x32xbf16>,
        %get3A_567 = arith.index_cast %scan3A_518 : i32 to index
        %get3A_568 = arith.constant 96 : index
        %get3A_569 = tpu.vector_load %arg8[%get3A_567, %get3A_568] {strides = array<i32>} : memref<160x160xbf16, #tpu.memory_space<vmem>>, vector<1x32xbf16>,
        %get3A_570 = vector.shape_cast %get3A_569 : vector<1x32xbf16> to vector<32xbf16>
        %add3A_571 = arith.constant 80 : i32
        %add3A_572 = arith.addi %add3A_571, %scan3A_518 : i32
        %get3A_573 = arith.index_cast %add3A_572 : i32 to index
        %get3A_574 = arith.constant 96 : index
        %get3A_575 = tpu.vector_load %arg8[%get3A_573, %get3A_574] {strides = array<i32>} : memref<160x160xbf16, #tpu.memory_space<vmem>>, vector<1x32xbf16>,
        %get3A_576 = vector.shape_cast %get3A_575 : vector<1x32xbf16> to vector<32xbf16>
        %add3A_577 = arith.addf %get3A_570, %get3A_576 : vector<32xbf16>
        %swap3A_578 = arith.index_cast %scan3A_518 : i32 to index
        %swap3A_579 = arith.constant 96 : index
        %swap3A_580 = tpu.vector_load %arg8[%swap3A_578, %swap3A_579] {strides = array<i32>} : memref<160x160xbf16, #tpu.memory_space<vmem>>, vector<1x32xbf16>,
        %swap3A_581 = vector.shape_cast %swap3A_580 : vector<1x32xbf16> to vector<32xbf16>
        %swap3A_582 = vector.shape_cast %add3A_577 : vector<32xbf16> to vector<1x32xbf16>
        tpu.vector_store %arg8[%swap3A_578, %swap3A_579], %swap3A_582 {strides = array<i32>} : memref<160x160xbf16, #tpu.memory_space<vmem>>, vector<1x32xbf16>,
        %get3A_583 = arith.index_cast %scan3A_518 : i32 to index
        %get3A_584 = arith.constant 128 : index
        %get3A_585 = tpu.vector_load %arg8[%get3A_583, %get3A_584] {strides = array<i32>} : memref<160x160xbf16, #tpu.memory_space<vmem>>, vector<1x32xbf16>,
        %get3A_586 = vector.shape_cast %get3A_585 : vector<1x32xbf16> to vector<32xbf16>
        %add3A_587 = arith.constant 80 : i32
        %add3A_588 = arith.addi %add3A_587, %scan3A_518 : i32
        %get3A_589 = arith.index_cast %add3A_588 : i32 to index
        %get3A_590 = arith.constant 128 : index
        %get3A_591 = tpu.vector_load %arg8[%get3A_589, %get3A_590] {strides = array<i32>} : memref<160x160xbf16, #tpu.memory_space<vmem>>, vector<1x32xbf16>,
        %get3A_592 = vector.shape_cast %get3A_591 : vector<1x32xbf16> to vector<32xbf16>
        %add3A_593 = arith.addf %get3A_586, %get3A_592 : vector<32xbf16>
        %swap3A_594 = arith.index_cast %scan3A_518 : i32 to index
        %swap3A_595 = arith.constant 128 : index
        %swap3A_596 = tpu.vector_load %arg8[%swap3A_594, %swap3A_595] {strides = array<i32>} : memref<160x160xbf16, #tpu.memory_space<vmem>>, vector<1x32xbf16>,
        %swap3A_597 = vector.shape_cast %swap3A_596 : vector<1x32xbf16> to vector<32xbf16>
        %swap3A_598 = vector.shape_cast %add3A_593 : vector<32xbf16> to vector<1x32xbf16>
        tpu.vector_store %arg8[%swap3A_594, %swap3A_595], %swap3A_598 {strides = array<i32>} : memref<160x160xbf16, #tpu.memory_space<vmem>>, vector<1x32xbf16>,
        %scan3A_599 = arith.constant 0 : i32
        scf.yield %scan3A_599 : i32
      }
      %scan3A_400 = arith.constant 80 : i32
      %mul3A_401 = arith.constant 80 : i32
      %mul3A_402 = arith.muli %add3A_353, %mul3A_401 : i32
      %add3A_403 = arith.addi %add3A_73, %mul3A_402 : i32
      %dma_start3A_404 = arith.constant 0 : i32
      %dma_start3A_405 = arith.constant 0 : i32
      %dma_start3A_406 = tpu.memref_slice %arg8[%dma_start3A_404, %dma_start3A_405] : memref<160x160xbf16, #tpu.memory_space<vmem>> -> memref<80x160xbf16, #tpu.memory_space<vmem>>
      %dma_start3A_407 = arith.constant 0 : i32
      %dma_start3A_408 = tpu.memref_slice %arg4[%add3A_403, %dma_start3A_407] : memref<320000x160xbf16, #tpu.memory_space<hbm>> -> memref<80x160xbf16, #tpu.memory_space<hbm>>
      %dma_start3A_409 = arith.constant 0 : i32
      %dma_start3A_410 = tpu.memref_slice %arg4[%add3A_403, %dma_start3A_409] : memref<320000x160xbf16, #tpu.memory_space<hbm>> -> memref<80x160xbf16, #tpu.memory_space<hbm>>
      %dma_start3A_411 = arith.constant 0 : i32
      %dma_start3A_412 = arith.constant 0 : i32
      %dma_start3A_413 = tpu.memref_slice %arg8[%dma_start3A_411, %dma_start3A_412] : memref<160x160xbf16, #tpu.memory_space<vmem>> -> memref<80x160xbf16, #tpu.memory_space<vmem>>
      tpu.enqueue_dma source(%dma_start3A_413 : memref<80x160xbf16, #tpu.memory_space<vmem>>) target(%dma_start3A_410 : memref<80x160xbf16, #tpu.memory_space<hbm>>) target_semaphore(%arg12 : memref<!tpu.dma_semaphore, #tpu.memory_space<semaphore_mem>>)
      %mul3A_414 = arith.constant 80 : i32
      %mul3A_415 = arith.muli %mul3A_349, %mul3A_414 : i32
      %add3A_416 = arith.addi %add3A_73, %mul3A_415 : i32
      %dma_wait3A_417 = arith.constant 0 : i32
      %dma_wait3A_418 = arith.constant 0 : i32
      %dma_wait3A_419 = tpu.memref_slice %arg7[%dma_wait3A_417, %dma_wait3A_418] : memref<160x160xbf16, #tpu.memory_space<vmem>> -> memref<80x160xbf16, #tpu.memory_space<vmem>>
      %dma_wait3A_420 = arith.constant 0 : i32
      %dma_wait3A_421 = tpu.memref_slice %arg4[%add3A_416, %dma_wait3A_420] : memref<320000x160xbf16, #tpu.memory_space<hbm>> -> memref<80x160xbf16, #tpu.memory_space<hbm>>
      %dma_wait3A_422 = arith.constant 0 : i32
      %dma_wait3A_423 = tpu.memref_slice %arg4[%add3A_416, %dma_wait3A_422] : memref<320000x160xbf16, #tpu.memory_space<hbm>> -> memref<80x160xbf16, #tpu.memory_space<hbm>>
      %dma_wait3A_424 = arith.constant 0 : i32
      %dma_wait3A_425 = arith.constant 0 : i32
      %dma_wait3A_426 = tpu.memref_slice %arg7[%dma_wait3A_424, %dma_wait3A_425] : memref<160x160xbf16, #tpu.memory_space<vmem>> -> memref<80x160xbf16, #tpu.memory_space<vmem>>
      tpu.wait_dma2 semaphore(%arg11 : memref<!tpu.dma_semaphore, #tpu.memory_space<semaphore_mem>>) src(%dma_wait3A_426 : memref<80x160xbf16, #tpu.memory_space<vmem>>) dst(%dma_wait3A_423 : memref<80x160xbf16, #tpu.memory_space<hbm>>)
      %add3A_427 = arith.constant 2 : i32
      %add3A_428 = arith.addi %mul3A_349, %add3A_427 : i32
      %dma_start3A_429 = arith.constant 0 : i32
      %dma_start3A_430 = tpu.memref_slice %arg6[%add3A_428, %dma_start3A_429] : memref<25x160xi32, #tpu.memory_space<vmem>> -> memref<1x160xi32, #tpu.memory_space<vmem>>
      %dma_start3A_431 = tpu.memref_squeeze %dma_start3A_430 : memref<1x160xi32, #tpu.memory_space<vmem>> -> memref<160xi32, #tpu.memory_space<vmem>>
      %dma_start3A_432 = arith.constant 0 : i32
      %dma_start3A_433 = arith.constant 0 : i32
      %dma_start3A_434 = tpu.memref_slice %arg5[%dma_start3A_432, %dma_start3A_433] : memref<20000x160xbf16, #tpu.memory_space<vmem_shared>> -> memref<20000x160xbf16, #tpu.memory_space<vmem_shared>>
      tpu.enqueue_indirect_dma source(%dma_start3A_434 : memref<20000x160xbf16, #tpu.memory_space<vmem_shared>>) target(%arg7 : memref<160x160xbf16, #tpu.memory_space<vmem>>) offsets(%dma_start3A_431 : memref<160xi32, #tpu.memory_space<vmem>>) semaphore(%arg9 : memref<!tpu.dma_semaphore, #tpu.memory_space<semaphore_mem>>)
      %scan3A_435 = arith.constant 0 : i32
      scf.yield %scan3A_435 : i32
    }
    %scan3A_88 = arith.constant 12 : i32
    %dma_wait3A_89 = arith.constant 24 : i32
    %dma_wait3A_90 = arith.constant 0 : i32
    %dma_wait3A_91 = tpu.memref_slice %arg6[%dma_wait3A_89, %dma_wait3A_90] : memref<25x160xi32, #tpu.memory_space<vmem>> -> memref<1x160xi32, #tpu.memory_space<vmem>>
    %dma_wait3A_92 = tpu.memref_squeeze %dma_wait3A_91 : memref<1x160xi32, #tpu.memory_space<vmem>> -> memref<160xi32, #tpu.memory_space<vmem>>
    %dma_wait3A_93 = arith.constant 0 : i32
    %dma_wait3A_94 = arith.constant 0 : i32
    %dma_wait3A_95 = tpu.memref_slice %arg5[%dma_wait3A_93, %dma_wait3A_94] : memref<20000x160xbf16, #tpu.memory_space<vmem_shared>> -> memref<20000x160xbf16, #tpu.memory_space<vmem_shared>>
    tpu.wait_indirect_dma semaphore(%arg9 : memref<!tpu.dma_semaphore, #tpu.memory_space<semaphore_mem>>) src(%dma_wait3A_95 : memref<20000x160xbf16, #tpu.memory_space<vmem_shared>>) dst(%arg7 : memref<160x160xbf16, #tpu.memory_space<vmem>>)
    %scan3A_96 = arith.constant 0 : i32
    %scan3A_97 = arith.constant 0 : i32
    %scan3A_98 = arith.constant 80 : i32
    %scan3A_99 = arith.addi %scan3A_97, %scan3A_98 : i32
    %scan3A_100 = arith.constant 2 : i32
    %scan3A_101 = scf.for %scan3A_346 = %scan3A_97 to %scan3A_99 step %scan3A_100 iter_args(%scan3A_347 = %scan3A_96) -> (i32)  : i32 {
      %get3A = arith.index_cast %scan3A_346 : i32 to index
      %get3A_348 = arith.constant 0 : index
      %get3A_349 = tpu.vector_load %arg7[%get3A, %get3A_348] {strides = array<i32>} : memref<160x160xbf16, #tpu.memory_space<vmem>>, vector<1x32xbf16>,
      %get3A_350 = vector.shape_cast %get3A_349 : vector<1x32xbf16> to vector<32xbf16>
      %add3A_351 = arith.constant 80 : i32
      %add3A_352 = arith.addi %add3A_351, %scan3A_346 : i32
      %get3A_353 = arith.index_cast %add3A_352 : i32 to index
      %get3A_354 = arith.constant 0 : index
      %get3A_355 = tpu.vector_load %arg7[%get3A_353, %get3A_354] {strides = array<i32>} : memref<160x160xbf16, #tpu.memory_space<vmem>>, vector<1x32xbf16>,
      %get3A_356 = vector.shape_cast %get3A_355 : vector<1x32xbf16> to vector<32xbf16>
      %add3A_357 = arith.addf %get3A_350, %get3A_356 : vector<32xbf16>
      %swap3A = arith.index_cast %scan3A_346 : i32 to index
      %swap3A_358 = arith.constant 0 : index
      %swap3A_359 = tpu.vector_load %arg7[%swap3A, %swap3A_358] {strides = array<i32>} : memref<160x160xbf16, #tpu.memory_space<vmem>>, vector<1x32xbf16>,
      %swap3A_360 = vector.shape_cast %swap3A_359 : vector<1x32xbf16> to vector<32xbf16>
      %swap3A_361 = vector.shape_cast %add3A_357 : vector<32xbf16> to vector<1x32xbf16>
      tpu.vector_store %arg7[%swap3A, %swap3A_358], %swap3A_361 {strides = array<i32>} : memref<160x160xbf16, #tpu.memory_space<vmem>>, vector<1x32xbf16>,
      %get3A_362 = arith.index_cast %scan3A_346 : i32 to index
      %get3A_363 = arith.constant 32 : index
      %get3A_364 = tpu.vector_load %arg7[%get3A_362, %get3A_363] {strides = array<i32>} : memref<160x160xbf16, #tpu.memory_space<vmem>>, vector<1x32xbf16>,
      %get3A_365 = vector.shape_cast %get3A_364 : vector<1x32xbf16> to vector<32xbf16>
      %add3A_366 = arith.constant 80 : i32
      %add3A_367 = arith.addi %add3A_366, %scan3A_346 : i32
      %get3A_368 = arith.index_cast %add3A_367 : i32 to index
      %get3A_369 = arith.constant 32 : index
      %get3A_370 = tpu.vector_load %arg7[%get3A_368, %get3A_369] {strides = array<i32>} : memref<160x160xbf16, #tpu.memory_space<vmem>>, vector<1x32xbf16>,
      %get3A_371 = vector.shape_cast %get3A_370 : vector<1x32xbf16> to vector<32xbf16>
      %add3A_372 = arith.addf %get3A_365, %get3A_371 : vector<32xbf16>
      %swap3A_373 = arith.index_cast %scan3A_346 : i32 to index
      %swap3A_374 = arith.constant 32 : index
      %swap3A_375 = tpu.vector_load %arg7[%swap3A_373, %swap3A_374] {strides = array<i32>} : memref<160x160xbf16, #tpu.memory_space<vmem>>, vector<1x32xbf16>,
      %swap3A_376 = vector.shape_cast %swap3A_375 : vector<1x32xbf16> to vector<32xbf16>
      %swap3A_377 = vector.shape_cast %add3A_372 : vector<32xbf16> to vector<1x32xbf16>
      tpu.vector_store %arg7[%swap3A_373, %swap3A_374], %swap3A_377 {strides = array<i32>} : memref<160x160xbf16, #tpu.memory_space<vmem>>, vector<1x32xbf16>,
      %get3A_378 = arith.index_cast %scan3A_346 : i32 to index
      %get3A_379 = arith.constant 64 : index
      %get3A_380 = tpu.vector_load %arg7[%get3A_378, %get3A_379] {strides = array<i32>} : memref<160x160xbf16, #tpu.memory_space<vmem>>, vector<1x32xbf16>,
      %get3A_381 = vector.shape_cast %get3A_380 : vector<1x32xbf16> to vector<32xbf16>
      %add3A_382 = arith.constant 80 : i32
      %add3A_383 = arith.addi %add3A_382, %scan3A_346 : i32
      %get3A_384 = arith.index_cast %add3A_383 : i32 to index
      %get3A_385 = arith.constant 64 : index
      %get3A_386 = tpu.vector_load %arg7[%get3A_384, %get3A_385] {strides = array<i32>} : memref<160x160xbf16, #tpu.memory_space<vmem>>, vector<1x32xbf16>,
      %get3A_387 = vector.shape_cast %get3A_386 : vector<1x32xbf16> to vector<32xbf16>
      %add3A_388 = arith.addf %get3A_381, %get3A_387 : vector<32xbf16>
      %swap3A_389 = arith.index_cast %scan3A_346 : i32 to index
      %swap3A_390 = arith.constant 64 : index
      %swap3A_391 = tpu.vector_load %arg7[%swap3A_389, %swap3A_390] {strides = array<i32>} : memref<160x160xbf16, #tpu.memory_space<vmem>>, vector<1x32xbf16>,
      %swap3A_392 = vector.shape_cast %swap3A_391 : vector<1x32xbf16> to vector<32xbf16>
      %swap3A_393 = vector.shape_cast %add3A_388 : vector<32xbf16> to vector<1x32xbf16>
      tpu.vector_store %arg7[%swap3A_389, %swap3A_390], %swap3A_393 {strides = array<i32>} : memref<160x160xbf16, #tpu.memory_space<vmem>>, vector<1x32xbf16>,
      %get3A_394 = arith.index_cast %scan3A_346 : i32 to index
      %get3A_395 = arith.constant 96 : index
      %get3A_396 = tpu.vector_load %arg7[%get3A_394, %get3A_395] {strides = array<i32>} : memref<160x160xbf16, #tpu.memory_space<vmem>>, vector<1x32xbf16>,
      %get3A_397 = vector.shape_cast %get3A_396 : vector<1x32xbf16> to vector<32xbf16>
      %add3A_398 = arith.constant 80 : i32
      %add3A_399 = arith.addi %add3A_398, %scan3A_346 : i32
      %get3A_400 = arith.index_cast %add3A_399 : i32 to index
      %get3A_401 = arith.constant 96 : index
      %get3A_402 = tpu.vector_load %arg7[%get3A_400, %get3A_401] {strides = array<i32>} : memref<160x160xbf16, #tpu.memory_space<vmem>>, vector<1x32xbf16>,
      %get3A_403 = vector.shape_cast %get3A_402 : vector<1x32xbf16> to vector<32xbf16>
      %add3A_404 = arith.addf %get3A_397, %get3A_403 : vector<32xbf16>
      %swap3A_405 = arith.index_cast %scan3A_346 : i32 to index
      %swap3A_406 = arith.constant 96 : index
      %swap3A_407 = tpu.vector_load %arg7[%swap3A_405, %swap3A_406] {strides = array<i32>} : memref<160x160xbf16, #tpu.memory_space<vmem>>, vector<1x32xbf16>,
      %swap3A_408 = vector.shape_cast %swap3A_407 : vector<1x32xbf16> to vector<32xbf16>
      %swap3A_409 = vector.shape_cast %add3A_404 : vector<32xbf16> to vector<1x32xbf16>
      tpu.vector_store %arg7[%swap3A_405, %swap3A_406], %swap3A_409 {strides = array<i32>} : memref<160x160xbf16, #tpu.memory_space<vmem>>, vector<1x32xbf16>,
      %get3A_410 = arith.index_cast %scan3A_346 : i32 to index
      %get3A_411 = arith.constant 128 : index
      %get3A_412 = tpu.vector_load %arg7[%get3A_410, %get3A_411] {strides = array<i32>} : memref<160x160xbf16, #tpu.memory_space<vmem>>, vector<1x32xbf16>,
      %get3A_413 = vector.shape_cast %get3A_412 : vector<1x32xbf16> to vector<32xbf16>
      %add3A_414 = arith.constant 80 : i32
      %add3A_415 = arith.addi %add3A_414, %scan3A_346 : i32
      %get3A_416 = arith.index_cast %add3A_415 : i32 to index
      %get3A_417 = arith.constant 128 : index
      %get3A_418 = tpu.vector_load %arg7[%get3A_416, %get3A_417] {strides = array<i32>} : memref<160x160xbf16, #tpu.memory_space<vmem>>, vector<1x32xbf16>,
      %get3A_419 = vector.shape_cast %get3A_418 : vector<1x32xbf16> to vector<32xbf16>
      %add3A_420 = arith.addf %get3A_413, %get3A_419 : vector<32xbf16>
      %swap3A_421 = arith.index_cast %scan3A_346 : i32 to index
      %swap3A_422 = arith.constant 128 : index
      %swap3A_423 = tpu.vector_load %arg7[%swap3A_421, %swap3A_422] {strides = array<i32>} : memref<160x160xbf16, #tpu.memory_space<vmem>>, vector<1x32xbf16>,
      %swap3A_424 = vector.shape_cast %swap3A_423 : vector<1x32xbf16> to vector<32xbf16>
      %swap3A_425 = vector.shape_cast %add3A_420 : vector<32xbf16> to vector<1x32xbf16>
      tpu.vector_store %arg7[%swap3A_421, %swap3A_422], %swap3A_425 {strides = array<i32>} : memref<160x160xbf16, #tpu.memory_space<vmem>>, vector<1x32xbf16>,
      %scan3A_426 = arith.constant 0 : i32
      %scan3A_427 = arith.constant 1 : i32
      %scan3A_428 = arith.addi %scan3A_346, %scan3A_427 : i32
      %get3A_429 = arith.index_cast %scan3A_428 : i32 to index
      %get3A_430 = arith.constant 0 : index
      %get3A_431 = tpu.vector_load %arg7[%get3A_429, %get3A_430] {strides = array<i32>} : memref<160x160xbf16, #tpu.memory_space<vmem>>, vector<1x32xbf16>,
      %get3A_432 = vector.shape_cast %get3A_431 : vector<1x32xbf16> to vector<32xbf16>
      %add3A_433 = arith.constant 80 : i32
      %add3A_434 = arith.addi %add3A_433, %scan3A_428 : i32
      %get3A_435 = arith.index_cast %add3A_434 : i32 to index
      %get3A_436 = arith.constant 0 : index
      %get3A_437 = tpu.vector_load %arg7[%get3A_435, %get3A_436] {strides = array<i32>} : memref<160x160xbf16, #tpu.memory_space<vmem>>, vector<1x32xbf16>,
      %get3A_438 = vector.shape_cast %get3A_437 : vector<1x32xbf16> to vector<32xbf16>
      %add3A_439 = arith.addf %get3A_432, %get3A_438 : vector<32xbf16>
      %swap3A_440 = arith.index_cast %scan3A_428 : i32 to index
      %swap3A_441 = arith.constant 0 : index
      %swap3A_442 = tpu.vector_load %arg7[%swap3A_440, %swap3A_441] {strides = array<i32>} : memref<160x160xbf16, #tpu.memory_space<vmem>>, vector<1x32xbf16>,
      %swap3A_443 = vector.shape_cast %swap3A_442 : vector<1x32xbf16> to vector<32xbf16>
      %swap3A_444 = vector.shape_cast %add3A_439 : vector<32xbf16> to vector<1x32xbf16>
      tpu.vector_store %arg7[%swap3A_440, %swap3A_441], %swap3A_444 {strides = array<i32>} : memref<160x160xbf16, #tpu.memory_space<vmem>>, vector<1x32xbf16>,
      %get3A_445 = arith.index_cast %scan3A_428 : i32 to index
      %get3A_446 = arith.constant 32 : index
      %get3A_447 = tpu.vector_load %arg7[%get3A_445, %get3A_446] {strides = array<i32>} : memref<160x160xbf16, #tpu.memory_space<vmem>>, vector<1x32xbf16>,
      %get3A_448 = vector.shape_cast %get3A_447 : vector<1x32xbf16> to vector<32xbf16>
      %add3A_449 = arith.constant 80 : i32
      %add3A_450 = arith.addi %add3A_449, %scan3A_428 : i32
      %get3A_451 = arith.index_cast %add3A_450 : i32 to index
      %get3A_452 = arith.constant 32 : index
      %get3A_453 = tpu.vector_load %arg7[%get3A_451, %get3A_452] {strides = array<i32>} : memref<160x160xbf16, #tpu.memory_space<vmem>>, vector<1x32xbf16>,
      %get3A_454 = vector.shape_cast %get3A_453 : vector<1x32xbf16> to vector<32xbf16>
      %add3A_455 = arith.addf %get3A_448, %get3A_454 : vector<32xbf16>
      %swap3A_456 = arith.index_cast %scan3A_428 : i32 to index
      %swap3A_457 = arith.constant 32 : index
      %swap3A_458 = tpu.vector_load %arg7[%swap3A_456, %swap3A_457] {strides = array<i32>} : memref<160x160xbf16, #tpu.memory_space<vmem>>, vector<1x32xbf16>,
      %swap3A_459 = vector.shape_cast %swap3A_458 : vector<1x32xbf16> to vector<32xbf16>
      %swap3A_460 = vector.shape_cast %add3A_455 : vector<32xbf16> to vector<1x32xbf16>
      tpu.vector_store %arg7[%swap3A_456, %swap3A_457], %swap3A_460 {strides = array<i32>} : memref<160x160xbf16, #tpu.memory_space<vmem>>, vector<1x32xbf16>,
      %get3A_461 = arith.index_cast %scan3A_428 : i32 to index
      %get3A_462 = arith.constant 64 : index
      %get3A_463 = tpu.vector_load %arg7[%get3A_461, %get3A_462] {strides = array<i32>} : memref<160x160xbf16, #tpu.memory_space<vmem>>, vector<1x32xbf16>,
      %get3A_464 = vector.shape_cast %get3A_463 : vector<1x32xbf16> to vector<32xbf16>
      %add3A_465 = arith.constant 80 : i32
      %add3A_466 = arith.addi %add3A_465, %scan3A_428 : i32
      %get3A_467 = arith.index_cast %add3A_466 : i32 to index
      %get3A_468 = arith.constant 64 : index
      %get3A_469 = tpu.vector_load %arg7[%get3A_467, %get3A_468] {strides = array<i32>} : memref<160x160xbf16, #tpu.memory_space<vmem>>, vector<1x32xbf16>,
      %get3A_470 = vector.shape_cast %get3A_469 : vector<1x32xbf16> to vector<32xbf16>
      %add3A_471 = arith.addf %get3A_464, %get3A_470 : vector<32xbf16>
      %swap3A_472 = arith.index_cast %scan3A_428 : i32 to index
      %swap3A_473 = arith.constant 64 : index
      %swap3A_474 = tpu.vector_load %arg7[%swap3A_472, %swap3A_473] {strides = array<i32>} : memref<160x160xbf16, #tpu.memory_space<vmem>>, vector<1x32xbf16>,
      %swap3A_475 = vector.shape_cast %swap3A_474 : vector<1x32xbf16> to vector<32xbf16>
      %swap3A_476 = vector.shape_cast %add3A_471 : vector<32xbf16> to vector<1x32xbf16>
      tpu.vector_store %arg7[%swap3A_472, %swap3A_473], %swap3A_476 {strides = array<i32>} : memref<160x160xbf16, #tpu.memory_space<vmem>>, vector<1x32xbf16>,
      %get3A_477 = arith.index_cast %scan3A_428 : i32 to index
      %get3A_478 = arith.constant 96 : index
      %get3A_479 = tpu.vector_load %arg7[%get3A_477, %get3A_478] {strides = array<i32>} : memref<160x160xbf16, #tpu.memory_space<vmem>>, vector<1x32xbf16>,
      %get3A_480 = vector.shape_cast %get3A_479 : vector<1x32xbf16> to vector<32xbf16>
      %add3A_481 = arith.constant 80 : i32
      %add3A_482 = arith.addi %add3A_481, %scan3A_428 : i32
      %get3A_483 = arith.index_cast %add3A_482 : i32 to index
      %get3A_484 = arith.constant 96 : index
      %get3A_485 = tpu.vector_load %arg7[%get3A_483, %get3A_484] {strides = array<i32>} : memref<160x160xbf16, #tpu.memory_space<vmem>>, vector<1x32xbf16>,
      %get3A_486 = vector.shape_cast %get3A_485 : vector<1x32xbf16> to vector<32xbf16>
      %add3A_487 = arith.addf %get3A_480, %get3A_486 : vector<32xbf16>
      %swap3A_488 = arith.index_cast %scan3A_428 : i32 to index
      %swap3A_489 = arith.constant 96 : index
      %swap3A_490 = tpu.vector_load %arg7[%swap3A_488, %swap3A_489] {strides = array<i32>} : memref<160x160xbf16, #tpu.memory_space<vmem>>, vector<1x32xbf16>,
      %swap3A_491 = vector.shape_cast %swap3A_490 : vector<1x32xbf16> to vector<32xbf16>
      %swap3A_492 = vector.shape_cast %add3A_487 : vector<32xbf16> to vector<1x32xbf16>
      tpu.vector_store %arg7[%swap3A_488, %swap3A_489], %swap3A_492 {strides = array<i32>} : memref<160x160xbf16, #tpu.memory_space<vmem>>, vector<1x32xbf16>,
      %get3A_493 = arith.index_cast %scan3A_428 : i32 to index
      %get3A_494 = arith.constant 128 : index
      %get3A_495 = tpu.vector_load %arg7[%get3A_493, %get3A_494] {strides = array<i32>} : memref<160x160xbf16, #tpu.memory_space<vmem>>, vector<1x32xbf16>,
      %get3A_496 = vector.shape_cast %get3A_495 : vector<1x32xbf16> to vector<32xbf16>
      %add3A_497 = arith.constant 80 : i32
      %add3A_498 = arith.addi %add3A_497, %scan3A_428 : i32
      %get3A_499 = arith.index_cast %add3A_498 : i32 to index
      %get3A_500 = arith.constant 128 : index
      %get3A_501 = tpu.vector_load %arg7[%get3A_499, %get3A_500] {strides = array<i32>} : memref<160x160xbf16, #tpu.memory_space<vmem>>, vector<1x32xbf16>,
      %get3A_502 = vector.shape_cast %get3A_501 : vector<1x32xbf16> to vector<32xbf16>
      %add3A_503 = arith.addf %get3A_496, %get3A_502 : vector<32xbf16>
      %swap3A_504 = arith.index_cast %scan3A_428 : i32 to index
      %swap3A_505 = arith.constant 128 : index
      %swap3A_506 = tpu.vector_load %arg7[%swap3A_504, %swap3A_505] {strides = array<i32>} : memref<160x160xbf16, #tpu.memory_space<vmem>>, vector<1x32xbf16>,
      %swap3A_507 = vector.shape_cast %swap3A_506 : vector<1x32xbf16> to vector<32xbf16>
      %swap3A_508 = vector.shape_cast %add3A_503 : vector<32xbf16> to vector<1x32xbf16>
      tpu.vector_store %arg7[%swap3A_504, %swap3A_505], %swap3A_508 {strides = array<i32>} : memref<160x160xbf16, #tpu.memory_space<vmem>>, vector<1x32xbf16>,
      %scan3A_509 = arith.constant 0 : i32
      scf.yield %scan3A_509 : i32
    }
    %scan3A_102 = arith.constant 80 : i32
    %add3A_103 = arith.constant 1920 : i32
    %add3A_104 = arith.addi %add3A_73, %add3A_103 : i32
    %dma_start3A_105 = arith.constant 0 : i32
    %dma_start3A_106 = arith.constant 0 : i32
    %dma_start3A_107 = tpu.memref_slice %arg7[%dma_start3A_105, %dma_start3A_106] : memref<160x160xbf16, #tpu.memory_space<vmem>> -> memref<80x160xbf16, #tpu.memory_space<vmem>>
    %dma_start3A_108 = arith.constant 0 : i32
    %dma_start3A_109 = tpu.memref_slice %arg4[%add3A_104, %dma_start3A_108] : memref<320000x160xbf16, #tpu.memory_space<hbm>> -> memref<80x160xbf16, #tpu.memory_space<hbm>>
    %dma_start3A_110 = arith.constant 0 : i32
    %dma_start3A_111 = tpu.memref_slice %arg4[%add3A_104, %dma_start3A_110] : memref<320000x160xbf16, #tpu.memory_space<hbm>> -> memref<80x160xbf16, #tpu.memory_space<hbm>>
    %dma_start3A_112 = arith.constant 0 : i32
    %dma_start3A_113 = arith.constant 0 : i32
    %dma_start3A_114 = tpu.memref_slice %arg7[%dma_start3A_112, %dma_start3A_113] : memref<160x160xbf16, #tpu.memory_space<vmem>> -> memref<80x160xbf16, #tpu.memory_space<vmem>>
    tpu.enqueue_dma source(%dma_start3A_114 : memref<80x160xbf16, #tpu.memory_space<vmem>>) target(%dma_start3A_111 : memref<80x160xbf16, #tpu.memory_space<hbm>>) target_semaphore(%arg11 : memref<!tpu.dma_semaphore, #tpu.memory_space<semaphore_mem>>)
    %add3A_115 = arith.constant 1840 : i32
    %add3A_116 = arith.addi %add3A_73, %add3A_115 : i32
    %dma_wait3A_117 = arith.constant 0 : i32
    %dma_wait3A_118 = arith.constant 0 : i32
    %dma_wait3A_119 = tpu.memref_slice %arg8[%dma_wait3A_117, %dma_wait3A_118] : memref<160x160xbf16, #tpu.memory_space<vmem>> -> memref<80x160xbf16, #tpu.memory_space<vmem>>
    %dma_wait3A_120 = arith.constant 0 : i32
    %dma_wait3A_121 = tpu.memref_slice %arg4[%add3A_116, %dma_wait3A_120] : memref<320000x160xbf16, #tpu.memory_space<hbm>> -> memref<80x160xbf16, #tpu.memory_space<hbm>>
    %dma_wait3A_122 = arith.constant 0 : i32
    %dma_wait3A_123 = tpu.memref_slice %arg4[%add3A_116, %dma_wait3A_122] : memref<320000x160xbf16, #tpu.memory_space<hbm>> -> memref<80x160xbf16, #tpu.memory_space<hbm>>
    %dma_wait3A_124 = arith.constant 0 : i32
    %dma_wait3A_125 = arith.constant 0 : i32
    %dma_wait3A_126 = tpu.memref_slice %arg8[%dma_wait3A_124, %dma_wait3A_125] : memref<160x160xbf16, #tpu.memory_space<vmem>> -> memref<80x160xbf16, #tpu.memory_space<vmem>>
    tpu.wait_dma2 semaphore(%arg12 : memref<!tpu.dma_semaphore, #tpu.memory_space<semaphore_mem>>) src(%dma_wait3A_126 : memref<80x160xbf16, #tpu.memory_space<vmem>>) dst(%dma_wait3A_123 : memref<80x160xbf16, #tpu.memory_space<hbm>>)
    %add3A_127 = arith.constant 1920 : i32
    %add3A_128 = arith.addi %add3A_73, %add3A_127 : i32
    %dma_wait3A_129 = arith.constant 0 : i32
    %dma_wait3A_130 = arith.constant 0 : i32
    %dma_wait3A_131 = tpu.memref_slice %arg7[%dma_wait3A_129, %dma_wait3A_130] : memref<160x160xbf16, #tpu.memory_space<vmem>> -> memref<80x160xbf16, #tpu.memory_space<vmem>>
    %dma_wait3A_132 = arith.constant 0 : i32
    %dma_wait3A_133 = tpu.memref_slice %arg4[%add3A_128, %dma_wait3A_132] : memref<320000x160xbf16, #tpu.memory_space<hbm>> -> memref<80x160xbf16, #tpu.memory_space<hbm>>
    %dma_wait3A_134 = arith.constant 0 : i32
    %dma_wait3A_135 = tpu.memref_slice %arg4[%add3A_128, %dma_wait3A_134] : memref<320000x160xbf16, #tpu.memory_space<hbm>> -> memref<80x160xbf16, #tpu.memory_space<hbm>>
    %dma_wait3A_136 = arith.constant 0 : i32
    %dma_wait3A_137 = arith.constant 0 : i32
    %dma_wait3A_138 = tpu.memref_slice %arg7[%dma_wait3A_136, %dma_wait3A_137] : memref<160x160xbf16, #tpu.memory_space<vmem>> -> memref<80x160xbf16, #tpu.memory_space<vmem>>
    tpu.wait_dma2 semaphore(%arg11 : memref<!tpu.dma_semaphore, #tpu.memory_space<semaphore_mem>>) src(%dma_wait3A_138 : memref<80x160xbf16, #tpu.memory_space<vmem>>) dst(%dma_wait3A_135 : memref<80x160xbf16, #tpu.memory_space<hbm>>)
    %mul3A_139 = arith.constant 10000 : i32
    %mul3A_140 = arith.muli %add3A, %mul3A_139 : i32
    %add3A_141 = arith.constant 4000 : i32
    %add3A_142 = arith.addi %mul3A_140, %add3A_141 : i32
    %run_scoped3A_143 = arith.constant 2 : i32
    "tpu.region"() ({
      %run_scoped3A_346 = tpu.sem_alloc : memref<!tpu.dma_semaphore, #tpu.memory_space<semaphore_mem>>
      %dma_start3A_347 = arith.constant 0 : i32
      %dma_start3A_348 = arith.constant 0 : i32
      %dma_start3A_349 = tpu.memref_slice %arg3[%add3A, %run_scoped3A_143, %dma_start3A_347, %dma_start3A_348] : memref<32x5x25x160xi32, #tpu.memory_space<hbm>> -> memref<1x1x25x160xi32, #tpu.memory_space<hbm>>
      %dma_start3A_350 = tpu.memref_squeeze %dma_start3A_349 : memref<1x1x25x160xi32, #tpu.memory_space<hbm>> -> memref<25x160xi32, #tpu.memory_space<hbm>>
      %dma_start3A_351 = arith.constant 0 : i32
      %dma_start3A_352 = arith.constant 0 : i32
      %dma_start3A_353 = tpu.memref_slice %arg3[%add3A, %run_scoped3A_143, %dma_start3A_351, %dma_start3A_352] : memref<32x5x25x160xi32, #tpu.memory_space<hbm>> -> memref<1x1x25x160xi32, #tpu.memory_space<hbm>>
      %dma_start3A_354 = tpu.memref_squeeze %dma_start3A_353 : memref<1x1x25x160xi32, #tpu.memory_space<hbm>> -> memref<25x160xi32, #tpu.memory_space<hbm>>
      tpu.enqueue_dma source(%dma_start3A_354 : memref<25x160xi32, #tpu.memory_space<hbm>>) target(%arg6 : memref<25x160xi32, #tpu.memory_space<vmem>>) target_semaphore(%run_scoped3A_346 : memref<!tpu.dma_semaphore, #tpu.memory_space<semaphore_mem>>)
      %dma_wait3A_355 = arith.constant 0 : i32
      %dma_wait3A_356 = arith.constant 0 : i32
      %dma_wait3A_357 = tpu.memref_slice %arg3[%add3A, %run_scoped3A_143, %dma_wait3A_355, %dma_wait3A_356] : memref<32x5x25x160xi32, #tpu.memory_space<hbm>> -> memref<1x1x25x160xi32, #tpu.memory_space<hbm>>
      %dma_wait3A_358 = tpu.memref_squeeze %dma_wait3A_357 : memref<1x1x25x160xi32, #tpu.memory_space<hbm>> -> memref<25x160xi32, #tpu.memory_space<hbm>>
      %dma_wait3A_359 = arith.constant 0 : i32
      %dma_wait3A_360 = arith.constant 0 : i32
      %dma_wait3A_361 = tpu.memref_slice %arg3[%add3A, %run_scoped3A_143, %dma_wait3A_359, %dma_wait3A_360] : memref<32x5x25x160xi32, #tpu.memory_space<hbm>> -> memref<1x1x25x160xi32, #tpu.memory_space<hbm>>
      %dma_wait3A_362 = tpu.memref_squeeze %dma_wait3A_361 : memref<1x1x25x160xi32, #tpu.memory_space<hbm>> -> memref<25x160xi32, #tpu.memory_space<hbm>>
      tpu.wait_dma2 semaphore(%run_scoped3A_346 : memref<!tpu.dma_semaphore, #tpu.memory_space<semaphore_mem>>) src(%dma_wait3A_362 : memref<25x160xi32, #tpu.memory_space<hbm>>) dst(%arg6 : memref<25x160xi32, #tpu.memory_space<vmem>>)
      tpu.yield
    }) : () -> ()
    %dma_start3A_144 = arith.constant 0 : i32
    %dma_start3A_145 = arith.constant 0 : i32
    %dma_start3A_146 = tpu.memref_slice %arg6[%dma_start3A_144, %dma_start3A_145] : memref<25x160xi32, #tpu.memory_space<vmem>> -> memref<1x160xi32, #tpu.memory_space<vmem>>
    %dma_start3A_147 = tpu.memref_squeeze %dma_start3A_146 : memref<1x160xi32, #tpu.memory_space<vmem>> -> memref<160xi32, #tpu.memory_space<vmem>>
    %dma_start3A_148 = arith.constant 0 : i32
    %dma_start3A_149 = arith.constant 0 : i32
    %dma_start3A_150 = tpu.memref_slice %arg5[%dma_start3A_148, %dma_start3A_149] : memref<20000x160xbf16, #tpu.memory_space<vmem_shared>> -> memref<20000x160xbf16, #tpu.memory_space<vmem_shared>>
    tpu.enqueue_indirect_dma source(%dma_start3A_150 : memref<20000x160xbf16, #tpu.memory_space<vmem_shared>>) target(%arg7 : memref<160x160xbf16, #tpu.memory_space<vmem>>) offsets(%dma_start3A_147 : memref<160xi32, #tpu.memory_space<vmem>>) semaphore(%arg9 : memref<!tpu.dma_semaphore, #tpu.memory_space<semaphore_mem>>)
    %scan3A_151 = arith.constant 0 : i32
    %scan3A_152 = arith.constant 0 : i32
    %scan3A_153 = arith.constant 12 : i32
    %scan3A_154 = arith.addi %scan3A_152, %scan3A_153 : i32
    %scan3A_155 = arith.constant 1 : i32
    %scan3A_156 = scf.for %scan3A_346 = %scan3A_152 to %scan3A_154 step %scan3A_155 iter_args(%scan3A_347 = %scan3A_151) -> (i32)  : i32 {
      %mul3A_348 = arith.constant 2 : i32
      %mul3A_349 = arith.muli %mul3A_348, %scan3A_346 : i32
      %mul3A_350 = arith.constant 2 : i32
      %mul3A_351 = arith.muli %mul3A_350, %scan3A_346 : i32
      %add3A_352 = arith.constant 1 : i32
      %add3A_353 = arith.addi %mul3A_351, %add3A_352 : i32
      %gt3A = arith.constant 0 : i32
      %gt3A_354 = arith.cmpi sgt, %scan3A_346, %gt3A : i32
      %convert_element_type3A = arith.extui %gt3A_354 : i1 to i32
      %cond3A = arith.constant 0 : i32
      %cond3A_355 = arith.cmpi ne, %convert_element_type3A, %cond3A : i32
      scf.if %cond3A_355 {
        %sub3A = arith.constant 2 : i32
        %sub3A_436 = arith.subi %add3A_353, %sub3A : i32
        %mul3A_437 = arith.constant 80 : i32
        %mul3A_438 = arith.muli %sub3A_436, %mul3A_437 : i32
        %add3A_439 = arith.addi %add3A_142, %mul3A_438 : i32
        %dma_wait3A_440 = arith.constant 0 : i32
        %dma_wait3A_441 = arith.constant 0 : i32
        %dma_wait3A_442 = tpu.memref_slice %arg8[%dma_wait3A_440, %dma_wait3A_441] : memref<160x160xbf16, #tpu.memory_space<vmem>> -> memref<80x160xbf16, #tpu.memory_space<vmem>>
        %dma_wait3A_443 = arith.constant 0 : i32
        %dma_wait3A_444 = tpu.memref_slice %arg4[%add3A_439, %dma_wait3A_443] : memref<320000x160xbf16, #tpu.memory_space<hbm>> -> memref<80x160xbf16, #tpu.memory_space<hbm>>
        %dma_wait3A_445 = arith.constant 0 : i32
        %dma_wait3A_446 = tpu.memref_slice %arg4[%add3A_439, %dma_wait3A_445] : memref<320000x160xbf16, #tpu.memory_space<hbm>> -> memref<80x160xbf16, #tpu.memory_space<hbm>>
        %dma_wait3A_447 = arith.constant 0 : i32
        %dma_wait3A_448 = arith.constant 0 : i32
        %dma_wait3A_449 = tpu.memref_slice %arg8[%dma_wait3A_447, %dma_wait3A_448] : memref<160x160xbf16, #tpu.memory_space<vmem>> -> memref<80x160xbf16, #tpu.memory_space<vmem>>
        tpu.wait_dma2 semaphore(%arg12 : memref<!tpu.dma_semaphore, #tpu.memory_space<semaphore_mem>>) src(%dma_wait3A_449 : memref<80x160xbf16, #tpu.memory_space<vmem>>) dst(%dma_wait3A_446 : memref<80x160xbf16, #tpu.memory_space<hbm>>)
      } else {
      }
      %dma_start3A_356 = arith.constant 0 : i32
      %dma_start3A_357 = tpu.memref_slice %arg6[%add3A_353, %dma_start3A_356] : memref<25x160xi32, #tpu.memory_space<vmem>> -> memref<1x160xi32, #tpu.memory_space<vmem>>
      %dma_start3A_358 = tpu.memref_squeeze %dma_start3A_357 : memref<1x160xi32, #tpu.memory_space<vmem>> -> memref<160xi32, #tpu.memory_space<vmem>>
      %dma_start3A_359 = arith.constant 0 : i32
      %dma_start3A_360 = arith.constant 0 : i32
      %dma_start3A_361 = tpu.memref_slice %arg5[%dma_start3A_359, %dma_start3A_360] : memref<20000x160xbf16, #tpu.memory_space<vmem_shared>> -> memref<20000x160xbf16, #tpu.memory_space<vmem_shared>>
      tpu.enqueue_indirect_dma source(%dma_start3A_361 : memref<20000x160xbf16, #tpu.memory_space<vmem_shared>>) target(%arg8 : memref<160x160xbf16, #tpu.memory_space<vmem>>) offsets(%dma_start3A_358 : memref<160xi32, #tpu.memory_space<vmem>>) semaphore(%arg10 : memref<!tpu.dma_semaphore, #tpu.memory_space<semaphore_mem>>)
      %dma_wait3A_362 = arith.constant 0 : i32
      %dma_wait3A_363 = tpu.memref_slice %arg6[%mul3A_349, %dma_wait3A_362] : memref<25x160xi32, #tpu.memory_space<vmem>> -> memref<1x160xi32, #tpu.memory_space<vmem>>
      %dma_wait3A_364 = tpu.memref_squeeze %dma_wait3A_363 : memref<1x160xi32, #tpu.memory_space<vmem>> -> memref<160xi32, #tpu.memory_space<vmem>>
      %dma_wait3A_365 = arith.constant 0 : i32
      %dma_wait3A_366 = arith.constant 0 : i32
      %dma_wait3A_367 = tpu.memref_slice %arg5[%dma_wait3A_365, %dma_wait3A_366] : memref<20000x160xbf16, #tpu.memory_space<vmem_shared>> -> memref<20000x160xbf16, #tpu.memory_space<vmem_shared>>
      tpu.wait_indirect_dma semaphore(%arg9 : memref<!tpu.dma_semaphore, #tpu.memory_space<semaphore_mem>>) src(%dma_wait3A_367 : memref<20000x160xbf16, #tpu.memory_space<vmem_shared>>) dst(%arg7 : memref<160x160xbf16, #tpu.memory_space<vmem>>)
      %scan3A_368 = arith.constant 0 : i32
      %scan3A_369 = arith.constant 0 : i32
      %scan3A_370 = arith.constant 80 : i32
      %scan3A_371 = arith.addi %scan3A_369, %scan3A_370 : i32
      %scan3A_372 = arith.constant 2 : i32
      %scan3A_373 = scf.for %scan3A_436 = %scan3A_369 to %scan3A_371 step %scan3A_372 iter_args(%scan3A_437 = %scan3A_368) -> (i32)  : i32 {
        %get3A = arith.index_cast %scan3A_436 : i32 to index
        %get3A_438 = arith.constant 0 : index
        %get3A_439 = tpu.vector_load %arg7[%get3A, %get3A_438] {strides = array<i32>} : memref<160x160xbf16, #tpu.memory_space<vmem>>, vector<1x32xbf16>,
        %get3A_440 = vector.shape_cast %get3A_439 : vector<1x32xbf16> to vector<32xbf16>
        %add3A_441 = arith.constant 80 : i32
        %add3A_442 = arith.addi %add3A_441, %scan3A_436 : i32
        %get3A_443 = arith.index_cast %add3A_442 : i32 to index
        %get3A_444 = arith.constant 0 : index
        %get3A_445 = tpu.vector_load %arg7[%get3A_443, %get3A_444] {strides = array<i32>} : memref<160x160xbf16, #tpu.memory_space<vmem>>, vector<1x32xbf16>,
        %get3A_446 = vector.shape_cast %get3A_445 : vector<1x32xbf16> to vector<32xbf16>
        %add3A_447 = arith.addf %get3A_440, %get3A_446 : vector<32xbf16>
        %swap3A = arith.index_cast %scan3A_436 : i32 to index
        %swap3A_448 = arith.constant 0 : index
        %swap3A_449 = tpu.vector_load %arg7[%swap3A, %swap3A_448] {strides = array<i32>} : memref<160x160xbf16, #tpu.memory_space<vmem>>, vector<1x32xbf16>,
        %swap3A_450 = vector.shape_cast %swap3A_449 : vector<1x32xbf16> to vector<32xbf16>
        %swap3A_451 = vector.shape_cast %add3A_447 : vector<32xbf16> to vector<1x32xbf16>
        tpu.vector_store %arg7[%swap3A, %swap3A_448], %swap3A_451 {strides = array<i32>} : memref<160x160xbf16, #tpu.memory_space<vmem>>, vector<1x32xbf16>,
        %get3A_452 = arith.index_cast %scan3A_436 : i32 to index
        %get3A_453 = arith.constant 32 : index
        %get3A_454 = tpu.vector_load %arg7[%get3A_452, %get3A_453] {strides = array<i32>} : memref<160x160xbf16, #tpu.memory_space<vmem>>, vector<1x32xbf16>,
        %get3A_455 = vector.shape_cast %get3A_454 : vector<1x32xbf16> to vector<32xbf16>
        %add3A_456 = arith.constant 80 : i32
        %add3A_457 = arith.addi %add3A_456, %scan3A_436 : i32
        %get3A_458 = arith.index_cast %add3A_457 : i32 to index
        %get3A_459 = arith.constant 32 : index
        %get3A_460 = tpu.vector_load %arg7[%get3A_458, %get3A_459] {strides = array<i32>} : memref<160x160xbf16, #tpu.memory_space<vmem>>, vector<1x32xbf16>,
        %get3A_461 = vector.shape_cast %get3A_460 : vector<1x32xbf16> to vector<32xbf16>
        %add3A_462 = arith.addf %get3A_455, %get3A_461 : vector<32xbf16>
        %swap3A_463 = arith.index_cast %scan3A_436 : i32 to index
        %swap3A_464 = arith.constant 32 : index
        %swap3A_465 = tpu.vector_load %arg7[%swap3A_463, %swap3A_464] {strides = array<i32>} : memref<160x160xbf16, #tpu.memory_space<vmem>>, vector<1x32xbf16>,
        %swap3A_466 = vector.shape_cast %swap3A_465 : vector<1x32xbf16> to vector<32xbf16>
        %swap3A_467 = vector.shape_cast %add3A_462 : vector<32xbf16> to vector<1x32xbf16>
        tpu.vector_store %arg7[%swap3A_463, %swap3A_464], %swap3A_467 {strides = array<i32>} : memref<160x160xbf16, #tpu.memory_space<vmem>>, vector<1x32xbf16>,
        %get3A_468 = arith.index_cast %scan3A_436 : i32 to index
        %get3A_469 = arith.constant 64 : index
        %get3A_470 = tpu.vector_load %arg7[%get3A_468, %get3A_469] {strides = array<i32>} : memref<160x160xbf16, #tpu.memory_space<vmem>>, vector<1x32xbf16>,
        %get3A_471 = vector.shape_cast %get3A_470 : vector<1x32xbf16> to vector<32xbf16>
        %add3A_472 = arith.constant 80 : i32
        %add3A_473 = arith.addi %add3A_472, %scan3A_436 : i32
        %get3A_474 = arith.index_cast %add3A_473 : i32 to index
        %get3A_475 = arith.constant 64 : index
        %get3A_476 = tpu.vector_load %arg7[%get3A_474, %get3A_475] {strides = array<i32>} : memref<160x160xbf16, #tpu.memory_space<vmem>>, vector<1x32xbf16>,
        %get3A_477 = vector.shape_cast %get3A_476 : vector<1x32xbf16> to vector<32xbf16>
        %add3A_478 = arith.addf %get3A_471, %get3A_477 : vector<32xbf16>
        %swap3A_479 = arith.index_cast %scan3A_436 : i32 to index
        %swap3A_480 = arith.constant 64 : index
        %swap3A_481 = tpu.vector_load %arg7[%swap3A_479, %swap3A_480] {strides = array<i32>} : memref<160x160xbf16, #tpu.memory_space<vmem>>, vector<1x32xbf16>,
        %swap3A_482 = vector.shape_cast %swap3A_481 : vector<1x32xbf16> to vector<32xbf16>
        %swap3A_483 = vector.shape_cast %add3A_478 : vector<32xbf16> to vector<1x32xbf16>
        tpu.vector_store %arg7[%swap3A_479, %swap3A_480], %swap3A_483 {strides = array<i32>} : memref<160x160xbf16, #tpu.memory_space<vmem>>, vector<1x32xbf16>,
        %get3A_484 = arith.index_cast %scan3A_436 : i32 to index
        %get3A_485 = arith.constant 96 : index
        %get3A_486 = tpu.vector_load %arg7[%get3A_484, %get3A_485] {strides = array<i32>} : memref<160x160xbf16, #tpu.memory_space<vmem>>, vector<1x32xbf16>,
        %get3A_487 = vector.shape_cast %get3A_486 : vector<1x32xbf16> to vector<32xbf16>
        %add3A_488 = arith.constant 80 : i32
        %add3A_489 = arith.addi %add3A_488, %scan3A_436 : i32
        %get3A_490 = arith.index_cast %add3A_489 : i32 to index
        %get3A_491 = arith.constant 96 : index
        %get3A_492 = tpu.vector_load %arg7[%get3A_490, %get3A_491] {strides = array<i32>} : memref<160x160xbf16, #tpu.memory_space<vmem>>, vector<1x32xbf16>,
        %get3A_493 = vector.shape_cast %get3A_492 : vector<1x32xbf16> to vector<32xbf16>
        %add3A_494 = arith.addf %get3A_487, %get3A_493 : vector<32xbf16>
        %swap3A_495 = arith.index_cast %scan3A_436 : i32 to index
        %swap3A_496 = arith.constant 96 : index
        %swap3A_497 = tpu.vector_load %arg7[%swap3A_495, %swap3A_496] {strides = array<i32>} : memref<160x160xbf16, #tpu.memory_space<vmem>>, vector<1x32xbf16>,
        %swap3A_498 = vector.shape_cast %swap3A_497 : vector<1x32xbf16> to vector<32xbf16>
        %swap3A_499 = vector.shape_cast %add3A_494 : vector<32xbf16> to vector<1x32xbf16>
        tpu.vector_store %arg7[%swap3A_495, %swap3A_496], %swap3A_499 {strides = array<i32>} : memref<160x160xbf16, #tpu.memory_space<vmem>>, vector<1x32xbf16>,
        %get3A_500 = arith.index_cast %scan3A_436 : i32 to index
        %get3A_501 = arith.constant 128 : index
        %get3A_502 = tpu.vector_load %arg7[%get3A_500, %get3A_501] {strides = array<i32>} : memref<160x160xbf16, #tpu.memory_space<vmem>>, vector<1x32xbf16>,
        %get3A_503 = vector.shape_cast %get3A_502 : vector<1x32xbf16> to vector<32xbf16>
        %add3A_504 = arith.constant 80 : i32
        %add3A_505 = arith.addi %add3A_504, %scan3A_436 : i32
        %get3A_506 = arith.index_cast %add3A_505 : i32 to index
        %get3A_507 = arith.constant 128 : index
        %get3A_508 = tpu.vector_load %arg7[%get3A_506, %get3A_507] {strides = array<i32>} : memref<160x160xbf16, #tpu.memory_space<vmem>>, vector<1x32xbf16>,
        %get3A_509 = vector.shape_cast %get3A_508 : vector<1x32xbf16> to vector<32xbf16>
        %add3A_510 = arith.addf %get3A_503, %get3A_509 : vector<32xbf16>
        %swap3A_511 = arith.index_cast %scan3A_436 : i32 to index
        %swap3A_512 = arith.constant 128 : index
        %swap3A_513 = tpu.vector_load %arg7[%swap3A_511, %swap3A_512] {strides = array<i32>} : memref<160x160xbf16, #tpu.memory_space<vmem>>, vector<1x32xbf16>,
        %swap3A_514 = vector.shape_cast %swap3A_513 : vector<1x32xbf16> to vector<32xbf16>
        %swap3A_515 = vector.shape_cast %add3A_510 : vector<32xbf16> to vector<1x32xbf16>
        tpu.vector_store %arg7[%swap3A_511, %swap3A_512], %swap3A_515 {strides = array<i32>} : memref<160x160xbf16, #tpu.memory_space<vmem>>, vector<1x32xbf16>,
        %scan3A_516 = arith.constant 0 : i32
        %scan3A_517 = arith.constant 1 : i32
        %scan3A_518 = arith.addi %scan3A_436, %scan3A_517 : i32
        %get3A_519 = arith.index_cast %scan3A_518 : i32 to index
        %get3A_520 = arith.constant 0 : index
        %get3A_521 = tpu.vector_load %arg7[%get3A_519, %get3A_520] {strides = array<i32>} : memref<160x160xbf16, #tpu.memory_space<vmem>>, vector<1x32xbf16>,
        %get3A_522 = vector.shape_cast %get3A_521 : vector<1x32xbf16> to vector<32xbf16>
        %add3A_523 = arith.constant 80 : i32
        %add3A_524 = arith.addi %add3A_523, %scan3A_518 : i32
        %get3A_525 = arith.index_cast %add3A_524 : i32 to index
        %get3A_526 = arith.constant 0 : index
        %get3A_527 = tpu.vector_load %arg7[%get3A_525, %get3A_526] {strides = array<i32>} : memref<160x160xbf16, #tpu.memory_space<vmem>>, vector<1x32xbf16>,
        %get3A_528 = vector.shape_cast %get3A_527 : vector<1x32xbf16> to vector<32xbf16>
        %add3A_529 = arith.addf %get3A_522, %get3A_528 : vector<32xbf16>
        %swap3A_530 = arith.index_cast %scan3A_518 : i32 to index
        %swap3A_531 = arith.constant 0 : index
        %swap3A_532 = tpu.vector_load %arg7[%swap3A_530, %swap3A_531] {strides = array<i32>} : memref<160x160xbf16, #tpu.memory_space<vmem>>, vector<1x32xbf16>,
        %swap3A_533 = vector.shape_cast %swap3A_532 : vector<1x32xbf16> to vector<32xbf16>
        %swap3A_534 = vector.shape_cast %add3A_529 : vector<32xbf16> to vector<1x32xbf16>
        tpu.vector_store %arg7[%swap3A_530, %swap3A_531], %swap3A_534 {strides = array<i32>} : memref<160x160xbf16, #tpu.memory_space<vmem>>, vector<1x32xbf16>,
        %get3A_535 = arith.index_cast %scan3A_518 : i32 to index
        %get3A_536 = arith.constant 32 : index
        %get3A_537 = tpu.vector_load %arg7[%get3A_535, %get3A_536] {strides = array<i32>} : memref<160x160xbf16, #tpu.memory_space<vmem>>, vector<1x32xbf16>,
        %get3A_538 = vector.shape_cast %get3A_537 : vector<1x32xbf16> to vector<32xbf16>
        %add3A_539 = arith.constant 80 : i32
        %add3A_540 = arith.addi %add3A_539, %scan3A_518 : i32
        %get3A_541 = arith.index_cast %add3A_540 : i32 to index
        %get3A_542 = arith.constant 32 : index
        %get3A_543 = tpu.vector_load %arg7[%get3A_541, %get3A_542] {strides = array<i32>} : memref<160x160xbf16, #tpu.memory_space<vmem>>, vector<1x32xbf16>,
        %get3A_544 = vector.shape_cast %get3A_543 : vector<1x32xbf16> to vector<32xbf16>
        %add3A_545 = arith.addf %get3A_538, %get3A_544 : vector<32xbf16>
        %swap3A_546 = arith.index_cast %scan3A_518 : i32 to index
        %swap3A_547 = arith.constant 32 : index
        %swap3A_548 = tpu.vector_load %arg7[%swap3A_546, %swap3A_547] {strides = array<i32>} : memref<160x160xbf16, #tpu.memory_space<vmem>>, vector<1x32xbf16>,
        %swap3A_549 = vector.shape_cast %swap3A_548 : vector<1x32xbf16> to vector<32xbf16>
        %swap3A_550 = vector.shape_cast %add3A_545 : vector<32xbf16> to vector<1x32xbf16>
        tpu.vector_store %arg7[%swap3A_546, %swap3A_547], %swap3A_550 {strides = array<i32>} : memref<160x160xbf16, #tpu.memory_space<vmem>>, vector<1x32xbf16>,
        %get3A_551 = arith.index_cast %scan3A_518 : i32 to index
        %get3A_552 = arith.constant 64 : index
        %get3A_553 = tpu.vector_load %arg7[%get3A_551, %get3A_552] {strides = array<i32>} : memref<160x160xbf16, #tpu.memory_space<vmem>>, vector<1x32xbf16>,
        %get3A_554 = vector.shape_cast %get3A_553 : vector<1x32xbf16> to vector<32xbf16>
        %add3A_555 = arith.constant 80 : i32
        %add3A_556 = arith.addi %add3A_555, %scan3A_518 : i32
        %get3A_557 = arith.index_cast %add3A_556 : i32 to index
        %get3A_558 = arith.constant 64 : index
        %get3A_559 = tpu.vector_load %arg7[%get3A_557, %get3A_558] {strides = array<i32>} : memref<160x160xbf16, #tpu.memory_space<vmem>>, vector<1x32xbf16>,
        %get3A_560 = vector.shape_cast %get3A_559 : vector<1x32xbf16> to vector<32xbf16>
        %add3A_561 = arith.addf %get3A_554, %get3A_560 : vector<32xbf16>
        %swap3A_562 = arith.index_cast %scan3A_518 : i32 to index
        %swap3A_563 = arith.constant 64 : index
        %swap3A_564 = tpu.vector_load %arg7[%swap3A_562, %swap3A_563] {strides = array<i32>} : memref<160x160xbf16, #tpu.memory_space<vmem>>, vector<1x32xbf16>,
        %swap3A_565 = vector.shape_cast %swap3A_564 : vector<1x32xbf16> to vector<32xbf16>
        %swap3A_566 = vector.shape_cast %add3A_561 : vector<32xbf16> to vector<1x32xbf16>
        tpu.vector_store %arg7[%swap3A_562, %swap3A_563], %swap3A_566 {strides = array<i32>} : memref<160x160xbf16, #tpu.memory_space<vmem>>, vector<1x32xbf16>,
        %get3A_567 = arith.index_cast %scan3A_518 : i32 to index
        %get3A_568 = arith.constant 96 : index
        %get3A_569 = tpu.vector_load %arg7[%get3A_567, %get3A_568] {strides = array<i32>} : memref<160x160xbf16, #tpu.memory_space<vmem>>, vector<1x32xbf16>,
        %get3A_570 = vector.shape_cast %get3A_569 : vector<1x32xbf16> to vector<32xbf16>
        %add3A_571 = arith.constant 80 : i32
        %add3A_572 = arith.addi %add3A_571, %scan3A_518 : i32
        %get3A_573 = arith.index_cast %add3A_572 : i32 to index
        %get3A_574 = arith.constant 96 : index
        %get3A_575 = tpu.vector_load %arg7[%get3A_573, %get3A_574] {strides = array<i32>} : memref<160x160xbf16, #tpu.memory_space<vmem>>, vector<1x32xbf16>,
        %get3A_576 = vector.shape_cast %get3A_575 : vector<1x32xbf16> to vector<32xbf16>
        %add3A_577 = arith.addf %get3A_570, %get3A_576 : vector<32xbf16>
        %swap3A_578 = arith.index_cast %scan3A_518 : i32 to index
        %swap3A_579 = arith.constant 96 : index
        %swap3A_580 = tpu.vector_load %arg7[%swap3A_578, %swap3A_579] {strides = array<i32>} : memref<160x160xbf16, #tpu.memory_space<vmem>>, vector<1x32xbf16>,
        %swap3A_581 = vector.shape_cast %swap3A_580 : vector<1x32xbf16> to vector<32xbf16>
        %swap3A_582 = vector.shape_cast %add3A_577 : vector<32xbf16> to vector<1x32xbf16>
        tpu.vector_store %arg7[%swap3A_578, %swap3A_579], %swap3A_582 {strides = array<i32>} : memref<160x160xbf16, #tpu.memory_space<vmem>>, vector<1x32xbf16>,
        %get3A_583 = arith.index_cast %scan3A_518 : i32 to index
        %get3A_584 = arith.constant 128 : index
        %get3A_585 = tpu.vector_load %arg7[%get3A_583, %get3A_584] {strides = array<i32>} : memref<160x160xbf16, #tpu.memory_space<vmem>>, vector<1x32xbf16>,
        %get3A_586 = vector.shape_cast %get3A_585 : vector<1x32xbf16> to vector<32xbf16>
        %add3A_587 = arith.constant 80 : i32
        %add3A_588 = arith.addi %add3A_587, %scan3A_518 : i32
        %get3A_589 = arith.index_cast %add3A_588 : i32 to index
        %get3A_590 = arith.constant 128 : index
        %get3A_591 = tpu.vector_load %arg7[%get3A_589, %get3A_590] {strides = array<i32>} : memref<160x160xbf16, #tpu.memory_space<vmem>>, vector<1x32xbf16>,
        %get3A_592 = vector.shape_cast %get3A_591 : vector<1x32xbf16> to vector<32xbf16>
        %add3A_593 = arith.addf %get3A_586, %get3A_592 : vector<32xbf16>
        %swap3A_594 = arith.index_cast %scan3A_518 : i32 to index
        %swap3A_595 = arith.constant 128 : index
        %swap3A_596 = tpu.vector_load %arg7[%swap3A_594, %swap3A_595] {strides = array<i32>} : memref<160x160xbf16, #tpu.memory_space<vmem>>, vector<1x32xbf16>,
        %swap3A_597 = vector.shape_cast %swap3A_596 : vector<1x32xbf16> to vector<32xbf16>
        %swap3A_598 = vector.shape_cast %add3A_593 : vector<32xbf16> to vector<1x32xbf16>
        tpu.vector_store %arg7[%swap3A_594, %swap3A_595], %swap3A_598 {strides = array<i32>} : memref<160x160xbf16, #tpu.memory_space<vmem>>, vector<1x32xbf16>,
        %scan3A_599 = arith.constant 0 : i32
        scf.yield %scan3A_599 : i32
      }
      %scan3A_374 = arith.constant 80 : i32
      %mul3A_375 = arith.constant 80 : i32
      %mul3A_376 = arith.muli %mul3A_349, %mul3A_375 : i32
      %add3A_377 = arith.addi %add3A_142, %mul3A_376 : i32
      %dma_start3A_378 = arith.constant 0 : i32
      %dma_start3A_379 = arith.constant 0 : i32
      %dma_start3A_380 = tpu.memref_slice %arg7[%dma_start3A_378, %dma_start3A_379] : memref<160x160xbf16, #tpu.memory_space<vmem>> -> memref<80x160xbf16, #tpu.memory_space<vmem>>
      %dma_start3A_381 = arith.constant 0 : i32
      %dma_start3A_382 = tpu.memref_slice %arg4[%add3A_377, %dma_start3A_381] : memref<320000x160xbf16, #tpu.memory_space<hbm>> -> memref<80x160xbf16, #tpu.memory_space<hbm>>
      %dma_start3A_383 = arith.constant 0 : i32
      %dma_start3A_384 = tpu.memref_slice %arg4[%add3A_377, %dma_start3A_383] : memref<320000x160xbf16, #tpu.memory_space<hbm>> -> memref<80x160xbf16, #tpu.memory_space<hbm>>
      %dma_start3A_385 = arith.constant 0 : i32
      %dma_start3A_386 = arith.constant 0 : i32
      %dma_start3A_387 = tpu.memref_slice %arg7[%dma_start3A_385, %dma_start3A_386] : memref<160x160xbf16, #tpu.memory_space<vmem>> -> memref<80x160xbf16, #tpu.memory_space<vmem>>
      tpu.enqueue_dma source(%dma_start3A_387 : memref<80x160xbf16, #tpu.memory_space<vmem>>) target(%dma_start3A_384 : memref<80x160xbf16, #tpu.memory_space<hbm>>) target_semaphore(%arg11 : memref<!tpu.dma_semaphore, #tpu.memory_space<semaphore_mem>>)
      %dma_wait3A_388 = arith.constant 0 : i32
      %dma_wait3A_389 = tpu.memref_slice %arg6[%add3A_353, %dma_wait3A_388] : memref<25x160xi32, #tpu.memory_space<vmem>> -> memref<1x160xi32, #tpu.memory_space<vmem>>
      %dma_wait3A_390 = tpu.memref_squeeze %dma_wait3A_389 : memref<1x160xi32, #tpu.memory_space<vmem>> -> memref<160xi32, #tpu.memory_space<vmem>>
      %dma_wait3A_391 = arith.constant 0 : i32
      %dma_wait3A_392 = arith.constant 0 : i32
      %dma_wait3A_393 = tpu.memref_slice %arg5[%dma_wait3A_391, %dma_wait3A_392] : memref<20000x160xbf16, #tpu.memory_space<vmem_shared>> -> memref<20000x160xbf16, #tpu.memory_space<vmem_shared>>
      tpu.wait_indirect_dma semaphore(%arg10 : memref<!tpu.dma_semaphore, #tpu.memory_space<semaphore_mem>>) src(%dma_wait3A_393 : memref<20000x160xbf16, #tpu.memory_space<vmem_shared>>) dst(%arg8 : memref<160x160xbf16, #tpu.memory_space<vmem>>)
      %scan3A_394 = arith.constant 0 : i32
      %scan3A_395 = arith.constant 0 : i32
      %scan3A_396 = arith.constant 80 : i32
      %scan3A_397 = arith.addi %scan3A_395, %scan3A_396 : i32
      %scan3A_398 = arith.constant 2 : i32
      %scan3A_399 = scf.for %scan3A_436 = %scan3A_395 to %scan3A_397 step %scan3A_398 iter_args(%scan3A_437 = %scan3A_394) -> (i32)  : i32 {
        %get3A = arith.index_cast %scan3A_436 : i32 to index
        %get3A_438 = arith.constant 0 : index
        %get3A_439 = tpu.vector_load %arg8[%get3A, %get3A_438] {strides = array<i32>} : memref<160x160xbf16, #tpu.memory_space<vmem>>, vector<1x32xbf16>,
        %get3A_440 = vector.shape_cast %get3A_439 : vector<1x32xbf16> to vector<32xbf16>
        %add3A_441 = arith.constant 80 : i32
        %add3A_442 = arith.addi %add3A_441, %scan3A_436 : i32
        %get3A_443 = arith.index_cast %add3A_442 : i32 to index
        %get3A_444 = arith.constant 0 : index
        %get3A_445 = tpu.vector_load %arg8[%get3A_443, %get3A_444] {strides = array<i32>} : memref<160x160xbf16, #tpu.memory_space<vmem>>, vector<1x32xbf16>,
        %get3A_446 = vector.shape_cast %get3A_445 : vector<1x32xbf16> to vector<32xbf16>
        %add3A_447 = arith.addf %get3A_440, %get3A_446 : vector<32xbf16>
        %swap3A = arith.index_cast %scan3A_436 : i32 to index
        %swap3A_448 = arith.constant 0 : index
        %swap3A_449 = tpu.vector_load %arg8[%swap3A, %swap3A_448] {strides = array<i32>} : memref<160x160xbf16, #tpu.memory_space<vmem>>, vector<1x32xbf16>,
        %swap3A_450 = vector.shape_cast %swap3A_449 : vector<1x32xbf16> to vector<32xbf16>
        %swap3A_451 = vector.shape_cast %add3A_447 : vector<32xbf16> to vector<1x32xbf16>
        tpu.vector_store %arg8[%swap3A, %swap3A_448], %swap3A_451 {strides = array<i32>} : memref<160x160xbf16, #tpu.memory_space<vmem>>, vector<1x32xbf16>,
        %get3A_452 = arith.index_cast %scan3A_436 : i32 to index
        %get3A_453 = arith.constant 32 : index
        %get3A_454 = tpu.vector_load %arg8[%get3A_452, %get3A_453] {strides = array<i32>} : memref<160x160xbf16, #tpu.memory_space<vmem>>, vector<1x32xbf16>,
        %get3A_455 = vector.shape_cast %get3A_454 : vector<1x32xbf16> to vector<32xbf16>
        %add3A_456 = arith.constant 80 : i32
        %add3A_457 = arith.addi %add3A_456, %scan3A_436 : i32
        %get3A_458 = arith.index_cast %add3A_457 : i32 to index
        %get3A_459 = arith.constant 32 : index
        %get3A_460 = tpu.vector_load %arg8[%get3A_458, %get3A_459] {strides = array<i32>} : memref<160x160xbf16, #tpu.memory_space<vmem>>, vector<1x32xbf16>,
        %get3A_461 = vector.shape_cast %get3A_460 : vector<1x32xbf16> to vector<32xbf16>
        %add3A_462 = arith.addf %get3A_455, %get3A_461 : vector<32xbf16>
        %swap3A_463 = arith.index_cast %scan3A_436 : i32 to index
        %swap3A_464 = arith.constant 32 : index
        %swap3A_465 = tpu.vector_load %arg8[%swap3A_463, %swap3A_464] {strides = array<i32>} : memref<160x160xbf16, #tpu.memory_space<vmem>>, vector<1x32xbf16>,
        %swap3A_466 = vector.shape_cast %swap3A_465 : vector<1x32xbf16> to vector<32xbf16>
        %swap3A_467 = vector.shape_cast %add3A_462 : vector<32xbf16> to vector<1x32xbf16>
        tpu.vector_store %arg8[%swap3A_463, %swap3A_464], %swap3A_467 {strides = array<i32>} : memref<160x160xbf16, #tpu.memory_space<vmem>>, vector<1x32xbf16>,
        %get3A_468 = arith.index_cast %scan3A_436 : i32 to index
        %get3A_469 = arith.constant 64 : index
        %get3A_470 = tpu.vector_load %arg8[%get3A_468, %get3A_469] {strides = array<i32>} : memref<160x160xbf16, #tpu.memory_space<vmem>>, vector<1x32xbf16>,
        %get3A_471 = vector.shape_cast %get3A_470 : vector<1x32xbf16> to vector<32xbf16>
        %add3A_472 = arith.constant 80 : i32
        %add3A_473 = arith.addi %add3A_472, %scan3A_436 : i32
        %get3A_474 = arith.index_cast %add3A_473 : i32 to index
        %get3A_475 = arith.constant 64 : index
        %get3A_476 = tpu.vector_load %arg8[%get3A_474, %get3A_475] {strides = array<i32>} : memref<160x160xbf16, #tpu.memory_space<vmem>>, vector<1x32xbf16>,
        %get3A_477 = vector.shape_cast %get3A_476 : vector<1x32xbf16> to vector<32xbf16>
        %add3A_478 = arith.addf %get3A_471, %get3A_477 : vector<32xbf16>
        %swap3A_479 = arith.index_cast %scan3A_436 : i32 to index
        %swap3A_480 = arith.constant 64 : index
        %swap3A_481 = tpu.vector_load %arg8[%swap3A_479, %swap3A_480] {strides = array<i32>} : memref<160x160xbf16, #tpu.memory_space<vmem>>, vector<1x32xbf16>,
        %swap3A_482 = vector.shape_cast %swap3A_481 : vector<1x32xbf16> to vector<32xbf16>
        %swap3A_483 = vector.shape_cast %add3A_478 : vector<32xbf16> to vector<1x32xbf16>
        tpu.vector_store %arg8[%swap3A_479, %swap3A_480], %swap3A_483 {strides = array<i32>} : memref<160x160xbf16, #tpu.memory_space<vmem>>, vector<1x32xbf16>,
        %get3A_484 = arith.index_cast %scan3A_436 : i32 to index
        %get3A_485 = arith.constant 96 : index
        %get3A_486 = tpu.vector_load %arg8[%get3A_484, %get3A_485] {strides = array<i32>} : memref<160x160xbf16, #tpu.memory_space<vmem>>, vector<1x32xbf16>,
        %get3A_487 = vector.shape_cast %get3A_486 : vector<1x32xbf16> to vector<32xbf16>
        %add3A_488 = arith.constant 80 : i32
        %add3A_489 = arith.addi %add3A_488, %scan3A_436 : i32
        %get3A_490 = arith.index_cast %add3A_489 : i32 to index
        %get3A_491 = arith.constant 96 : index
        %get3A_492 = tpu.vector_load %arg8[%get3A_490, %get3A_491] {strides = array<i32>} : memref<160x160xbf16, #tpu.memory_space<vmem>>, vector<1x32xbf16>,
        %get3A_493 = vector.shape_cast %get3A_492 : vector<1x32xbf16> to vector<32xbf16>
        %add3A_494 = arith.addf %get3A_487, %get3A_493 : vector<32xbf16>
        %swap3A_495 = arith.index_cast %scan3A_436 : i32 to index
        %swap3A_496 = arith.constant 96 : index
        %swap3A_497 = tpu.vector_load %arg8[%swap3A_495, %swap3A_496] {strides = array<i32>} : memref<160x160xbf16, #tpu.memory_space<vmem>>, vector<1x32xbf16>,
        %swap3A_498 = vector.shape_cast %swap3A_497 : vector<1x32xbf16> to vector<32xbf16>
        %swap3A_499 = vector.shape_cast %add3A_494 : vector<32xbf16> to vector<1x32xbf16>
        tpu.vector_store %arg8[%swap3A_495, %swap3A_496], %swap3A_499 {strides = array<i32>} : memref<160x160xbf16, #tpu.memory_space<vmem>>, vector<1x32xbf16>,
        %get3A_500 = arith.index_cast %scan3A_436 : i32 to index
        %get3A_501 = arith.constant 128 : index
        %get3A_502 = tpu.vector_load %arg8[%get3A_500, %get3A_501] {strides = array<i32>} : memref<160x160xbf16, #tpu.memory_space<vmem>>, vector<1x32xbf16>,
        %get3A_503 = vector.shape_cast %get3A_502 : vector<1x32xbf16> to vector<32xbf16>
        %add3A_504 = arith.constant 80 : i32
        %add3A_505 = arith.addi %add3A_504, %scan3A_436 : i32
        %get3A_506 = arith.index_cast %add3A_505 : i32 to index
        %get3A_507 = arith.constant 128 : index
        %get3A_508 = tpu.vector_load %arg8[%get3A_506, %get3A_507] {strides = array<i32>} : memref<160x160xbf16, #tpu.memory_space<vmem>>, vector<1x32xbf16>,
        %get3A_509 = vector.shape_cast %get3A_508 : vector<1x32xbf16> to vector<32xbf16>
        %add3A_510 = arith.addf %get3A_503, %get3A_509 : vector<32xbf16>
        %swap3A_511 = arith.index_cast %scan3A_436 : i32 to index
        %swap3A_512 = arith.constant 128 : index
        %swap3A_513 = tpu.vector_load %arg8[%swap3A_511, %swap3A_512] {strides = array<i32>} : memref<160x160xbf16, #tpu.memory_space<vmem>>, vector<1x32xbf16>,
        %swap3A_514 = vector.shape_cast %swap3A_513 : vector<1x32xbf16> to vector<32xbf16>
        %swap3A_515 = vector.shape_cast %add3A_510 : vector<32xbf16> to vector<1x32xbf16>
        tpu.vector_store %arg8[%swap3A_511, %swap3A_512], %swap3A_515 {strides = array<i32>} : memref<160x160xbf16, #tpu.memory_space<vmem>>, vector<1x32xbf16>,
        %scan3A_516 = arith.constant 0 : i32
        %scan3A_517 = arith.constant 1 : i32
        %scan3A_518 = arith.addi %scan3A_436, %scan3A_517 : i32
        %get3A_519 = arith.index_cast %scan3A_518 : i32 to index
        %get3A_520 = arith.constant 0 : index
        %get3A_521 = tpu.vector_load %arg8[%get3A_519, %get3A_520] {strides = array<i32>} : memref<160x160xbf16, #tpu.memory_space<vmem>>, vector<1x32xbf16>,
        %get3A_522 = vector.shape_cast %get3A_521 : vector<1x32xbf16> to vector<32xbf16>
        %add3A_523 = arith.constant 80 : i32
        %add3A_524 = arith.addi %add3A_523, %scan3A_518 : i32
        %get3A_525 = arith.index_cast %add3A_524 : i32 to index
        %get3A_526 = arith.constant 0 : index
        %get3A_527 = tpu.vector_load %arg8[%get3A_525, %get3A_526] {strides = array<i32>} : memref<160x160xbf16, #tpu.memory_space<vmem>>, vector<1x32xbf16>,
        %get3A_528 = vector.shape_cast %get3A_527 : vector<1x32xbf16> to vector<32xbf16>
        %add3A_529 = arith.addf %get3A_522, %get3A_528 : vector<32xbf16>
        %swap3A_530 = arith.index_cast %scan3A_518 : i32 to index
        %swap3A_531 = arith.constant 0 : index
        %swap3A_532 = tpu.vector_load %arg8[%swap3A_530, %swap3A_531] {strides = array<i32>} : memref<160x160xbf16, #tpu.memory_space<vmem>>, vector<1x32xbf16>,
        %swap3A_533 = vector.shape_cast %swap3A_532 : vector<1x32xbf16> to vector<32xbf16>
        %swap3A_534 = vector.shape_cast %add3A_529 : vector<32xbf16> to vector<1x32xbf16>
        tpu.vector_store %arg8[%swap3A_530, %swap3A_531], %swap3A_534 {strides = array<i32>} : memref<160x160xbf16, #tpu.memory_space<vmem>>, vector<1x32xbf16>,
        %get3A_535 = arith.index_cast %scan3A_518 : i32 to index
        %get3A_536 = arith.constant 32 : index
        %get3A_537 = tpu.vector_load %arg8[%get3A_535, %get3A_536] {strides = array<i32>} : memref<160x160xbf16, #tpu.memory_space<vmem>>, vector<1x32xbf16>,
        %get3A_538 = vector.shape_cast %get3A_537 : vector<1x32xbf16> to vector<32xbf16>
        %add3A_539 = arith.constant 80 : i32
        %add3A_540 = arith.addi %add3A_539, %scan3A_518 : i32
        %get3A_541 = arith.index_cast %add3A_540 : i32 to index
        %get3A_542 = arith.constant 32 : index
        %get3A_543 = tpu.vector_load %arg8[%get3A_541, %get3A_542] {strides = array<i32>} : memref<160x160xbf16, #tpu.memory_space<vmem>>, vector<1x32xbf16>,
        %get3A_544 = vector.shape_cast %get3A_543 : vector<1x32xbf16> to vector<32xbf16>
        %add3A_545 = arith.addf %get3A_538, %get3A_544 : vector<32xbf16>
        %swap3A_546 = arith.index_cast %scan3A_518 : i32 to index
        %swap3A_547 = arith.constant 32 : index
        %swap3A_548 = tpu.vector_load %arg8[%swap3A_546, %swap3A_547] {strides = array<i32>} : memref<160x160xbf16, #tpu.memory_space<vmem>>, vector<1x32xbf16>,
        %swap3A_549 = vector.shape_cast %swap3A_548 : vector<1x32xbf16> to vector<32xbf16>
        %swap3A_550 = vector.shape_cast %add3A_545 : vector<32xbf16> to vector<1x32xbf16>
        tpu.vector_store %arg8[%swap3A_546, %swap3A_547], %swap3A_550 {strides = array<i32>} : memref<160x160xbf16, #tpu.memory_space<vmem>>, vector<1x32xbf16>,
        %get3A_551 = arith.index_cast %scan3A_518 : i32 to index
        %get3A_552 = arith.constant 64 : index
        %get3A_553 = tpu.vector_load %arg8[%get3A_551, %get3A_552] {strides = array<i32>} : memref<160x160xbf16, #tpu.memory_space<vmem>>, vector<1x32xbf16>,
        %get3A_554 = vector.shape_cast %get3A_553 : vector<1x32xbf16> to vector<32xbf16>
        %add3A_555 = arith.constant 80 : i32
        %add3A_556 = arith.addi %add3A_555, %scan3A_518 : i32
        %get3A_557 = arith.index_cast %add3A_556 : i32 to index
        %get3A_558 = arith.constant 64 : index
        %get3A_559 = tpu.vector_load %arg8[%get3A_557, %get3A_558] {strides = array<i32>} : memref<160x160xbf16, #tpu.memory_space<vmem>>, vector<1x32xbf16>,
        %get3A_560 = vector.shape_cast %get3A_559 : vector<1x32xbf16> to vector<32xbf16>
        %add3A_561 = arith.addf %get3A_554, %get3A_560 : vector<32xbf16>
        %swap3A_562 = arith.index_cast %scan3A_518 : i32 to index
        %swap3A_563 = arith.constant 64 : index
        %swap3A_564 = tpu.vector_load %arg8[%swap3A_562, %swap3A_563] {strides = array<i32>} : memref<160x160xbf16, #tpu.memory_space<vmem>>, vector<1x32xbf16>,
        %swap3A_565 = vector.shape_cast %swap3A_564 : vector<1x32xbf16> to vector<32xbf16>
        %swap3A_566 = vector.shape_cast %add3A_561 : vector<32xbf16> to vector<1x32xbf16>
        tpu.vector_store %arg8[%swap3A_562, %swap3A_563], %swap3A_566 {strides = array<i32>} : memref<160x160xbf16, #tpu.memory_space<vmem>>, vector<1x32xbf16>,
        %get3A_567 = arith.index_cast %scan3A_518 : i32 to index
        %get3A_568 = arith.constant 96 : index
        %get3A_569 = tpu.vector_load %arg8[%get3A_567, %get3A_568] {strides = array<i32>} : memref<160x160xbf16, #tpu.memory_space<vmem>>, vector<1x32xbf16>,
        %get3A_570 = vector.shape_cast %get3A_569 : vector<1x32xbf16> to vector<32xbf16>
        %add3A_571 = arith.constant 80 : i32
        %add3A_572 = arith.addi %add3A_571, %scan3A_518 : i32
        %get3A_573 = arith.index_cast %add3A_572 : i32 to index
        %get3A_574 = arith.constant 96 : index
        %get3A_575 = tpu.vector_load %arg8[%get3A_573, %get3A_574] {strides = array<i32>} : memref<160x160xbf16, #tpu.memory_space<vmem>>, vector<1x32xbf16>,
        %get3A_576 = vector.shape_cast %get3A_575 : vector<1x32xbf16> to vector<32xbf16>
        %add3A_577 = arith.addf %get3A_570, %get3A_576 : vector<32xbf16>
        %swap3A_578 = arith.index_cast %scan3A_518 : i32 to index
        %swap3A_579 = arith.constant 96 : index
        %swap3A_580 = tpu.vector_load %arg8[%swap3A_578, %swap3A_579] {strides = array<i32>} : memref<160x160xbf16, #tpu.memory_space<vmem>>, vector<1x32xbf16>,
        %swap3A_581 = vector.shape_cast %swap3A_580 : vector<1x32xbf16> to vector<32xbf16>
        %swap3A_582 = vector.shape_cast %add3A_577 : vector<32xbf16> to vector<1x32xbf16>
        tpu.vector_store %arg8[%swap3A_578, %swap3A_579], %swap3A_582 {strides = array<i32>} : memref<160x160xbf16, #tpu.memory_space<vmem>>, vector<1x32xbf16>,
        %get3A_583 = arith.index_cast %scan3A_518 : i32 to index
        %get3A_584 = arith.constant 128 : index
        %get3A_585 = tpu.vector_load %arg8[%get3A_583, %get3A_584] {strides = array<i32>} : memref<160x160xbf16, #tpu.memory_space<vmem>>, vector<1x32xbf16>,
        %get3A_586 = vector.shape_cast %get3A_585 : vector<1x32xbf16> to vector<32xbf16>
        %add3A_587 = arith.constant 80 : i32
        %add3A_588 = arith.addi %add3A_587, %scan3A_518 : i32
        %get3A_589 = arith.index_cast %add3A_588 : i32 to index
        %get3A_590 = arith.constant 128 : index
        %get3A_591 = tpu.vector_load %arg8[%get3A_589, %get3A_590] {strides = array<i32>} : memref<160x160xbf16, #tpu.memory_space<vmem>>, vector<1x32xbf16>,
        %get3A_592 = vector.shape_cast %get3A_591 : vector<1x32xbf16> to vector<32xbf16>
        %add3A_593 = arith.addf %get3A_586, %get3A_592 : vector<32xbf16>
        %swap3A_594 = arith.index_cast %scan3A_518 : i32 to index
        %swap3A_595 = arith.constant 128 : index
        %swap3A_596 = tpu.vector_load %arg8[%swap3A_594, %swap3A_595] {strides = array<i32>} : memref<160x160xbf16, #tpu.memory_space<vmem>>, vector<1x32xbf16>,
        %swap3A_597 = vector.shape_cast %swap3A_596 : vector<1x32xbf16> to vector<32xbf16>
        %swap3A_598 = vector.shape_cast %add3A_593 : vector<32xbf16> to vector<1x32xbf16>
        tpu.vector_store %arg8[%swap3A_594, %swap3A_595], %swap3A_598 {strides = array<i32>} : memref<160x160xbf16, #tpu.memory_space<vmem>>, vector<1x32xbf16>,
        %scan3A_599 = arith.constant 0 : i32
        scf.yield %scan3A_599 : i32
      }
      %scan3A_400 = arith.constant 80 : i32
      %mul3A_401 = arith.constant 80 : i32
      %mul3A_402 = arith.muli %add3A_353, %mul3A_401 : i32
      %add3A_403 = arith.addi %add3A_142, %mul3A_402 : i32
      %dma_start3A_404 = arith.constant 0 : i32
      %dma_start3A_405 = arith.constant 0 : i32
      %dma_start3A_406 = tpu.memref_slice %arg8[%dma_start3A_404, %dma_start3A_405] : memref<160x160xbf16, #tpu.memory_space<vmem>> -> memref<80x160xbf16, #tpu.memory_space<vmem>>
      %dma_start3A_407 = arith.constant 0 : i32
      %dma_start3A_408 = tpu.memref_slice %arg4[%add3A_403, %dma_start3A_407] : memref<320000x160xbf16, #tpu.memory_space<hbm>> -> memref<80x160xbf16, #tpu.memory_space<hbm>>
      %dma_start3A_409 = arith.constant 0 : i32
      %dma_start3A_410 = tpu.memref_slice %arg4[%add3A_403, %dma_start3A_409] : memref<320000x160xbf16, #tpu.memory_space<hbm>> -> memref<80x160xbf16, #tpu.memory_space<hbm>>
      %dma_start3A_411 = arith.constant 0 : i32
      %dma_start3A_412 = arith.constant 0 : i32
      %dma_start3A_413 = tpu.memref_slice %arg8[%dma_start3A_411, %dma_start3A_412] : memref<160x160xbf16, #tpu.memory_space<vmem>> -> memref<80x160xbf16, #tpu.memory_space<vmem>>
      tpu.enqueue_dma source(%dma_start3A_413 : memref<80x160xbf16, #tpu.memory_space<vmem>>) target(%dma_start3A_410 : memref<80x160xbf16, #tpu.memory_space<hbm>>) target_semaphore(%arg12 : memref<!tpu.dma_semaphore, #tpu.memory_space<semaphore_mem>>)
      %mul3A_414 = arith.constant 80 : i32
      %mul3A_415 = arith.muli %mul3A_349, %mul3A_414 : i32
      %add3A_416 = arith.addi %add3A_142, %mul3A_415 : i32
      %dma_wait3A_417 = arith.constant 0 : i32
      %dma_wait3A_418 = arith.constant 0 : i32
      %dma_wait3A_419 = tpu.memref_slice %arg7[%dma_wait3A_417, %dma_wait3A_418] : memref<160x160xbf16, #tpu.memory_space<vmem>> -> memref<80x160xbf16, #tpu.memory_space<vmem>>
      %dma_wait3A_420 = arith.constant 0 : i32
      %dma_wait3A_421 = tpu.memref_slice %arg4[%add3A_416, %dma_wait3A_420] : memref<320000x160xbf16, #tpu.memory_space<hbm>> -> memref<80x160xbf16, #tpu.memory_space<hbm>>
      %dma_wait3A_422 = arith.constant 0 : i32
      %dma_wait3A_423 = tpu.memref_slice %arg4[%add3A_416, %dma_wait3A_422] : memref<320000x160xbf16, #tpu.memory_space<hbm>> -> memref<80x160xbf16, #tpu.memory_space<hbm>>
      %dma_wait3A_424 = arith.constant 0 : i32
      %dma_wait3A_425 = arith.constant 0 : i32
      %dma_wait3A_426 = tpu.memref_slice %arg7[%dma_wait3A_424, %dma_wait3A_425] : memref<160x160xbf16, #tpu.memory_space<vmem>> -> memref<80x160xbf16, #tpu.memory_space<vmem>>
      tpu.wait_dma2 semaphore(%arg11 : memref<!tpu.dma_semaphore, #tpu.memory_space<semaphore_mem>>) src(%dma_wait3A_426 : memref<80x160xbf16, #tpu.memory_space<vmem>>) dst(%dma_wait3A_423 : memref<80x160xbf16, #tpu.memory_space<hbm>>)
      %add3A_427 = arith.constant 2 : i32
      %add3A_428 = arith.addi %mul3A_349, %add3A_427 : i32
      %dma_start3A_429 = arith.constant 0 : i32
      %dma_start3A_430 = tpu.memref_slice %arg6[%add3A_428, %dma_start3A_429] : memref<25x160xi32, #tpu.memory_space<vmem>> -> memref<1x160xi32, #tpu.memory_space<vmem>>
      %dma_start3A_431 = tpu.memref_squeeze %dma_start3A_430 : memref<1x160xi32, #tpu.memory_space<vmem>> -> memref<160xi32, #tpu.memory_space<vmem>>
      %dma_start3A_432 = arith.constant 0 : i32
      %dma_start3A_433 = arith.constant 0 : i32
      %dma_start3A_434 = tpu.memref_slice %arg5[%dma_start3A_432, %dma_start3A_433] : memref<20000x160xbf16, #tpu.memory_space<vmem_shared>> -> memref<20000x160xbf16, #tpu.memory_space<vmem_shared>>
      tpu.enqueue_indirect_dma source(%dma_start3A_434 : memref<20000x160xbf16, #tpu.memory_space<vmem_shared>>) target(%arg7 : memref<160x160xbf16, #tpu.memory_space<vmem>>) offsets(%dma_start3A_431 : memref<160xi32, #tpu.memory_space<vmem>>) semaphore(%arg9 : memref<!tpu.dma_semaphore, #tpu.memory_space<semaphore_mem>>)
      %scan3A_435 = arith.constant 0 : i32
      scf.yield %scan3A_435 : i32
    }
    %scan3A_157 = arith.constant 12 : i32
    %dma_wait3A_158 = arith.constant 24 : i32
    %dma_wait3A_159 = arith.constant 0 : i32
    %dma_wait3A_160 = tpu.memref_slice %arg6[%dma_wait3A_158, %dma_wait3A_159] : memref<25x160xi32, #tpu.memory_space<vmem>> -> memref<1x160xi32, #tpu.memory_space<vmem>>
    %dma_wait3A_161 = tpu.memref_squeeze %dma_wait3A_160 : memref<1x160xi32, #tpu.memory_space<vmem>> -> memref<160xi32, #tpu.memory_space<vmem>>
    %dma_wait3A_162 = arith.constant 0 : i32
    %dma_wait3A_163 = arith.constant 0 : i32
    %dma_wait3A_164 = tpu.memref_slice %arg5[%dma_wait3A_162, %dma_wait3A_163] : memref<20000x160xbf16, #tpu.memory_space<vmem_shared>> -> memref<20000x160xbf16, #tpu.memory_space<vmem_shared>>
    tpu.wait_indirect_dma semaphore(%arg9 : memref<!tpu.dma_semaphore, #tpu.memory_space<semaphore_mem>>) src(%dma_wait3A_164 : memref<20000x160xbf16, #tpu.memory_space<vmem_shared>>) dst(%arg7 : memref<160x160xbf16, #tpu.memory_space<vmem>>)
    %scan3A_165 = arith.constant 0 : i32
    %scan3A_166 = arith.constant 0 : i32
    %scan3A_167 = arith.constant 80 : i32
    %scan3A_168 = arith.addi %scan3A_166, %scan3A_167 : i32
    %scan3A_169 = arith.constant 2 : i32
    %scan3A_170 = scf.for %scan3A_346 = %scan3A_166 to %scan3A_168 step %scan3A_169 iter_args(%scan3A_347 = %scan3A_165) -> (i32)  : i32 {
      %get3A = arith.index_cast %scan3A_346 : i32 to index
      %get3A_348 = arith.constant 0 : index
      %get3A_349 = tpu.vector_load %arg7[%get3A, %get3A_348] {strides = array<i32>} : memref<160x160xbf16, #tpu.memory_space<vmem>>, vector<1x32xbf16>,
      %get3A_350 = vector.shape_cast %get3A_349 : vector<1x32xbf16> to vector<32xbf16>
      %add3A_351 = arith.constant 80 : i32
      %add3A_352 = arith.addi %add3A_351, %scan3A_346 : i32
      %get3A_353 = arith.index_cast %add3A_352 : i32 to index
      %get3A_354 = arith.constant 0 : index
      %get3A_355 = tpu.vector_load %arg7[%get3A_353, %get3A_354] {strides = array<i32>} : memref<160x160xbf16, #tpu.memory_space<vmem>>, vector<1x32xbf16>,
      %get3A_356 = vector.shape_cast %get3A_355 : vector<1x32xbf16> to vector<32xbf16>
      %add3A_357 = arith.addf %get3A_350, %get3A_356 : vector<32xbf16>
      %swap3A = arith.index_cast %scan3A_346 : i32 to index
      %swap3A_358 = arith.constant 0 : index
      %swap3A_359 = tpu.vector_load %arg7[%swap3A, %swap3A_358] {strides = array<i32>} : memref<160x160xbf16, #tpu.memory_space<vmem>>, vector<1x32xbf16>,
      %swap3A_360 = vector.shape_cast %swap3A_359 : vector<1x32xbf16> to vector<32xbf16>
      %swap3A_361 = vector.shape_cast %add3A_357 : vector<32xbf16> to vector<1x32xbf16>
      tpu.vector_store %arg7[%swap3A, %swap3A_358], %swap3A_361 {strides = array<i32>} : memref<160x160xbf16, #tpu.memory_space<vmem>>, vector<1x32xbf16>,
      %get3A_362 = arith.index_cast %scan3A_346 : i32 to index
      %get3A_363 = arith.constant 32 : index
      %get3A_364 = tpu.vector_load %arg7[%get3A_362, %get3A_363] {strides = array<i32>} : memref<160x160xbf16, #tpu.memory_space<vmem>>, vector<1x32xbf16>,
      %get3A_365 = vector.shape_cast %get3A_364 : vector<1x32xbf16> to vector<32xbf16>
      %add3A_366 = arith.constant 80 : i32
      %add3A_367 = arith.addi %add3A_366, %scan3A_346 : i32
      %get3A_368 = arith.index_cast %add3A_367 : i32 to index
      %get3A_369 = arith.constant 32 : index
      %get3A_370 = tpu.vector_load %arg7[%get3A_368, %get3A_369] {strides = array<i32>} : memref<160x160xbf16, #tpu.memory_space<vmem>>, vector<1x32xbf16>,
      %get3A_371 = vector.shape_cast %get3A_370 : vector<1x32xbf16> to vector<32xbf16>
      %add3A_372 = arith.addf %get3A_365, %get3A_371 : vector<32xbf16>
      %swap3A_373 = arith.index_cast %scan3A_346 : i32 to index
      %swap3A_374 = arith.constant 32 : index
      %swap3A_375 = tpu.vector_load %arg7[%swap3A_373, %swap3A_374] {strides = array<i32>} : memref<160x160xbf16, #tpu.memory_space<vmem>>, vector<1x32xbf16>,
      %swap3A_376 = vector.shape_cast %swap3A_375 : vector<1x32xbf16> to vector<32xbf16>
      %swap3A_377 = vector.shape_cast %add3A_372 : vector<32xbf16> to vector<1x32xbf16>
      tpu.vector_store %arg7[%swap3A_373, %swap3A_374], %swap3A_377 {strides = array<i32>} : memref<160x160xbf16, #tpu.memory_space<vmem>>, vector<1x32xbf16>,
      %get3A_378 = arith.index_cast %scan3A_346 : i32 to index
      %get3A_379 = arith.constant 64 : index
      %get3A_380 = tpu.vector_load %arg7[%get3A_378, %get3A_379] {strides = array<i32>} : memref<160x160xbf16, #tpu.memory_space<vmem>>, vector<1x32xbf16>,
      %get3A_381 = vector.shape_cast %get3A_380 : vector<1x32xbf16> to vector<32xbf16>
      %add3A_382 = arith.constant 80 : i32
      %add3A_383 = arith.addi %add3A_382, %scan3A_346 : i32
      %get3A_384 = arith.index_cast %add3A_383 : i32 to index
      %get3A_385 = arith.constant 64 : index
      %get3A_386 = tpu.vector_load %arg7[%get3A_384, %get3A_385] {strides = array<i32>} : memref<160x160xbf16, #tpu.memory_space<vmem>>, vector<1x32xbf16>,
      %get3A_387 = vector.shape_cast %get3A_386 : vector<1x32xbf16> to vector<32xbf16>
      %add3A_388 = arith.addf %get3A_381, %get3A_387 : vector<32xbf16>
      %swap3A_389 = arith.index_cast %scan3A_346 : i32 to index
      %swap3A_390 = arith.constant 64 : index
      %swap3A_391 = tpu.vector_load %arg7[%swap3A_389, %swap3A_390] {strides = array<i32>} : memref<160x160xbf16, #tpu.memory_space<vmem>>, vector<1x32xbf16>,
      %swap3A_392 = vector.shape_cast %swap3A_391 : vector<1x32xbf16> to vector<32xbf16>
      %swap3A_393 = vector.shape_cast %add3A_388 : vector<32xbf16> to vector<1x32xbf16>
      tpu.vector_store %arg7[%swap3A_389, %swap3A_390], %swap3A_393 {strides = array<i32>} : memref<160x160xbf16, #tpu.memory_space<vmem>>, vector<1x32xbf16>,
      %get3A_394 = arith.index_cast %scan3A_346 : i32 to index
      %get3A_395 = arith.constant 96 : index
      %get3A_396 = tpu.vector_load %arg7[%get3A_394, %get3A_395] {strides = array<i32>} : memref<160x160xbf16, #tpu.memory_space<vmem>>, vector<1x32xbf16>,
      %get3A_397 = vector.shape_cast %get3A_396 : vector<1x32xbf16> to vector<32xbf16>
      %add3A_398 = arith.constant 80 : i32
      %add3A_399 = arith.addi %add3A_398, %scan3A_346 : i32
      %get3A_400 = arith.index_cast %add3A_399 : i32 to index
      %get3A_401 = arith.constant 96 : index
      %get3A_402 = tpu.vector_load %arg7[%get3A_400, %get3A_401] {strides = array<i32>} : memref<160x160xbf16, #tpu.memory_space<vmem>>, vector<1x32xbf16>,
      %get3A_403 = vector.shape_cast %get3A_402 : vector<1x32xbf16> to vector<32xbf16>
      %add3A_404 = arith.addf %get3A_397, %get3A_403 : vector<32xbf16>
      %swap3A_405 = arith.index_cast %scan3A_346 : i32 to index
      %swap3A_406 = arith.constant 96 : index
      %swap3A_407 = tpu.vector_load %arg7[%swap3A_405, %swap3A_406] {strides = array<i32>} : memref<160x160xbf16, #tpu.memory_space<vmem>>, vector<1x32xbf16>,
      %swap3A_408 = vector.shape_cast %swap3A_407 : vector<1x32xbf16> to vector<32xbf16>
      %swap3A_409 = vector.shape_cast %add3A_404 : vector<32xbf16> to vector<1x32xbf16>
      tpu.vector_store %arg7[%swap3A_405, %swap3A_406], %swap3A_409 {strides = array<i32>} : memref<160x160xbf16, #tpu.memory_space<vmem>>, vector<1x32xbf16>,
      %get3A_410 = arith.index_cast %scan3A_346 : i32 to index
      %get3A_411 = arith.constant 128 : index
      %get3A_412 = tpu.vector_load %arg7[%get3A_410, %get3A_411] {strides = array<i32>} : memref<160x160xbf16, #tpu.memory_space<vmem>>, vector<1x32xbf16>,
      %get3A_413 = vector.shape_cast %get3A_412 : vector<1x32xbf16> to vector<32xbf16>
      %add3A_414 = arith.constant 80 : i32
      %add3A_415 = arith.addi %add3A_414, %scan3A_346 : i32
      %get3A_416 = arith.index_cast %add3A_415 : i32 to index
      %get3A_417 = arith.constant 128 : index
      %get3A_418 = tpu.vector_load %arg7[%get3A_416, %get3A_417] {strides = array<i32>} : memref<160x160xbf16, #tpu.memory_space<vmem>>, vector<1x32xbf16>,
      %get3A_419 = vector.shape_cast %get3A_418 : vector<1x32xbf16> to vector<32xbf16>
      %add3A_420 = arith.addf %get3A_413, %get3A_419 : vector<32xbf16>
      %swap3A_421 = arith.index_cast %scan3A_346 : i32 to index
      %swap3A_422 = arith.constant 128 : index
      %swap3A_423 = tpu.vector_load %arg7[%swap3A_421, %swap3A_422] {strides = array<i32>} : memref<160x160xbf16, #tpu.memory_space<vmem>>, vector<1x32xbf16>,
      %swap3A_424 = vector.shape_cast %swap3A_423 : vector<1x32xbf16> to vector<32xbf16>
      %swap3A_425 = vector.shape_cast %add3A_420 : vector<32xbf16> to vector<1x32xbf16>
      tpu.vector_store %arg7[%swap3A_421, %swap3A_422], %swap3A_425 {strides = array<i32>} : memref<160x160xbf16, #tpu.memory_space<vmem>>, vector<1x32xbf16>,
      %scan3A_426 = arith.constant 0 : i32
      %scan3A_427 = arith.constant 1 : i32
      %scan3A_428 = arith.addi %scan3A_346, %scan3A_427 : i32
      %get3A_429 = arith.index_cast %scan3A_428 : i32 to index
      %get3A_430 = arith.constant 0 : index
      %get3A_431 = tpu.vector_load %arg7[%get3A_429, %get3A_430] {strides = array<i32>} : memref<160x160xbf16, #tpu.memory_space<vmem>>, vector<1x32xbf16>,
      %get3A_432 = vector.shape_cast %get3A_431 : vector<1x32xbf16> to vector<32xbf16>
      %add3A_433 = arith.constant 80 : i32
      %add3A_434 = arith.addi %add3A_433, %scan3A_428 : i32
      %get3A_435 = arith.index_cast %add3A_434 : i32 to index
      %get3A_436 = arith.constant 0 : index
      %get3A_437 = tpu.vector_load %arg7[%get3A_435, %get3A_436] {strides = array<i32>} : memref<160x160xbf16, #tpu.memory_space<vmem>>, vector<1x32xbf16>,
      %get3A_438 = vector.shape_cast %get3A_437 : vector<1x32xbf16> to vector<32xbf16>
      %add3A_439 = arith.addf %get3A_432, %get3A_438 : vector<32xbf16>
      %swap3A_440 = arith.index_cast %scan3A_428 : i32 to index
      %swap3A_441 = arith.constant 0 : index
      %swap3A_442 = tpu.vector_load %arg7[%swap3A_440, %swap3A_441] {strides = array<i32>} : memref<160x160xbf16, #tpu.memory_space<vmem>>, vector<1x32xbf16>,
      %swap3A_443 = vector.shape_cast %swap3A_442 : vector<1x32xbf16> to vector<32xbf16>
      %swap3A_444 = vector.shape_cast %add3A_439 : vector<32xbf16> to vector<1x32xbf16>
      tpu.vector_store %arg7[%swap3A_440, %swap3A_441], %swap3A_444 {strides = array<i32>} : memref<160x160xbf16, #tpu.memory_space<vmem>>, vector<1x32xbf16>,
      %get3A_445 = arith.index_cast %scan3A_428 : i32 to index
      %get3A_446 = arith.constant 32 : index
      %get3A_447 = tpu.vector_load %arg7[%get3A_445, %get3A_446] {strides = array<i32>} : memref<160x160xbf16, #tpu.memory_space<vmem>>, vector<1x32xbf16>,
      %get3A_448 = vector.shape_cast %get3A_447 : vector<1x32xbf16> to vector<32xbf16>
      %add3A_449 = arith.constant 80 : i32
      %add3A_450 = arith.addi %add3A_449, %scan3A_428 : i32
      %get3A_451 = arith.index_cast %add3A_450 : i32 to index
      %get3A_452 = arith.constant 32 : index
      %get3A_453 = tpu.vector_load %arg7[%get3A_451, %get3A_452] {strides = array<i32>} : memref<160x160xbf16, #tpu.memory_space<vmem>>, vector<1x32xbf16>,
      %get3A_454 = vector.shape_cast %get3A_453 : vector<1x32xbf16> to vector<32xbf16>
      %add3A_455 = arith.addf %get3A_448, %get3A_454 : vector<32xbf16>
      %swap3A_456 = arith.index_cast %scan3A_428 : i32 to index
      %swap3A_457 = arith.constant 32 : index
      %swap3A_458 = tpu.vector_load %arg7[%swap3A_456, %swap3A_457] {strides = array<i32>} : memref<160x160xbf16, #tpu.memory_space<vmem>>, vector<1x32xbf16>,
      %swap3A_459 = vector.shape_cast %swap3A_458 : vector<1x32xbf16> to vector<32xbf16>
      %swap3A_460 = vector.shape_cast %add3A_455 : vector<32xbf16> to vector<1x32xbf16>
      tpu.vector_store %arg7[%swap3A_456, %swap3A_457], %swap3A_460 {strides = array<i32>} : memref<160x160xbf16, #tpu.memory_space<vmem>>, vector<1x32xbf16>,
      %get3A_461 = arith.index_cast %scan3A_428 : i32 to index
      %get3A_462 = arith.constant 64 : index
      %get3A_463 = tpu.vector_load %arg7[%get3A_461, %get3A_462] {strides = array<i32>} : memref<160x160xbf16, #tpu.memory_space<vmem>>, vector<1x32xbf16>,
      %get3A_464 = vector.shape_cast %get3A_463 : vector<1x32xbf16> to vector<32xbf16>
      %add3A_465 = arith.constant 80 : i32
      %add3A_466 = arith.addi %add3A_465, %scan3A_428 : i32
      %get3A_467 = arith.index_cast %add3A_466 : i32 to index
      %get3A_468 = arith.constant 64 : index
      %get3A_469 = tpu.vector_load %arg7[%get3A_467, %get3A_468] {strides = array<i32>} : memref<160x160xbf16, #tpu.memory_space<vmem>>, vector<1x32xbf16>,
      %get3A_470 = vector.shape_cast %get3A_469 : vector<1x32xbf16> to vector<32xbf16>
      %add3A_471 = arith.addf %get3A_464, %get3A_470 : vector<32xbf16>
      %swap3A_472 = arith.index_cast %scan3A_428 : i32 to index
      %swap3A_473 = arith.constant 64 : index
      %swap3A_474 = tpu.vector_load %arg7[%swap3A_472, %swap3A_473] {strides = array<i32>} : memref<160x160xbf16, #tpu.memory_space<vmem>>, vector<1x32xbf16>,
      %swap3A_475 = vector.shape_cast %swap3A_474 : vector<1x32xbf16> to vector<32xbf16>
      %swap3A_476 = vector.shape_cast %add3A_471 : vector<32xbf16> to vector<1x32xbf16>
      tpu.vector_store %arg7[%swap3A_472, %swap3A_473], %swap3A_476 {strides = array<i32>} : memref<160x160xbf16, #tpu.memory_space<vmem>>, vector<1x32xbf16>,
      %get3A_477 = arith.index_cast %scan3A_428 : i32 to index
      %get3A_478 = arith.constant 96 : index
      %get3A_479 = tpu.vector_load %arg7[%get3A_477, %get3A_478] {strides = array<i32>} : memref<160x160xbf16, #tpu.memory_space<vmem>>, vector<1x32xbf16>,
      %get3A_480 = vector.shape_cast %get3A_479 : vector<1x32xbf16> to vector<32xbf16>
      %add3A_481 = arith.constant 80 : i32
      %add3A_482 = arith.addi %add3A_481, %scan3A_428 : i32
      %get3A_483 = arith.index_cast %add3A_482 : i32 to index
      %get3A_484 = arith.constant 96 : index
      %get3A_485 = tpu.vector_load %arg7[%get3A_483, %get3A_484] {strides = array<i32>} : memref<160x160xbf16, #tpu.memory_space<vmem>>, vector<1x32xbf16>,
      %get3A_486 = vector.shape_cast %get3A_485 : vector<1x32xbf16> to vector<32xbf16>
      %add3A_487 = arith.addf %get3A_480, %get3A_486 : vector<32xbf16>
      %swap3A_488 = arith.index_cast %scan3A_428 : i32 to index
      %swap3A_489 = arith.constant 96 : index
      %swap3A_490 = tpu.vector_load %arg7[%swap3A_488, %swap3A_489] {strides = array<i32>} : memref<160x160xbf16, #tpu.memory_space<vmem>>, vector<1x32xbf16>,
      %swap3A_491 = vector.shape_cast %swap3A_490 : vector<1x32xbf16> to vector<32xbf16>
      %swap3A_492 = vector.shape_cast %add3A_487 : vector<32xbf16> to vector<1x32xbf16>
      tpu.vector_store %arg7[%swap3A_488, %swap3A_489], %swap3A_492 {strides = array<i32>} : memref<160x160xbf16, #tpu.memory_space<vmem>>, vector<1x32xbf16>,
      %get3A_493 = arith.index_cast %scan3A_428 : i32 to index
      %get3A_494 = arith.constant 128 : index
      %get3A_495 = tpu.vector_load %arg7[%get3A_493, %get3A_494] {strides = array<i32>} : memref<160x160xbf16, #tpu.memory_space<vmem>>, vector<1x32xbf16>,
      %get3A_496 = vector.shape_cast %get3A_495 : vector<1x32xbf16> to vector<32xbf16>
      %add3A_497 = arith.constant 80 : i32
      %add3A_498 = arith.addi %add3A_497, %scan3A_428 : i32
      %get3A_499 = arith.index_cast %add3A_498 : i32 to index
      %get3A_500 = arith.constant 128 : index
      %get3A_501 = tpu.vector_load %arg7[%get3A_499, %get3A_500] {strides = array<i32>} : memref<160x160xbf16, #tpu.memory_space<vmem>>, vector<1x32xbf16>,
      %get3A_502 = vector.shape_cast %get3A_501 : vector<1x32xbf16> to vector<32xbf16>
      %add3A_503 = arith.addf %get3A_496, %get3A_502 : vector<32xbf16>
      %swap3A_504 = arith.index_cast %scan3A_428 : i32 to index
      %swap3A_505 = arith.constant 128 : index
      %swap3A_506 = tpu.vector_load %arg7[%swap3A_504, %swap3A_505] {strides = array<i32>} : memref<160x160xbf16, #tpu.memory_space<vmem>>, vector<1x32xbf16>,
      %swap3A_507 = vector.shape_cast %swap3A_506 : vector<1x32xbf16> to vector<32xbf16>
      %swap3A_508 = vector.shape_cast %add3A_503 : vector<32xbf16> to vector<1x32xbf16>
      tpu.vector_store %arg7[%swap3A_504, %swap3A_505], %swap3A_508 {strides = array<i32>} : memref<160x160xbf16, #tpu.memory_space<vmem>>, vector<1x32xbf16>,
      %scan3A_509 = arith.constant 0 : i32
      scf.yield %scan3A_509 : i32
    }
    %scan3A_171 = arith.constant 80 : i32
    %add3A_172 = arith.constant 1920 : i32
    %add3A_173 = arith.addi %add3A_142, %add3A_172 : i32
    %dma_start3A_174 = arith.constant 0 : i32
    %dma_start3A_175 = arith.constant 0 : i32
    %dma_start3A_176 = tpu.memref_slice %arg7[%dma_start3A_174, %dma_start3A_175] : memref<160x160xbf16, #tpu.memory_space<vmem>> -> memref<80x160xbf16, #tpu.memory_space<vmem>>
    %dma_start3A_177 = arith.constant 0 : i32
    %dma_start3A_178 = tpu.memref_slice %arg4[%add3A_173, %dma_start3A_177] : memref<320000x160xbf16, #tpu.memory_space<hbm>> -> memref<80x160xbf16, #tpu.memory_space<hbm>>
    %dma_start3A_179 = arith.constant 0 : i32
    %dma_start3A_180 = tpu.memref_slice %arg4[%add3A_173, %dma_start3A_179] : memref<320000x160xbf16, #tpu.memory_space<hbm>> -> memref<80x160xbf16, #tpu.memory_space<hbm>>
    %dma_start3A_181 = arith.constant 0 : i32
    %dma_start3A_182 = arith.constant 0 : i32
    %dma_start3A_183 = tpu.memref_slice %arg7[%dma_start3A_181, %dma_start3A_182] : memref<160x160xbf16, #tpu.memory_space<vmem>> -> memref<80x160xbf16, #tpu.memory_space<vmem>>
    tpu.enqueue_dma source(%dma_start3A_183 : memref<80x160xbf16, #tpu.memory_space<vmem>>) target(%dma_start3A_180 : memref<80x160xbf16, #tpu.memory_space<hbm>>) target_semaphore(%arg11 : memref<!tpu.dma_semaphore, #tpu.memory_space<semaphore_mem>>)
    %add3A_184 = arith.constant 1840 : i32
    %add3A_185 = arith.addi %add3A_142, %add3A_184 : i32
    %dma_wait3A_186 = arith.constant 0 : i32
    %dma_wait3A_187 = arith.constant 0 : i32
    %dma_wait3A_188 = tpu.memref_slice %arg8[%dma_wait3A_186, %dma_wait3A_187] : memref<160x160xbf16, #tpu.memory_space<vmem>> -> memref<80x160xbf16, #tpu.memory_space<vmem>>
    %dma_wait3A_189 = arith.constant 0 : i32
    %dma_wait3A_190 = tpu.memref_slice %arg4[%add3A_185, %dma_wait3A_189] : memref<320000x160xbf16, #tpu.memory_space<hbm>> -> memref<80x160xbf16, #tpu.memory_space<hbm>>
    %dma_wait3A_191 = arith.constant 0 : i32
    %dma_wait3A_192 = tpu.memref_slice %arg4[%add3A_185, %dma_wait3A_191] : memref<320000x160xbf16, #tpu.memory_space<hbm>> -> memref<80x160xbf16, #tpu.memory_space<hbm>>
    %dma_wait3A_193 = arith.constant 0 : i32
    %dma_wait3A_194 = arith.constant 0 : i32
    %dma_wait3A_195 = tpu.memref_slice %arg8[%dma_wait3A_193, %dma_wait3A_194] : memref<160x160xbf16, #tpu.memory_space<vmem>> -> memref<80x160xbf16, #tpu.memory_space<vmem>>
    tpu.wait_dma2 semaphore(%arg12 : memref<!tpu.dma_semaphore, #tpu.memory_space<semaphore_mem>>) src(%dma_wait3A_195 : memref<80x160xbf16, #tpu.memory_space<vmem>>) dst(%dma_wait3A_192 : memref<80x160xbf16, #tpu.memory_space<hbm>>)
    %add3A_196 = arith.constant 1920 : i32
    %add3A_197 = arith.addi %add3A_142, %add3A_196 : i32
    %dma_wait3A_198 = arith.constant 0 : i32
    %dma_wait3A_199 = arith.constant 0 : i32
    %dma_wait3A_200 = tpu.memref_slice %arg7[%dma_wait3A_198, %dma_wait3A_199] : memref<160x160xbf16, #tpu.memory_space<vmem>> -> memref<80x160xbf16, #tpu.memory_space<vmem>>
    %dma_wait3A_201 = arith.constant 0 : i32
    %dma_wait3A_202 = tpu.memref_slice %arg4[%add3A_197, %dma_wait3A_201] : memref<320000x160xbf16, #tpu.memory_space<hbm>> -> memref<80x160xbf16, #tpu.memory_space<hbm>>
    %dma_wait3A_203 = arith.constant 0 : i32
    %dma_wait3A_204 = tpu.memref_slice %arg4[%add3A_197, %dma_wait3A_203] : memref<320000x160xbf16, #tpu.memory_space<hbm>> -> memref<80x160xbf16, #tpu.memory_space<hbm>>
    %dma_wait3A_205 = arith.constant 0 : i32
    %dma_wait3A_206 = arith.constant 0 : i32
    %dma_wait3A_207 = tpu.memref_slice %arg7[%dma_wait3A_205, %dma_wait3A_206] : memref<160x160xbf16, #tpu.memory_space<vmem>> -> memref<80x160xbf16, #tpu.memory_space<vmem>>
    tpu.wait_dma2 semaphore(%arg11 : memref<!tpu.dma_semaphore, #tpu.memory_space<semaphore_mem>>) src(%dma_wait3A_207 : memref<80x160xbf16, #tpu.memory_space<vmem>>) dst(%dma_wait3A_204 : memref<80x160xbf16, #tpu.memory_space<hbm>>)
    %mul3A_208 = arith.constant 10000 : i32
    %mul3A_209 = arith.muli %add3A, %mul3A_208 : i32
    %add3A_210 = arith.constant 6000 : i32
    %add3A_211 = arith.addi %mul3A_209, %add3A_210 : i32
    %run_scoped3A_212 = arith.constant 3 : i32
    "tpu.region"() ({
      %run_scoped3A_346 = tpu.sem_alloc : memref<!tpu.dma_semaphore, #tpu.memory_space<semaphore_mem>>
      %dma_start3A_347 = arith.constant 0 : i32
      %dma_start3A_348 = arith.constant 0 : i32
      %dma_start3A_349 = tpu.memref_slice %arg3[%add3A, %run_scoped3A_212, %dma_start3A_347, %dma_start3A_348] : memref<32x5x25x160xi32, #tpu.memory_space<hbm>> -> memref<1x1x25x160xi32, #tpu.memory_space<hbm>>
      %dma_start3A_350 = tpu.memref_squeeze %dma_start3A_349 : memref<1x1x25x160xi32, #tpu.memory_space<hbm>> -> memref<25x160xi32, #tpu.memory_space<hbm>>
      %dma_start3A_351 = arith.constant 0 : i32
      %dma_start3A_352 = arith.constant 0 : i32
      %dma_start3A_353 = tpu.memref_slice %arg3[%add3A, %run_scoped3A_212, %dma_start3A_351, %dma_start3A_352] : memref<32x5x25x160xi32, #tpu.memory_space<hbm>> -> memref<1x1x25x160xi32, #tpu.memory_space<hbm>>
      %dma_start3A_354 = tpu.memref_squeeze %dma_start3A_353 : memref<1x1x25x160xi32, #tpu.memory_space<hbm>> -> memref<25x160xi32, #tpu.memory_space<hbm>>
      tpu.enqueue_dma source(%dma_start3A_354 : memref<25x160xi32, #tpu.memory_space<hbm>>) target(%arg6 : memref<25x160xi32, #tpu.memory_space<vmem>>) target_semaphore(%run_scoped3A_346 : memref<!tpu.dma_semaphore, #tpu.memory_space<semaphore_mem>>)
      %dma_wait3A_355 = arith.constant 0 : i32
      %dma_wait3A_356 = arith.constant 0 : i32
      %dma_wait3A_357 = tpu.memref_slice %arg3[%add3A, %run_scoped3A_212, %dma_wait3A_355, %dma_wait3A_356] : memref<32x5x25x160xi32, #tpu.memory_space<hbm>> -> memref<1x1x25x160xi32, #tpu.memory_space<hbm>>
      %dma_wait3A_358 = tpu.memref_squeeze %dma_wait3A_357 : memref<1x1x25x160xi32, #tpu.memory_space<hbm>> -> memref<25x160xi32, #tpu.memory_space<hbm>>
      %dma_wait3A_359 = arith.constant 0 : i32
      %dma_wait3A_360 = arith.constant 0 : i32
      %dma_wait3A_361 = tpu.memref_slice %arg3[%add3A, %run_scoped3A_212, %dma_wait3A_359, %dma_wait3A_360] : memref<32x5x25x160xi32, #tpu.memory_space<hbm>> -> memref<1x1x25x160xi32, #tpu.memory_space<hbm>>
      %dma_wait3A_362 = tpu.memref_squeeze %dma_wait3A_361 : memref<1x1x25x160xi32, #tpu.memory_space<hbm>> -> memref<25x160xi32, #tpu.memory_space<hbm>>
      tpu.wait_dma2 semaphore(%run_scoped3A_346 : memref<!tpu.dma_semaphore, #tpu.memory_space<semaphore_mem>>) src(%dma_wait3A_362 : memref<25x160xi32, #tpu.memory_space<hbm>>) dst(%arg6 : memref<25x160xi32, #tpu.memory_space<vmem>>)
      tpu.yield
    }) : () -> ()
    %dma_start3A_213 = arith.constant 0 : i32
    %dma_start3A_214 = arith.constant 0 : i32
    %dma_start3A_215 = tpu.memref_slice %arg6[%dma_start3A_213, %dma_start3A_214] : memref<25x160xi32, #tpu.memory_space<vmem>> -> memref<1x160xi32, #tpu.memory_space<vmem>>
    %dma_start3A_216 = tpu.memref_squeeze %dma_start3A_215 : memref<1x160xi32, #tpu.memory_space<vmem>> -> memref<160xi32, #tpu.memory_space<vmem>>
    %dma_start3A_217 = arith.constant 0 : i32
    %dma_start3A_218 = arith.constant 0 : i32
    %dma_start3A_219 = tpu.memref_slice %arg5[%dma_start3A_217, %dma_start3A_218] : memref<20000x160xbf16, #tpu.memory_space<vmem_shared>> -> memref<20000x160xbf16, #tpu.memory_space<vmem_shared>>
    tpu.enqueue_indirect_dma source(%dma_start3A_219 : memref<20000x160xbf16, #tpu.memory_space<vmem_shared>>) target(%arg7 : memref<160x160xbf16, #tpu.memory_space<vmem>>) offsets(%dma_start3A_216 : memref<160xi32, #tpu.memory_space<vmem>>) semaphore(%arg9 : memref<!tpu.dma_semaphore, #tpu.memory_space<semaphore_mem>>)
    %scan3A_220 = arith.constant 0 : i32
    %scan3A_221 = arith.constant 0 : i32
    %scan3A_222 = arith.constant 12 : i32
    %scan3A_223 = arith.addi %scan3A_221, %scan3A_222 : i32
    %scan3A_224 = arith.constant 1 : i32
    %scan3A_225 = scf.for %scan3A_346 = %scan3A_221 to %scan3A_223 step %scan3A_224 iter_args(%scan3A_347 = %scan3A_220) -> (i32)  : i32 {
      %mul3A_348 = arith.constant 2 : i32
      %mul3A_349 = arith.muli %mul3A_348, %scan3A_346 : i32
      %mul3A_350 = arith.constant 2 : i32
      %mul3A_351 = arith.muli %mul3A_350, %scan3A_346 : i32
      %add3A_352 = arith.constant 1 : i32
      %add3A_353 = arith.addi %mul3A_351, %add3A_352 : i32
      %gt3A = arith.constant 0 : i32
      %gt3A_354 = arith.cmpi sgt, %scan3A_346, %gt3A : i32
      %convert_element_type3A = arith.extui %gt3A_354 : i1 to i32
      %cond3A = arith.constant 0 : i32
      %cond3A_355 = arith.cmpi ne, %convert_element_type3A, %cond3A : i32
      scf.if %cond3A_355 {
        %sub3A = arith.constant 2 : i32
        %sub3A_436 = arith.subi %add3A_353, %sub3A : i32
        %mul3A_437 = arith.constant 80 : i32
        %mul3A_438 = arith.muli %sub3A_436, %mul3A_437 : i32
        %add3A_439 = arith.addi %add3A_211, %mul3A_438 : i32
        %dma_wait3A_440 = arith.constant 0 : i32
        %dma_wait3A_441 = arith.constant 0 : i32
        %dma_wait3A_442 = tpu.memref_slice %arg8[%dma_wait3A_440, %dma_wait3A_441] : memref<160x160xbf16, #tpu.memory_space<vmem>> -> memref<80x160xbf16, #tpu.memory_space<vmem>>
        %dma_wait3A_443 = arith.constant 0 : i32
        %dma_wait3A_444 = tpu.memref_slice %arg4[%add3A_439, %dma_wait3A_443] : memref<320000x160xbf16, #tpu.memory_space<hbm>> -> memref<80x160xbf16, #tpu.memory_space<hbm>>
        %dma_wait3A_445 = arith.constant 0 : i32
        %dma_wait3A_446 = tpu.memref_slice %arg4[%add3A_439, %dma_wait3A_445] : memref<320000x160xbf16, #tpu.memory_space<hbm>> -> memref<80x160xbf16, #tpu.memory_space<hbm>>
        %dma_wait3A_447 = arith.constant 0 : i32
        %dma_wait3A_448 = arith.constant 0 : i32
        %dma_wait3A_449 = tpu.memref_slice %arg8[%dma_wait3A_447, %dma_wait3A_448] : memref<160x160xbf16, #tpu.memory_space<vmem>> -> memref<80x160xbf16, #tpu.memory_space<vmem>>
        tpu.wait_dma2 semaphore(%arg12 : memref<!tpu.dma_semaphore, #tpu.memory_space<semaphore_mem>>) src(%dma_wait3A_449 : memref<80x160xbf16, #tpu.memory_space<vmem>>) dst(%dma_wait3A_446 : memref<80x160xbf16, #tpu.memory_space<hbm>>)
      } else {
      }
      %dma_start3A_356 = arith.constant 0 : i32
      %dma_start3A_357 = tpu.memref_slice %arg6[%add3A_353, %dma_start3A_356] : memref<25x160xi32, #tpu.memory_space<vmem>> -> memref<1x160xi32, #tpu.memory_space<vmem>>
      %dma_start3A_358 = tpu.memref_squeeze %dma_start3A_357 : memref<1x160xi32, #tpu.memory_space<vmem>> -> memref<160xi32, #tpu.memory_space<vmem>>
      %dma_start3A_359 = arith.constant 0 : i32
      %dma_start3A_360 = arith.constant 0 : i32
      %dma_start3A_361 = tpu.memref_slice %arg5[%dma_start3A_359, %dma_start3A_360] : memref<20000x160xbf16, #tpu.memory_space<vmem_shared>> -> memref<20000x160xbf16, #tpu.memory_space<vmem_shared>>
      tpu.enqueue_indirect_dma source(%dma_start3A_361 : memref<20000x160xbf16, #tpu.memory_space<vmem_shared>>) target(%arg8 : memref<160x160xbf16, #tpu.memory_space<vmem>>) offsets(%dma_start3A_358 : memref<160xi32, #tpu.memory_space<vmem>>) semaphore(%arg10 : memref<!tpu.dma_semaphore, #tpu.memory_space<semaphore_mem>>)
      %dma_wait3A_362 = arith.constant 0 : i32
      %dma_wait3A_363 = tpu.memref_slice %arg6[%mul3A_349, %dma_wait3A_362] : memref<25x160xi32, #tpu.memory_space<vmem>> -> memref<1x160xi32, #tpu.memory_space<vmem>>
      %dma_wait3A_364 = tpu.memref_squeeze %dma_wait3A_363 : memref<1x160xi32, #tpu.memory_space<vmem>> -> memref<160xi32, #tpu.memory_space<vmem>>
      %dma_wait3A_365 = arith.constant 0 : i32
      %dma_wait3A_366 = arith.constant 0 : i32
      %dma_wait3A_367 = tpu.memref_slice %arg5[%dma_wait3A_365, %dma_wait3A_366] : memref<20000x160xbf16, #tpu.memory_space<vmem_shared>> -> memref<20000x160xbf16, #tpu.memory_space<vmem_shared>>
      tpu.wait_indirect_dma semaphore(%arg9 : memref<!tpu.dma_semaphore, #tpu.memory_space<semaphore_mem>>) src(%dma_wait3A_367 : memref<20000x160xbf16, #tpu.memory_space<vmem_shared>>) dst(%arg7 : memref<160x160xbf16, #tpu.memory_space<vmem>>)
      %scan3A_368 = arith.constant 0 : i32
      %scan3A_369 = arith.constant 0 : i32
      %scan3A_370 = arith.constant 80 : i32
      %scan3A_371 = arith.addi %scan3A_369, %scan3A_370 : i32
      %scan3A_372 = arith.constant 2 : i32
      %scan3A_373 = scf.for %scan3A_436 = %scan3A_369 to %scan3A_371 step %scan3A_372 iter_args(%scan3A_437 = %scan3A_368) -> (i32)  : i32 {
        %get3A = arith.index_cast %scan3A_436 : i32 to index
        %get3A_438 = arith.constant 0 : index
        %get3A_439 = tpu.vector_load %arg7[%get3A, %get3A_438] {strides = array<i32>} : memref<160x160xbf16, #tpu.memory_space<vmem>>, vector<1x32xbf16>,
        %get3A_440 = vector.shape_cast %get3A_439 : vector<1x32xbf16> to vector<32xbf16>
        %add3A_441 = arith.constant 80 : i32
        %add3A_442 = arith.addi %add3A_441, %scan3A_436 : i32
        %get3A_443 = arith.index_cast %add3A_442 : i32 to index
        %get3A_444 = arith.constant 0 : index
        %get3A_445 = tpu.vector_load %arg7[%get3A_443, %get3A_444] {strides = array<i32>} : memref<160x160xbf16, #tpu.memory_space<vmem>>, vector<1x32xbf16>,
        %get3A_446 = vector.shape_cast %get3A_445 : vector<1x32xbf16> to vector<32xbf16>
        %add3A_447 = arith.addf %get3A_440, %get3A_446 : vector<32xbf16>
        %swap3A = arith.index_cast %scan3A_436 : i32 to index
        %swap3A_448 = arith.constant 0 : index
        %swap3A_449 = tpu.vector_load %arg7[%swap3A, %swap3A_448] {strides = array<i32>} : memref<160x160xbf16, #tpu.memory_space<vmem>>, vector<1x32xbf16>,
        %swap3A_450 = vector.shape_cast %swap3A_449 : vector<1x32xbf16> to vector<32xbf16>
        %swap3A_451 = vector.shape_cast %add3A_447 : vector<32xbf16> to vector<1x32xbf16>
        tpu.vector_store %arg7[%swap3A, %swap3A_448], %swap3A_451 {strides = array<i32>} : memref<160x160xbf16, #tpu.memory_space<vmem>>, vector<1x32xbf16>,
        %get3A_452 = arith.index_cast %scan3A_436 : i32 to index
        %get3A_453 = arith.constant 32 : index
        %get3A_454 = tpu.vector_load %arg7[%get3A_452, %get3A_453] {strides = array<i32>} : memref<160x160xbf16, #tpu.memory_space<vmem>>, vector<1x32xbf16>,
        %get3A_455 = vector.shape_cast %get3A_454 : vector<1x32xbf16> to vector<32xbf16>
        %add3A_456 = arith.constant 80 : i32
        %add3A_457 = arith.addi %add3A_456, %scan3A_436 : i32
        %get3A_458 = arith.index_cast %add3A_457 : i32 to index
        %get3A_459 = arith.constant 32 : index
        %get3A_460 = tpu.vector_load %arg7[%get3A_458, %get3A_459] {strides = array<i32>} : memref<160x160xbf16, #tpu.memory_space<vmem>>, vector<1x32xbf16>,
        %get3A_461 = vector.shape_cast %get3A_460 : vector<1x32xbf16> to vector<32xbf16>
        %add3A_462 = arith.addf %get3A_455, %get3A_461 : vector<32xbf16>
        %swap3A_463 = arith.index_cast %scan3A_436 : i32 to index
        %swap3A_464 = arith.constant 32 : index
        %swap3A_465 = tpu.vector_load %arg7[%swap3A_463, %swap3A_464] {strides = array<i32>} : memref<160x160xbf16, #tpu.memory_space<vmem>>, vector<1x32xbf16>,
        %swap3A_466 = vector.shape_cast %swap3A_465 : vector<1x32xbf16> to vector<32xbf16>
        %swap3A_467 = vector.shape_cast %add3A_462 : vector<32xbf16> to vector<1x32xbf16>
        tpu.vector_store %arg7[%swap3A_463, %swap3A_464], %swap3A_467 {strides = array<i32>} : memref<160x160xbf16, #tpu.memory_space<vmem>>, vector<1x32xbf16>,
        %get3A_468 = arith.index_cast %scan3A_436 : i32 to index
        %get3A_469 = arith.constant 64 : index
        %get3A_470 = tpu.vector_load %arg7[%get3A_468, %get3A_469] {strides = array<i32>} : memref<160x160xbf16, #tpu.memory_space<vmem>>, vector<1x32xbf16>,
        %get3A_471 = vector.shape_cast %get3A_470 : vector<1x32xbf16> to vector<32xbf16>
        %add3A_472 = arith.constant 80 : i32
        %add3A_473 = arith.addi %add3A_472, %scan3A_436 : i32
        %get3A_474 = arith.index_cast %add3A_473 : i32 to index
        %get3A_475 = arith.constant 64 : index
        %get3A_476 = tpu.vector_load %arg7[%get3A_474, %get3A_475] {strides = array<i32>} : memref<160x160xbf16, #tpu.memory_space<vmem>>, vector<1x32xbf16>,
        %get3A_477 = vector.shape_cast %get3A_476 : vector<1x32xbf16> to vector<32xbf16>
        %add3A_478 = arith.addf %get3A_471, %get3A_477 : vector<32xbf16>
        %swap3A_479 = arith.index_cast %scan3A_436 : i32 to index
        %swap3A_480 = arith.constant 64 : index
        %swap3A_481 = tpu.vector_load %arg7[%swap3A_479, %swap3A_480] {strides = array<i32>} : memref<160x160xbf16, #tpu.memory_space<vmem>>, vector<1x32xbf16>,
        %swap3A_482 = vector.shape_cast %swap3A_481 : vector<1x32xbf16> to vector<32xbf16>
        %swap3A_483 = vector.shape_cast %add3A_478 : vector<32xbf16> to vector<1x32xbf16>
        tpu.vector_store %arg7[%swap3A_479, %swap3A_480], %swap3A_483 {strides = array<i32>} : memref<160x160xbf16, #tpu.memory_space<vmem>>, vector<1x32xbf16>,
        %get3A_484 = arith.index_cast %scan3A_436 : i32 to index
        %get3A_485 = arith.constant 96 : index
        %get3A_486 = tpu.vector_load %arg7[%get3A_484, %get3A_485] {strides = array<i32>} : memref<160x160xbf16, #tpu.memory_space<vmem>>, vector<1x32xbf16>,
        %get3A_487 = vector.shape_cast %get3A_486 : vector<1x32xbf16> to vector<32xbf16>
        %add3A_488 = arith.constant 80 : i32
        %add3A_489 = arith.addi %add3A_488, %scan3A_436 : i32
        %get3A_490 = arith.index_cast %add3A_489 : i32 to index
        %get3A_491 = arith.constant 96 : index
        %get3A_492 = tpu.vector_load %arg7[%get3A_490, %get3A_491] {strides = array<i32>} : memref<160x160xbf16, #tpu.memory_space<vmem>>, vector<1x32xbf16>,
        %get3A_493 = vector.shape_cast %get3A_492 : vector<1x32xbf16> to vector<32xbf16>
        %add3A_494 = arith.addf %get3A_487, %get3A_493 : vector<32xbf16>
        %swap3A_495 = arith.index_cast %scan3A_436 : i32 to index
        %swap3A_496 = arith.constant 96 : index
        %swap3A_497 = tpu.vector_load %arg7[%swap3A_495, %swap3A_496] {strides = array<i32>} : memref<160x160xbf16, #tpu.memory_space<vmem>>, vector<1x32xbf16>,
        %swap3A_498 = vector.shape_cast %swap3A_497 : vector<1x32xbf16> to vector<32xbf16>
        %swap3A_499 = vector.shape_cast %add3A_494 : vector<32xbf16> to vector<1x32xbf16>
        tpu.vector_store %arg7[%swap3A_495, %swap3A_496], %swap3A_499 {strides = array<i32>} : memref<160x160xbf16, #tpu.memory_space<vmem>>, vector<1x32xbf16>,
        %get3A_500 = arith.index_cast %scan3A_436 : i32 to index
        %get3A_501 = arith.constant 128 : index
        %get3A_502 = tpu.vector_load %arg7[%get3A_500, %get3A_501] {strides = array<i32>} : memref<160x160xbf16, #tpu.memory_space<vmem>>, vector<1x32xbf16>,
        %get3A_503 = vector.shape_cast %get3A_502 : vector<1x32xbf16> to vector<32xbf16>
        %add3A_504 = arith.constant 80 : i32
        %add3A_505 = arith.addi %add3A_504, %scan3A_436 : i32
        %get3A_506 = arith.index_cast %add3A_505 : i32 to index
        %get3A_507 = arith.constant 128 : index
        %get3A_508 = tpu.vector_load %arg7[%get3A_506, %get3A_507] {strides = array<i32>} : memref<160x160xbf16, #tpu.memory_space<vmem>>, vector<1x32xbf16>,
        %get3A_509 = vector.shape_cast %get3A_508 : vector<1x32xbf16> to vector<32xbf16>
        %add3A_510 = arith.addf %get3A_503, %get3A_509 : vector<32xbf16>
        %swap3A_511 = arith.index_cast %scan3A_436 : i32 to index
        %swap3A_512 = arith.constant 128 : index
        %swap3A_513 = tpu.vector_load %arg7[%swap3A_511, %swap3A_512] {strides = array<i32>} : memref<160x160xbf16, #tpu.memory_space<vmem>>, vector<1x32xbf16>,
        %swap3A_514 = vector.shape_cast %swap3A_513 : vector<1x32xbf16> to vector<32xbf16>
        %swap3A_515 = vector.shape_cast %add3A_510 : vector<32xbf16> to vector<1x32xbf16>
        tpu.vector_store %arg7[%swap3A_511, %swap3A_512], %swap3A_515 {strides = array<i32>} : memref<160x160xbf16, #tpu.memory_space<vmem>>, vector<1x32xbf16>,
        %scan3A_516 = arith.constant 0 : i32
        %scan3A_517 = arith.constant 1 : i32
        %scan3A_518 = arith.addi %scan3A_436, %scan3A_517 : i32
        %get3A_519 = arith.index_cast %scan3A_518 : i32 to index
        %get3A_520 = arith.constant 0 : index
        %get3A_521 = tpu.vector_load %arg7[%get3A_519, %get3A_520] {strides = array<i32>} : memref<160x160xbf16, #tpu.memory_space<vmem>>, vector<1x32xbf16>,
        %get3A_522 = vector.shape_cast %get3A_521 : vector<1x32xbf16> to vector<32xbf16>
        %add3A_523 = arith.constant 80 : i32
        %add3A_524 = arith.addi %add3A_523, %scan3A_518 : i32
        %get3A_525 = arith.index_cast %add3A_524 : i32 to index
        %get3A_526 = arith.constant 0 : index
        %get3A_527 = tpu.vector_load %arg7[%get3A_525, %get3A_526] {strides = array<i32>} : memref<160x160xbf16, #tpu.memory_space<vmem>>, vector<1x32xbf16>,
        %get3A_528 = vector.shape_cast %get3A_527 : vector<1x32xbf16> to vector<32xbf16>
        %add3A_529 = arith.addf %get3A_522, %get3A_528 : vector<32xbf16>
        %swap3A_530 = arith.index_cast %scan3A_518 : i32 to index
        %swap3A_531 = arith.constant 0 : index
        %swap3A_532 = tpu.vector_load %arg7[%swap3A_530, %swap3A_531] {strides = array<i32>} : memref<160x160xbf16, #tpu.memory_space<vmem>>, vector<1x32xbf16>,
        %swap3A_533 = vector.shape_cast %swap3A_532 : vector<1x32xbf16> to vector<32xbf16>
        %swap3A_534 = vector.shape_cast %add3A_529 : vector<32xbf16> to vector<1x32xbf16>
        tpu.vector_store %arg7[%swap3A_530, %swap3A_531], %swap3A_534 {strides = array<i32>} : memref<160x160xbf16, #tpu.memory_space<vmem>>, vector<1x32xbf16>,
        %get3A_535 = arith.index_cast %scan3A_518 : i32 to index
        %get3A_536 = arith.constant 32 : index
        %get3A_537 = tpu.vector_load %arg7[%get3A_535, %get3A_536] {strides = array<i32>} : memref<160x160xbf16, #tpu.memory_space<vmem>>, vector<1x32xbf16>,
        %get3A_538 = vector.shape_cast %get3A_537 : vector<1x32xbf16> to vector<32xbf16>
        %add3A_539 = arith.constant 80 : i32
        %add3A_540 = arith.addi %add3A_539, %scan3A_518 : i32
        %get3A_541 = arith.index_cast %add3A_540 : i32 to index
        %get3A_542 = arith.constant 32 : index
        %get3A_543 = tpu.vector_load %arg7[%get3A_541, %get3A_542] {strides = array<i32>} : memref<160x160xbf16, #tpu.memory_space<vmem>>, vector<1x32xbf16>,
        %get3A_544 = vector.shape_cast %get3A_543 : vector<1x32xbf16> to vector<32xbf16>
        %add3A_545 = arith.addf %get3A_538, %get3A_544 : vector<32xbf16>
        %swap3A_546 = arith.index_cast %scan3A_518 : i32 to index
        %swap3A_547 = arith.constant 32 : index
        %swap3A_548 = tpu.vector_load %arg7[%swap3A_546, %swap3A_547] {strides = array<i32>} : memref<160x160xbf16, #tpu.memory_space<vmem>>, vector<1x32xbf16>,
        %swap3A_549 = vector.shape_cast %swap3A_548 : vector<1x32xbf16> to vector<32xbf16>
        %swap3A_550 = vector.shape_cast %add3A_545 : vector<32xbf16> to vector<1x32xbf16>
        tpu.vector_store %arg7[%swap3A_546, %swap3A_547], %swap3A_550 {strides = array<i32>} : memref<160x160xbf16, #tpu.memory_space<vmem>>, vector<1x32xbf16>,
        %get3A_551 = arith.index_cast %scan3A_518 : i32 to index
        %get3A_552 = arith.constant 64 : index
        %get3A_553 = tpu.vector_load %arg7[%get3A_551, %get3A_552] {strides = array<i32>} : memref<160x160xbf16, #tpu.memory_space<vmem>>, vector<1x32xbf16>,
        %get3A_554 = vector.shape_cast %get3A_553 : vector<1x32xbf16> to vector<32xbf16>
        %add3A_555 = arith.constant 80 : i32
        %add3A_556 = arith.addi %add3A_555, %scan3A_518 : i32
        %get3A_557 = arith.index_cast %add3A_556 : i32 to index
        %get3A_558 = arith.constant 64 : index
        %get3A_559 = tpu.vector_load %arg7[%get3A_557, %get3A_558] {strides = array<i32>} : memref<160x160xbf16, #tpu.memory_space<vmem>>, vector<1x32xbf16>,
        %get3A_560 = vector.shape_cast %get3A_559 : vector<1x32xbf16> to vector<32xbf16>
        %add3A_561 = arith.addf %get3A_554, %get3A_560 : vector<32xbf16>
        %swap3A_562 = arith.index_cast %scan3A_518 : i32 to index
        %swap3A_563 = arith.constant 64 : index
        %swap3A_564 = tpu.vector_load %arg7[%swap3A_562, %swap3A_563] {strides = array<i32>} : memref<160x160xbf16, #tpu.memory_space<vmem>>, vector<1x32xbf16>,
        %swap3A_565 = vector.shape_cast %swap3A_564 : vector<1x32xbf16> to vector<32xbf16>
        %swap3A_566 = vector.shape_cast %add3A_561 : vector<32xbf16> to vector<1x32xbf16>
        tpu.vector_store %arg7[%swap3A_562, %swap3A_563], %swap3A_566 {strides = array<i32>} : memref<160x160xbf16, #tpu.memory_space<vmem>>, vector<1x32xbf16>,
        %get3A_567 = arith.index_cast %scan3A_518 : i32 to index
        %get3A_568 = arith.constant 96 : index
        %get3A_569 = tpu.vector_load %arg7[%get3A_567, %get3A_568] {strides = array<i32>} : memref<160x160xbf16, #tpu.memory_space<vmem>>, vector<1x32xbf16>,
        %get3A_570 = vector.shape_cast %get3A_569 : vector<1x32xbf16> to vector<32xbf16>
        %add3A_571 = arith.constant 80 : i32
        %add3A_572 = arith.addi %add3A_571, %scan3A_518 : i32
        %get3A_573 = arith.index_cast %add3A_572 : i32 to index
        %get3A_574 = arith.constant 96 : index
        %get3A_575 = tpu.vector_load %arg7[%get3A_573, %get3A_574] {strides = array<i32>} : memref<160x160xbf16, #tpu.memory_space<vmem>>, vector<1x32xbf16>,
        %get3A_576 = vector.shape_cast %get3A_575 : vector<1x32xbf16> to vector<32xbf16>
        %add3A_577 = arith.addf %get3A_570, %get3A_576 : vector<32xbf16>
        %swap3A_578 = arith.index_cast %scan3A_518 : i32 to index
        %swap3A_579 = arith.constant 96 : index
        %swap3A_580 = tpu.vector_load %arg7[%swap3A_578, %swap3A_579] {strides = array<i32>} : memref<160x160xbf16, #tpu.memory_space<vmem>>, vector<1x32xbf16>,
        %swap3A_581 = vector.shape_cast %swap3A_580 : vector<1x32xbf16> to vector<32xbf16>
        %swap3A_582 = vector.shape_cast %add3A_577 : vector<32xbf16> to vector<1x32xbf16>
        tpu.vector_store %arg7[%swap3A_578, %swap3A_579], %swap3A_582 {strides = array<i32>} : memref<160x160xbf16, #tpu.memory_space<vmem>>, vector<1x32xbf16>,
        %get3A_583 = arith.index_cast %scan3A_518 : i32 to index
        %get3A_584 = arith.constant 128 : index
        %get3A_585 = tpu.vector_load %arg7[%get3A_583, %get3A_584] {strides = array<i32>} : memref<160x160xbf16, #tpu.memory_space<vmem>>, vector<1x32xbf16>,
        %get3A_586 = vector.shape_cast %get3A_585 : vector<1x32xbf16> to vector<32xbf16>
        %add3A_587 = arith.constant 80 : i32
        %add3A_588 = arith.addi %add3A_587, %scan3A_518 : i32
        %get3A_589 = arith.index_cast %add3A_588 : i32 to index
        %get3A_590 = arith.constant 128 : index
        %get3A_591 = tpu.vector_load %arg7[%get3A_589, %get3A_590] {strides = array<i32>} : memref<160x160xbf16, #tpu.memory_space<vmem>>, vector<1x32xbf16>,
        %get3A_592 = vector.shape_cast %get3A_591 : vector<1x32xbf16> to vector<32xbf16>
        %add3A_593 = arith.addf %get3A_586, %get3A_592 : vector<32xbf16>
        %swap3A_594 = arith.index_cast %scan3A_518 : i32 to index
        %swap3A_595 = arith.constant 128 : index
        %swap3A_596 = tpu.vector_load %arg7[%swap3A_594, %swap3A_595] {strides = array<i32>} : memref<160x160xbf16, #tpu.memory_space<vmem>>, vector<1x32xbf16>,
        %swap3A_597 = vector.shape_cast %swap3A_596 : vector<1x32xbf16> to vector<32xbf16>
        %swap3A_598 = vector.shape_cast %add3A_593 : vector<32xbf16> to vector<1x32xbf16>
        tpu.vector_store %arg7[%swap3A_594, %swap3A_595], %swap3A_598 {strides = array<i32>} : memref<160x160xbf16, #tpu.memory_space<vmem>>, vector<1x32xbf16>,
        %scan3A_599 = arith.constant 0 : i32
        scf.yield %scan3A_599 : i32
      }
      %scan3A_374 = arith.constant 80 : i32
      %mul3A_375 = arith.constant 80 : i32
      %mul3A_376 = arith.muli %mul3A_349, %mul3A_375 : i32
      %add3A_377 = arith.addi %add3A_211, %mul3A_376 : i32
      %dma_start3A_378 = arith.constant 0 : i32
      %dma_start3A_379 = arith.constant 0 : i32
      %dma_start3A_380 = tpu.memref_slice %arg7[%dma_start3A_378, %dma_start3A_379] : memref<160x160xbf16, #tpu.memory_space<vmem>> -> memref<80x160xbf16, #tpu.memory_space<vmem>>
      %dma_start3A_381 = arith.constant 0 : i32
      %dma_start3A_382 = tpu.memref_slice %arg4[%add3A_377, %dma_start3A_381] : memref<320000x160xbf16, #tpu.memory_space<hbm>> -> memref<80x160xbf16, #tpu.memory_space<hbm>>
      %dma_start3A_383 = arith.constant 0 : i32
      %dma_start3A_384 = tpu.memref_slice %arg4[%add3A_377, %dma_start3A_383] : memref<320000x160xbf16, #tpu.memory_space<hbm>> -> memref<80x160xbf16, #tpu.memory_space<hbm>>
      %dma_start3A_385 = arith.constant 0 : i32
      %dma_start3A_386 = arith.constant 0 : i32
      %dma_start3A_387 = tpu.memref_slice %arg7[%dma_start3A_385, %dma_start3A_386] : memref<160x160xbf16, #tpu.memory_space<vmem>> -> memref<80x160xbf16, #tpu.memory_space<vmem>>
      tpu.enqueue_dma source(%dma_start3A_387 : memref<80x160xbf16, #tpu.memory_space<vmem>>) target(%dma_start3A_384 : memref<80x160xbf16, #tpu.memory_space<hbm>>) target_semaphore(%arg11 : memref<!tpu.dma_semaphore, #tpu.memory_space<semaphore_mem>>)
      %dma_wait3A_388 = arith.constant 0 : i32
      %dma_wait3A_389 = tpu.memref_slice %arg6[%add3A_353, %dma_wait3A_388] : memref<25x160xi32, #tpu.memory_space<vmem>> -> memref<1x160xi32, #tpu.memory_space<vmem>>
      %dma_wait3A_390 = tpu.memref_squeeze %dma_wait3A_389 : memref<1x160xi32, #tpu.memory_space<vmem>> -> memref<160xi32, #tpu.memory_space<vmem>>
      %dma_wait3A_391 = arith.constant 0 : i32
      %dma_wait3A_392 = arith.constant 0 : i32
      %dma_wait3A_393 = tpu.memref_slice %arg5[%dma_wait3A_391, %dma_wait3A_392] : memref<20000x160xbf16, #tpu.memory_space<vmem_shared>> -> memref<20000x160xbf16, #tpu.memory_space<vmem_shared>>
      tpu.wait_indirect_dma semaphore(%arg10 : memref<!tpu.dma_semaphore, #tpu.memory_space<semaphore_mem>>) src(%dma_wait3A_393 : memref<20000x160xbf16, #tpu.memory_space<vmem_shared>>) dst(%arg8 : memref<160x160xbf16, #tpu.memory_space<vmem>>)
      %scan3A_394 = arith.constant 0 : i32
      %scan3A_395 = arith.constant 0 : i32
      %scan3A_396 = arith.constant 80 : i32
      %scan3A_397 = arith.addi %scan3A_395, %scan3A_396 : i32
      %scan3A_398 = arith.constant 2 : i32
      %scan3A_399 = scf.for %scan3A_436 = %scan3A_395 to %scan3A_397 step %scan3A_398 iter_args(%scan3A_437 = %scan3A_394) -> (i32)  : i32 {
        %get3A = arith.index_cast %scan3A_436 : i32 to index
        %get3A_438 = arith.constant 0 : index
        %get3A_439 = tpu.vector_load %arg8[%get3A, %get3A_438] {strides = array<i32>} : memref<160x160xbf16, #tpu.memory_space<vmem>>, vector<1x32xbf16>,
        %get3A_440 = vector.shape_cast %get3A_439 : vector<1x32xbf16> to vector<32xbf16>
        %add3A_441 = arith.constant 80 : i32
        %add3A_442 = arith.addi %add3A_441, %scan3A_436 : i32
        %get3A_443 = arith.index_cast %add3A_442 : i32 to index
        %get3A_444 = arith.constant 0 : index
        %get3A_445 = tpu.vector_load %arg8[%get3A_443, %get3A_444] {strides = array<i32>} : memref<160x160xbf16, #tpu.memory_space<vmem>>, vector<1x32xbf16>,
        %get3A_446 = vector.shape_cast %get3A_445 : vector<1x32xbf16> to vector<32xbf16>
        %add3A_447 = arith.addf %get3A_440, %get3A_446 : vector<32xbf16>
        %swap3A = arith.index_cast %scan3A_436 : i32 to index
        %swap3A_448 = arith.constant 0 : index
        %swap3A_449 = tpu.vector_load %arg8[%swap3A, %swap3A_448] {strides = array<i32>} : memref<160x160xbf16, #tpu.memory_space<vmem>>, vector<1x32xbf16>,
        %swap3A_450 = vector.shape_cast %swap3A_449 : vector<1x32xbf16> to vector<32xbf16>
        %swap3A_451 = vector.shape_cast %add3A_447 : vector<32xbf16> to vector<1x32xbf16>
        tpu.vector_store %arg8[%swap3A, %swap3A_448], %swap3A_451 {strides = array<i32>} : memref<160x160xbf16, #tpu.memory_space<vmem>>, vector<1x32xbf16>,
        %get3A_452 = arith.index_cast %scan3A_436 : i32 to index
        %get3A_453 = arith.constant 32 : index
        %get3A_454 = tpu.vector_load %arg8[%get3A_452, %get3A_453] {strides = array<i32>} : memref<160x160xbf16, #tpu.memory_space<vmem>>, vector<1x32xbf16>,
        %get3A_455 = vector.shape_cast %get3A_454 : vector<1x32xbf16> to vector<32xbf16>
        %add3A_456 = arith.constant 80 : i32
        %add3A_457 = arith.addi %add3A_456, %scan3A_436 : i32
        %get3A_458 = arith.index_cast %add3A_457 : i32 to index
        %get3A_459 = arith.constant 32 : index
        %get3A_460 = tpu.vector_load %arg8[%get3A_458, %get3A_459] {strides = array<i32>} : memref<160x160xbf16, #tpu.memory_space<vmem>>, vector<1x32xbf16>,
        %get3A_461 = vector.shape_cast %get3A_460 : vector<1x32xbf16> to vector<32xbf16>
        %add3A_462 = arith.addf %get3A_455, %get3A_461 : vector<32xbf16>
        %swap3A_463 = arith.index_cast %scan3A_436 : i32 to index
        %swap3A_464 = arith.constant 32 : index
        %swap3A_465 = tpu.vector_load %arg8[%swap3A_463, %swap3A_464] {strides = array<i32>} : memref<160x160xbf16, #tpu.memory_space<vmem>>, vector<1x32xbf16>,
        %swap3A_466 = vector.shape_cast %swap3A_465 : vector<1x32xbf16> to vector<32xbf16>
        %swap3A_467 = vector.shape_cast %add3A_462 : vector<32xbf16> to vector<1x32xbf16>
        tpu.vector_store %arg8[%swap3A_463, %swap3A_464], %swap3A_467 {strides = array<i32>} : memref<160x160xbf16, #tpu.memory_space<vmem>>, vector<1x32xbf16>,
        %get3A_468 = arith.index_cast %scan3A_436 : i32 to index
        %get3A_469 = arith.constant 64 : index
        %get3A_470 = tpu.vector_load %arg8[%get3A_468, %get3A_469] {strides = array<i32>} : memref<160x160xbf16, #tpu.memory_space<vmem>>, vector<1x32xbf16>,
        %get3A_471 = vector.shape_cast %get3A_470 : vector<1x32xbf16> to vector<32xbf16>
        %add3A_472 = arith.constant 80 : i32
        %add3A_473 = arith.addi %add3A_472, %scan3A_436 : i32
        %get3A_474 = arith.index_cast %add3A_473 : i32 to index
        %get3A_475 = arith.constant 64 : index
        %get3A_476 = tpu.vector_load %arg8[%get3A_474, %get3A_475] {strides = array<i32>} : memref<160x160xbf16, #tpu.memory_space<vmem>>, vector<1x32xbf16>,
        %get3A_477 = vector.shape_cast %get3A_476 : vector<1x32xbf16> to vector<32xbf16>
        %add3A_478 = arith.addf %get3A_471, %get3A_477 : vector<32xbf16>
        %swap3A_479 = arith.index_cast %scan3A_436 : i32 to index
        %swap3A_480 = arith.constant 64 : index
        %swap3A_481 = tpu.vector_load %arg8[%swap3A_479, %swap3A_480] {strides = array<i32>} : memref<160x160xbf16, #tpu.memory_space<vmem>>, vector<1x32xbf16>,
        %swap3A_482 = vector.shape_cast %swap3A_481 : vector<1x32xbf16> to vector<32xbf16>
        %swap3A_483 = vector.shape_cast %add3A_478 : vector<32xbf16> to vector<1x32xbf16>
        tpu.vector_store %arg8[%swap3A_479, %swap3A_480], %swap3A_483 {strides = array<i32>} : memref<160x160xbf16, #tpu.memory_space<vmem>>, vector<1x32xbf16>,
        %get3A_484 = arith.index_cast %scan3A_436 : i32 to index
        %get3A_485 = arith.constant 96 : index
        %get3A_486 = tpu.vector_load %arg8[%get3A_484, %get3A_485] {strides = array<i32>} : memref<160x160xbf16, #tpu.memory_space<vmem>>, vector<1x32xbf16>,
        %get3A_487 = vector.shape_cast %get3A_486 : vector<1x32xbf16> to vector<32xbf16>
        %add3A_488 = arith.constant 80 : i32
        %add3A_489 = arith.addi %add3A_488, %scan3A_436 : i32
        %get3A_490 = arith.index_cast %add3A_489 : i32 to index
        %get3A_491 = arith.constant 96 : index
        %get3A_492 = tpu.vector_load %arg8[%get3A_490, %get3A_491] {strides = array<i32>} : memref<160x160xbf16, #tpu.memory_space<vmem>>, vector<1x32xbf16>,
        %get3A_493 = vector.shape_cast %get3A_492 : vector<1x32xbf16> to vector<32xbf16>
        %add3A_494 = arith.addf %get3A_487, %get3A_493 : vector<32xbf16>
        %swap3A_495 = arith.index_cast %scan3A_436 : i32 to index
        %swap3A_496 = arith.constant 96 : index
        %swap3A_497 = tpu.vector_load %arg8[%swap3A_495, %swap3A_496] {strides = array<i32>} : memref<160x160xbf16, #tpu.memory_space<vmem>>, vector<1x32xbf16>,
        %swap3A_498 = vector.shape_cast %swap3A_497 : vector<1x32xbf16> to vector<32xbf16>
        %swap3A_499 = vector.shape_cast %add3A_494 : vector<32xbf16> to vector<1x32xbf16>
        tpu.vector_store %arg8[%swap3A_495, %swap3A_496], %swap3A_499 {strides = array<i32>} : memref<160x160xbf16, #tpu.memory_space<vmem>>, vector<1x32xbf16>,
        %get3A_500 = arith.index_cast %scan3A_436 : i32 to index
        %get3A_501 = arith.constant 128 : index
        %get3A_502 = tpu.vector_load %arg8[%get3A_500, %get3A_501] {strides = array<i32>} : memref<160x160xbf16, #tpu.memory_space<vmem>>, vector<1x32xbf16>,
        %get3A_503 = vector.shape_cast %get3A_502 : vector<1x32xbf16> to vector<32xbf16>
        %add3A_504 = arith.constant 80 : i32
        %add3A_505 = arith.addi %add3A_504, %scan3A_436 : i32
        %get3A_506 = arith.index_cast %add3A_505 : i32 to index
        %get3A_507 = arith.constant 128 : index
        %get3A_508 = tpu.vector_load %arg8[%get3A_506, %get3A_507] {strides = array<i32>} : memref<160x160xbf16, #tpu.memory_space<vmem>>, vector<1x32xbf16>,
        %get3A_509 = vector.shape_cast %get3A_508 : vector<1x32xbf16> to vector<32xbf16>
        %add3A_510 = arith.addf %get3A_503, %get3A_509 : vector<32xbf16>
        %swap3A_511 = arith.index_cast %scan3A_436 : i32 to index
        %swap3A_512 = arith.constant 128 : index
        %swap3A_513 = tpu.vector_load %arg8[%swap3A_511, %swap3A_512] {strides = array<i32>} : memref<160x160xbf16, #tpu.memory_space<vmem>>, vector<1x32xbf16>,
        %swap3A_514 = vector.shape_cast %swap3A_513 : vector<1x32xbf16> to vector<32xbf16>
        %swap3A_515 = vector.shape_cast %add3A_510 : vector<32xbf16> to vector<1x32xbf16>
        tpu.vector_store %arg8[%swap3A_511, %swap3A_512], %swap3A_515 {strides = array<i32>} : memref<160x160xbf16, #tpu.memory_space<vmem>>, vector<1x32xbf16>,
        %scan3A_516 = arith.constant 0 : i32
        %scan3A_517 = arith.constant 1 : i32
        %scan3A_518 = arith.addi %scan3A_436, %scan3A_517 : i32
        %get3A_519 = arith.index_cast %scan3A_518 : i32 to index
        %get3A_520 = arith.constant 0 : index
        %get3A_521 = tpu.vector_load %arg8[%get3A_519, %get3A_520] {strides = array<i32>} : memref<160x160xbf16, #tpu.memory_space<vmem>>, vector<1x32xbf16>,
        %get3A_522 = vector.shape_cast %get3A_521 : vector<1x32xbf16> to vector<32xbf16>
        %add3A_523 = arith.constant 80 : i32
        %add3A_524 = arith.addi %add3A_523, %scan3A_518 : i32
        %get3A_525 = arith.index_cast %add3A_524 : i32 to index
        %get3A_526 = arith.constant 0 : index
        %get3A_527 = tpu.vector_load %arg8[%get3A_525, %get3A_526] {strides = array<i32>} : memref<160x160xbf16, #tpu.memory_space<vmem>>, vector<1x32xbf16>,
        %get3A_528 = vector.shape_cast %get3A_527 : vector<1x32xbf16> to vector<32xbf16>
        %add3A_529 = arith.addf %get3A_522, %get3A_528 : vector<32xbf16>
        %swap3A_530 = arith.index_cast %scan3A_518 : i32 to index
        %swap3A_531 = arith.constant 0 : index
        %swap3A_532 = tpu.vector_load %arg8[%swap3A_530, %swap3A_531] {strides = array<i32>} : memref<160x160xbf16, #tpu.memory_space<vmem>>, vector<1x32xbf16>,
        %swap3A_533 = vector.shape_cast %swap3A_532 : vector<1x32xbf16> to vector<32xbf16>
        %swap3A_534 = vector.shape_cast %add3A_529 : vector<32xbf16> to vector<1x32xbf16>
        tpu.vector_store %arg8[%swap3A_530, %swap3A_531], %swap3A_534 {strides = array<i32>} : memref<160x160xbf16, #tpu.memory_space<vmem>>, vector<1x32xbf16>,
        %get3A_535 = arith.index_cast %scan3A_518 : i32 to index
        %get3A_536 = arith.constant 32 : index
        %get3A_537 = tpu.vector_load %arg8[%get3A_535, %get3A_536] {strides = array<i32>} : memref<160x160xbf16, #tpu.memory_space<vmem>>, vector<1x32xbf16>,
        %get3A_538 = vector.shape_cast %get3A_537 : vector<1x32xbf16> to vector<32xbf16>
        %add3A_539 = arith.constant 80 : i32
        %add3A_540 = arith.addi %add3A_539, %scan3A_518 : i32
        %get3A_541 = arith.index_cast %add3A_540 : i32 to index
        %get3A_542 = arith.constant 32 : index
        %get3A_543 = tpu.vector_load %arg8[%get3A_541, %get3A_542] {strides = array<i32>} : memref<160x160xbf16, #tpu.memory_space<vmem>>, vector<1x32xbf16>,
        %get3A_544 = vector.shape_cast %get3A_543 : vector<1x32xbf16> to vector<32xbf16>
        %add3A_545 = arith.addf %get3A_538, %get3A_544 : vector<32xbf16>
        %swap3A_546 = arith.index_cast %scan3A_518 : i32 to index
        %swap3A_547 = arith.constant 32 : index
        %swap3A_548 = tpu.vector_load %arg8[%swap3A_546, %swap3A_547] {strides = array<i32>} : memref<160x160xbf16, #tpu.memory_space<vmem>>, vector<1x32xbf16>,
        %swap3A_549 = vector.shape_cast %swap3A_548 : vector<1x32xbf16> to vector<32xbf16>
        %swap3A_550 = vector.shape_cast %add3A_545 : vector<32xbf16> to vector<1x32xbf16>
        tpu.vector_store %arg8[%swap3A_546, %swap3A_547], %swap3A_550 {strides = array<i32>} : memref<160x160xbf16, #tpu.memory_space<vmem>>, vector<1x32xbf16>,
        %get3A_551 = arith.index_cast %scan3A_518 : i32 to index
        %get3A_552 = arith.constant 64 : index
        %get3A_553 = tpu.vector_load %arg8[%get3A_551, %get3A_552] {strides = array<i32>} : memref<160x160xbf16, #tpu.memory_space<vmem>>, vector<1x32xbf16>,
        %get3A_554 = vector.shape_cast %get3A_553 : vector<1x32xbf16> to vector<32xbf16>
        %add3A_555 = arith.constant 80 : i32
        %add3A_556 = arith.addi %add3A_555, %scan3A_518 : i32
        %get3A_557 = arith.index_cast %add3A_556 : i32 to index
        %get3A_558 = arith.constant 64 : index
        %get3A_559 = tpu.vector_load %arg8[%get3A_557, %get3A_558] {strides = array<i32>} : memref<160x160xbf16, #tpu.memory_space<vmem>>, vector<1x32xbf16>,
        %get3A_560 = vector.shape_cast %get3A_559 : vector<1x32xbf16> to vector<32xbf16>
        %add3A_561 = arith.addf %get3A_554, %get3A_560 : vector<32xbf16>
        %swap3A_562 = arith.index_cast %scan3A_518 : i32 to index
        %swap3A_563 = arith.constant 64 : index
        %swap3A_564 = tpu.vector_load %arg8[%swap3A_562, %swap3A_563] {strides = array<i32>} : memref<160x160xbf16, #tpu.memory_space<vmem>>, vector<1x32xbf16>,
        %swap3A_565 = vector.shape_cast %swap3A_564 : vector<1x32xbf16> to vector<32xbf16>
        %swap3A_566 = vector.shape_cast %add3A_561 : vector<32xbf16> to vector<1x32xbf16>
        tpu.vector_store %arg8[%swap3A_562, %swap3A_563], %swap3A_566 {strides = array<i32>} : memref<160x160xbf16, #tpu.memory_space<vmem>>, vector<1x32xbf16>,
        %get3A_567 = arith.index_cast %scan3A_518 : i32 to index
        %get3A_568 = arith.constant 96 : index
        %get3A_569 = tpu.vector_load %arg8[%get3A_567, %get3A_568] {strides = array<i32>} : memref<160x160xbf16, #tpu.memory_space<vmem>>, vector<1x32xbf16>,
        %get3A_570 = vector.shape_cast %get3A_569 : vector<1x32xbf16> to vector<32xbf16>
        %add3A_571 = arith.constant 80 : i32
        %add3A_572 = arith.addi %add3A_571, %scan3A_518 : i32
        %get3A_573 = arith.index_cast %add3A_572 : i32 to index
        %get3A_574 = arith.constant 96 : index
        %get3A_575 = tpu.vector_load %arg8[%get3A_573, %get3A_574] {strides = array<i32>} : memref<160x160xbf16, #tpu.memory_space<vmem>>, vector<1x32xbf16>,
        %get3A_576 = vector.shape_cast %get3A_575 : vector<1x32xbf16> to vector<32xbf16>
        %add3A_577 = arith.addf %get3A_570, %get3A_576 : vector<32xbf16>
        %swap3A_578 = arith.index_cast %scan3A_518 : i32 to index
        %swap3A_579 = arith.constant 96 : index
        %swap3A_580 = tpu.vector_load %arg8[%swap3A_578, %swap3A_579] {strides = array<i32>} : memref<160x160xbf16, #tpu.memory_space<vmem>>, vector<1x32xbf16>,
        %swap3A_581 = vector.shape_cast %swap3A_580 : vector<1x32xbf16> to vector<32xbf16>
        %swap3A_582 = vector.shape_cast %add3A_577 : vector<32xbf16> to vector<1x32xbf16>
        tpu.vector_store %arg8[%swap3A_578, %swap3A_579], %swap3A_582 {strides = array<i32>} : memref<160x160xbf16, #tpu.memory_space<vmem>>, vector<1x32xbf16>,
        %get3A_583 = arith.index_cast %scan3A_518 : i32 to index
        %get3A_584 = arith.constant 128 : index
        %get3A_585 = tpu.vector_load %arg8[%get3A_583, %get3A_584] {strides = array<i32>} : memref<160x160xbf16, #tpu.memory_space<vmem>>, vector<1x32xbf16>,
        %get3A_586 = vector.shape_cast %get3A_585 : vector<1x32xbf16> to vector<32xbf16>
        %add3A_587 = arith.constant 80 : i32
        %add3A_588 = arith.addi %add3A_587, %scan3A_518 : i32
        %get3A_589 = arith.index_cast %add3A_588 : i32 to index
        %get3A_590 = arith.constant 128 : index
        %get3A_591 = tpu.vector_load %arg8[%get3A_589, %get3A_590] {strides = array<i32>} : memref<160x160xbf16, #tpu.memory_space<vmem>>, vector<1x32xbf16>,
        %get3A_592 = vector.shape_cast %get3A_591 : vector<1x32xbf16> to vector<32xbf16>
        %add3A_593 = arith.addf %get3A_586, %get3A_592 : vector<32xbf16>
        %swap3A_594 = arith.index_cast %scan3A_518 : i32 to index
        %swap3A_595 = arith.constant 128 : index
        %swap3A_596 = tpu.vector_load %arg8[%swap3A_594, %swap3A_595] {strides = array<i32>} : memref<160x160xbf16, #tpu.memory_space<vmem>>, vector<1x32xbf16>,
        %swap3A_597 = vector.shape_cast %swap3A_596 : vector<1x32xbf16> to vector<32xbf16>
        %swap3A_598 = vector.shape_cast %add3A_593 : vector<32xbf16> to vector<1x32xbf16>
        tpu.vector_store %arg8[%swap3A_594, %swap3A_595], %swap3A_598 {strides = array<i32>} : memref<160x160xbf16, #tpu.memory_space<vmem>>, vector<1x32xbf16>,
        %scan3A_599 = arith.constant 0 : i32
        scf.yield %scan3A_599 : i32
      }
      %scan3A_400 = arith.constant 80 : i32
      %mul3A_401 = arith.constant 80 : i32
      %mul3A_402 = arith.muli %add3A_353, %mul3A_401 : i32
      %add3A_403 = arith.addi %add3A_211, %mul3A_402 : i32
      %dma_start3A_404 = arith.constant 0 : i32
      %dma_start3A_405 = arith.constant 0 : i32
      %dma_start3A_406 = tpu.memref_slice %arg8[%dma_start3A_404, %dma_start3A_405] : memref<160x160xbf16, #tpu.memory_space<vmem>> -> memref<80x160xbf16, #tpu.memory_space<vmem>>
      %dma_start3A_407 = arith.constant 0 : i32
      %dma_start3A_408 = tpu.memref_slice %arg4[%add3A_403, %dma_start3A_407] : memref<320000x160xbf16, #tpu.memory_space<hbm>> -> memref<80x160xbf16, #tpu.memory_space<hbm>>
      %dma_start3A_409 = arith.constant 0 : i32
      %dma_start3A_410 = tpu.memref_slice %arg4[%add3A_403, %dma_start3A_409] : memref<320000x160xbf16, #tpu.memory_space<hbm>> -> memref<80x160xbf16, #tpu.memory_space<hbm>>
      %dma_start3A_411 = arith.constant 0 : i32
      %dma_start3A_412 = arith.constant 0 : i32
      %dma_start3A_413 = tpu.memref_slice %arg8[%dma_start3A_411, %dma_start3A_412] : memref<160x160xbf16, #tpu.memory_space<vmem>> -> memref<80x160xbf16, #tpu.memory_space<vmem>>
      tpu.enqueue_dma source(%dma_start3A_413 : memref<80x160xbf16, #tpu.memory_space<vmem>>) target(%dma_start3A_410 : memref<80x160xbf16, #tpu.memory_space<hbm>>) target_semaphore(%arg12 : memref<!tpu.dma_semaphore, #tpu.memory_space<semaphore_mem>>)
      %mul3A_414 = arith.constant 80 : i32
      %mul3A_415 = arith.muli %mul3A_349, %mul3A_414 : i32
      %add3A_416 = arith.addi %add3A_211, %mul3A_415 : i32
      %dma_wait3A_417 = arith.constant 0 : i32
      %dma_wait3A_418 = arith.constant 0 : i32
      %dma_wait3A_419 = tpu.memref_slice %arg7[%dma_wait3A_417, %dma_wait3A_418] : memref<160x160xbf16, #tpu.memory_space<vmem>> -> memref<80x160xbf16, #tpu.memory_space<vmem>>
      %dma_wait3A_420 = arith.constant 0 : i32
      %dma_wait3A_421 = tpu.memref_slice %arg4[%add3A_416, %dma_wait3A_420] : memref<320000x160xbf16, #tpu.memory_space<hbm>> -> memref<80x160xbf16, #tpu.memory_space<hbm>>
      %dma_wait3A_422 = arith.constant 0 : i32
      %dma_wait3A_423 = tpu.memref_slice %arg4[%add3A_416, %dma_wait3A_422] : memref<320000x160xbf16, #tpu.memory_space<hbm>> -> memref<80x160xbf16, #tpu.memory_space<hbm>>
      %dma_wait3A_424 = arith.constant 0 : i32
      %dma_wait3A_425 = arith.constant 0 : i32
      %dma_wait3A_426 = tpu.memref_slice %arg7[%dma_wait3A_424, %dma_wait3A_425] : memref<160x160xbf16, #tpu.memory_space<vmem>> -> memref<80x160xbf16, #tpu.memory_space<vmem>>
      tpu.wait_dma2 semaphore(%arg11 : memref<!tpu.dma_semaphore, #tpu.memory_space<semaphore_mem>>) src(%dma_wait3A_426 : memref<80x160xbf16, #tpu.memory_space<vmem>>) dst(%dma_wait3A_423 : memref<80x160xbf16, #tpu.memory_space<hbm>>)
      %add3A_427 = arith.constant 2 : i32
      %add3A_428 = arith.addi %mul3A_349, %add3A_427 : i32
      %dma_start3A_429 = arith.constant 0 : i32
      %dma_start3A_430 = tpu.memref_slice %arg6[%add3A_428, %dma_start3A_429] : memref<25x160xi32, #tpu.memory_space<vmem>> -> memref<1x160xi32, #tpu.memory_space<vmem>>
      %dma_start3A_431 = tpu.memref_squeeze %dma_start3A_430 : memref<1x160xi32, #tpu.memory_space<vmem>> -> memref<160xi32, #tpu.memory_space<vmem>>
      %dma_start3A_432 = arith.constant 0 : i32
      %dma_start3A_433 = arith.constant 0 : i32
      %dma_start3A_434 = tpu.memref_slice %arg5[%dma_start3A_432, %dma_start3A_433] : memref<20000x160xbf16, #tpu.memory_space<vmem_shared>> -> memref<20000x160xbf16, #tpu.memory_space<vmem_shared>>
      tpu.enqueue_indirect_dma source(%dma_start3A_434 : memref<20000x160xbf16, #tpu.memory_space<vmem_shared>>) target(%arg7 : memref<160x160xbf16, #tpu.memory_space<vmem>>) offsets(%dma_start3A_431 : memref<160xi32, #tpu.memory_space<vmem>>) semaphore(%arg9 : memref<!tpu.dma_semaphore, #tpu.memory_space<semaphore_mem>>)
      %scan3A_435 = arith.constant 0 : i32
      scf.yield %scan3A_435 : i32
    }
    %scan3A_226 = arith.constant 12 : i32
    %dma_wait3A_227 = arith.constant 24 : i32
    %dma_wait3A_228 = arith.constant 0 : i32
    %dma_wait3A_229 = tpu.memref_slice %arg6[%dma_wait3A_227, %dma_wait3A_228] : memref<25x160xi32, #tpu.memory_space<vmem>> -> memref<1x160xi32, #tpu.memory_space<vmem>>
    %dma_wait3A_230 = tpu.memref_squeeze %dma_wait3A_229 : memref<1x160xi32, #tpu.memory_space<vmem>> -> memref<160xi32, #tpu.memory_space<vmem>>
    %dma_wait3A_231 = arith.constant 0 : i32
    %dma_wait3A_232 = arith.constant 0 : i32
    %dma_wait3A_233 = tpu.memref_slice %arg5[%dma_wait3A_231, %dma_wait3A_232] : memref<20000x160xbf16, #tpu.memory_space<vmem_shared>> -> memref<20000x160xbf16, #tpu.memory_space<vmem_shared>>
    tpu.wait_indirect_dma semaphore(%arg9 : memref<!tpu.dma_semaphore, #tpu.memory_space<semaphore_mem>>) src(%dma_wait3A_233 : memref<20000x160xbf16, #tpu.memory_space<vmem_shared>>) dst(%arg7 : memref<160x160xbf16, #tpu.memory_space<vmem>>)
    %scan3A_234 = arith.constant 0 : i32
    %scan3A_235 = arith.constant 0 : i32
    %scan3A_236 = arith.constant 80 : i32
    %scan3A_237 = arith.addi %scan3A_235, %scan3A_236 : i32
    %scan3A_238 = arith.constant 2 : i32
    %scan3A_239 = scf.for %scan3A_346 = %scan3A_235 to %scan3A_237 step %scan3A_238 iter_args(%scan3A_347 = %scan3A_234) -> (i32)  : i32 {
      %get3A = arith.index_cast %scan3A_346 : i32 to index
      %get3A_348 = arith.constant 0 : index
      %get3A_349 = tpu.vector_load %arg7[%get3A, %get3A_348] {strides = array<i32>} : memref<160x160xbf16, #tpu.memory_space<vmem>>, vector<1x32xbf16>,
      %get3A_350 = vector.shape_cast %get3A_349 : vector<1x32xbf16> to vector<32xbf16>
      %add3A_351 = arith.constant 80 : i32
      %add3A_352 = arith.addi %add3A_351, %scan3A_346 : i32
      %get3A_353 = arith.index_cast %add3A_352 : i32 to index
      %get3A_354 = arith.constant 0 : index
      %get3A_355 = tpu.vector_load %arg7[%get3A_353, %get3A_354] {strides = array<i32>} : memref<160x160xbf16, #tpu.memory_space<vmem>>, vector<1x32xbf16>,
      %get3A_356 = vector.shape_cast %get3A_355 : vector<1x32xbf16> to vector<32xbf16>
      %add3A_357 = arith.addf %get3A_350, %get3A_356 : vector<32xbf16>
      %swap3A = arith.index_cast %scan3A_346 : i32 to index
      %swap3A_358 = arith.constant 0 : index
      %swap3A_359 = tpu.vector_load %arg7[%swap3A, %swap3A_358] {strides = array<i32>} : memref<160x160xbf16, #tpu.memory_space<vmem>>, vector<1x32xbf16>,
      %swap3A_360 = vector.shape_cast %swap3A_359 : vector<1x32xbf16> to vector<32xbf16>
      %swap3A_361 = vector.shape_cast %add3A_357 : vector<32xbf16> to vector<1x32xbf16>
      tpu.vector_store %arg7[%swap3A, %swap3A_358], %swap3A_361 {strides = array<i32>} : memref<160x160xbf16, #tpu.memory_space<vmem>>, vector<1x32xbf16>,
      %get3A_362 = arith.index_cast %scan3A_346 : i32 to index
      %get3A_363 = arith.constant 32 : index
      %get3A_364 = tpu.vector_load %arg7[%get3A_362, %get3A_363] {strides = array<i32>} : memref<160x160xbf16, #tpu.memory_space<vmem>>, vector<1x32xbf16>,
      %get3A_365 = vector.shape_cast %get3A_364 : vector<1x32xbf16> to vector<32xbf16>
      %add3A_366 = arith.constant 80 : i32
      %add3A_367 = arith.addi %add3A_366, %scan3A_346 : i32
      %get3A_368 = arith.index_cast %add3A_367 : i32 to index
      %get3A_369 = arith.constant 32 : index
      %get3A_370 = tpu.vector_load %arg7[%get3A_368, %get3A_369] {strides = array<i32>} : memref<160x160xbf16, #tpu.memory_space<vmem>>, vector<1x32xbf16>,
      %get3A_371 = vector.shape_cast %get3A_370 : vector<1x32xbf16> to vector<32xbf16>
      %add3A_372 = arith.addf %get3A_365, %get3A_371 : vector<32xbf16>
      %swap3A_373 = arith.index_cast %scan3A_346 : i32 to index
      %swap3A_374 = arith.constant 32 : index
      %swap3A_375 = tpu.vector_load %arg7[%swap3A_373, %swap3A_374] {strides = array<i32>} : memref<160x160xbf16, #tpu.memory_space<vmem>>, vector<1x32xbf16>,
      %swap3A_376 = vector.shape_cast %swap3A_375 : vector<1x32xbf16> to vector<32xbf16>
      %swap3A_377 = vector.shape_cast %add3A_372 : vector<32xbf16> to vector<1x32xbf16>
      tpu.vector_store %arg7[%swap3A_373, %swap3A_374], %swap3A_377 {strides = array<i32>} : memref<160x160xbf16, #tpu.memory_space<vmem>>, vector<1x32xbf16>,
      %get3A_378 = arith.index_cast %scan3A_346 : i32 to index
      %get3A_379 = arith.constant 64 : index
      %get3A_380 = tpu.vector_load %arg7[%get3A_378, %get3A_379] {strides = array<i32>} : memref<160x160xbf16, #tpu.memory_space<vmem>>, vector<1x32xbf16>,
      %get3A_381 = vector.shape_cast %get3A_380 : vector<1x32xbf16> to vector<32xbf16>
      %add3A_382 = arith.constant 80 : i32
      %add3A_383 = arith.addi %add3A_382, %scan3A_346 : i32
      %get3A_384 = arith.index_cast %add3A_383 : i32 to index
      %get3A_385 = arith.constant 64 : index
      %get3A_386 = tpu.vector_load %arg7[%get3A_384, %get3A_385] {strides = array<i32>} : memref<160x160xbf16, #tpu.memory_space<vmem>>, vector<1x32xbf16>,
      %get3A_387 = vector.shape_cast %get3A_386 : vector<1x32xbf16> to vector<32xbf16>
      %add3A_388 = arith.addf %get3A_381, %get3A_387 : vector<32xbf16>
      %swap3A_389 = arith.index_cast %scan3A_346 : i32 to index
      %swap3A_390 = arith.constant 64 : index
      %swap3A_391 = tpu.vector_load %arg7[%swap3A_389, %swap3A_390] {strides = array<i32>} : memref<160x160xbf16, #tpu.memory_space<vmem>>, vector<1x32xbf16>,
      %swap3A_392 = vector.shape_cast %swap3A_391 : vector<1x32xbf16> to vector<32xbf16>
      %swap3A_393 = vector.shape_cast %add3A_388 : vector<32xbf16> to vector<1x32xbf16>
      tpu.vector_store %arg7[%swap3A_389, %swap3A_390], %swap3A_393 {strides = array<i32>} : memref<160x160xbf16, #tpu.memory_space<vmem>>, vector<1x32xbf16>,
      %get3A_394 = arith.index_cast %scan3A_346 : i32 to index
      %get3A_395 = arith.constant 96 : index
      %get3A_396 = tpu.vector_load %arg7[%get3A_394, %get3A_395] {strides = array<i32>} : memref<160x160xbf16, #tpu.memory_space<vmem>>, vector<1x32xbf16>,
      %get3A_397 = vector.shape_cast %get3A_396 : vector<1x32xbf16> to vector<32xbf16>
      %add3A_398 = arith.constant 80 : i32
      %add3A_399 = arith.addi %add3A_398, %scan3A_346 : i32
      %get3A_400 = arith.index_cast %add3A_399 : i32 to index
      %get3A_401 = arith.constant 96 : index
      %get3A_402 = tpu.vector_load %arg7[%get3A_400, %get3A_401] {strides = array<i32>} : memref<160x160xbf16, #tpu.memory_space<vmem>>, vector<1x32xbf16>,
      %get3A_403 = vector.shape_cast %get3A_402 : vector<1x32xbf16> to vector<32xbf16>
      %add3A_404 = arith.addf %get3A_397, %get3A_403 : vector<32xbf16>
      %swap3A_405 = arith.index_cast %scan3A_346 : i32 to index
      %swap3A_406 = arith.constant 96 : index
      %swap3A_407 = tpu.vector_load %arg7[%swap3A_405, %swap3A_406] {strides = array<i32>} : memref<160x160xbf16, #tpu.memory_space<vmem>>, vector<1x32xbf16>,
      %swap3A_408 = vector.shape_cast %swap3A_407 : vector<1x32xbf16> to vector<32xbf16>
      %swap3A_409 = vector.shape_cast %add3A_404 : vector<32xbf16> to vector<1x32xbf16>
      tpu.vector_store %arg7[%swap3A_405, %swap3A_406], %swap3A_409 {strides = array<i32>} : memref<160x160xbf16, #tpu.memory_space<vmem>>, vector<1x32xbf16>,
      %get3A_410 = arith.index_cast %scan3A_346 : i32 to index
      %get3A_411 = arith.constant 128 : index
      %get3A_412 = tpu.vector_load %arg7[%get3A_410, %get3A_411] {strides = array<i32>} : memref<160x160xbf16, #tpu.memory_space<vmem>>, vector<1x32xbf16>,
      %get3A_413 = vector.shape_cast %get3A_412 : vector<1x32xbf16> to vector<32xbf16>
      %add3A_414 = arith.constant 80 : i32
      %add3A_415 = arith.addi %add3A_414, %scan3A_346 : i32
      %get3A_416 = arith.index_cast %add3A_415 : i32 to index
      %get3A_417 = arith.constant 128 : index
      %get3A_418 = tpu.vector_load %arg7[%get3A_416, %get3A_417] {strides = array<i32>} : memref<160x160xbf16, #tpu.memory_space<vmem>>, vector<1x32xbf16>,
      %get3A_419 = vector.shape_cast %get3A_418 : vector<1x32xbf16> to vector<32xbf16>
      %add3A_420 = arith.addf %get3A_413, %get3A_419 : vector<32xbf16>
      %swap3A_421 = arith.index_cast %scan3A_346 : i32 to index
      %swap3A_422 = arith.constant 128 : index
      %swap3A_423 = tpu.vector_load %arg7[%swap3A_421, %swap3A_422] {strides = array<i32>} : memref<160x160xbf16, #tpu.memory_space<vmem>>, vector<1x32xbf16>,
      %swap3A_424 = vector.shape_cast %swap3A_423 : vector<1x32xbf16> to vector<32xbf16>
      %swap3A_425 = vector.shape_cast %add3A_420 : vector<32xbf16> to vector<1x32xbf16>
      tpu.vector_store %arg7[%swap3A_421, %swap3A_422], %swap3A_425 {strides = array<i32>} : memref<160x160xbf16, #tpu.memory_space<vmem>>, vector<1x32xbf16>,
      %scan3A_426 = arith.constant 0 : i32
      %scan3A_427 = arith.constant 1 : i32
      %scan3A_428 = arith.addi %scan3A_346, %scan3A_427 : i32
      %get3A_429 = arith.index_cast %scan3A_428 : i32 to index
      %get3A_430 = arith.constant 0 : index
      %get3A_431 = tpu.vector_load %arg7[%get3A_429, %get3A_430] {strides = array<i32>} : memref<160x160xbf16, #tpu.memory_space<vmem>>, vector<1x32xbf16>,
      %get3A_432 = vector.shape_cast %get3A_431 : vector<1x32xbf16> to vector<32xbf16>
      %add3A_433 = arith.constant 80 : i32
      %add3A_434 = arith.addi %add3A_433, %scan3A_428 : i32
      %get3A_435 = arith.index_cast %add3A_434 : i32 to index
      %get3A_436 = arith.constant 0 : index
      %get3A_437 = tpu.vector_load %arg7[%get3A_435, %get3A_436] {strides = array<i32>} : memref<160x160xbf16, #tpu.memory_space<vmem>>, vector<1x32xbf16>,
      %get3A_438 = vector.shape_cast %get3A_437 : vector<1x32xbf16> to vector<32xbf16>
      %add3A_439 = arith.addf %get3A_432, %get3A_438 : vector<32xbf16>
      %swap3A_440 = arith.index_cast %scan3A_428 : i32 to index
      %swap3A_441 = arith.constant 0 : index
      %swap3A_442 = tpu.vector_load %arg7[%swap3A_440, %swap3A_441] {strides = array<i32>} : memref<160x160xbf16, #tpu.memory_space<vmem>>, vector<1x32xbf16>,
      %swap3A_443 = vector.shape_cast %swap3A_442 : vector<1x32xbf16> to vector<32xbf16>
      %swap3A_444 = vector.shape_cast %add3A_439 : vector<32xbf16> to vector<1x32xbf16>
      tpu.vector_store %arg7[%swap3A_440, %swap3A_441], %swap3A_444 {strides = array<i32>} : memref<160x160xbf16, #tpu.memory_space<vmem>>, vector<1x32xbf16>,
      %get3A_445 = arith.index_cast %scan3A_428 : i32 to index
      %get3A_446 = arith.constant 32 : index
      %get3A_447 = tpu.vector_load %arg7[%get3A_445, %get3A_446] {strides = array<i32>} : memref<160x160xbf16, #tpu.memory_space<vmem>>, vector<1x32xbf16>,
      %get3A_448 = vector.shape_cast %get3A_447 : vector<1x32xbf16> to vector<32xbf16>
      %add3A_449 = arith.constant 80 : i32
      %add3A_450 = arith.addi %add3A_449, %scan3A_428 : i32
      %get3A_451 = arith.index_cast %add3A_450 : i32 to index
      %get3A_452 = arith.constant 32 : index
      %get3A_453 = tpu.vector_load %arg7[%get3A_451, %get3A_452] {strides = array<i32>} : memref<160x160xbf16, #tpu.memory_space<vmem>>, vector<1x32xbf16>,
      %get3A_454 = vector.shape_cast %get3A_453 : vector<1x32xbf16> to vector<32xbf16>
      %add3A_455 = arith.addf %get3A_448, %get3A_454 : vector<32xbf16>
      %swap3A_456 = arith.index_cast %scan3A_428 : i32 to index
      %swap3A_457 = arith.constant 32 : index
      %swap3A_458 = tpu.vector_load %arg7[%swap3A_456, %swap3A_457] {strides = array<i32>} : memref<160x160xbf16, #tpu.memory_space<vmem>>, vector<1x32xbf16>,
      %swap3A_459 = vector.shape_cast %swap3A_458 : vector<1x32xbf16> to vector<32xbf16>
      %swap3A_460 = vector.shape_cast %add3A_455 : vector<32xbf16> to vector<1x32xbf16>
      tpu.vector_store %arg7[%swap3A_456, %swap3A_457], %swap3A_460 {strides = array<i32>} : memref<160x160xbf16, #tpu.memory_space<vmem>>, vector<1x32xbf16>,
      %get3A_461 = arith.index_cast %scan3A_428 : i32 to index
      %get3A_462 = arith.constant 64 : index
      %get3A_463 = tpu.vector_load %arg7[%get3A_461, %get3A_462] {strides = array<i32>} : memref<160x160xbf16, #tpu.memory_space<vmem>>, vector<1x32xbf16>,
      %get3A_464 = vector.shape_cast %get3A_463 : vector<1x32xbf16> to vector<32xbf16>
      %add3A_465 = arith.constant 80 : i32
      %add3A_466 = arith.addi %add3A_465, %scan3A_428 : i32
      %get3A_467 = arith.index_cast %add3A_466 : i32 to index
      %get3A_468 = arith.constant 64 : index
      %get3A_469 = tpu.vector_load %arg7[%get3A_467, %get3A_468] {strides = array<i32>} : memref<160x160xbf16, #tpu.memory_space<vmem>>, vector<1x32xbf16>,
      %get3A_470 = vector.shape_cast %get3A_469 : vector<1x32xbf16> to vector<32xbf16>
      %add3A_471 = arith.addf %get3A_464, %get3A_470 : vector<32xbf16>
      %swap3A_472 = arith.index_cast %scan3A_428 : i32 to index
      %swap3A_473 = arith.constant 64 : index
      %swap3A_474 = tpu.vector_load %arg7[%swap3A_472, %swap3A_473] {strides = array<i32>} : memref<160x160xbf16, #tpu.memory_space<vmem>>, vector<1x32xbf16>,
      %swap3A_475 = vector.shape_cast %swap3A_474 : vector<1x32xbf16> to vector<32xbf16>
      %swap3A_476 = vector.shape_cast %add3A_471 : vector<32xbf16> to vector<1x32xbf16>
      tpu.vector_store %arg7[%swap3A_472, %swap3A_473], %swap3A_476 {strides = array<i32>} : memref<160x160xbf16, #tpu.memory_space<vmem>>, vector<1x32xbf16>,
      %get3A_477 = arith.index_cast %scan3A_428 : i32 to index
      %get3A_478 = arith.constant 96 : index
      %get3A_479 = tpu.vector_load %arg7[%get3A_477, %get3A_478] {strides = array<i32>} : memref<160x160xbf16, #tpu.memory_space<vmem>>, vector<1x32xbf16>,
      %get3A_480 = vector.shape_cast %get3A_479 : vector<1x32xbf16> to vector<32xbf16>
      %add3A_481 = arith.constant 80 : i32
      %add3A_482 = arith.addi %add3A_481, %scan3A_428 : i32
      %get3A_483 = arith.index_cast %add3A_482 : i32 to index
      %get3A_484 = arith.constant 96 : index
      %get3A_485 = tpu.vector_load %arg7[%get3A_483, %get3A_484] {strides = array<i32>} : memref<160x160xbf16, #tpu.memory_space<vmem>>, vector<1x32xbf16>,
      %get3A_486 = vector.shape_cast %get3A_485 : vector<1x32xbf16> to vector<32xbf16>
      %add3A_487 = arith.addf %get3A_480, %get3A_486 : vector<32xbf16>
      %swap3A_488 = arith.index_cast %scan3A_428 : i32 to index
      %swap3A_489 = arith.constant 96 : index
      %swap3A_490 = tpu.vector_load %arg7[%swap3A_488, %swap3A_489] {strides = array<i32>} : memref<160x160xbf16, #tpu.memory_space<vmem>>, vector<1x32xbf16>,
      %swap3A_491 = vector.shape_cast %swap3A_490 : vector<1x32xbf16> to vector<32xbf16>
      %swap3A_492 = vector.shape_cast %add3A_487 : vector<32xbf16> to vector<1x32xbf16>
      tpu.vector_store %arg7[%swap3A_488, %swap3A_489], %swap3A_492 {strides = array<i32>} : memref<160x160xbf16, #tpu.memory_space<vmem>>, vector<1x32xbf16>,
      %get3A_493 = arith.index_cast %scan3A_428 : i32 to index
      %get3A_494 = arith.constant 128 : index
      %get3A_495 = tpu.vector_load %arg7[%get3A_493, %get3A_494] {strides = array<i32>} : memref<160x160xbf16, #tpu.memory_space<vmem>>, vector<1x32xbf16>,
      %get3A_496 = vector.shape_cast %get3A_495 : vector<1x32xbf16> to vector<32xbf16>
      %add3A_497 = arith.constant 80 : i32
      %add3A_498 = arith.addi %add3A_497, %scan3A_428 : i32
      %get3A_499 = arith.index_cast %add3A_498 : i32 to index
      %get3A_500 = arith.constant 128 : index
      %get3A_501 = tpu.vector_load %arg7[%get3A_499, %get3A_500] {strides = array<i32>} : memref<160x160xbf16, #tpu.memory_space<vmem>>, vector<1x32xbf16>,
      %get3A_502 = vector.shape_cast %get3A_501 : vector<1x32xbf16> to vector<32xbf16>
      %add3A_503 = arith.addf %get3A_496, %get3A_502 : vector<32xbf16>
      %swap3A_504 = arith.index_cast %scan3A_428 : i32 to index
      %swap3A_505 = arith.constant 128 : index
      %swap3A_506 = tpu.vector_load %arg7[%swap3A_504, %swap3A_505] {strides = array<i32>} : memref<160x160xbf16, #tpu.memory_space<vmem>>, vector<1x32xbf16>,
      %swap3A_507 = vector.shape_cast %swap3A_506 : vector<1x32xbf16> to vector<32xbf16>
      %swap3A_508 = vector.shape_cast %add3A_503 : vector<32xbf16> to vector<1x32xbf16>
      tpu.vector_store %arg7[%swap3A_504, %swap3A_505], %swap3A_508 {strides = array<i32>} : memref<160x160xbf16, #tpu.memory_space<vmem>>, vector<1x32xbf16>,
      %scan3A_509 = arith.constant 0 : i32
      scf.yield %scan3A_509 : i32
    }
    %scan3A_240 = arith.constant 80 : i32
    %add3A_241 = arith.constant 1920 : i32
    %add3A_242 = arith.addi %add3A_211, %add3A_241 : i32
    %dma_start3A_243 = arith.constant 0 : i32
    %dma_start3A_244 = arith.constant 0 : i32
    %dma_start3A_245 = tpu.memref_slice %arg7[%dma_start3A_243, %dma_start3A_244] : memref<160x160xbf16, #tpu.memory_space<vmem>> -> memref<80x160xbf16, #tpu.memory_space<vmem>>
    %dma_start3A_246 = arith.constant 0 : i32
    %dma_start3A_247 = tpu.memref_slice %arg4[%add3A_242, %dma_start3A_246] : memref<320000x160xbf16, #tpu.memory_space<hbm>> -> memref<80x160xbf16, #tpu.memory_space<hbm>>
    %dma_start3A_248 = arith.constant 0 : i32
    %dma_start3A_249 = tpu.memref_slice %arg4[%add3A_242, %dma_start3A_248] : memref<320000x160xbf16, #tpu.memory_space<hbm>> -> memref<80x160xbf16, #tpu.memory_space<hbm>>
    %dma_start3A_250 = arith.constant 0 : i32
    %dma_start3A_251 = arith.constant 0 : i32
    %dma_start3A_252 = tpu.memref_slice %arg7[%dma_start3A_250, %dma_start3A_251] : memref<160x160xbf16, #tpu.memory_space<vmem>> -> memref<80x160xbf16, #tpu.memory_space<vmem>>
    tpu.enqueue_dma source(%dma_start3A_252 : memref<80x160xbf16, #tpu.memory_space<vmem>>) target(%dma_start3A_249 : memref<80x160xbf16, #tpu.memory_space<hbm>>) target_semaphore(%arg11 : memref<!tpu.dma_semaphore, #tpu.memory_space<semaphore_mem>>)
    %add3A_253 = arith.constant 1840 : i32
    %add3A_254 = arith.addi %add3A_211, %add3A_253 : i32
    %dma_wait3A_255 = arith.constant 0 : i32
    %dma_wait3A_256 = arith.constant 0 : i32
    %dma_wait3A_257 = tpu.memref_slice %arg8[%dma_wait3A_255, %dma_wait3A_256] : memref<160x160xbf16, #tpu.memory_space<vmem>> -> memref<80x160xbf16, #tpu.memory_space<vmem>>
    %dma_wait3A_258 = arith.constant 0 : i32
    %dma_wait3A_259 = tpu.memref_slice %arg4[%add3A_254, %dma_wait3A_258] : memref<320000x160xbf16, #tpu.memory_space<hbm>> -> memref<80x160xbf16, #tpu.memory_space<hbm>>
    %dma_wait3A_260 = arith.constant 0 : i32
    %dma_wait3A_261 = tpu.memref_slice %arg4[%add3A_254, %dma_wait3A_260] : memref<320000x160xbf16, #tpu.memory_space<hbm>> -> memref<80x160xbf16, #tpu.memory_space<hbm>>
    %dma_wait3A_262 = arith.constant 0 : i32
    %dma_wait3A_263 = arith.constant 0 : i32
    %dma_wait3A_264 = tpu.memref_slice %arg8[%dma_wait3A_262, %dma_wait3A_263] : memref<160x160xbf16, #tpu.memory_space<vmem>> -> memref<80x160xbf16, #tpu.memory_space<vmem>>
    tpu.wait_dma2 semaphore(%arg12 : memref<!tpu.dma_semaphore, #tpu.memory_space<semaphore_mem>>) src(%dma_wait3A_264 : memref<80x160xbf16, #tpu.memory_space<vmem>>) dst(%dma_wait3A_261 : memref<80x160xbf16, #tpu.memory_space<hbm>>)
    %add3A_265 = arith.constant 1920 : i32
    %add3A_266 = arith.addi %add3A_211, %add3A_265 : i32
    %dma_wait3A_267 = arith.constant 0 : i32
    %dma_wait3A_268 = arith.constant 0 : i32
    %dma_wait3A_269 = tpu.memref_slice %arg7[%dma_wait3A_267, %dma_wait3A_268] : memref<160x160xbf16, #tpu.memory_space<vmem>> -> memref<80x160xbf16, #tpu.memory_space<vmem>>
    %dma_wait3A_270 = arith.constant 0 : i32
    %dma_wait3A_271 = tpu.memref_slice %arg4[%add3A_266, %dma_wait3A_270] : memref<320000x160xbf16, #tpu.memory_space<hbm>> -> memref<80x160xbf16, #tpu.memory_space<hbm>>
    %dma_wait3A_272 = arith.constant 0 : i32
    %dma_wait3A_273 = tpu.memref_slice %arg4[%add3A_266, %dma_wait3A_272] : memref<320000x160xbf16, #tpu.memory_space<hbm>> -> memref<80x160xbf16, #tpu.memory_space<hbm>>
    %dma_wait3A_274 = arith.constant 0 : i32
    %dma_wait3A_275 = arith.constant 0 : i32
    %dma_wait3A_276 = tpu.memref_slice %arg7[%dma_wait3A_274, %dma_wait3A_275] : memref<160x160xbf16, #tpu.memory_space<vmem>> -> memref<80x160xbf16, #tpu.memory_space<vmem>>
    tpu.wait_dma2 semaphore(%arg11 : memref<!tpu.dma_semaphore, #tpu.memory_space<semaphore_mem>>) src(%dma_wait3A_276 : memref<80x160xbf16, #tpu.memory_space<vmem>>) dst(%dma_wait3A_273 : memref<80x160xbf16, #tpu.memory_space<hbm>>)
    %mul3A_277 = arith.constant 10000 : i32
    %mul3A_278 = arith.muli %add3A, %mul3A_277 : i32
    %add3A_279 = arith.constant 8000 : i32
    %add3A_280 = arith.addi %mul3A_278, %add3A_279 : i32
    %run_scoped3A_281 = arith.constant 4 : i32
    "tpu.region"() ({
      %run_scoped3A_346 = tpu.sem_alloc : memref<!tpu.dma_semaphore, #tpu.memory_space<semaphore_mem>>
      %dma_start3A_347 = arith.constant 0 : i32
      %dma_start3A_348 = arith.constant 0 : i32
      %dma_start3A_349 = tpu.memref_slice %arg3[%add3A, %run_scoped3A_281, %dma_start3A_347, %dma_start3A_348] : memref<32x5x25x160xi32, #tpu.memory_space<hbm>> -> memref<1x1x25x160xi32, #tpu.memory_space<hbm>>
      %dma_start3A_350 = tpu.memref_squeeze %dma_start3A_349 : memref<1x1x25x160xi32, #tpu.memory_space<hbm>> -> memref<25x160xi32, #tpu.memory_space<hbm>>
      %dma_start3A_351 = arith.constant 0 : i32
      %dma_start3A_352 = arith.constant 0 : i32
      %dma_start3A_353 = tpu.memref_slice %arg3[%add3A, %run_scoped3A_281, %dma_start3A_351, %dma_start3A_352] : memref<32x5x25x160xi32, #tpu.memory_space<hbm>> -> memref<1x1x25x160xi32, #tpu.memory_space<hbm>>
      %dma_start3A_354 = tpu.memref_squeeze %dma_start3A_353 : memref<1x1x25x160xi32, #tpu.memory_space<hbm>> -> memref<25x160xi32, #tpu.memory_space<hbm>>
      tpu.enqueue_dma source(%dma_start3A_354 : memref<25x160xi32, #tpu.memory_space<hbm>>) target(%arg6 : memref<25x160xi32, #tpu.memory_space<vmem>>) target_semaphore(%run_scoped3A_346 : memref<!tpu.dma_semaphore, #tpu.memory_space<semaphore_mem>>)
      %dma_wait3A_355 = arith.constant 0 : i32
      %dma_wait3A_356 = arith.constant 0 : i32
      %dma_wait3A_357 = tpu.memref_slice %arg3[%add3A, %run_scoped3A_281, %dma_wait3A_355, %dma_wait3A_356] : memref<32x5x25x160xi32, #tpu.memory_space<hbm>> -> memref<1x1x25x160xi32, #tpu.memory_space<hbm>>
      %dma_wait3A_358 = tpu.memref_squeeze %dma_wait3A_357 : memref<1x1x25x160xi32, #tpu.memory_space<hbm>> -> memref<25x160xi32, #tpu.memory_space<hbm>>
      %dma_wait3A_359 = arith.constant 0 : i32
      %dma_wait3A_360 = arith.constant 0 : i32
      %dma_wait3A_361 = tpu.memref_slice %arg3[%add3A, %run_scoped3A_281, %dma_wait3A_359, %dma_wait3A_360] : memref<32x5x25x160xi32, #tpu.memory_space<hbm>> -> memref<1x1x25x160xi32, #tpu.memory_space<hbm>>
      %dma_wait3A_362 = tpu.memref_squeeze %dma_wait3A_361 : memref<1x1x25x160xi32, #tpu.memory_space<hbm>> -> memref<25x160xi32, #tpu.memory_space<hbm>>
      tpu.wait_dma2 semaphore(%run_scoped3A_346 : memref<!tpu.dma_semaphore, #tpu.memory_space<semaphore_mem>>) src(%dma_wait3A_362 : memref<25x160xi32, #tpu.memory_space<hbm>>) dst(%arg6 : memref<25x160xi32, #tpu.memory_space<vmem>>)
      tpu.yield
    }) : () -> ()
    %dma_start3A_282 = arith.constant 0 : i32
    %dma_start3A_283 = arith.constant 0 : i32
    %dma_start3A_284 = tpu.memref_slice %arg6[%dma_start3A_282, %dma_start3A_283] : memref<25x160xi32, #tpu.memory_space<vmem>> -> memref<1x160xi32, #tpu.memory_space<vmem>>
    %dma_start3A_285 = tpu.memref_squeeze %dma_start3A_284 : memref<1x160xi32, #tpu.memory_space<vmem>> -> memref<160xi32, #tpu.memory_space<vmem>>
    %dma_start3A_286 = arith.constant 0 : i32
    %dma_start3A_287 = arith.constant 0 : i32
    %dma_start3A_288 = tpu.memref_slice %arg5[%dma_start3A_286, %dma_start3A_287] : memref<20000x160xbf16, #tpu.memory_space<vmem_shared>> -> memref<20000x160xbf16, #tpu.memory_space<vmem_shared>>
    tpu.enqueue_indirect_dma source(%dma_start3A_288 : memref<20000x160xbf16, #tpu.memory_space<vmem_shared>>) target(%arg7 : memref<160x160xbf16, #tpu.memory_space<vmem>>) offsets(%dma_start3A_285 : memref<160xi32, #tpu.memory_space<vmem>>) semaphore(%arg9 : memref<!tpu.dma_semaphore, #tpu.memory_space<semaphore_mem>>)
    %scan3A_289 = arith.constant 0 : i32
    %scan3A_290 = arith.constant 0 : i32
    %scan3A_291 = arith.constant 12 : i32
    %scan3A_292 = arith.addi %scan3A_290, %scan3A_291 : i32
    %scan3A_293 = arith.constant 1 : i32
    %scan3A_294 = scf.for %scan3A_346 = %scan3A_290 to %scan3A_292 step %scan3A_293 iter_args(%scan3A_347 = %scan3A_289) -> (i32)  : i32 {
      %mul3A_348 = arith.constant 2 : i32
      %mul3A_349 = arith.muli %mul3A_348, %scan3A_346 : i32
      %mul3A_350 = arith.constant 2 : i32
      %mul3A_351 = arith.muli %mul3A_350, %scan3A_346 : i32
      %add3A_352 = arith.constant 1 : i32
      %add3A_353 = arith.addi %mul3A_351, %add3A_352 : i32
      %gt3A = arith.constant 0 : i32
      %gt3A_354 = arith.cmpi sgt, %scan3A_346, %gt3A : i32
      %convert_element_type3A = arith.extui %gt3A_354 : i1 to i32
      %cond3A = arith.constant 0 : i32
      %cond3A_355 = arith.cmpi ne, %convert_element_type3A, %cond3A : i32
      scf.if %cond3A_355 {
        %sub3A = arith.constant 2 : i32
        %sub3A_436 = arith.subi %add3A_353, %sub3A : i32
        %mul3A_437 = arith.constant 80 : i32
        %mul3A_438 = arith.muli %sub3A_436, %mul3A_437 : i32
        %add3A_439 = arith.addi %add3A_280, %mul3A_438 : i32
        %dma_wait3A_440 = arith.constant 0 : i32
        %dma_wait3A_441 = arith.constant 0 : i32
        %dma_wait3A_442 = tpu.memref_slice %arg8[%dma_wait3A_440, %dma_wait3A_441] : memref<160x160xbf16, #tpu.memory_space<vmem>> -> memref<80x160xbf16, #tpu.memory_space<vmem>>
        %dma_wait3A_443 = arith.constant 0 : i32
        %dma_wait3A_444 = tpu.memref_slice %arg4[%add3A_439, %dma_wait3A_443] : memref<320000x160xbf16, #tpu.memory_space<hbm>> -> memref<80x160xbf16, #tpu.memory_space<hbm>>
        %dma_wait3A_445 = arith.constant 0 : i32
        %dma_wait3A_446 = tpu.memref_slice %arg4[%add3A_439, %dma_wait3A_445] : memref<320000x160xbf16, #tpu.memory_space<hbm>> -> memref<80x160xbf16, #tpu.memory_space<hbm>>
        %dma_wait3A_447 = arith.constant 0 : i32
        %dma_wait3A_448 = arith.constant 0 : i32
        %dma_wait3A_449 = tpu.memref_slice %arg8[%dma_wait3A_447, %dma_wait3A_448] : memref<160x160xbf16, #tpu.memory_space<vmem>> -> memref<80x160xbf16, #tpu.memory_space<vmem>>
        tpu.wait_dma2 semaphore(%arg12 : memref<!tpu.dma_semaphore, #tpu.memory_space<semaphore_mem>>) src(%dma_wait3A_449 : memref<80x160xbf16, #tpu.memory_space<vmem>>) dst(%dma_wait3A_446 : memref<80x160xbf16, #tpu.memory_space<hbm>>)
      } else {
      }
      %dma_start3A_356 = arith.constant 0 : i32
      %dma_start3A_357 = tpu.memref_slice %arg6[%add3A_353, %dma_start3A_356] : memref<25x160xi32, #tpu.memory_space<vmem>> -> memref<1x160xi32, #tpu.memory_space<vmem>>
      %dma_start3A_358 = tpu.memref_squeeze %dma_start3A_357 : memref<1x160xi32, #tpu.memory_space<vmem>> -> memref<160xi32, #tpu.memory_space<vmem>>
      %dma_start3A_359 = arith.constant 0 : i32
      %dma_start3A_360 = arith.constant 0 : i32
      %dma_start3A_361 = tpu.memref_slice %arg5[%dma_start3A_359, %dma_start3A_360] : memref<20000x160xbf16, #tpu.memory_space<vmem_shared>> -> memref<20000x160xbf16, #tpu.memory_space<vmem_shared>>
      tpu.enqueue_indirect_dma source(%dma_start3A_361 : memref<20000x160xbf16, #tpu.memory_space<vmem_shared>>) target(%arg8 : memref<160x160xbf16, #tpu.memory_space<vmem>>) offsets(%dma_start3A_358 : memref<160xi32, #tpu.memory_space<vmem>>) semaphore(%arg10 : memref<!tpu.dma_semaphore, #tpu.memory_space<semaphore_mem>>)
      %dma_wait3A_362 = arith.constant 0 : i32
      %dma_wait3A_363 = tpu.memref_slice %arg6[%mul3A_349, %dma_wait3A_362] : memref<25x160xi32, #tpu.memory_space<vmem>> -> memref<1x160xi32, #tpu.memory_space<vmem>>
      %dma_wait3A_364 = tpu.memref_squeeze %dma_wait3A_363 : memref<1x160xi32, #tpu.memory_space<vmem>> -> memref<160xi32, #tpu.memory_space<vmem>>
      %dma_wait3A_365 = arith.constant 0 : i32
      %dma_wait3A_366 = arith.constant 0 : i32
      %dma_wait3A_367 = tpu.memref_slice %arg5[%dma_wait3A_365, %dma_wait3A_366] : memref<20000x160xbf16, #tpu.memory_space<vmem_shared>> -> memref<20000x160xbf16, #tpu.memory_space<vmem_shared>>
      tpu.wait_indirect_dma semaphore(%arg9 : memref<!tpu.dma_semaphore, #tpu.memory_space<semaphore_mem>>) src(%dma_wait3A_367 : memref<20000x160xbf16, #tpu.memory_space<vmem_shared>>) dst(%arg7 : memref<160x160xbf16, #tpu.memory_space<vmem>>)
      %scan3A_368 = arith.constant 0 : i32
      %scan3A_369 = arith.constant 0 : i32
      %scan3A_370 = arith.constant 80 : i32
      %scan3A_371 = arith.addi %scan3A_369, %scan3A_370 : i32
      %scan3A_372 = arith.constant 2 : i32
      %scan3A_373 = scf.for %scan3A_436 = %scan3A_369 to %scan3A_371 step %scan3A_372 iter_args(%scan3A_437 = %scan3A_368) -> (i32)  : i32 {
        %get3A = arith.index_cast %scan3A_436 : i32 to index
        %get3A_438 = arith.constant 0 : index
        %get3A_439 = tpu.vector_load %arg7[%get3A, %get3A_438] {strides = array<i32>} : memref<160x160xbf16, #tpu.memory_space<vmem>>, vector<1x32xbf16>,
        %get3A_440 = vector.shape_cast %get3A_439 : vector<1x32xbf16> to vector<32xbf16>
        %add3A_441 = arith.constant 80 : i32
        %add3A_442 = arith.addi %add3A_441, %scan3A_436 : i32
        %get3A_443 = arith.index_cast %add3A_442 : i32 to index
        %get3A_444 = arith.constant 0 : index
        %get3A_445 = tpu.vector_load %arg7[%get3A_443, %get3A_444] {strides = array<i32>} : memref<160x160xbf16, #tpu.memory_space<vmem>>, vector<1x32xbf16>,
        %get3A_446 = vector.shape_cast %get3A_445 : vector<1x32xbf16> to vector<32xbf16>
        %add3A_447 = arith.addf %get3A_440, %get3A_446 : vector<32xbf16>
        %swap3A = arith.index_cast %scan3A_436 : i32 to index
        %swap3A_448 = arith.constant 0 : index
        %swap3A_449 = tpu.vector_load %arg7[%swap3A, %swap3A_448] {strides = array<i32>} : memref<160x160xbf16, #tpu.memory_space<vmem>>, vector<1x32xbf16>,
        %swap3A_450 = vector.shape_cast %swap3A_449 : vector<1x32xbf16> to vector<32xbf16>
        %swap3A_451 = vector.shape_cast %add3A_447 : vector<32xbf16> to vector<1x32xbf16>
        tpu.vector_store %arg7[%swap3A, %swap3A_448], %swap3A_451 {strides = array<i32>} : memref<160x160xbf16, #tpu.memory_space<vmem>>, vector<1x32xbf16>,
        %get3A_452 = arith.index_cast %scan3A_436 : i32 to index
        %get3A_453 = arith.constant 32 : index
        %get3A_454 = tpu.vector_load %arg7[%get3A_452, %get3A_453] {strides = array<i32>} : memref<160x160xbf16, #tpu.memory_space<vmem>>, vector<1x32xbf16>,
        %get3A_455 = vector.shape_cast %get3A_454 : vector<1x32xbf16> to vector<32xbf16>
        %add3A_456 = arith.constant 80 : i32
        %add3A_457 = arith.addi %add3A_456, %scan3A_436 : i32
        %get3A_458 = arith.index_cast %add3A_457 : i32 to index
        %get3A_459 = arith.constant 32 : index
        %get3A_460 = tpu.vector_load %arg7[%get3A_458, %get3A_459] {strides = array<i32>} : memref<160x160xbf16, #tpu.memory_space<vmem>>, vector<1x32xbf16>,
        %get3A_461 = vector.shape_cast %get3A_460 : vector<1x32xbf16> to vector<32xbf16>
        %add3A_462 = arith.addf %get3A_455, %get3A_461 : vector<32xbf16>
        %swap3A_463 = arith.index_cast %scan3A_436 : i32 to index
        %swap3A_464 = arith.constant 32 : index
        %swap3A_465 = tpu.vector_load %arg7[%swap3A_463, %swap3A_464] {strides = array<i32>} : memref<160x160xbf16, #tpu.memory_space<vmem>>, vector<1x32xbf16>,
        %swap3A_466 = vector.shape_cast %swap3A_465 : vector<1x32xbf16> to vector<32xbf16>
        %swap3A_467 = vector.shape_cast %add3A_462 : vector<32xbf16> to vector<1x32xbf16>
        tpu.vector_store %arg7[%swap3A_463, %swap3A_464], %swap3A_467 {strides = array<i32>} : memref<160x160xbf16, #tpu.memory_space<vmem>>, vector<1x32xbf16>,
        %get3A_468 = arith.index_cast %scan3A_436 : i32 to index
        %get3A_469 = arith.constant 64 : index
        %get3A_470 = tpu.vector_load %arg7[%get3A_468, %get3A_469] {strides = array<i32>} : memref<160x160xbf16, #tpu.memory_space<vmem>>, vector<1x32xbf16>,
        %get3A_471 = vector.shape_cast %get3A_470 : vector<1x32xbf16> to vector<32xbf16>
        %add3A_472 = arith.constant 80 : i32
        %add3A_473 = arith.addi %add3A_472, %scan3A_436 : i32
        %get3A_474 = arith.index_cast %add3A_473 : i32 to index
        %get3A_475 = arith.constant 64 : index
        %get3A_476 = tpu.vector_load %arg7[%get3A_474, %get3A_475] {strides = array<i32>} : memref<160x160xbf16, #tpu.memory_space<vmem>>, vector<1x32xbf16>,
        %get3A_477 = vector.shape_cast %get3A_476 : vector<1x32xbf16> to vector<32xbf16>
        %add3A_478 = arith.addf %get3A_471, %get3A_477 : vector<32xbf16>
        %swap3A_479 = arith.index_cast %scan3A_436 : i32 to index
        %swap3A_480 = arith.constant 64 : index
        %swap3A_481 = tpu.vector_load %arg7[%swap3A_479, %swap3A_480] {strides = array<i32>} : memref<160x160xbf16, #tpu.memory_space<vmem>>, vector<1x32xbf16>,
        %swap3A_482 = vector.shape_cast %swap3A_481 : vector<1x32xbf16> to vector<32xbf16>
        %swap3A_483 = vector.shape_cast %add3A_478 : vector<32xbf16> to vector<1x32xbf16>
        tpu.vector_store %arg7[%swap3A_479, %swap3A_480], %swap3A_483 {strides = array<i32>} : memref<160x160xbf16, #tpu.memory_space<vmem>>, vector<1x32xbf16>,
        %get3A_484 = arith.index_cast %scan3A_436 : i32 to index
        %get3A_485 = arith.constant 96 : index
        %get3A_486 = tpu.vector_load %arg7[%get3A_484, %get3A_485] {strides = array<i32>} : memref<160x160xbf16, #tpu.memory_space<vmem>>, vector<1x32xbf16>,
        %get3A_487 = vector.shape_cast %get3A_486 : vector<1x32xbf16> to vector<32xbf16>
        %add3A_488 = arith.constant 80 : i32
        %add3A_489 = arith.addi %add3A_488, %scan3A_436 : i32
        %get3A_490 = arith.index_cast %add3A_489 : i32 to index
        %get3A_491 = arith.constant 96 : index
        %get3A_492 = tpu.vector_load %arg7[%get3A_490, %get3A_491] {strides = array<i32>} : memref<160x160xbf16, #tpu.memory_space<vmem>>, vector<1x32xbf16>,
        %get3A_493 = vector.shape_cast %get3A_492 : vector<1x32xbf16> to vector<32xbf16>
        %add3A_494 = arith.addf %get3A_487, %get3A_493 : vector<32xbf16>
        %swap3A_495 = arith.index_cast %scan3A_436 : i32 to index
        %swap3A_496 = arith.constant 96 : index
        %swap3A_497 = tpu.vector_load %arg7[%swap3A_495, %swap3A_496] {strides = array<i32>} : memref<160x160xbf16, #tpu.memory_space<vmem>>, vector<1x32xbf16>,
        %swap3A_498 = vector.shape_cast %swap3A_497 : vector<1x32xbf16> to vector<32xbf16>
        %swap3A_499 = vector.shape_cast %add3A_494 : vector<32xbf16> to vector<1x32xbf16>
        tpu.vector_store %arg7[%swap3A_495, %swap3A_496], %swap3A_499 {strides = array<i32>} : memref<160x160xbf16, #tpu.memory_space<vmem>>, vector<1x32xbf16>,
        %get3A_500 = arith.index_cast %scan3A_436 : i32 to index
        %get3A_501 = arith.constant 128 : index
        %get3A_502 = tpu.vector_load %arg7[%get3A_500, %get3A_501] {strides = array<i32>} : memref<160x160xbf16, #tpu.memory_space<vmem>>, vector<1x32xbf16>,
        %get3A_503 = vector.shape_cast %get3A_502 : vector<1x32xbf16> to vector<32xbf16>
        %add3A_504 = arith.constant 80 : i32
        %add3A_505 = arith.addi %add3A_504, %scan3A_436 : i32
        %get3A_506 = arith.index_cast %add3A_505 : i32 to index
        %get3A_507 = arith.constant 128 : index
        %get3A_508 = tpu.vector_load %arg7[%get3A_506, %get3A_507] {strides = array<i32>} : memref<160x160xbf16, #tpu.memory_space<vmem>>, vector<1x32xbf16>,
        %get3A_509 = vector.shape_cast %get3A_508 : vector<1x32xbf16> to vector<32xbf16>
        %add3A_510 = arith.addf %get3A_503, %get3A_509 : vector<32xbf16>
        %swap3A_511 = arith.index_cast %scan3A_436 : i32 to index
        %swap3A_512 = arith.constant 128 : index
        %swap3A_513 = tpu.vector_load %arg7[%swap3A_511, %swap3A_512] {strides = array<i32>} : memref<160x160xbf16, #tpu.memory_space<vmem>>, vector<1x32xbf16>,
        %swap3A_514 = vector.shape_cast %swap3A_513 : vector<1x32xbf16> to vector<32xbf16>
        %swap3A_515 = vector.shape_cast %add3A_510 : vector<32xbf16> to vector<1x32xbf16>
        tpu.vector_store %arg7[%swap3A_511, %swap3A_512], %swap3A_515 {strides = array<i32>} : memref<160x160xbf16, #tpu.memory_space<vmem>>, vector<1x32xbf16>,
        %scan3A_516 = arith.constant 0 : i32
        %scan3A_517 = arith.constant 1 : i32
        %scan3A_518 = arith.addi %scan3A_436, %scan3A_517 : i32
        %get3A_519 = arith.index_cast %scan3A_518 : i32 to index
        %get3A_520 = arith.constant 0 : index
        %get3A_521 = tpu.vector_load %arg7[%get3A_519, %get3A_520] {strides = array<i32>} : memref<160x160xbf16, #tpu.memory_space<vmem>>, vector<1x32xbf16>,
        %get3A_522 = vector.shape_cast %get3A_521 : vector<1x32xbf16> to vector<32xbf16>
        %add3A_523 = arith.constant 80 : i32
        %add3A_524 = arith.addi %add3A_523, %scan3A_518 : i32
        %get3A_525 = arith.index_cast %add3A_524 : i32 to index
        %get3A_526 = arith.constant 0 : index
        %get3A_527 = tpu.vector_load %arg7[%get3A_525, %get3A_526] {strides = array<i32>} : memref<160x160xbf16, #tpu.memory_space<vmem>>, vector<1x32xbf16>,
        %get3A_528 = vector.shape_cast %get3A_527 : vector<1x32xbf16> to vector<32xbf16>
        %add3A_529 = arith.addf %get3A_522, %get3A_528 : vector<32xbf16>
        %swap3A_530 = arith.index_cast %scan3A_518 : i32 to index
        %swap3A_531 = arith.constant 0 : index
        %swap3A_532 = tpu.vector_load %arg7[%swap3A_530, %swap3A_531] {strides = array<i32>} : memref<160x160xbf16, #tpu.memory_space<vmem>>, vector<1x32xbf16>,
        %swap3A_533 = vector.shape_cast %swap3A_532 : vector<1x32xbf16> to vector<32xbf16>
        %swap3A_534 = vector.shape_cast %add3A_529 : vector<32xbf16> to vector<1x32xbf16>
        tpu.vector_store %arg7[%swap3A_530, %swap3A_531], %swap3A_534 {strides = array<i32>} : memref<160x160xbf16, #tpu.memory_space<vmem>>, vector<1x32xbf16>,
        %get3A_535 = arith.index_cast %scan3A_518 : i32 to index
        %get3A_536 = arith.constant 32 : index
        %get3A_537 = tpu.vector_load %arg7[%get3A_535, %get3A_536] {strides = array<i32>} : memref<160x160xbf16, #tpu.memory_space<vmem>>, vector<1x32xbf16>,
        %get3A_538 = vector.shape_cast %get3A_537 : vector<1x32xbf16> to vector<32xbf16>
        %add3A_539 = arith.constant 80 : i32
        %add3A_540 = arith.addi %add3A_539, %scan3A_518 : i32
        %get3A_541 = arith.index_cast %add3A_540 : i32 to index
        %get3A_542 = arith.constant 32 : index
        %get3A_543 = tpu.vector_load %arg7[%get3A_541, %get3A_542] {strides = array<i32>} : memref<160x160xbf16, #tpu.memory_space<vmem>>, vector<1x32xbf16>,
        %get3A_544 = vector.shape_cast %get3A_543 : vector<1x32xbf16> to vector<32xbf16>
        %add3A_545 = arith.addf %get3A_538, %get3A_544 : vector<32xbf16>
        %swap3A_546 = arith.index_cast %scan3A_518 : i32 to index
        %swap3A_547 = arith.constant 32 : index
        %swap3A_548 = tpu.vector_load %arg7[%swap3A_546, %swap3A_547] {strides = array<i32>} : memref<160x160xbf16, #tpu.memory_space<vmem>>, vector<1x32xbf16>,
        %swap3A_549 = vector.shape_cast %swap3A_548 : vector<1x32xbf16> to vector<32xbf16>
        %swap3A_550 = vector.shape_cast %add3A_545 : vector<32xbf16> to vector<1x32xbf16>
        tpu.vector_store %arg7[%swap3A_546, %swap3A_547], %swap3A_550 {strides = array<i32>} : memref<160x160xbf16, #tpu.memory_space<vmem>>, vector<1x32xbf16>,
        %get3A_551 = arith.index_cast %scan3A_518 : i32 to index
        %get3A_552 = arith.constant 64 : index
        %get3A_553 = tpu.vector_load %arg7[%get3A_551, %get3A_552] {strides = array<i32>} : memref<160x160xbf16, #tpu.memory_space<vmem>>, vector<1x32xbf16>,
        %get3A_554 = vector.shape_cast %get3A_553 : vector<1x32xbf16> to vector<32xbf16>
        %add3A_555 = arith.constant 80 : i32
        %add3A_556 = arith.addi %add3A_555, %scan3A_518 : i32
        %get3A_557 = arith.index_cast %add3A_556 : i32 to index
        %get3A_558 = arith.constant 64 : index
        %get3A_559 = tpu.vector_load %arg7[%get3A_557, %get3A_558] {strides = array<i32>} : memref<160x160xbf16, #tpu.memory_space<vmem>>, vector<1x32xbf16>,
        %get3A_560 = vector.shape_cast %get3A_559 : vector<1x32xbf16> to vector<32xbf16>
        %add3A_561 = arith.addf %get3A_554, %get3A_560 : vector<32xbf16>
        %swap3A_562 = arith.index_cast %scan3A_518 : i32 to index
        %swap3A_563 = arith.constant 64 : index
        %swap3A_564 = tpu.vector_load %arg7[%swap3A_562, %swap3A_563] {strides = array<i32>} : memref<160x160xbf16, #tpu.memory_space<vmem>>, vector<1x32xbf16>,
        %swap3A_565 = vector.shape_cast %swap3A_564 : vector<1x32xbf16> to vector<32xbf16>
        %swap3A_566 = vector.shape_cast %add3A_561 : vector<32xbf16> to vector<1x32xbf16>
        tpu.vector_store %arg7[%swap3A_562, %swap3A_563], %swap3A_566 {strides = array<i32>} : memref<160x160xbf16, #tpu.memory_space<vmem>>, vector<1x32xbf16>,
        %get3A_567 = arith.index_cast %scan3A_518 : i32 to index
        %get3A_568 = arith.constant 96 : index
        %get3A_569 = tpu.vector_load %arg7[%get3A_567, %get3A_568] {strides = array<i32>} : memref<160x160xbf16, #tpu.memory_space<vmem>>, vector<1x32xbf16>,
        %get3A_570 = vector.shape_cast %get3A_569 : vector<1x32xbf16> to vector<32xbf16>
        %add3A_571 = arith.constant 80 : i32
        %add3A_572 = arith.addi %add3A_571, %scan3A_518 : i32
        %get3A_573 = arith.index_cast %add3A_572 : i32 to index
        %get3A_574 = arith.constant 96 : index
        %get3A_575 = tpu.vector_load %arg7[%get3A_573, %get3A_574] {strides = array<i32>} : memref<160x160xbf16, #tpu.memory_space<vmem>>, vector<1x32xbf16>,
        %get3A_576 = vector.shape_cast %get3A_575 : vector<1x32xbf16> to vector<32xbf16>
        %add3A_577 = arith.addf %get3A_570, %get3A_576 : vector<32xbf16>
        %swap3A_578 = arith.index_cast %scan3A_518 : i32 to index
        %swap3A_579 = arith.constant 96 : index
        %swap3A_580 = tpu.vector_load %arg7[%swap3A_578, %swap3A_579] {strides = array<i32>} : memref<160x160xbf16, #tpu.memory_space<vmem>>, vector<1x32xbf16>,
        %swap3A_581 = vector.shape_cast %swap3A_580 : vector<1x32xbf16> to vector<32xbf16>
        %swap3A_582 = vector.shape_cast %add3A_577 : vector<32xbf16> to vector<1x32xbf16>
        tpu.vector_store %arg7[%swap3A_578, %swap3A_579], %swap3A_582 {strides = array<i32>} : memref<160x160xbf16, #tpu.memory_space<vmem>>, vector<1x32xbf16>,
        %get3A_583 = arith.index_cast %scan3A_518 : i32 to index
        %get3A_584 = arith.constant 128 : index
        %get3A_585 = tpu.vector_load %arg7[%get3A_583, %get3A_584] {strides = array<i32>} : memref<160x160xbf16, #tpu.memory_space<vmem>>, vector<1x32xbf16>,
        %get3A_586 = vector.shape_cast %get3A_585 : vector<1x32xbf16> to vector<32xbf16>
        %add3A_587 = arith.constant 80 : i32
        %add3A_588 = arith.addi %add3A_587, %scan3A_518 : i32
        %get3A_589 = arith.index_cast %add3A_588 : i32 to index
        %get3A_590 = arith.constant 128 : index
        %get3A_591 = tpu.vector_load %arg7[%get3A_589, %get3A_590] {strides = array<i32>} : memref<160x160xbf16, #tpu.memory_space<vmem>>, vector<1x32xbf16>,
        %get3A_592 = vector.shape_cast %get3A_591 : vector<1x32xbf16> to vector<32xbf16>
        %add3A_593 = arith.addf %get3A_586, %get3A_592 : vector<32xbf16>
        %swap3A_594 = arith.index_cast %scan3A_518 : i32 to index
        %swap3A_595 = arith.constant 128 : index
        %swap3A_596 = tpu.vector_load %arg7[%swap3A_594, %swap3A_595] {strides = array<i32>} : memref<160x160xbf16, #tpu.memory_space<vmem>>, vector<1x32xbf16>,
        %swap3A_597 = vector.shape_cast %swap3A_596 : vector<1x32xbf16> to vector<32xbf16>
        %swap3A_598 = vector.shape_cast %add3A_593 : vector<32xbf16> to vector<1x32xbf16>
        tpu.vector_store %arg7[%swap3A_594, %swap3A_595], %swap3A_598 {strides = array<i32>} : memref<160x160xbf16, #tpu.memory_space<vmem>>, vector<1x32xbf16>,
        %scan3A_599 = arith.constant 0 : i32
        scf.yield %scan3A_599 : i32
      }
      %scan3A_374 = arith.constant 80 : i32
      %mul3A_375 = arith.constant 80 : i32
      %mul3A_376 = arith.muli %mul3A_349, %mul3A_375 : i32
      %add3A_377 = arith.addi %add3A_280, %mul3A_376 : i32
      %dma_start3A_378 = arith.constant 0 : i32
      %dma_start3A_379 = arith.constant 0 : i32
      %dma_start3A_380 = tpu.memref_slice %arg7[%dma_start3A_378, %dma_start3A_379] : memref<160x160xbf16, #tpu.memory_space<vmem>> -> memref<80x160xbf16, #tpu.memory_space<vmem>>
      %dma_start3A_381 = arith.constant 0 : i32
      %dma_start3A_382 = tpu.memref_slice %arg4[%add3A_377, %dma_start3A_381] : memref<320000x160xbf16, #tpu.memory_space<hbm>> -> memref<80x160xbf16, #tpu.memory_space<hbm>>
      %dma_start3A_383 = arith.constant 0 : i32
      %dma_start3A_384 = tpu.memref_slice %arg4[%add3A_377, %dma_start3A_383] : memref<320000x160xbf16, #tpu.memory_space<hbm>> -> memref<80x160xbf16, #tpu.memory_space<hbm>>
      %dma_start3A_385 = arith.constant 0 : i32
      %dma_start3A_386 = arith.constant 0 : i32
      %dma_start3A_387 = tpu.memref_slice %arg7[%dma_start3A_385, %dma_start3A_386] : memref<160x160xbf16, #tpu.memory_space<vmem>> -> memref<80x160xbf16, #tpu.memory_space<vmem>>
      tpu.enqueue_dma source(%dma_start3A_387 : memref<80x160xbf16, #tpu.memory_space<vmem>>) target(%dma_start3A_384 : memref<80x160xbf16, #tpu.memory_space<hbm>>) target_semaphore(%arg11 : memref<!tpu.dma_semaphore, #tpu.memory_space<semaphore_mem>>)
      %dma_wait3A_388 = arith.constant 0 : i32
      %dma_wait3A_389 = tpu.memref_slice %arg6[%add3A_353, %dma_wait3A_388] : memref<25x160xi32, #tpu.memory_space<vmem>> -> memref<1x160xi32, #tpu.memory_space<vmem>>
      %dma_wait3A_390 = tpu.memref_squeeze %dma_wait3A_389 : memref<1x160xi32, #tpu.memory_space<vmem>> -> memref<160xi32, #tpu.memory_space<vmem>>
      %dma_wait3A_391 = arith.constant 0 : i32
      %dma_wait3A_392 = arith.constant 0 : i32
      %dma_wait3A_393 = tpu.memref_slice %arg5[%dma_wait3A_391, %dma_wait3A_392] : memref<20000x160xbf16, #tpu.memory_space<vmem_shared>> -> memref<20000x160xbf16, #tpu.memory_space<vmem_shared>>
      tpu.wait_indirect_dma semaphore(%arg10 : memref<!tpu.dma_semaphore, #tpu.memory_space<semaphore_mem>>) src(%dma_wait3A_393 : memref<20000x160xbf16, #tpu.memory_space<vmem_shared>>) dst(%arg8 : memref<160x160xbf16, #tpu.memory_space<vmem>>)
      %scan3A_394 = arith.constant 0 : i32
      %scan3A_395 = arith.constant 0 : i32
      %scan3A_396 = arith.constant 80 : i32
      %scan3A_397 = arith.addi %scan3A_395, %scan3A_396 : i32
      %scan3A_398 = arith.constant 2 : i32
      %scan3A_399 = scf.for %scan3A_436 = %scan3A_395 to %scan3A_397 step %scan3A_398 iter_args(%scan3A_437 = %scan3A_394) -> (i32)  : i32 {
        %get3A = arith.index_cast %scan3A_436 : i32 to index
        %get3A_438 = arith.constant 0 : index
        %get3A_439 = tpu.vector_load %arg8[%get3A, %get3A_438] {strides = array<i32>} : memref<160x160xbf16, #tpu.memory_space<vmem>>, vector<1x32xbf16>,
        %get3A_440 = vector.shape_cast %get3A_439 : vector<1x32xbf16> to vector<32xbf16>
        %add3A_441 = arith.constant 80 : i32
        %add3A_442 = arith.addi %add3A_441, %scan3A_436 : i32
        %get3A_443 = arith.index_cast %add3A_442 : i32 to index
        %get3A_444 = arith.constant 0 : index
        %get3A_445 = tpu.vector_load %arg8[%get3A_443, %get3A_444] {strides = array<i32>} : memref<160x160xbf16, #tpu.memory_space<vmem>>, vector<1x32xbf16>,
        %get3A_446 = vector.shape_cast %get3A_445 : vector<1x32xbf16> to vector<32xbf16>
        %add3A_447 = arith.addf %get3A_440, %get3A_446 : vector<32xbf16>
        %swap3A = arith.index_cast %scan3A_436 : i32 to index
        %swap3A_448 = arith.constant 0 : index
        %swap3A_449 = tpu.vector_load %arg8[%swap3A, %swap3A_448] {strides = array<i32>} : memref<160x160xbf16, #tpu.memory_space<vmem>>, vector<1x32xbf16>,
        %swap3A_450 = vector.shape_cast %swap3A_449 : vector<1x32xbf16> to vector<32xbf16>
        %swap3A_451 = vector.shape_cast %add3A_447 : vector<32xbf16> to vector<1x32xbf16>
        tpu.vector_store %arg8[%swap3A, %swap3A_448], %swap3A_451 {strides = array<i32>} : memref<160x160xbf16, #tpu.memory_space<vmem>>, vector<1x32xbf16>,
        %get3A_452 = arith.index_cast %scan3A_436 : i32 to index
        %get3A_453 = arith.constant 32 : index
        %get3A_454 = tpu.vector_load %arg8[%get3A_452, %get3A_453] {strides = array<i32>} : memref<160x160xbf16, #tpu.memory_space<vmem>>, vector<1x32xbf16>,
        %get3A_455 = vector.shape_cast %get3A_454 : vector<1x32xbf16> to vector<32xbf16>
        %add3A_456 = arith.constant 80 : i32
        %add3A_457 = arith.addi %add3A_456, %scan3A_436 : i32
        %get3A_458 = arith.index_cast %add3A_457 : i32 to index
        %get3A_459 = arith.constant 32 : index
        %get3A_460 = tpu.vector_load %arg8[%get3A_458, %get3A_459] {strides = array<i32>} : memref<160x160xbf16, #tpu.memory_space<vmem>>, vector<1x32xbf16>,
        %get3A_461 = vector.shape_cast %get3A_460 : vector<1x32xbf16> to vector<32xbf16>
        %add3A_462 = arith.addf %get3A_455, %get3A_461 : vector<32xbf16>
        %swap3A_463 = arith.index_cast %scan3A_436 : i32 to index
        %swap3A_464 = arith.constant 32 : index
        %swap3A_465 = tpu.vector_load %arg8[%swap3A_463, %swap3A_464] {strides = array<i32>} : memref<160x160xbf16, #tpu.memory_space<vmem>>, vector<1x32xbf16>,
        %swap3A_466 = vector.shape_cast %swap3A_465 : vector<1x32xbf16> to vector<32xbf16>
        %swap3A_467 = vector.shape_cast %add3A_462 : vector<32xbf16> to vector<1x32xbf16>
        tpu.vector_store %arg8[%swap3A_463, %swap3A_464], %swap3A_467 {strides = array<i32>} : memref<160x160xbf16, #tpu.memory_space<vmem>>, vector<1x32xbf16>,
        %get3A_468 = arith.index_cast %scan3A_436 : i32 to index
        %get3A_469 = arith.constant 64 : index
        %get3A_470 = tpu.vector_load %arg8[%get3A_468, %get3A_469] {strides = array<i32>} : memref<160x160xbf16, #tpu.memory_space<vmem>>, vector<1x32xbf16>,
        %get3A_471 = vector.shape_cast %get3A_470 : vector<1x32xbf16> to vector<32xbf16>
        %add3A_472 = arith.constant 80 : i32
        %add3A_473 = arith.addi %add3A_472, %scan3A_436 : i32
        %get3A_474 = arith.index_cast %add3A_473 : i32 to index
        %get3A_475 = arith.constant 64 : index
        %get3A_476 = tpu.vector_load %arg8[%get3A_474, %get3A_475] {strides = array<i32>} : memref<160x160xbf16, #tpu.memory_space<vmem>>, vector<1x32xbf16>,
        %get3A_477 = vector.shape_cast %get3A_476 : vector<1x32xbf16> to vector<32xbf16>
        %add3A_478 = arith.addf %get3A_471, %get3A_477 : vector<32xbf16>
        %swap3A_479 = arith.index_cast %scan3A_436 : i32 to index
        %swap3A_480 = arith.constant 64 : index
        %swap3A_481 = tpu.vector_load %arg8[%swap3A_479, %swap3A_480] {strides = array<i32>} : memref<160x160xbf16, #tpu.memory_space<vmem>>, vector<1x32xbf16>,
        %swap3A_482 = vector.shape_cast %swap3A_481 : vector<1x32xbf16> to vector<32xbf16>
        %swap3A_483 = vector.shape_cast %add3A_478 : vector<32xbf16> to vector<1x32xbf16>
        tpu.vector_store %arg8[%swap3A_479, %swap3A_480], %swap3A_483 {strides = array<i32>} : memref<160x160xbf16, #tpu.memory_space<vmem>>, vector<1x32xbf16>,
        %get3A_484 = arith.index_cast %scan3A_436 : i32 to index
        %get3A_485 = arith.constant 96 : index
        %get3A_486 = tpu.vector_load %arg8[%get3A_484, %get3A_485] {strides = array<i32>} : memref<160x160xbf16, #tpu.memory_space<vmem>>, vector<1x32xbf16>,
        %get3A_487 = vector.shape_cast %get3A_486 : vector<1x32xbf16> to vector<32xbf16>
        %add3A_488 = arith.constant 80 : i32
        %add3A_489 = arith.addi %add3A_488, %scan3A_436 : i32
        %get3A_490 = arith.index_cast %add3A_489 : i32 to index
        %get3A_491 = arith.constant 96 : index
        %get3A_492 = tpu.vector_load %arg8[%get3A_490, %get3A_491] {strides = array<i32>} : memref<160x160xbf16, #tpu.memory_space<vmem>>, vector<1x32xbf16>,
        %get3A_493 = vector.shape_cast %get3A_492 : vector<1x32xbf16> to vector<32xbf16>
        %add3A_494 = arith.addf %get3A_487, %get3A_493 : vector<32xbf16>
        %swap3A_495 = arith.index_cast %scan3A_436 : i32 to index
        %swap3A_496 = arith.constant 96 : index
        %swap3A_497 = tpu.vector_load %arg8[%swap3A_495, %swap3A_496] {strides = array<i32>} : memref<160x160xbf16, #tpu.memory_space<vmem>>, vector<1x32xbf16>,
        %swap3A_498 = vector.shape_cast %swap3A_497 : vector<1x32xbf16> to vector<32xbf16>
        %swap3A_499 = vector.shape_cast %add3A_494 : vector<32xbf16> to vector<1x32xbf16>
        tpu.vector_store %arg8[%swap3A_495, %swap3A_496], %swap3A_499 {strides = array<i32>} : memref<160x160xbf16, #tpu.memory_space<vmem>>, vector<1x32xbf16>,
        %get3A_500 = arith.index_cast %scan3A_436 : i32 to index
        %get3A_501 = arith.constant 128 : index
        %get3A_502 = tpu.vector_load %arg8[%get3A_500, %get3A_501] {strides = array<i32>} : memref<160x160xbf16, #tpu.memory_space<vmem>>, vector<1x32xbf16>,
        %get3A_503 = vector.shape_cast %get3A_502 : vector<1x32xbf16> to vector<32xbf16>
        %add3A_504 = arith.constant 80 : i32
        %add3A_505 = arith.addi %add3A_504, %scan3A_436 : i32
        %get3A_506 = arith.index_cast %add3A_505 : i32 to index
        %get3A_507 = arith.constant 128 : index
        %get3A_508 = tpu.vector_load %arg8[%get3A_506, %get3A_507] {strides = array<i32>} : memref<160x160xbf16, #tpu.memory_space<vmem>>, vector<1x32xbf16>,
        %get3A_509 = vector.shape_cast %get3A_508 : vector<1x32xbf16> to vector<32xbf16>
        %add3A_510 = arith.addf %get3A_503, %get3A_509 : vector<32xbf16>
        %swap3A_511 = arith.index_cast %scan3A_436 : i32 to index
        %swap3A_512 = arith.constant 128 : index
        %swap3A_513 = tpu.vector_load %arg8[%swap3A_511, %swap3A_512] {strides = array<i32>} : memref<160x160xbf16, #tpu.memory_space<vmem>>, vector<1x32xbf16>,
        %swap3A_514 = vector.shape_cast %swap3A_513 : vector<1x32xbf16> to vector<32xbf16>
        %swap3A_515 = vector.shape_cast %add3A_510 : vector<32xbf16> to vector<1x32xbf16>
        tpu.vector_store %arg8[%swap3A_511, %swap3A_512], %swap3A_515 {strides = array<i32>} : memref<160x160xbf16, #tpu.memory_space<vmem>>, vector<1x32xbf16>,
        %scan3A_516 = arith.constant 0 : i32
        %scan3A_517 = arith.constant 1 : i32
        %scan3A_518 = arith.addi %scan3A_436, %scan3A_517 : i32
        %get3A_519 = arith.index_cast %scan3A_518 : i32 to index
        %get3A_520 = arith.constant 0 : index
        %get3A_521 = tpu.vector_load %arg8[%get3A_519, %get3A_520] {strides = array<i32>} : memref<160x160xbf16, #tpu.memory_space<vmem>>, vector<1x32xbf16>,
        %get3A_522 = vector.shape_cast %get3A_521 : vector<1x32xbf16> to vector<32xbf16>
        %add3A_523 = arith.constant 80 : i32
        %add3A_524 = arith.addi %add3A_523, %scan3A_518 : i32
        %get3A_525 = arith.index_cast %add3A_524 : i32 to index
        %get3A_526 = arith.constant 0 : index
        %get3A_527 = tpu.vector_load %arg8[%get3A_525, %get3A_526] {strides = array<i32>} : memref<160x160xbf16, #tpu.memory_space<vmem>>, vector<1x32xbf16>,
        %get3A_528 = vector.shape_cast %get3A_527 : vector<1x32xbf16> to vector<32xbf16>
        %add3A_529 = arith.addf %get3A_522, %get3A_528 : vector<32xbf16>
        %swap3A_530 = arith.index_cast %scan3A_518 : i32 to index
        %swap3A_531 = arith.constant 0 : index
        %swap3A_532 = tpu.vector_load %arg8[%swap3A_530, %swap3A_531] {strides = array<i32>} : memref<160x160xbf16, #tpu.memory_space<vmem>>, vector<1x32xbf16>,
        %swap3A_533 = vector.shape_cast %swap3A_532 : vector<1x32xbf16> to vector<32xbf16>
        %swap3A_534 = vector.shape_cast %add3A_529 : vector<32xbf16> to vector<1x32xbf16>
        tpu.vector_store %arg8[%swap3A_530, %swap3A_531], %swap3A_534 {strides = array<i32>} : memref<160x160xbf16, #tpu.memory_space<vmem>>, vector<1x32xbf16>,
        %get3A_535 = arith.index_cast %scan3A_518 : i32 to index
        %get3A_536 = arith.constant 32 : index
        %get3A_537 = tpu.vector_load %arg8[%get3A_535, %get3A_536] {strides = array<i32>} : memref<160x160xbf16, #tpu.memory_space<vmem>>, vector<1x32xbf16>,
        %get3A_538 = vector.shape_cast %get3A_537 : vector<1x32xbf16> to vector<32xbf16>
        %add3A_539 = arith.constant 80 : i32
        %add3A_540 = arith.addi %add3A_539, %scan3A_518 : i32
        %get3A_541 = arith.index_cast %add3A_540 : i32 to index
        %get3A_542 = arith.constant 32 : index
        %get3A_543 = tpu.vector_load %arg8[%get3A_541, %get3A_542] {strides = array<i32>} : memref<160x160xbf16, #tpu.memory_space<vmem>>, vector<1x32xbf16>,
        %get3A_544 = vector.shape_cast %get3A_543 : vector<1x32xbf16> to vector<32xbf16>
        %add3A_545 = arith.addf %get3A_538, %get3A_544 : vector<32xbf16>
        %swap3A_546 = arith.index_cast %scan3A_518 : i32 to index
        %swap3A_547 = arith.constant 32 : index
        %swap3A_548 = tpu.vector_load %arg8[%swap3A_546, %swap3A_547] {strides = array<i32>} : memref<160x160xbf16, #tpu.memory_space<vmem>>, vector<1x32xbf16>,
        %swap3A_549 = vector.shape_cast %swap3A_548 : vector<1x32xbf16> to vector<32xbf16>
        %swap3A_550 = vector.shape_cast %add3A_545 : vector<32xbf16> to vector<1x32xbf16>
        tpu.vector_store %arg8[%swap3A_546, %swap3A_547], %swap3A_550 {strides = array<i32>} : memref<160x160xbf16, #tpu.memory_space<vmem>>, vector<1x32xbf16>,
        %get3A_551 = arith.index_cast %scan3A_518 : i32 to index
        %get3A_552 = arith.constant 64 : index
        %get3A_553 = tpu.vector_load %arg8[%get3A_551, %get3A_552] {strides = array<i32>} : memref<160x160xbf16, #tpu.memory_space<vmem>>, vector<1x32xbf16>,
        %get3A_554 = vector.shape_cast %get3A_553 : vector<1x32xbf16> to vector<32xbf16>
        %add3A_555 = arith.constant 80 : i32
        %add3A_556 = arith.addi %add3A_555, %scan3A_518 : i32
        %get3A_557 = arith.index_cast %add3A_556 : i32 to index
        %get3A_558 = arith.constant 64 : index
        %get3A_559 = tpu.vector_load %arg8[%get3A_557, %get3A_558] {strides = array<i32>} : memref<160x160xbf16, #tpu.memory_space<vmem>>, vector<1x32xbf16>,
        %get3A_560 = vector.shape_cast %get3A_559 : vector<1x32xbf16> to vector<32xbf16>
        %add3A_561 = arith.addf %get3A_554, %get3A_560 : vector<32xbf16>
        %swap3A_562 = arith.index_cast %scan3A_518 : i32 to index
        %swap3A_563 = arith.constant 64 : index
        %swap3A_564 = tpu.vector_load %arg8[%swap3A_562, %swap3A_563] {strides = array<i32>} : memref<160x160xbf16, #tpu.memory_space<vmem>>, vector<1x32xbf16>,
        %swap3A_565 = vector.shape_cast %swap3A_564 : vector<1x32xbf16> to vector<32xbf16>
        %swap3A_566 = vector.shape_cast %add3A_561 : vector<32xbf16> to vector<1x32xbf16>
        tpu.vector_store %arg8[%swap3A_562, %swap3A_563], %swap3A_566 {strides = array<i32>} : memref<160x160xbf16, #tpu.memory_space<vmem>>, vector<1x32xbf16>,
        %get3A_567 = arith.index_cast %scan3A_518 : i32 to index
        %get3A_568 = arith.constant 96 : index
        %get3A_569 = tpu.vector_load %arg8[%get3A_567, %get3A_568] {strides = array<i32>} : memref<160x160xbf16, #tpu.memory_space<vmem>>, vector<1x32xbf16>,
        %get3A_570 = vector.shape_cast %get3A_569 : vector<1x32xbf16> to vector<32xbf16>
        %add3A_571 = arith.constant 80 : i32
        %add3A_572 = arith.addi %add3A_571, %scan3A_518 : i32
        %get3A_573 = arith.index_cast %add3A_572 : i32 to index
        %get3A_574 = arith.constant 96 : index
        %get3A_575 = tpu.vector_load %arg8[%get3A_573, %get3A_574] {strides = array<i32>} : memref<160x160xbf16, #tpu.memory_space<vmem>>, vector<1x32xbf16>,
        %get3A_576 = vector.shape_cast %get3A_575 : vector<1x32xbf16> to vector<32xbf16>
        %add3A_577 = arith.addf %get3A_570, %get3A_576 : vector<32xbf16>
        %swap3A_578 = arith.index_cast %scan3A_518 : i32 to index
        %swap3A_579 = arith.constant 96 : index
        %swap3A_580 = tpu.vector_load %arg8[%swap3A_578, %swap3A_579] {strides = array<i32>} : memref<160x160xbf16, #tpu.memory_space<vmem>>, vector<1x32xbf16>,
        %swap3A_581 = vector.shape_cast %swap3A_580 : vector<1x32xbf16> to vector<32xbf16>
        %swap3A_582 = vector.shape_cast %add3A_577 : vector<32xbf16> to vector<1x32xbf16>
        tpu.vector_store %arg8[%swap3A_578, %swap3A_579], %swap3A_582 {strides = array<i32>} : memref<160x160xbf16, #tpu.memory_space<vmem>>, vector<1x32xbf16>,
        %get3A_583 = arith.index_cast %scan3A_518 : i32 to index
        %get3A_584 = arith.constant 128 : index
        %get3A_585 = tpu.vector_load %arg8[%get3A_583, %get3A_584] {strides = array<i32>} : memref<160x160xbf16, #tpu.memory_space<vmem>>, vector<1x32xbf16>,
        %get3A_586 = vector.shape_cast %get3A_585 : vector<1x32xbf16> to vector<32xbf16>
        %add3A_587 = arith.constant 80 : i32
        %add3A_588 = arith.addi %add3A_587, %scan3A_518 : i32
        %get3A_589 = arith.index_cast %add3A_588 : i32 to index
        %get3A_590 = arith.constant 128 : index
        %get3A_591 = tpu.vector_load %arg8[%get3A_589, %get3A_590] {strides = array<i32>} : memref<160x160xbf16, #tpu.memory_space<vmem>>, vector<1x32xbf16>,
        %get3A_592 = vector.shape_cast %get3A_591 : vector<1x32xbf16> to vector<32xbf16>
        %add3A_593 = arith.addf %get3A_586, %get3A_592 : vector<32xbf16>
        %swap3A_594 = arith.index_cast %scan3A_518 : i32 to index
        %swap3A_595 = arith.constant 128 : index
        %swap3A_596 = tpu.vector_load %arg8[%swap3A_594, %swap3A_595] {strides = array<i32>} : memref<160x160xbf16, #tpu.memory_space<vmem>>, vector<1x32xbf16>,
        %swap3A_597 = vector.shape_cast %swap3A_596 : vector<1x32xbf16> to vector<32xbf16>
        %swap3A_598 = vector.shape_cast %add3A_593 : vector<32xbf16> to vector<1x32xbf16>
        tpu.vector_store %arg8[%swap3A_594, %swap3A_595], %swap3A_598 {strides = array<i32>} : memref<160x160xbf16, #tpu.memory_space<vmem>>, vector<1x32xbf16>,
        %scan3A_599 = arith.constant 0 : i32
        scf.yield %scan3A_599 : i32
      }
      %scan3A_400 = arith.constant 80 : i32
      %mul3A_401 = arith.constant 80 : i32
      %mul3A_402 = arith.muli %add3A_353, %mul3A_401 : i32
      %add3A_403 = arith.addi %add3A_280, %mul3A_402 : i32
      %dma_start3A_404 = arith.constant 0 : i32
      %dma_start3A_405 = arith.constant 0 : i32
      %dma_start3A_406 = tpu.memref_slice %arg8[%dma_start3A_404, %dma_start3A_405] : memref<160x160xbf16, #tpu.memory_space<vmem>> -> memref<80x160xbf16, #tpu.memory_space<vmem>>
      %dma_start3A_407 = arith.constant 0 : i32
      %dma_start3A_408 = tpu.memref_slice %arg4[%add3A_403, %dma_start3A_407] : memref<320000x160xbf16, #tpu.memory_space<hbm>> -> memref<80x160xbf16, #tpu.memory_space<hbm>>
      %dma_start3A_409 = arith.constant 0 : i32
      %dma_start3A_410 = tpu.memref_slice %arg4[%add3A_403, %dma_start3A_409] : memref<320000x160xbf16, #tpu.memory_space<hbm>> -> memref<80x160xbf16, #tpu.memory_space<hbm>>
      %dma_start3A_411 = arith.constant 0 : i32
      %dma_start3A_412 = arith.constant 0 : i32
      %dma_start3A_413 = tpu.memref_slice %arg8[%dma_start3A_411, %dma_start3A_412] : memref<160x160xbf16, #tpu.memory_space<vmem>> -> memref<80x160xbf16, #tpu.memory_space<vmem>>
      tpu.enqueue_dma source(%dma_start3A_413 : memref<80x160xbf16, #tpu.memory_space<vmem>>) target(%dma_start3A_410 : memref<80x160xbf16, #tpu.memory_space<hbm>>) target_semaphore(%arg12 : memref<!tpu.dma_semaphore, #tpu.memory_space<semaphore_mem>>)
      %mul3A_414 = arith.constant 80 : i32
      %mul3A_415 = arith.muli %mul3A_349, %mul3A_414 : i32
      %add3A_416 = arith.addi %add3A_280, %mul3A_415 : i32
      %dma_wait3A_417 = arith.constant 0 : i32
      %dma_wait3A_418 = arith.constant 0 : i32
      %dma_wait3A_419 = tpu.memref_slice %arg7[%dma_wait3A_417, %dma_wait3A_418] : memref<160x160xbf16, #tpu.memory_space<vmem>> -> memref<80x160xbf16, #tpu.memory_space<vmem>>
      %dma_wait3A_420 = arith.constant 0 : i32
      %dma_wait3A_421 = tpu.memref_slice %arg4[%add3A_416, %dma_wait3A_420] : memref<320000x160xbf16, #tpu.memory_space<hbm>> -> memref<80x160xbf16, #tpu.memory_space<hbm>>
      %dma_wait3A_422 = arith.constant 0 : i32
      %dma_wait3A_423 = tpu.memref_slice %arg4[%add3A_416, %dma_wait3A_422] : memref<320000x160xbf16, #tpu.memory_space<hbm>> -> memref<80x160xbf16, #tpu.memory_space<hbm>>
      %dma_wait3A_424 = arith.constant 0 : i32
      %dma_wait3A_425 = arith.constant 0 : i32
      %dma_wait3A_426 = tpu.memref_slice %arg7[%dma_wait3A_424, %dma_wait3A_425] : memref<160x160xbf16, #tpu.memory_space<vmem>> -> memref<80x160xbf16, #tpu.memory_space<vmem>>
      tpu.wait_dma2 semaphore(%arg11 : memref<!tpu.dma_semaphore, #tpu.memory_space<semaphore_mem>>) src(%dma_wait3A_426 : memref<80x160xbf16, #tpu.memory_space<vmem>>) dst(%dma_wait3A_423 : memref<80x160xbf16, #tpu.memory_space<hbm>>)
      %add3A_427 = arith.constant 2 : i32
      %add3A_428 = arith.addi %mul3A_349, %add3A_427 : i32
      %dma_start3A_429 = arith.constant 0 : i32
      %dma_start3A_430 = tpu.memref_slice %arg6[%add3A_428, %dma_start3A_429] : memref<25x160xi32, #tpu.memory_space<vmem>> -> memref<1x160xi32, #tpu.memory_space<vmem>>
      %dma_start3A_431 = tpu.memref_squeeze %dma_start3A_430 : memref<1x160xi32, #tpu.memory_space<vmem>> -> memref<160xi32, #tpu.memory_space<vmem>>
      %dma_start3A_432 = arith.constant 0 : i32
      %dma_start3A_433 = arith.constant 0 : i32
      %dma_start3A_434 = tpu.memref_slice %arg5[%dma_start3A_432, %dma_start3A_433] : memref<20000x160xbf16, #tpu.memory_space<vmem_shared>> -> memref<20000x160xbf16, #tpu.memory_space<vmem_shared>>
      tpu.enqueue_indirect_dma source(%dma_start3A_434 : memref<20000x160xbf16, #tpu.memory_space<vmem_shared>>) target(%arg7 : memref<160x160xbf16, #tpu.memory_space<vmem>>) offsets(%dma_start3A_431 : memref<160xi32, #tpu.memory_space<vmem>>) semaphore(%arg9 : memref<!tpu.dma_semaphore, #tpu.memory_space<semaphore_mem>>)
      %scan3A_435 = arith.constant 0 : i32
      scf.yield %scan3A_435 : i32
    }
    %scan3A_295 = arith.constant 12 : i32
    %dma_wait3A_296 = arith.constant 24 : i32
    %dma_wait3A_297 = arith.constant 0 : i32
    %dma_wait3A_298 = tpu.memref_slice %arg6[%dma_wait3A_296, %dma_wait3A_297] : memref<25x160xi32, #tpu.memory_space<vmem>> -> memref<1x160xi32, #tpu.memory_space<vmem>>
    %dma_wait3A_299 = tpu.memref_squeeze %dma_wait3A_298 : memref<1x160xi32, #tpu.memory_space<vmem>> -> memref<160xi32, #tpu.memory_space<vmem>>
    %dma_wait3A_300 = arith.constant 0 : i32
    %dma_wait3A_301 = arith.constant 0 : i32
    %dma_wait3A_302 = tpu.memref_slice %arg5[%dma_wait3A_300, %dma_wait3A_301] : memref<20000x160xbf16, #tpu.memory_space<vmem_shared>> -> memref<20000x160xbf16, #tpu.memory_space<vmem_shared>>
    tpu.wait_indirect_dma semaphore(%arg9 : memref<!tpu.dma_semaphore, #tpu.memory_space<semaphore_mem>>) src(%dma_wait3A_302 : memref<20000x160xbf16, #tpu.memory_space<vmem_shared>>) dst(%arg7 : memref<160x160xbf16, #tpu.memory_space<vmem>>)
    %scan3A_303 = arith.constant 0 : i32
    %scan3A_304 = arith.constant 0 : i32
    %scan3A_305 = arith.constant 80 : i32
    %scan3A_306 = arith.addi %scan3A_304, %scan3A_305 : i32
    %scan3A_307 = arith.constant 2 : i32
    %scan3A_308 = scf.for %scan3A_346 = %scan3A_304 to %scan3A_306 step %scan3A_307 iter_args(%scan3A_347 = %scan3A_303) -> (i32)  : i32 {
      %get3A = arith.index_cast %scan3A_346 : i32 to index
      %get3A_348 = arith.constant 0 : index
      %get3A_349 = tpu.vector_load %arg7[%get3A, %get3A_348] {strides = array<i32>} : memref<160x160xbf16, #tpu.memory_space<vmem>>, vector<1x32xbf16>,
      %get3A_350 = vector.shape_cast %get3A_349 : vector<1x32xbf16> to vector<32xbf16>
      %add3A_351 = arith.constant 80 : i32
      %add3A_352 = arith.addi %add3A_351, %scan3A_346 : i32
      %get3A_353 = arith.index_cast %add3A_352 : i32 to index
      %get3A_354 = arith.constant 0 : index
      %get3A_355 = tpu.vector_load %arg7[%get3A_353, %get3A_354] {strides = array<i32>} : memref<160x160xbf16, #tpu.memory_space<vmem>>, vector<1x32xbf16>,
      %get3A_356 = vector.shape_cast %get3A_355 : vector<1x32xbf16> to vector<32xbf16>
      %add3A_357 = arith.addf %get3A_350, %get3A_356 : vector<32xbf16>
      %swap3A = arith.index_cast %scan3A_346 : i32 to index
      %swap3A_358 = arith.constant 0 : index
      %swap3A_359 = tpu.vector_load %arg7[%swap3A, %swap3A_358] {strides = array<i32>} : memref<160x160xbf16, #tpu.memory_space<vmem>>, vector<1x32xbf16>,
      %swap3A_360 = vector.shape_cast %swap3A_359 : vector<1x32xbf16> to vector<32xbf16>
      %swap3A_361 = vector.shape_cast %add3A_357 : vector<32xbf16> to vector<1x32xbf16>
      tpu.vector_store %arg7[%swap3A, %swap3A_358], %swap3A_361 {strides = array<i32>} : memref<160x160xbf16, #tpu.memory_space<vmem>>, vector<1x32xbf16>,
      %get3A_362 = arith.index_cast %scan3A_346 : i32 to index
      %get3A_363 = arith.constant 32 : index
      %get3A_364 = tpu.vector_load %arg7[%get3A_362, %get3A_363] {strides = array<i32>} : memref<160x160xbf16, #tpu.memory_space<vmem>>, vector<1x32xbf16>,
      %get3A_365 = vector.shape_cast %get3A_364 : vector<1x32xbf16> to vector<32xbf16>
      %add3A_366 = arith.constant 80 : i32
      %add3A_367 = arith.addi %add3A_366, %scan3A_346 : i32
      %get3A_368 = arith.index_cast %add3A_367 : i32 to index
      %get3A_369 = arith.constant 32 : index
      %get3A_370 = tpu.vector_load %arg7[%get3A_368, %get3A_369] {strides = array<i32>} : memref<160x160xbf16, #tpu.memory_space<vmem>>, vector<1x32xbf16>,
      %get3A_371 = vector.shape_cast %get3A_370 : vector<1x32xbf16> to vector<32xbf16>
      %add3A_372 = arith.addf %get3A_365, %get3A_371 : vector<32xbf16>
      %swap3A_373 = arith.index_cast %scan3A_346 : i32 to index
      %swap3A_374 = arith.constant 32 : index
      %swap3A_375 = tpu.vector_load %arg7[%swap3A_373, %swap3A_374] {strides = array<i32>} : memref<160x160xbf16, #tpu.memory_space<vmem>>, vector<1x32xbf16>,
      %swap3A_376 = vector.shape_cast %swap3A_375 : vector<1x32xbf16> to vector<32xbf16>
      %swap3A_377 = vector.shape_cast %add3A_372 : vector<32xbf16> to vector<1x32xbf16>
      tpu.vector_store %arg7[%swap3A_373, %swap3A_374], %swap3A_377 {strides = array<i32>} : memref<160x160xbf16, #tpu.memory_space<vmem>>, vector<1x32xbf16>,
      %get3A_378 = arith.index_cast %scan3A_346 : i32 to index
      %get3A_379 = arith.constant 64 : index
      %get3A_380 = tpu.vector_load %arg7[%get3A_378, %get3A_379] {strides = array<i32>} : memref<160x160xbf16, #tpu.memory_space<vmem>>, vector<1x32xbf16>,
      %get3A_381 = vector.shape_cast %get3A_380 : vector<1x32xbf16> to vector<32xbf16>
      %add3A_382 = arith.constant 80 : i32
      %add3A_383 = arith.addi %add3A_382, %scan3A_346 : i32
      %get3A_384 = arith.index_cast %add3A_383 : i32 to index
      %get3A_385 = arith.constant 64 : index
      %get3A_386 = tpu.vector_load %arg7[%get3A_384, %get3A_385] {strides = array<i32>} : memref<160x160xbf16, #tpu.memory_space<vmem>>, vector<1x32xbf16>,
      %get3A_387 = vector.shape_cast %get3A_386 : vector<1x32xbf16> to vector<32xbf16>
      %add3A_388 = arith.addf %get3A_381, %get3A_387 : vector<32xbf16>
      %swap3A_389 = arith.index_cast %scan3A_346 : i32 to index
      %swap3A_390 = arith.constant 64 : index
      %swap3A_391 = tpu.vector_load %arg7[%swap3A_389, %swap3A_390] {strides = array<i32>} : memref<160x160xbf16, #tpu.memory_space<vmem>>, vector<1x32xbf16>,
      %swap3A_392 = vector.shape_cast %swap3A_391 : vector<1x32xbf16> to vector<32xbf16>
      %swap3A_393 = vector.shape_cast %add3A_388 : vector<32xbf16> to vector<1x32xbf16>
      tpu.vector_store %arg7[%swap3A_389, %swap3A_390], %swap3A_393 {strides = array<i32>} : memref<160x160xbf16, #tpu.memory_space<vmem>>, vector<1x32xbf16>,
      %get3A_394 = arith.index_cast %scan3A_346 : i32 to index
      %get3A_395 = arith.constant 96 : index
      %get3A_396 = tpu.vector_load %arg7[%get3A_394, %get3A_395] {strides = array<i32>} : memref<160x160xbf16, #tpu.memory_space<vmem>>, vector<1x32xbf16>,
      %get3A_397 = vector.shape_cast %get3A_396 : vector<1x32xbf16> to vector<32xbf16>
      %add3A_398 = arith.constant 80 : i32
      %add3A_399 = arith.addi %add3A_398, %scan3A_346 : i32
      %get3A_400 = arith.index_cast %add3A_399 : i32 to index
      %get3A_401 = arith.constant 96 : index
      %get3A_402 = tpu.vector_load %arg7[%get3A_400, %get3A_401] {strides = array<i32>} : memref<160x160xbf16, #tpu.memory_space<vmem>>, vector<1x32xbf16>,
      %get3A_403 = vector.shape_cast %get3A_402 : vector<1x32xbf16> to vector<32xbf16>
      %add3A_404 = arith.addf %get3A_397, %get3A_403 : vector<32xbf16>
      %swap3A_405 = arith.index_cast %scan3A_346 : i32 to index
      %swap3A_406 = arith.constant 96 : index
      %swap3A_407 = tpu.vector_load %arg7[%swap3A_405, %swap3A_406] {strides = array<i32>} : memref<160x160xbf16, #tpu.memory_space<vmem>>, vector<1x32xbf16>,
      %swap3A_408 = vector.shape_cast %swap3A_407 : vector<1x32xbf16> to vector<32xbf16>
      %swap3A_409 = vector.shape_cast %add3A_404 : vector<32xbf16> to vector<1x32xbf16>
      tpu.vector_store %arg7[%swap3A_405, %swap3A_406], %swap3A_409 {strides = array<i32>} : memref<160x160xbf16, #tpu.memory_space<vmem>>, vector<1x32xbf16>,
      %get3A_410 = arith.index_cast %scan3A_346 : i32 to index
      %get3A_411 = arith.constant 128 : index
      %get3A_412 = tpu.vector_load %arg7[%get3A_410, %get3A_411] {strides = array<i32>} : memref<160x160xbf16, #tpu.memory_space<vmem>>, vector<1x32xbf16>,
      %get3A_413 = vector.shape_cast %get3A_412 : vector<1x32xbf16> to vector<32xbf16>
      %add3A_414 = arith.constant 80 : i32
      %add3A_415 = arith.addi %add3A_414, %scan3A_346 : i32
      %get3A_416 = arith.index_cast %add3A_415 : i32 to index
      %get3A_417 = arith.constant 128 : index
      %get3A_418 = tpu.vector_load %arg7[%get3A_416, %get3A_417] {strides = array<i32>} : memref<160x160xbf16, #tpu.memory_space<vmem>>, vector<1x32xbf16>,
      %get3A_419 = vector.shape_cast %get3A_418 : vector<1x32xbf16> to vector<32xbf16>
      %add3A_420 = arith.addf %get3A_413, %get3A_419 : vector<32xbf16>
      %swap3A_421 = arith.index_cast %scan3A_346 : i32 to index
      %swap3A_422 = arith.constant 128 : index
      %swap3A_423 = tpu.vector_load %arg7[%swap3A_421, %swap3A_422] {strides = array<i32>} : memref<160x160xbf16, #tpu.memory_space<vmem>>, vector<1x32xbf16>,
      %swap3A_424 = vector.shape_cast %swap3A_423 : vector<1x32xbf16> to vector<32xbf16>
      %swap3A_425 = vector.shape_cast %add3A_420 : vector<32xbf16> to vector<1x32xbf16>
      tpu.vector_store %arg7[%swap3A_421, %swap3A_422], %swap3A_425 {strides = array<i32>} : memref<160x160xbf16, #tpu.memory_space<vmem>>, vector<1x32xbf16>,
      %scan3A_426 = arith.constant 0 : i32
      %scan3A_427 = arith.constant 1 : i32
      %scan3A_428 = arith.addi %scan3A_346, %scan3A_427 : i32
      %get3A_429 = arith.index_cast %scan3A_428 : i32 to index
      %get3A_430 = arith.constant 0 : index
      %get3A_431 = tpu.vector_load %arg7[%get3A_429, %get3A_430] {strides = array<i32>} : memref<160x160xbf16, #tpu.memory_space<vmem>>, vector<1x32xbf16>,
      %get3A_432 = vector.shape_cast %get3A_431 : vector<1x32xbf16> to vector<32xbf16>
      %add3A_433 = arith.constant 80 : i32
      %add3A_434 = arith.addi %add3A_433, %scan3A_428 : i32
      %get3A_435 = arith.index_cast %add3A_434 : i32 to index
      %get3A_436 = arith.constant 0 : index
      %get3A_437 = tpu.vector_load %arg7[%get3A_435, %get3A_436] {strides = array<i32>} : memref<160x160xbf16, #tpu.memory_space<vmem>>, vector<1x32xbf16>,
      %get3A_438 = vector.shape_cast %get3A_437 : vector<1x32xbf16> to vector<32xbf16>
      %add3A_439 = arith.addf %get3A_432, %get3A_438 : vector<32xbf16>
      %swap3A_440 = arith.index_cast %scan3A_428 : i32 to index
      %swap3A_441 = arith.constant 0 : index
      %swap3A_442 = tpu.vector_load %arg7[%swap3A_440, %swap3A_441] {strides = array<i32>} : memref<160x160xbf16, #tpu.memory_space<vmem>>, vector<1x32xbf16>,
      %swap3A_443 = vector.shape_cast %swap3A_442 : vector<1x32xbf16> to vector<32xbf16>
      %swap3A_444 = vector.shape_cast %add3A_439 : vector<32xbf16> to vector<1x32xbf16>
      tpu.vector_store %arg7[%swap3A_440, %swap3A_441], %swap3A_444 {strides = array<i32>} : memref<160x160xbf16, #tpu.memory_space<vmem>>, vector<1x32xbf16>,
      %get3A_445 = arith.index_cast %scan3A_428 : i32 to index
      %get3A_446 = arith.constant 32 : index
      %get3A_447 = tpu.vector_load %arg7[%get3A_445, %get3A_446] {strides = array<i32>} : memref<160x160xbf16, #tpu.memory_space<vmem>>, vector<1x32xbf16>,
      %get3A_448 = vector.shape_cast %get3A_447 : vector<1x32xbf16> to vector<32xbf16>
      %add3A_449 = arith.constant 80 : i32
      %add3A_450 = arith.addi %add3A_449, %scan3A_428 : i32
      %get3A_451 = arith.index_cast %add3A_450 : i32 to index
      %get3A_452 = arith.constant 32 : index
      %get3A_453 = tpu.vector_load %arg7[%get3A_451, %get3A_452] {strides = array<i32>} : memref<160x160xbf16, #tpu.memory_space<vmem>>, vector<1x32xbf16>,
      %get3A_454 = vector.shape_cast %get3A_453 : vector<1x32xbf16> to vector<32xbf16>
      %add3A_455 = arith.addf %get3A_448, %get3A_454 : vector<32xbf16>
      %swap3A_456 = arith.index_cast %scan3A_428 : i32 to index
      %swap3A_457 = arith.constant 32 : index
      %swap3A_458 = tpu.vector_load %arg7[%swap3A_456, %swap3A_457] {strides = array<i32>} : memref<160x160xbf16, #tpu.memory_space<vmem>>, vector<1x32xbf16>,
      %swap3A_459 = vector.shape_cast %swap3A_458 : vector<1x32xbf16> to vector<32xbf16>
      %swap3A_460 = vector.shape_cast %add3A_455 : vector<32xbf16> to vector<1x32xbf16>
      tpu.vector_store %arg7[%swap3A_456, %swap3A_457], %swap3A_460 {strides = array<i32>} : memref<160x160xbf16, #tpu.memory_space<vmem>>, vector<1x32xbf16>,
      %get3A_461 = arith.index_cast %scan3A_428 : i32 to index
      %get3A_462 = arith.constant 64 : index
      %get3A_463 = tpu.vector_load %arg7[%get3A_461, %get3A_462] {strides = array<i32>} : memref<160x160xbf16, #tpu.memory_space<vmem>>, vector<1x32xbf16>,
      %get3A_464 = vector.shape_cast %get3A_463 : vector<1x32xbf16> to vector<32xbf16>
      %add3A_465 = arith.constant 80 : i32
      %add3A_466 = arith.addi %add3A_465, %scan3A_428 : i32
      %get3A_467 = arith.index_cast %add3A_466 : i32 to index
      %get3A_468 = arith.constant 64 : index
      %get3A_469 = tpu.vector_load %arg7[%get3A_467, %get3A_468] {strides = array<i32>} : memref<160x160xbf16, #tpu.memory_space<vmem>>, vector<1x32xbf16>,
      %get3A_470 = vector.shape_cast %get3A_469 : vector<1x32xbf16> to vector<32xbf16>
      %add3A_471 = arith.addf %get3A_464, %get3A_470 : vector<32xbf16>
      %swap3A_472 = arith.index_cast %scan3A_428 : i32 to index
      %swap3A_473 = arith.constant 64 : index
      %swap3A_474 = tpu.vector_load %arg7[%swap3A_472, %swap3A_473] {strides = array<i32>} : memref<160x160xbf16, #tpu.memory_space<vmem>>, vector<1x32xbf16>,
      %swap3A_475 = vector.shape_cast %swap3A_474 : vector<1x32xbf16> to vector<32xbf16>
      %swap3A_476 = vector.shape_cast %add3A_471 : vector<32xbf16> to vector<1x32xbf16>
      tpu.vector_store %arg7[%swap3A_472, %swap3A_473], %swap3A_476 {strides = array<i32>} : memref<160x160xbf16, #tpu.memory_space<vmem>>, vector<1x32xbf16>,
      %get3A_477 = arith.index_cast %scan3A_428 : i32 to index
      %get3A_478 = arith.constant 96 : index
      %get3A_479 = tpu.vector_load %arg7[%get3A_477, %get3A_478] {strides = array<i32>} : memref<160x160xbf16, #tpu.memory_space<vmem>>, vector<1x32xbf16>,
      %get3A_480 = vector.shape_cast %get3A_479 : vector<1x32xbf16> to vector<32xbf16>
      %add3A_481 = arith.constant 80 : i32
      %add3A_482 = arith.addi %add3A_481, %scan3A_428 : i32
      %get3A_483 = arith.index_cast %add3A_482 : i32 to index
      %get3A_484 = arith.constant 96 : index
      %get3A_485 = tpu.vector_load %arg7[%get3A_483, %get3A_484] {strides = array<i32>} : memref<160x160xbf16, #tpu.memory_space<vmem>>, vector<1x32xbf16>,
      %get3A_486 = vector.shape_cast %get3A_485 : vector<1x32xbf16> to vector<32xbf16>
      %add3A_487 = arith.addf %get3A_480, %get3A_486 : vector<32xbf16>
      %swap3A_488 = arith.index_cast %scan3A_428 : i32 to index
      %swap3A_489 = arith.constant 96 : index
      %swap3A_490 = tpu.vector_load %arg7[%swap3A_488, %swap3A_489] {strides = array<i32>} : memref<160x160xbf16, #tpu.memory_space<vmem>>, vector<1x32xbf16>,
      %swap3A_491 = vector.shape_cast %swap3A_490 : vector<1x32xbf16> to vector<32xbf16>
      %swap3A_492 = vector.shape_cast %add3A_487 : vector<32xbf16> to vector<1x32xbf16>
      tpu.vector_store %arg7[%swap3A_488, %swap3A_489], %swap3A_492 {strides = array<i32>} : memref<160x160xbf16, #tpu.memory_space<vmem>>, vector<1x32xbf16>,
      %get3A_493 = arith.index_cast %scan3A_428 : i32 to index
      %get3A_494 = arith.constant 128 : index
      %get3A_495 = tpu.vector_load %arg7[%get3A_493, %get3A_494] {strides = array<i32>} : memref<160x160xbf16, #tpu.memory_space<vmem>>, vector<1x32xbf16>,
      %get3A_496 = vector.shape_cast %get3A_495 : vector<1x32xbf16> to vector<32xbf16>
      %add3A_497 = arith.constant 80 : i32
      %add3A_498 = arith.addi %add3A_497, %scan3A_428 : i32
      %get3A_499 = arith.index_cast %add3A_498 : i32 to index
      %get3A_500 = arith.constant 128 : index
      %get3A_501 = tpu.vector_load %arg7[%get3A_499, %get3A_500] {strides = array<i32>} : memref<160x160xbf16, #tpu.memory_space<vmem>>, vector<1x32xbf16>,
      %get3A_502 = vector.shape_cast %get3A_501 : vector<1x32xbf16> to vector<32xbf16>
      %add3A_503 = arith.addf %get3A_496, %get3A_502 : vector<32xbf16>
      %swap3A_504 = arith.index_cast %scan3A_428 : i32 to index
      %swap3A_505 = arith.constant 128 : index
      %swap3A_506 = tpu.vector_load %arg7[%swap3A_504, %swap3A_505] {strides = array<i32>} : memref<160x160xbf16, #tpu.memory_space<vmem>>, vector<1x32xbf16>,
      %swap3A_507 = vector.shape_cast %swap3A_506 : vector<1x32xbf16> to vector<32xbf16>
      %swap3A_508 = vector.shape_cast %add3A_503 : vector<32xbf16> to vector<1x32xbf16>
      tpu.vector_store %arg7[%swap3A_504, %swap3A_505], %swap3A_508 {strides = array<i32>} : memref<160x160xbf16, #tpu.memory_space<vmem>>, vector<1x32xbf16>,
      %scan3A_509 = arith.constant 0 : i32
      scf.yield %scan3A_509 : i32
    }
    %scan3A_309 = arith.constant 80 : i32
    %add3A_310 = arith.constant 1920 : i32
    %add3A_311 = arith.addi %add3A_280, %add3A_310 : i32
    %dma_start3A_312 = arith.constant 0 : i32
    %dma_start3A_313 = arith.constant 0 : i32
    %dma_start3A_314 = tpu.memref_slice %arg7[%dma_start3A_312, %dma_start3A_313] : memref<160x160xbf16, #tpu.memory_space<vmem>> -> memref<80x160xbf16, #tpu.memory_space<vmem>>
    %dma_start3A_315 = arith.constant 0 : i32
    %dma_start3A_316 = tpu.memref_slice %arg4[%add3A_311, %dma_start3A_315] : memref<320000x160xbf16, #tpu.memory_space<hbm>> -> memref<80x160xbf16, #tpu.memory_space<hbm>>
    %dma_start3A_317 = arith.constant 0 : i32
    %dma_start3A_318 = tpu.memref_slice %arg4[%add3A_311, %dma_start3A_317] : memref<320000x160xbf16, #tpu.memory_space<hbm>> -> memref<80x160xbf16, #tpu.memory_space<hbm>>
    %dma_start3A_319 = arith.constant 0 : i32
    %dma_start3A_320 = arith.constant 0 : i32
    %dma_start3A_321 = tpu.memref_slice %arg7[%dma_start3A_319, %dma_start3A_320] : memref<160x160xbf16, #tpu.memory_space<vmem>> -> memref<80x160xbf16, #tpu.memory_space<vmem>>
    tpu.enqueue_dma source(%dma_start3A_321 : memref<80x160xbf16, #tpu.memory_space<vmem>>) target(%dma_start3A_318 : memref<80x160xbf16, #tpu.memory_space<hbm>>) target_semaphore(%arg11 : memref<!tpu.dma_semaphore, #tpu.memory_space<semaphore_mem>>)
    %add3A_322 = arith.constant 1840 : i32
    %add3A_323 = arith.addi %add3A_280, %add3A_322 : i32
    %dma_wait3A_324 = arith.constant 0 : i32
    %dma_wait3A_325 = arith.constant 0 : i32
    %dma_wait3A_326 = tpu.memref_slice %arg8[%dma_wait3A_324, %dma_wait3A_325] : memref<160x160xbf16, #tpu.memory_space<vmem>> -> memref<80x160xbf16, #tpu.memory_space<vmem>>
    %dma_wait3A_327 = arith.constant 0 : i32
    %dma_wait3A_328 = tpu.memref_slice %arg4[%add3A_323, %dma_wait3A_327] : memref<320000x160xbf16, #tpu.memory_space<hbm>> -> memref<80x160xbf16, #tpu.memory_space<hbm>>
    %dma_wait3A_329 = arith.constant 0 : i32
    %dma_wait3A_330 = tpu.memref_slice %arg4[%add3A_323, %dma_wait3A_329] : memref<320000x160xbf16, #tpu.memory_space<hbm>> -> memref<80x160xbf16, #tpu.memory_space<hbm>>
    %dma_wait3A_331 = arith.constant 0 : i32
    %dma_wait3A_332 = arith.constant 0 : i32
    %dma_wait3A_333 = tpu.memref_slice %arg8[%dma_wait3A_331, %dma_wait3A_332] : memref<160x160xbf16, #tpu.memory_space<vmem>> -> memref<80x160xbf16, #tpu.memory_space<vmem>>
    tpu.wait_dma2 semaphore(%arg12 : memref<!tpu.dma_semaphore, #tpu.memory_space<semaphore_mem>>) src(%dma_wait3A_333 : memref<80x160xbf16, #tpu.memory_space<vmem>>) dst(%dma_wait3A_330 : memref<80x160xbf16, #tpu.memory_space<hbm>>)
    %add3A_334 = arith.constant 1920 : i32
    %add3A_335 = arith.addi %add3A_280, %add3A_334 : i32
    %dma_wait3A_336 = arith.constant 0 : i32
    %dma_wait3A_337 = arith.constant 0 : i32
    %dma_wait3A_338 = tpu.memref_slice %arg7[%dma_wait3A_336, %dma_wait3A_337] : memref<160x160xbf16, #tpu.memory_space<vmem>> -> memref<80x160xbf16, #tpu.memory_space<vmem>>
    %dma_wait3A_339 = arith.constant 0 : i32
    %dma_wait3A_340 = tpu.memref_slice %arg4[%add3A_335, %dma_wait3A_339] : memref<320000x160xbf16, #tpu.memory_space<hbm>> -> memref<80x160xbf16, #tpu.memory_space<hbm>>
    %dma_wait3A_341 = arith.constant 0 : i32
    %dma_wait3A_342 = tpu.memref_slice %arg4[%add3A_335, %dma_wait3A_341] : memref<320000x160xbf16, #tpu.memory_space<hbm>> -> memref<80x160xbf16, #tpu.memory_space<hbm>>
    %dma_wait3A_343 = arith.constant 0 : i32
    %dma_wait3A_344 = arith.constant 0 : i32
    %dma_wait3A_345 = tpu.memref_slice %arg7[%dma_wait3A_343, %dma_wait3A_344] : memref<160x160xbf16, #tpu.memory_space<vmem>> -> memref<80x160xbf16, #tpu.memory_space<vmem>>
    tpu.wait_dma2 semaphore(%arg11 : memref<!tpu.dma_semaphore, #tpu.memory_space<semaphore_mem>>) src(%dma_wait3A_345 : memref<80x160xbf16, #tpu.memory_space<vmem>>) dst(%dma_wait3A_342 : memref<80x160xbf16, #tpu.memory_space<hbm>>)
    return
  }
}

#map = affine_map<(d0, d1) -> (0, 0)>
#map1 = affine_map<(d0, d1) -> (0, 0, 0)>
module attributes {stable_mosaic.version = 14 : i64} {
  func.func @_sc_scatter_body(%arg0: i32, %arg1: i32, %arg2: memref<320000x128xf32, #tpu.memory_space<hbm>>, %arg3: memref<32x125x80xi32, #tpu.memory_space<hbm>>, %arg4: memref<10000x128xf32, #tpu.memory_space<hbm>>, %arg5: memref<2x10000x128xf32, #tpu.memory_space<hbm>>, %arg6: memref<10000x128xf32, #tpu.memory_space<vmem_shared>>, %arg7: memref<125x80xi32, #tpu.memory_space<vmem>>, %arg8: memref<80x128xf32, #tpu.memory_space<vmem>>, %arg9: memref<80x128xf32, #tpu.memory_space<vmem>>, %arg10: memref<!tpu.dma_semaphore, #tpu.memory_space<semaphore_mem>>, %arg11: memref<!tpu.dma_semaphore, #tpu.memory_space<semaphore_mem>>, %arg12: memref<!tpu.dma_semaphore, #tpu.memory_space<semaphore_mem>>, %arg13: memref<!tpu.dma_semaphore, #tpu.memory_space<semaphore_mem>>) attributes {dimension_semantics = [#tpu.dimension_semantics<core_parallel>, #tpu.dimension_semantics<subcore_parallel>], iteration_bounds = array<i64: 2, 16>, scalar_prefetch = 0 : i64, scratch_operands = 8 : i64, tpu.core_type = #tpu.core_type<sc_vector_subcore>, window_params = [{transform_indices = #map}, {transform_indices = #map1}, {transform_indices = #map}, {transform_indices = #map1}]} {
    %mul3A = arith.constant 2 : i32
    %mul3A_0 = arith.muli %arg1, %mul3A : i32
    %add3A = arith.addi %mul3A_0, %arg0 : i32
    %mul3A_1 = arith.constant 624 : i32
    %mul3A_2 = arith.muli %arg1, %mul3A_1 : i32
    "tpu.region"() ({
      %run_scoped3A = tpu.sem_alloc : memref<!tpu.dma_semaphore, #tpu.memory_space<semaphore_mem>>
      %dma_start3A_52 = arith.constant 0 : i32
      %dma_start3A_53 = tpu.memref_slice %arg6[%mul3A_2, %dma_start3A_52] : memref<10000x128xf32, #tpu.memory_space<vmem_shared>> -> memref<624x128xf32, #tpu.memory_space<vmem_shared>>
      %dma_start3A_54 = arith.constant 0 : i32
      %dma_start3A_55 = tpu.memref_slice %arg4[%mul3A_2, %dma_start3A_54] : memref<10000x128xf32, #tpu.memory_space<hbm>> -> memref<624x128xf32, #tpu.memory_space<hbm>>
      tpu.enqueue_dma source(%dma_start3A_55 : memref<624x128xf32, #tpu.memory_space<hbm>>) target(%dma_start3A_53 : memref<624x128xf32, #tpu.memory_space<vmem_shared>>) target_semaphore(%run_scoped3A : memref<!tpu.dma_semaphore, #tpu.memory_space<semaphore_mem>>)
      %dma_wait3A_56 = arith.constant 0 : i32
      %dma_wait3A_57 = tpu.memref_slice %arg6[%mul3A_2, %dma_wait3A_56] : memref<10000x128xf32, #tpu.memory_space<vmem_shared>> -> memref<624x128xf32, #tpu.memory_space<vmem_shared>>
      %dma_wait3A_58 = arith.constant 0 : i32
      %dma_wait3A_59 = tpu.memref_slice %arg4[%mul3A_2, %dma_wait3A_58] : memref<10000x128xf32, #tpu.memory_space<hbm>> -> memref<624x128xf32, #tpu.memory_space<hbm>>
      tpu.wait_dma2 semaphore(%run_scoped3A : memref<!tpu.dma_semaphore, #tpu.memory_space<semaphore_mem>>) src(%dma_wait3A_59 : memref<624x128xf32, #tpu.memory_space<hbm>>) dst(%dma_wait3A_57 : memref<624x128xf32, #tpu.memory_space<vmem_shared>>)
      tpu.yield
    }) : () -> ()
    %eq3A = arith.constant 0 : i32
    %eq3A_3 = arith.cmpi eq, %arg1, %eq3A : i32
    %convert_element_type3A = arith.extui %eq3A_3 : i1 to i32
    %cond3A = arith.constant 0 : i32
    %cond3A_4 = arith.cmpi ne, %convert_element_type3A, %cond3A : i32
    scf.if %cond3A_4 {
      "tpu.region"() ({
        %run_scoped3A = tpu.sem_alloc : memref<!tpu.dma_semaphore, #tpu.memory_space<semaphore_mem>>
        %dma_start3A_52 = arith.constant 9984 : i32
        %dma_start3A_53 = arith.constant 0 : i32
        %dma_start3A_54 = tpu.memref_slice %arg6[%dma_start3A_52, %dma_start3A_53] : memref<10000x128xf32, #tpu.memory_space<vmem_shared>> -> memref<16x128xf32, #tpu.memory_space<vmem_shared>>
        %dma_start3A_55 = arith.constant 9984 : i32
        %dma_start3A_56 = arith.constant 0 : i32
        %dma_start3A_57 = tpu.memref_slice %arg4[%dma_start3A_55, %dma_start3A_56] : memref<10000x128xf32, #tpu.memory_space<hbm>> -> memref<16x128xf32, #tpu.memory_space<hbm>>
        tpu.enqueue_dma source(%dma_start3A_57 : memref<16x128xf32, #tpu.memory_space<hbm>>) target(%dma_start3A_54 : memref<16x128xf32, #tpu.memory_space<vmem_shared>>) target_semaphore(%run_scoped3A : memref<!tpu.dma_semaphore, #tpu.memory_space<semaphore_mem>>)
        %dma_wait3A_58 = arith.constant 9984 : i32
        %dma_wait3A_59 = arith.constant 0 : i32
        %dma_wait3A_60 = tpu.memref_slice %arg6[%dma_wait3A_58, %dma_wait3A_59] : memref<10000x128xf32, #tpu.memory_space<vmem_shared>> -> memref<16x128xf32, #tpu.memory_space<vmem_shared>>
        %dma_wait3A_61 = arith.constant 9984 : i32
        %dma_wait3A_62 = arith.constant 0 : i32
        %dma_wait3A_63 = tpu.memref_slice %arg4[%dma_wait3A_61, %dma_wait3A_62] : memref<10000x128xf32, #tpu.memory_space<hbm>> -> memref<16x128xf32, #tpu.memory_space<hbm>>
        tpu.wait_dma2 semaphore(%run_scoped3A : memref<!tpu.dma_semaphore, #tpu.memory_space<semaphore_mem>>) src(%dma_wait3A_63 : memref<16x128xf32, #tpu.memory_space<hbm>>) dst(%dma_wait3A_60 : memref<16x128xf32, #tpu.memory_space<vmem_shared>>)
        tpu.yield
      }) : () -> ()
    } else {
    }
    "tpu.region"() ({
      %run_scoped3A = tpu.sem_alloc : memref<!tpu.dma_semaphore, #tpu.memory_space<semaphore_mem>>
      %dma_start3A_52 = arith.constant 0 : i32
      %dma_start3A_53 = arith.constant 0 : i32
      %dma_start3A_54 = tpu.memref_slice %arg3[%add3A, %dma_start3A_52, %dma_start3A_53] : memref<32x125x80xi32, #tpu.memory_space<hbm>> -> memref<1x125x80xi32, #tpu.memory_space<hbm>>
      %dma_start3A_55 = tpu.memref_squeeze %dma_start3A_54 : memref<1x125x80xi32, #tpu.memory_space<hbm>> -> memref<125x80xi32, #tpu.memory_space<hbm>>
      %dma_start3A_56 = arith.constant 0 : i32
      %dma_start3A_57 = arith.constant 0 : i32
      %dma_start3A_58 = tpu.memref_slice %arg3[%add3A, %dma_start3A_56, %dma_start3A_57] : memref<32x125x80xi32, #tpu.memory_space<hbm>> -> memref<1x125x80xi32, #tpu.memory_space<hbm>>
      %dma_start3A_59 = tpu.memref_squeeze %dma_start3A_58 : memref<1x125x80xi32, #tpu.memory_space<hbm>> -> memref<125x80xi32, #tpu.memory_space<hbm>>
      tpu.enqueue_dma source(%dma_start3A_59 : memref<125x80xi32, #tpu.memory_space<hbm>>) target(%arg7 : memref<125x80xi32, #tpu.memory_space<vmem>>) target_semaphore(%run_scoped3A : memref<!tpu.dma_semaphore, #tpu.memory_space<semaphore_mem>>)
      %dma_wait3A_60 = arith.constant 0 : i32
      %dma_wait3A_61 = arith.constant 0 : i32
      %dma_wait3A_62 = tpu.memref_slice %arg3[%add3A, %dma_wait3A_60, %dma_wait3A_61] : memref<32x125x80xi32, #tpu.memory_space<hbm>> -> memref<1x125x80xi32, #tpu.memory_space<hbm>>
      %dma_wait3A_63 = tpu.memref_squeeze %dma_wait3A_62 : memref<1x125x80xi32, #tpu.memory_space<hbm>> -> memref<125x80xi32, #tpu.memory_space<hbm>>
      %dma_wait3A_64 = arith.constant 0 : i32
      %dma_wait3A_65 = arith.constant 0 : i32
      %dma_wait3A_66 = tpu.memref_slice %arg3[%add3A, %dma_wait3A_64, %dma_wait3A_65] : memref<32x125x80xi32, #tpu.memory_space<hbm>> -> memref<1x125x80xi32, #tpu.memory_space<hbm>>
      %dma_wait3A_67 = tpu.memref_squeeze %dma_wait3A_66 : memref<1x125x80xi32, #tpu.memory_space<hbm>> -> memref<125x80xi32, #tpu.memory_space<hbm>>
      tpu.wait_dma2 semaphore(%run_scoped3A : memref<!tpu.dma_semaphore, #tpu.memory_space<semaphore_mem>>) src(%dma_wait3A_67 : memref<125x80xi32, #tpu.memory_space<hbm>>) dst(%arg7 : memref<125x80xi32, #tpu.memory_space<vmem>>)
      tpu.yield
    }) : () -> ()
    %barrier3A = arith.constant 0 : index
    tpu.barrier barrier_id(%barrier3A)
    %mul3A_5 = arith.constant 10000 : i32
    %mul3A_6 = arith.muli %add3A, %mul3A_5 : i32
    %add3A_7 = arith.constant 0 : i32
    %add3A_8 = arith.addi %mul3A_6, %add3A_7 : i32
    %dma_start3A = arith.constant 0 : i32
    %dma_start3A_9 = tpu.memref_slice %arg2[%add3A_8, %dma_start3A] : memref<320000x128xf32, #tpu.memory_space<hbm>> -> memref<80x128xf32, #tpu.memory_space<hbm>>
    %dma_start3A_10 = arith.constant 0 : i32
    %dma_start3A_11 = tpu.memref_slice %arg2[%add3A_8, %dma_start3A_10] : memref<320000x128xf32, #tpu.memory_space<hbm>> -> memref<80x128xf32, #tpu.memory_space<hbm>>
    tpu.enqueue_dma source(%dma_start3A_11 : memref<80x128xf32, #tpu.memory_space<hbm>>) target(%arg8 : memref<80x128xf32, #tpu.memory_space<vmem>>) target_semaphore(%arg10 : memref<!tpu.dma_semaphore, #tpu.memory_space<semaphore_mem>>)
    %scan3A = arith.constant 0 : i32
    %scan3A_12 = arith.constant 0 : i32
    %scan3A_13 = arith.constant 62 : i32
    %scan3A_14 = arith.addi %scan3A_12, %scan3A_13 : i32
    %scan3A_15 = arith.constant 1 : i32
    %scan3A_16 = scf.for %scan3A_52 = %scan3A_12 to %scan3A_14 step %scan3A_15 iter_args(%scan3A_53 = %scan3A) -> (i32)  : i32 {
      %mul3A_54 = arith.constant 2 : i32
      %mul3A_55 = arith.muli %mul3A_54, %scan3A_52 : i32
      %mul3A_56 = arith.constant 2 : i32
      %mul3A_57 = arith.muli %mul3A_56, %scan3A_52 : i32
      %add3A_58 = arith.constant 1 : i32
      %add3A_59 = arith.addi %mul3A_57, %add3A_58 : i32
      %gt3A = arith.constant 0 : i32
      %gt3A_60 = arith.cmpi sgt, %scan3A_52, %gt3A : i32
      %convert_element_type3A_61 = arith.extui %gt3A_60 : i1 to i32
      %cond3A_62 = arith.constant 0 : i32
      %cond3A_63 = arith.cmpi ne, %convert_element_type3A_61, %cond3A_62 : i32
      scf.if %cond3A_63 {
        %sub3A = arith.constant 2 : i32
        %sub3A_121 = arith.subi %add3A_59, %sub3A : i32
        %dma_wait3A_122 = arith.constant 0 : i32
        %dma_wait3A_123 = tpu.memref_slice %arg7[%sub3A_121, %dma_wait3A_122] : memref<125x80xi32, #tpu.memory_space<vmem>> -> memref<1x80xi32, #tpu.memory_space<vmem>>
        %dma_wait3A_124 = tpu.memref_squeeze %dma_wait3A_123 : memref<1x80xi32, #tpu.memory_space<vmem>> -> memref<80xi32, #tpu.memory_space<vmem>>
        %dma_wait3A_125 = arith.constant 0 : i32
        %dma_wait3A_126 = arith.constant 0 : i32
        %dma_wait3A_127 = tpu.memref_slice %arg6[%dma_wait3A_125, %dma_wait3A_126] : memref<10000x128xf32, #tpu.memory_space<vmem_shared>> -> memref<10000x128xf32, #tpu.memory_space<vmem_shared>>
        tpu.wait_indirect_dma semaphore(%arg13 : memref<!tpu.dma_semaphore, #tpu.memory_space<semaphore_mem>>) src(%arg9 : memref<80x128xf32, #tpu.memory_space<vmem>>) dst(%dma_wait3A_127 : memref<10000x128xf32, #tpu.memory_space<vmem_shared>>)
      } else {
      }
      %mul3A_64 = arith.constant 10000 : i32
      %mul3A_65 = arith.muli %add3A, %mul3A_64 : i32
      %mul3A_66 = arith.constant 80 : i32
      %mul3A_67 = arith.muli %add3A_59, %mul3A_66 : i32
      %add3A_68 = arith.addi %mul3A_65, %mul3A_67 : i32
      %dma_start3A_69 = arith.constant 0 : i32
      %dma_start3A_70 = tpu.memref_slice %arg2[%add3A_68, %dma_start3A_69] : memref<320000x128xf32, #tpu.memory_space<hbm>> -> memref<80x128xf32, #tpu.memory_space<hbm>>
      %dma_start3A_71 = arith.constant 0 : i32
      %dma_start3A_72 = tpu.memref_slice %arg2[%add3A_68, %dma_start3A_71] : memref<320000x128xf32, #tpu.memory_space<hbm>> -> memref<80x128xf32, #tpu.memory_space<hbm>>
      tpu.enqueue_dma source(%dma_start3A_72 : memref<80x128xf32, #tpu.memory_space<hbm>>) target(%arg9 : memref<80x128xf32, #tpu.memory_space<vmem>>) target_semaphore(%arg11 : memref<!tpu.dma_semaphore, #tpu.memory_space<semaphore_mem>>)
      %mul3A_73 = arith.constant 10000 : i32
      %mul3A_74 = arith.muli %add3A, %mul3A_73 : i32
      %mul3A_75 = arith.constant 80 : i32
      %mul3A_76 = arith.muli %mul3A_55, %mul3A_75 : i32
      %add3A_77 = arith.addi %mul3A_74, %mul3A_76 : i32
      %dma_wait3A_78 = arith.constant 0 : i32
      %dma_wait3A_79 = tpu.memref_slice %arg2[%add3A_77, %dma_wait3A_78] : memref<320000x128xf32, #tpu.memory_space<hbm>> -> memref<80x128xf32, #tpu.memory_space<hbm>>
      %dma_wait3A_80 = arith.constant 0 : i32
      %dma_wait3A_81 = tpu.memref_slice %arg2[%add3A_77, %dma_wait3A_80] : memref<320000x128xf32, #tpu.memory_space<hbm>> -> memref<80x128xf32, #tpu.memory_space<hbm>>
      tpu.wait_dma2 semaphore(%arg10 : memref<!tpu.dma_semaphore, #tpu.memory_space<semaphore_mem>>) src(%dma_wait3A_81 : memref<80x128xf32, #tpu.memory_space<hbm>>) dst(%arg8 : memref<80x128xf32, #tpu.memory_space<vmem>>)
      %dma_start3A_82 = arith.constant 0 : i32
      %dma_start3A_83 = tpu.memref_slice %arg7[%mul3A_55, %dma_start3A_82] : memref<125x80xi32, #tpu.memory_space<vmem>> -> memref<1x80xi32, #tpu.memory_space<vmem>>
      %dma_start3A_84 = tpu.memref_squeeze %dma_start3A_83 : memref<1x80xi32, #tpu.memory_space<vmem>> -> memref<80xi32, #tpu.memory_space<vmem>>
      %dma_start3A_85 = arith.constant 0 : i32
      %dma_start3A_86 = arith.constant 0 : i32
      %dma_start3A_87 = tpu.memref_slice %arg6[%dma_start3A_85, %dma_start3A_86] : memref<10000x128xf32, #tpu.memory_space<vmem_shared>> -> memref<10000x128xf32, #tpu.memory_space<vmem_shared>>
      tpu.enqueue_indirect_dma source(%arg8 : memref<80x128xf32, #tpu.memory_space<vmem>>) target(%dma_start3A_87 : memref<10000x128xf32, #tpu.memory_space<vmem_shared>>) offsets(%dma_start3A_84 : memref<80xi32, #tpu.memory_space<vmem>>) semaphore(%arg12 : memref<!tpu.dma_semaphore, #tpu.memory_space<semaphore_mem>>) {add = true}
      %mul3A_88 = arith.constant 10000 : i32
      %mul3A_89 = arith.muli %add3A, %mul3A_88 : i32
      %mul3A_90 = arith.constant 80 : i32
      %mul3A_91 = arith.muli %add3A_59, %mul3A_90 : i32
      %add3A_92 = arith.addi %mul3A_89, %mul3A_91 : i32
      %dma_wait3A_93 = arith.constant 0 : i32
      %dma_wait3A_94 = tpu.memref_slice %arg2[%add3A_92, %dma_wait3A_93] : memref<320000x128xf32, #tpu.memory_space<hbm>> -> memref<80x128xf32, #tpu.memory_space<hbm>>
      %dma_wait3A_95 = arith.constant 0 : i32
      %dma_wait3A_96 = tpu.memref_slice %arg2[%add3A_92, %dma_wait3A_95] : memref<320000x128xf32, #tpu.memory_space<hbm>> -> memref<80x128xf32, #tpu.memory_space<hbm>>
      tpu.wait_dma2 semaphore(%arg11 : memref<!tpu.dma_semaphore, #tpu.memory_space<semaphore_mem>>) src(%dma_wait3A_96 : memref<80x128xf32, #tpu.memory_space<hbm>>) dst(%arg9 : memref<80x128xf32, #tpu.memory_space<vmem>>)
      %dma_start3A_97 = arith.constant 0 : i32
      %dma_start3A_98 = tpu.memref_slice %arg7[%add3A_59, %dma_start3A_97] : memref<125x80xi32, #tpu.memory_space<vmem>> -> memref<1x80xi32, #tpu.memory_space<vmem>>
      %dma_start3A_99 = tpu.memref_squeeze %dma_start3A_98 : memref<1x80xi32, #tpu.memory_space<vmem>> -> memref<80xi32, #tpu.memory_space<vmem>>
      %dma_start3A_100 = arith.constant 0 : i32
      %dma_start3A_101 = arith.constant 0 : i32
      %dma_start3A_102 = tpu.memref_slice %arg6[%dma_start3A_100, %dma_start3A_101] : memref<10000x128xf32, #tpu.memory_space<vmem_shared>> -> memref<10000x128xf32, #tpu.memory_space<vmem_shared>>
      tpu.enqueue_indirect_dma source(%arg9 : memref<80x128xf32, #tpu.memory_space<vmem>>) target(%dma_start3A_102 : memref<10000x128xf32, #tpu.memory_space<vmem_shared>>) offsets(%dma_start3A_99 : memref<80xi32, #tpu.memory_space<vmem>>) semaphore(%arg13 : memref<!tpu.dma_semaphore, #tpu.memory_space<semaphore_mem>>) {add = true}
      %dma_wait3A_103 = arith.constant 0 : i32
      %dma_wait3A_104 = tpu.memref_slice %arg7[%mul3A_55, %dma_wait3A_103] : memref<125x80xi32, #tpu.memory_space<vmem>> -> memref<1x80xi32, #tpu.memory_space<vmem>>
      %dma_wait3A_105 = tpu.memref_squeeze %dma_wait3A_104 : memref<1x80xi32, #tpu.memory_space<vmem>> -> memref<80xi32, #tpu.memory_space<vmem>>
      %dma_wait3A_106 = arith.constant 0 : i32
      %dma_wait3A_107 = arith.constant 0 : i32
      %dma_wait3A_108 = tpu.memref_slice %arg6[%dma_wait3A_106, %dma_wait3A_107] : memref<10000x128xf32, #tpu.memory_space<vmem_shared>> -> memref<10000x128xf32, #tpu.memory_space<vmem_shared>>
      tpu.wait_indirect_dma semaphore(%arg12 : memref<!tpu.dma_semaphore, #tpu.memory_space<semaphore_mem>>) src(%arg8 : memref<80x128xf32, #tpu.memory_space<vmem>>) dst(%dma_wait3A_108 : memref<10000x128xf32, #tpu.memory_space<vmem_shared>>)
      %add3A_109 = arith.constant 2 : i32
      %add3A_110 = arith.addi %mul3A_55, %add3A_109 : i32
      %mul3A_111 = arith.constant 10000 : i32
      %mul3A_112 = arith.muli %add3A, %mul3A_111 : i32
      %mul3A_113 = arith.constant 80 : i32
      %mul3A_114 = arith.muli %add3A_110, %mul3A_113 : i32
      %add3A_115 = arith.addi %mul3A_112, %mul3A_114 : i32
      %dma_start3A_116 = arith.constant 0 : i32
      %dma_start3A_117 = tpu.memref_slice %arg2[%add3A_115, %dma_start3A_116] : memref<320000x128xf32, #tpu.memory_space<hbm>> -> memref<80x128xf32, #tpu.memory_space<hbm>>
      %dma_start3A_118 = arith.constant 0 : i32
      %dma_start3A_119 = tpu.memref_slice %arg2[%add3A_115, %dma_start3A_118] : memref<320000x128xf32, #tpu.memory_space<hbm>> -> memref<80x128xf32, #tpu.memory_space<hbm>>
      tpu.enqueue_dma source(%dma_start3A_119 : memref<80x128xf32, #tpu.memory_space<hbm>>) target(%arg8 : memref<80x128xf32, #tpu.memory_space<vmem>>) target_semaphore(%arg10 : memref<!tpu.dma_semaphore, #tpu.memory_space<semaphore_mem>>)
      %scan3A_120 = arith.constant 0 : i32
      scf.yield %scan3A_120 : i32
    }
    %scan3A_17 = arith.constant 62 : i32
    %mul3A_18 = arith.constant 10000 : i32
    %mul3A_19 = arith.muli %add3A, %mul3A_18 : i32
    %add3A_20 = arith.constant 9920 : i32
    %add3A_21 = arith.addi %mul3A_19, %add3A_20 : i32
    %dma_wait3A = arith.constant 0 : i32
    %dma_wait3A_22 = tpu.memref_slice %arg2[%add3A_21, %dma_wait3A] : memref<320000x128xf32, #tpu.memory_space<hbm>> -> memref<80x128xf32, #tpu.memory_space<hbm>>
    %dma_wait3A_23 = arith.constant 0 : i32
    %dma_wait3A_24 = tpu.memref_slice %arg2[%add3A_21, %dma_wait3A_23] : memref<320000x128xf32, #tpu.memory_space<hbm>> -> memref<80x128xf32, #tpu.memory_space<hbm>>
    tpu.wait_dma2 semaphore(%arg10 : memref<!tpu.dma_semaphore, #tpu.memory_space<semaphore_mem>>) src(%dma_wait3A_24 : memref<80x128xf32, #tpu.memory_space<hbm>>) dst(%arg8 : memref<80x128xf32, #tpu.memory_space<vmem>>)
    %dma_start3A_25 = arith.constant 124 : i32
    %dma_start3A_26 = arith.constant 0 : i32
    %dma_start3A_27 = tpu.memref_slice %arg7[%dma_start3A_25, %dma_start3A_26] : memref<125x80xi32, #tpu.memory_space<vmem>> -> memref<1x80xi32, #tpu.memory_space<vmem>>
    %dma_start3A_28 = tpu.memref_squeeze %dma_start3A_27 : memref<1x80xi32, #tpu.memory_space<vmem>> -> memref<80xi32, #tpu.memory_space<vmem>>
    %dma_start3A_29 = arith.constant 0 : i32
    %dma_start3A_30 = arith.constant 0 : i32
    %dma_start3A_31 = tpu.memref_slice %arg6[%dma_start3A_29, %dma_start3A_30] : memref<10000x128xf32, #tpu.memory_space<vmem_shared>> -> memref<10000x128xf32, #tpu.memory_space<vmem_shared>>
    tpu.enqueue_indirect_dma source(%arg8 : memref<80x128xf32, #tpu.memory_space<vmem>>) target(%dma_start3A_31 : memref<10000x128xf32, #tpu.memory_space<vmem_shared>>) offsets(%dma_start3A_28 : memref<80xi32, #tpu.memory_space<vmem>>) semaphore(%arg12 : memref<!tpu.dma_semaphore, #tpu.memory_space<semaphore_mem>>) {add = true}
    %dma_wait3A_32 = arith.constant 123 : i32
    %dma_wait3A_33 = arith.constant 0 : i32
    %dma_wait3A_34 = tpu.memref_slice %arg7[%dma_wait3A_32, %dma_wait3A_33] : memref<125x80xi32, #tpu.memory_space<vmem>> -> memref<1x80xi32, #tpu.memory_space<vmem>>
    %dma_wait3A_35 = tpu.memref_squeeze %dma_wait3A_34 : memref<1x80xi32, #tpu.memory_space<vmem>> -> memref<80xi32, #tpu.memory_space<vmem>>
    %dma_wait3A_36 = arith.constant 0 : i32
    %dma_wait3A_37 = arith.constant 0 : i32
    %dma_wait3A_38 = tpu.memref_slice %arg6[%dma_wait3A_36, %dma_wait3A_37] : memref<10000x128xf32, #tpu.memory_space<vmem_shared>> -> memref<10000x128xf32, #tpu.memory_space<vmem_shared>>
    tpu.wait_indirect_dma semaphore(%arg13 : memref<!tpu.dma_semaphore, #tpu.memory_space<semaphore_mem>>) src(%arg9 : memref<80x128xf32, #tpu.memory_space<vmem>>) dst(%dma_wait3A_38 : memref<10000x128xf32, #tpu.memory_space<vmem_shared>>)
    %dma_wait3A_39 = arith.constant 124 : i32
    %dma_wait3A_40 = arith.constant 0 : i32
    %dma_wait3A_41 = tpu.memref_slice %arg7[%dma_wait3A_39, %dma_wait3A_40] : memref<125x80xi32, #tpu.memory_space<vmem>> -> memref<1x80xi32, #tpu.memory_space<vmem>>
    %dma_wait3A_42 = tpu.memref_squeeze %dma_wait3A_41 : memref<1x80xi32, #tpu.memory_space<vmem>> -> memref<80xi32, #tpu.memory_space<vmem>>
    %dma_wait3A_43 = arith.constant 0 : i32
    %dma_wait3A_44 = arith.constant 0 : i32
    %dma_wait3A_45 = tpu.memref_slice %arg6[%dma_wait3A_43, %dma_wait3A_44] : memref<10000x128xf32, #tpu.memory_space<vmem_shared>> -> memref<10000x128xf32, #tpu.memory_space<vmem_shared>>
    tpu.wait_indirect_dma semaphore(%arg12 : memref<!tpu.dma_semaphore, #tpu.memory_space<semaphore_mem>>) src(%arg8 : memref<80x128xf32, #tpu.memory_space<vmem>>) dst(%dma_wait3A_45 : memref<10000x128xf32, #tpu.memory_space<vmem_shared>>)
    %barrier3A_46 = arith.constant 0 : index
    tpu.barrier barrier_id(%barrier3A_46)
    "tpu.region"() ({
      %run_scoped3A = tpu.sem_alloc : memref<!tpu.dma_semaphore, #tpu.memory_space<semaphore_mem>>
      %dma_start3A_52 = arith.constant 0 : i32
      %dma_start3A_53 = tpu.memref_slice %arg5[%arg0, %mul3A_2, %dma_start3A_52] : memref<2x10000x128xf32, #tpu.memory_space<hbm>> -> memref<1x624x128xf32, #tpu.memory_space<hbm>>
      %dma_start3A_54 = tpu.memref_squeeze %dma_start3A_53 : memref<1x624x128xf32, #tpu.memory_space<hbm>> -> memref<624x128xf32, #tpu.memory_space<hbm>>
      %dma_start3A_55 = arith.constant 0 : i32
      %dma_start3A_56 = tpu.memref_slice %arg6[%mul3A_2, %dma_start3A_55] : memref<10000x128xf32, #tpu.memory_space<vmem_shared>> -> memref<624x128xf32, #tpu.memory_space<vmem_shared>>
      tpu.enqueue_dma source(%dma_start3A_56 : memref<624x128xf32, #tpu.memory_space<vmem_shared>>) target(%dma_start3A_54 : memref<624x128xf32, #tpu.memory_space<hbm>>) target_semaphore(%run_scoped3A : memref<!tpu.dma_semaphore, #tpu.memory_space<semaphore_mem>>)
      %dma_wait3A_57 = arith.constant 0 : i32
      %dma_wait3A_58 = tpu.memref_slice %arg5[%arg0, %mul3A_2, %dma_wait3A_57] : memref<2x10000x128xf32, #tpu.memory_space<hbm>> -> memref<1x624x128xf32, #tpu.memory_space<hbm>>
      %dma_wait3A_59 = tpu.memref_squeeze %dma_wait3A_58 : memref<1x624x128xf32, #tpu.memory_space<hbm>> -> memref<624x128xf32, #tpu.memory_space<hbm>>
      %dma_wait3A_60 = arith.constant 0 : i32
      %dma_wait3A_61 = tpu.memref_slice %arg6[%mul3A_2, %dma_wait3A_60] : memref<10000x128xf32, #tpu.memory_space<vmem_shared>> -> memref<624x128xf32, #tpu.memory_space<vmem_shared>>
      tpu.wait_dma2 semaphore(%run_scoped3A : memref<!tpu.dma_semaphore, #tpu.memory_space<semaphore_mem>>) src(%dma_wait3A_61 : memref<624x128xf32, #tpu.memory_space<vmem_shared>>) dst(%dma_wait3A_59 : memref<624x128xf32, #tpu.memory_space<hbm>>)
      tpu.yield
    }) : () -> ()
    %eq3A_47 = arith.constant 0 : i32
    %eq3A_48 = arith.cmpi eq, %arg1, %eq3A_47 : i32
    %convert_element_type3A_49 = arith.extui %eq3A_48 : i1 to i32
    %cond3A_50 = arith.constant 0 : i32
    %cond3A_51 = arith.cmpi ne, %convert_element_type3A_49, %cond3A_50 : i32
    scf.if %cond3A_51 {
      "tpu.region"() ({
        %run_scoped3A = tpu.sem_alloc : memref<!tpu.dma_semaphore, #tpu.memory_space<semaphore_mem>>
        %dma_start3A_52 = arith.constant 9984 : i32
        %dma_start3A_53 = arith.constant 0 : i32
        %dma_start3A_54 = tpu.memref_slice %arg5[%arg0, %dma_start3A_52, %dma_start3A_53] : memref<2x10000x128xf32, #tpu.memory_space<hbm>> -> memref<1x16x128xf32, #tpu.memory_space<hbm>>
        %dma_start3A_55 = tpu.memref_squeeze %dma_start3A_54 : memref<1x16x128xf32, #tpu.memory_space<hbm>> -> memref<16x128xf32, #tpu.memory_space<hbm>>
        %dma_start3A_56 = arith.constant 9984 : i32
        %dma_start3A_57 = arith.constant 0 : i32
        %dma_start3A_58 = tpu.memref_slice %arg6[%dma_start3A_56, %dma_start3A_57] : memref<10000x128xf32, #tpu.memory_space<vmem_shared>> -> memref<16x128xf32, #tpu.memory_space<vmem_shared>>
        tpu.enqueue_dma source(%dma_start3A_58 : memref<16x128xf32, #tpu.memory_space<vmem_shared>>) target(%dma_start3A_55 : memref<16x128xf32, #tpu.memory_space<hbm>>) target_semaphore(%run_scoped3A : memref<!tpu.dma_semaphore, #tpu.memory_space<semaphore_mem>>)
        %dma_wait3A_59 = arith.constant 9984 : i32
        %dma_wait3A_60 = arith.constant 0 : i32
        %dma_wait3A_61 = tpu.memref_slice %arg5[%arg0, %dma_wait3A_59, %dma_wait3A_60] : memref<2x10000x128xf32, #tpu.memory_space<hbm>> -> memref<1x16x128xf32, #tpu.memory_space<hbm>>
        %dma_wait3A_62 = tpu.memref_squeeze %dma_wait3A_61 : memref<1x16x128xf32, #tpu.memory_space<hbm>> -> memref<16x128xf32, #tpu.memory_space<hbm>>
        %dma_wait3A_63 = arith.constant 9984 : i32
        %dma_wait3A_64 = arith.constant 0 : i32
        %dma_wait3A_65 = tpu.memref_slice %arg6[%dma_wait3A_63, %dma_wait3A_64] : memref<10000x128xf32, #tpu.memory_space<vmem_shared>> -> memref<16x128xf32, #tpu.memory_space<vmem_shared>>
        tpu.wait_dma2 semaphore(%run_scoped3A : memref<!tpu.dma_semaphore, #tpu.memory_space<semaphore_mem>>) src(%dma_wait3A_65 : memref<16x128xf32, #tpu.memory_space<vmem_shared>>) dst(%dma_wait3A_62 : memref<16x128xf32, #tpu.memory_space<hbm>>)
        tpu.yield
      }) : () -> ()
    } else {
    }
    return
  }
}

module attributes {stable_mosaic.version = 14 : i64} {
  func.func @_pre_body(%arg0: memref<10000x128xf32, #tpu.memory_space<vmem>>, %arg1: memref<10000x3xf32, #tpu.memory_space<vmem>>, %arg2: memref<128x128xf32, #tpu.memory_space<vmem>>, %arg3: memref<128x128xf32, #tpu.memory_space<vmem>>, %arg4: memref<20000x160xbf16, #tpu.memory_space<vmem>>) attributes {dimension_semantics = [], scalar_prefetch = 0 : i64, scratch_operands = 0 : i64, tpu.core_type = #tpu.core_type<tc>} {
    %get3A = arith.constant 0 : index
    %get3A_0 = arith.constant 0 : index
    %get3A_1 = vector.load %arg0[%get3A, %get3A_0] : memref<10000x128xf32, #tpu.memory_space<vmem>>, vector<10000x128xf32>
    %get3A_2 = arith.constant 0 : index
    %get3A_3 = arith.constant 0 : index
    %get3A_4 = vector.load %arg1[%get3A_2, %get3A_3] : memref<10000x3xf32, #tpu.memory_space<vmem>>, vector<10000x3xf32>
    %broadcast_in_dim3A = arith.constant 0.000000e+00 : f32
    %broadcast_in_dim3A_5 = vector.broadcast %broadcast_in_dim3A : f32 to vector<10000x29xf32>
    %get3A_6 = arith.constant 0 : index
    %get3A_7 = arith.constant 0 : index
    %get3A_8 = vector.load %arg2[%get3A_6, %get3A_7] : memref<128x128xf32, #tpu.memory_space<vmem>>, vector<128x128xf32>
    %dot_general3A = arith.constant dense<0.000000e+00> : vector<10000x128xf32>
    %dot_general3A_9 = tpu.matmul %get3A_1, %get3A_8, %dot_general3A {dimension_numbers = #tpu.dot_dimension_numbers<[1], [0], [0], [1], [0, 0, 1, 1], [], []>, transpose_lhs_hint = false} : vector<10000x128xf32>, vector<128x128xf32>, vector<10000x128xf32> -> vector<10000x128xf32>
    %concatenate3A = tpu.concatenate %dot_general3A_9, %get3A_4, %broadcast_in_dim3A_5 in 1 : vector<10000x128xf32>, vector<10000x3xf32>, vector<10000x29xf32> -> vector<10000x160xf32>
    %convert_element_type3A = arith.truncf %concatenate3A : vector<10000x160xf32> to vector<10000x160xbf16>
    %swap3A = arith.constant 0 : index
    %swap3A_10 = arith.constant 0 : index
    %swap3A_11 = vector.load %arg4[%swap3A, %swap3A_10] : memref<20000x160xbf16, #tpu.memory_space<vmem>>, vector<10000x160xbf16>
    tpu.vector_store %arg4[%swap3A, %swap3A_10], %convert_element_type3A {strides = array<i32>} : memref<20000x160xbf16, #tpu.memory_space<vmem>>, vector<10000x160xbf16>,
    %get3A_12 = arith.constant 0 : index
    %get3A_13 = arith.constant 0 : index
    %get3A_14 = vector.load %arg3[%get3A_12, %get3A_13] : memref<128x128xf32, #tpu.memory_space<vmem>>, vector<128x128xf32>
    %dot_general3A_15 = arith.constant dense<0.000000e+00> : vector<10000x128xf32>
    %dot_general3A_16 = tpu.matmul %get3A_1, %get3A_14, %dot_general3A_15 {dimension_numbers = #tpu.dot_dimension_numbers<[1], [0], [0], [1], [0, 0, 1, 1], [], []>, transpose_lhs_hint = false} : vector<10000x128xf32>, vector<128x128xf32>, vector<10000x128xf32> -> vector<10000x128xf32>
    %neg3A = arith.constant 0.000000e+00 : f32
    %neg3A_17 = vector.broadcast %neg3A : f32 to vector<10000x3xf32>
    %neg3A_18 = arith.subf %neg3A_17, %get3A_4 : vector<10000x3xf32>
    %concatenate3A_19 = tpu.concatenate %dot_general3A_16, %neg3A_18, %broadcast_in_dim3A_5 in 1 : vector<10000x128xf32>, vector<10000x3xf32>, vector<10000x29xf32> -> vector<10000x160xf32>
    %convert_element_type3A_20 = arith.truncf %concatenate3A_19 : vector<10000x160xf32> to vector<10000x160xbf16>
    %swap3A_21 = arith.constant 10000 : index
    %swap3A_22 = arith.constant 0 : index
    %swap3A_23 = vector.load %arg4[%swap3A_21, %swap3A_22] : memref<20000x160xbf16, #tpu.memory_space<vmem>>, vector<10000x160xbf16>
    tpu.vector_store %arg4[%swap3A_21, %swap3A_22], %convert_element_type3A_20 {strides = array<i32>} : memref<20000x160xbf16, #tpu.memory_space<vmem>>, vector<10000x160xbf16>,
    return
  }
}

module attributes {stable_mosaic.version = 14 : i64} {
  func.func @_edge_body(%arg0: i32, %arg1: memref<3200x160xbf16, #tpu.memory_space<vmem>>, %arg2: memref<3200x16xf32, #tpu.memory_space<vmem>>, %arg3: memref<1x128xf32, #tpu.memory_space<vmem>>, %arg4: memref<16x128xf32, #tpu.memory_space<vmem>>, %arg5: memref<1x128xf32, #tpu.memory_space<vmem>>, %arg6: memref<128x128xbf16, #tpu.memory_space<vmem>>, %arg7: memref<1x128xf32, #tpu.memory_space<vmem>>, %arg8: memref<3200x128xf32, #tpu.memory_space<vmem>>) attributes {dimension_semantics = [#tpu.dimension_semantics<arbitrary>], iteration_bounds = array<i64: 100>, scalar_prefetch = 0 : i64, scratch_operands = 0 : i64, tpu.core_type = #tpu.core_type<tc>, window_params = [{transform_indices = @transform_0, window_bounds = array<i64: 3200, 160>}, {transform_indices = @transform_1, window_bounds = array<i64: 3200, 16>}, {pipeline_mode = #tpu.pipeline_mode<synchronous>, transform_indices = @transform_2, window_bounds = array<i64: 1, 128>}, {pipeline_mode = #tpu.pipeline_mode<synchronous>, transform_indices = @transform_3, window_bounds = array<i64: 16, 128>}, {pipeline_mode = #tpu.pipeline_mode<synchronous>, transform_indices = @transform_4, window_bounds = array<i64: 1, 128>}, {pipeline_mode = #tpu.pipeline_mode<synchronous>, transform_indices = @transform_5, window_bounds = array<i64: 128, 128>}, {pipeline_mode = #tpu.pipeline_mode<synchronous>, transform_indices = @transform_6, window_bounds = array<i64: 1, 128>}, {transform_indices = @transform_7, window_bounds = array<i64: 3200, 128>}]} {
    %get3A = arith.constant 0 : index
    %get3A_0 = arith.constant 0 : index
    %get3A_1 = vector.load %arg1[%get3A, %get3A_0] : memref<3200x160xbf16, #tpu.memory_space<vmem>>, vector<3200x160xbf16>
    %convert_element_type3A = arith.extf %get3A_1 : vector<3200x160xbf16> to vector<3200x160xf32>
    %slice3A = vector.extract_strided_slice %convert_element_type3A {offsets = [0, 128], sizes = [3200, 32], strides = [1, 1]} : vector<3200x160xf32> to vector<3200x32xf32>
    %mul3A = arith.mulf %slice3A, %slice3A : vector<3200x32xf32>
    %reduce_sum3A = arith.constant dense<0.000000e+00> : vector<3200xf32>
    %reduce_sum3A_2 = vector.multi_reduction <add>, %mul3A, %reduce_sum3A [1] : vector<3200x32xf32> to vector<3200xf32>
    %broadcast_in_dim3A = vector.shape_cast %reduce_sum3A_2 : vector<3200xf32> to vector<3200x1xf32>
    %slice3A_3 = vector.extract_strided_slice %convert_element_type3A {offsets = [0, 0], sizes = [3200, 128], strides = [1, 1]} : vector<3200x160xf32> to vector<3200x128xf32>
    %get3A_4 = arith.constant 0 : index
    %get3A_5 = arith.constant 0 : index
    %get3A_6 = vector.load %arg3[%get3A_4, %get3A_5] : memref<1x128xf32, #tpu.memory_space<vmem>>, vector<1x128xf32>
    %mul3A_7 = vector.broadcast %broadcast_in_dim3A : vector<3200x1xf32> to vector<3200x128xf32>
    %mul3A_8 = vector.broadcast %get3A_6 : vector<1x128xf32> to vector<3200x128xf32>
    %mul3A_9 = arith.mulf %mul3A_7, %mul3A_8 : vector<3200x128xf32>
    %add3A = arith.addf %slice3A_3, %mul3A_9 : vector<3200x128xf32>
    %get3A_10 = arith.constant 0 : index
    %get3A_11 = arith.constant 0 : index
    %get3A_12 = vector.load %arg5[%get3A_10, %get3A_11] : memref<1x128xf32, #tpu.memory_space<vmem>>, vector<1x128xf32>
    %add3A_13 = vector.broadcast %get3A_12 : vector<1x128xf32> to vector<3200x128xf32>
    %add3A_14 = arith.addf %add3A, %add3A_13 : vector<3200x128xf32>
    %get3A_15 = arith.constant 0 : index
    %get3A_16 = arith.constant 0 : index
    %get3A_17 = vector.load %arg2[%get3A_15, %get3A_16] : memref<3200x16xf32, #tpu.memory_space<vmem>>, vector<3200x16xf32>
    %get3A_18 = arith.constant 0 : index
    %get3A_19 = arith.constant 0 : index
    %get3A_20 = vector.load %arg4[%get3A_18, %get3A_19] : memref<16x128xf32, #tpu.memory_space<vmem>>, vector<16x128xf32>
    %dot_general3A = arith.constant dense<0.000000e+00> : vector<3200x128xf32>
    %dot_general3A_21 = tpu.matmul %get3A_17, %get3A_20, %dot_general3A {dimension_numbers = #tpu.dot_dimension_numbers<[1], [0], [0], [1], [0, 0, 1, 1], [], []>, transpose_lhs_hint = false} : vector<3200x16xf32>, vector<16x128xf32>, vector<3200x128xf32> -> vector<3200x128xf32>
    %add3A_22 = arith.addf %add3A_14, %dot_general3A_21 : vector<3200x128xf32>
    %logistic3A = arith.negf %add3A_22 : vector<3200x128xf32>
    %logistic3A_23 = math.exp %logistic3A : vector<3200x128xf32>
    %logistic3A_24 = arith.constant 1.000000e+00 : f32
    %logistic3A_25 = vector.broadcast %logistic3A_24 : f32 to vector<3200x128xf32>
    %logistic3A_26 = arith.addf %logistic3A_25, %logistic3A_23 : vector<3200x128xf32>
    %logistic3A_27 = arith.divf %logistic3A_25, %logistic3A_26 : vector<3200x128xf32>
    %mul3A_28 = arith.mulf %add3A_22, %logistic3A_27 : vector<3200x128xf32>
    %convert_element_type3A_29 = arith.truncf %mul3A_28 : vector<3200x128xf32> to vector<3200x128xbf16>
    %get3A_30 = arith.constant 0 : index
    %get3A_31 = arith.constant 0 : index
    %get3A_32 = vector.load %arg6[%get3A_30, %get3A_31] : memref<128x128xbf16, #tpu.memory_space<vmem>>, vector<128x128xbf16>
    %dot_general3A_33 = arith.constant dense<0.000000e+00> : vector<3200x128xf32>
    %dot_general3A_34 = tpu.matmul %convert_element_type3A_29, %get3A_32, %dot_general3A_33 {dimension_numbers = #tpu.dot_dimension_numbers<[1], [0], [0], [1], [0, 0, 1, 1], [], []>, transpose_lhs_hint = false} : vector<3200x128xbf16>, vector<128x128xbf16>, vector<3200x128xf32> -> vector<3200x128xf32>
    %get3A_35 = arith.constant 0 : index
    %get3A_36 = arith.constant 0 : index
    %get3A_37 = vector.load %arg7[%get3A_35, %get3A_36] : memref<1x128xf32, #tpu.memory_space<vmem>>, vector<1x128xf32>
    %add3A_38 = vector.broadcast %get3A_37 : vector<1x128xf32> to vector<3200x128xf32>
    %add3A_39 = arith.addf %dot_general3A_34, %add3A_38 : vector<3200x128xf32>
    %logistic3A_40 = arith.negf %add3A_39 : vector<3200x128xf32>
    %logistic3A_41 = math.exp %logistic3A_40 : vector<3200x128xf32>
    %logistic3A_42 = arith.constant 1.000000e+00 : f32
    %logistic3A_43 = vector.broadcast %logistic3A_42 : f32 to vector<3200x128xf32>
    %logistic3A_44 = arith.addf %logistic3A_43, %logistic3A_41 : vector<3200x128xf32>
    %logistic3A_45 = arith.divf %logistic3A_43, %logistic3A_44 : vector<3200x128xf32>
    %mul3A_46 = arith.mulf %add3A_39, %logistic3A_45 : vector<3200x128xf32>
    %swap3A = arith.constant 0 : index
    %swap3A_47 = arith.constant 0 : index
    %swap3A_48 = vector.load %arg8[%swap3A, %swap3A_47] : memref<3200x128xf32, #tpu.memory_space<vmem>>, vector<3200x128xf32>
    tpu.vector_store %arg8[%swap3A, %swap3A_47], %mul3A_46 {strides = array<i32>} : memref<3200x128xf32, #tpu.memory_space<vmem>>, vector<3200x128xf32>,
    return
  }
  func.func @transform_0(%arg0: i32) -> (i32, i32) {
    %c0_i32 = arith.constant 0 : i32
    %c0_i32_0 = arith.constant 0 : i32
    return %arg0, %c0_i32 : i32, i32
  }
  func.func @transform_1(%arg0: i32) -> (i32, i32) {
    %c0_i32 = arith.constant 0 : i32
    %c0_i32_0 = arith.constant 0 : i32
    return %arg0, %c0_i32 : i32, i32
  }
  func.func @transform_2(%arg0: i32) -> (i32, i32) {
    %c0_i32 = arith.constant 0 : i32
    %c0_i32_0 = arith.constant 0 : i32
    %c0_i32_1 = arith.constant 0 : i32
    return %c0_i32, %c0_i32_0 : i32, i32
  }
  func.func @transform_3(%arg0: i32) -> (i32, i32) {
    %c0_i32 = arith.constant 0 : i32
    %c0_i32_0 = arith.constant 0 : i32
    %c0_i32_1 = arith.constant 0 : i32
    return %c0_i32, %c0_i32_0 : i32, i32
  }
  func.func @transform_4(%arg0: i32) -> (i32, i32) {
    %c0_i32 = arith.constant 0 : i32
    %c0_i32_0 = arith.constant 0 : i32
    %c0_i32_1 = arith.constant 0 : i32
    return %c0_i32, %c0_i32_0 : i32, i32
  }
  func.func @transform_5(%arg0: i32) -> (i32, i32) {
    %c0_i32 = arith.constant 0 : i32
    %c0_i32_0 = arith.constant 0 : i32
    %c0_i32_1 = arith.constant 0 : i32
    return %c0_i32, %c0_i32_0 : i32, i32
  }
  func.func @transform_6(%arg0: i32) -> (i32, i32) {
    %c0_i32 = arith.constant 0 : i32
    %c0_i32_0 = arith.constant 0 : i32
    %c0_i32_1 = arith.constant 0 : i32
    return %c0_i32, %c0_i32_0 : i32, i32
  }
  func.func @transform_7(%arg0: i32) -> (i32, i32) {
    %c0_i32 = arith.constant 0 : i32
    %c0_i32_0 = arith.constant 0 : i32
    return %arg0, %c0_i32 : i32, i32
  }
}

module attributes {stable_mosaic.version = 14 : i64} {
  func.func @_node_body(%arg0: memref<10000x128xf32, #tpu.memory_space<vmem>>, %arg1: memref<10000x128xf32, #tpu.memory_space<vmem>>, %arg2: memref<10000x128xf32, #tpu.memory_space<vmem>>, %arg3: memref<128x128xf32, #tpu.memory_space<vmem>>, %arg4: memref<128x128xf32, #tpu.memory_space<vmem>>, %arg5: memref<1x128xf32, #tpu.memory_space<vmem>>, %arg6: memref<128x128xf32, #tpu.memory_space<vmem>>, %arg7: memref<1x128xf32, #tpu.memory_space<vmem>>, %arg8: memref<10000x128xf32, #tpu.memory_space<vmem>>) attributes {dimension_semantics = [], scalar_prefetch = 0 : i64, scratch_operands = 0 : i64, tpu.core_type = #tpu.core_type<tc>} {
    %get3A = arith.constant 0 : index
    %get3A_0 = arith.constant 0 : index
    %get3A_1 = vector.load %arg1[%get3A, %get3A_0] : memref<10000x128xf32, #tpu.memory_space<vmem>>, vector<10000x128xf32>
    %get3A_2 = arith.constant 0 : index
    %get3A_3 = arith.constant 0 : index
    %get3A_4 = vector.load %arg2[%get3A_2, %get3A_3] : memref<10000x128xf32, #tpu.memory_space<vmem>>, vector<10000x128xf32>
    %add3A = arith.addf %get3A_1, %get3A_4 : vector<10000x128xf32>
    %get3A_5 = arith.constant 0 : index
    %get3A_6 = arith.constant 0 : index
    %get3A_7 = vector.load %arg0[%get3A_5, %get3A_6] : memref<10000x128xf32, #tpu.memory_space<vmem>>, vector<10000x128xf32>
    %get3A_8 = arith.constant 0 : index
    %get3A_9 = arith.constant 0 : index
    %get3A_10 = vector.load %arg3[%get3A_8, %get3A_9] : memref<128x128xf32, #tpu.memory_space<vmem>>, vector<128x128xf32>
    %dot_general3A = arith.constant dense<0.000000e+00> : vector<10000x128xf32>
    %dot_general3A_11 = tpu.matmul %get3A_7, %get3A_10, %dot_general3A {dimension_numbers = #tpu.dot_dimension_numbers<[1], [0], [0], [1], [0, 0, 1, 1], [], []>, transpose_lhs_hint = false} : vector<10000x128xf32>, vector<128x128xf32>, vector<10000x128xf32> -> vector<10000x128xf32>
    %get3A_12 = arith.constant 0 : index
    %get3A_13 = arith.constant 0 : index
    %get3A_14 = vector.load %arg4[%get3A_12, %get3A_13] : memref<128x128xf32, #tpu.memory_space<vmem>>, vector<128x128xf32>
    %dot_general3A_15 = arith.constant dense<0.000000e+00> : vector<10000x128xf32>
    %dot_general3A_16 = tpu.matmul %add3A, %get3A_14, %dot_general3A_15 {dimension_numbers = #tpu.dot_dimension_numbers<[1], [0], [0], [1], [0, 0, 1, 1], [], []>, transpose_lhs_hint = false} : vector<10000x128xf32>, vector<128x128xf32>, vector<10000x128xf32> -> vector<10000x128xf32>
    %add3A_17 = arith.addf %dot_general3A_11, %dot_general3A_16 : vector<10000x128xf32>
    %get3A_18 = arith.constant 0 : index
    %get3A_19 = arith.constant 0 : index
    %get3A_20 = vector.load %arg5[%get3A_18, %get3A_19] : memref<1x128xf32, #tpu.memory_space<vmem>>, vector<1x128xf32>
    %add3A_21 = vector.broadcast %get3A_20 : vector<1x128xf32> to vector<10000x128xf32>
    %add3A_22 = arith.addf %add3A_17, %add3A_21 : vector<10000x128xf32>
    %logistic3A = arith.negf %add3A_22 : vector<10000x128xf32>
    %logistic3A_23 = math.exp %logistic3A : vector<10000x128xf32>
    %logistic3A_24 = arith.constant 1.000000e+00 : f32
    %logistic3A_25 = vector.broadcast %logistic3A_24 : f32 to vector<10000x128xf32>
    %logistic3A_26 = arith.addf %logistic3A_25, %logistic3A_23 : vector<10000x128xf32>
    %logistic3A_27 = arith.divf %logistic3A_25, %logistic3A_26 : vector<10000x128xf32>
    %mul3A = arith.mulf %add3A_22, %logistic3A_27 : vector<10000x128xf32>
    %get3A_28 = arith.constant 0 : index
    %get3A_29 = arith.constant 0 : index
    %get3A_30 = vector.load %arg0[%get3A_28, %get3A_29] : memref<10000x128xf32, #tpu.memory_space<vmem>>, vector<10000x128xf32>
    %get3A_31 = arith.constant 0 : index
    %get3A_32 = arith.constant 0 : index
    %get3A_33 = vector.load %arg6[%get3A_31, %get3A_32] : memref<128x128xf32, #tpu.memory_space<vmem>>, vector<128x128xf32>
    %dot_general3A_34 = arith.constant dense<0.000000e+00> : vector<10000x128xf32>
    %dot_general3A_35 = tpu.matmul %mul3A, %get3A_33, %dot_general3A_34 {dimension_numbers = #tpu.dot_dimension_numbers<[1], [0], [0], [1], [0, 0, 1, 1], [], []>, transpose_lhs_hint = false} : vector<10000x128xf32>, vector<128x128xf32>, vector<10000x128xf32> -> vector<10000x128xf32>
    %add3A_36 = arith.addf %get3A_30, %dot_general3A_35 : vector<10000x128xf32>
    %get3A_37 = arith.constant 0 : index
    %get3A_38 = arith.constant 0 : index
    %get3A_39 = vector.load %arg7[%get3A_37, %get3A_38] : memref<1x128xf32, #tpu.memory_space<vmem>>, vector<1x128xf32>
    %add3A_40 = vector.broadcast %get3A_39 : vector<1x128xf32> to vector<10000x128xf32>
    %add3A_41 = arith.addf %add3A_36, %add3A_40 : vector<10000x128xf32>
    %swap3A = arith.constant 0 : index
    %swap3A_42 = arith.constant 0 : index
    %swap3A_43 = vector.load %arg8[%swap3A, %swap3A_42] : memref<10000x128xf32, #tpu.memory_space<vmem>>, vector<10000x128xf32>
    tpu.vector_store %arg8[%swap3A, %swap3A_42], %add3A_41 {strides = array<i32>} : memref<10000x128xf32, #tpu.memory_space<vmem>>, vector<10000x128xf32>,
    return
  }
}

</mosaic_0001>

<sc_bundles>
// kernel: kernel.10.cloned.1.call-start
scs
__scs_entry_jumppad:
0x0: {  	(pc) =	sbr.rel $0x88, $3  }
0x1: {  	(tag) =	ssettag $0x0;
	lr =	simm.s32 $0x1  }
0x2: {  	[smem:$0x3F95] =	sst lr;
	_ =	strace $0xD0000000  }
0x3: {  	_ = 	snop  }
0x4: {  	_ = 	snop  }
0x5: {  	_ = 	snop  }
0x6: {  	_ = 	snop  }
0x7: {  	_ = 	snop  }
__scs_overlays_trampoline_lowered:
0x8: {  	[smem:$0x3FA4] =	sst s0  }
0x9: {  	[smem:$0x3FA5] =	sst s1  }
0xa: {  	[smem:$0x3FA6] =	sst s2  }
0xb: {  	[smem:$0x3FA7] =	sst s3  }
0xc: {  	[smem:$0x3FA8] =	sst s4  }
0xd: {  	[smem:$0x3FA9] =	sst s5  }
0xe: {  	[smem:$0x3FAA] =	sst s6  }
0xf: {  	[smem:$0x3FAB] =	sst s7  }
0x10: {  	[smem:$0x3FAC] =	sst s8  }
0x11: {  	[smem:$0x3FAD] =	sst s9;
	s0 =	simm.s32 @!p0 $0x0  }
0x12: {  	s1 =	sld [smem:$0x3F93];
	s0 =	simm.s32 @p0 $0x1  }
0x13: {  	[smem:$0x3FAE] =	sst s0;
	s0 =	simm.s32 @!p1 $0x0  }
0x14: {  	s2 =	sld [smem:$0x3F92];
	s0 =	simm.s32 @p1 $0x1  }
0x15: {  	[smem:$0x3FAF] =	sst s0;
	s0 =	simm.s32 @!p2 $0x0  }
0x16: {  	s3 =	sld [smem:$0x3FDB];
	s0 =	simm.s32 @p2 $0x1  }
0x17: {  	s4 =	simm.s32 $0x1BF5;
	[smem:$0x3FB1] =	sst s0  }
0x18: {  	s0 =	sld [smem:$0x3F94];
	_ =	swait.ge [sflag:s4], $0x0  }
0x19: {  	s7 =	sld [smem:$0x3F95]  }
0x1a: {  	s8 =	sadd.s32 $0xFFFFE003, lr  }
0x1b: {  	s9 =	sadd.s32 $0xFFFFFEF7, lr;
	s5 =	simm.s32 $0xFFFFFFFF;
	p2 =	slt.u32 s8, $0xFFFFF086  }
0x1c: {  	p1 =	slt.u32 s9, $0xF7A;
	s5 =	simm.s32 @!p2 $0x0  }
0x1d: {  	s5 =	simm.s32 @p1 $0x1;
	p0 =	seq.s32 s7, s2  }
0x1e: {  	s7 =	smul.u32 @!p0 $0xF7A, s2;
	p2 =	seq.s32 @!p0 s5, $0x0  }
0x1f: {  	s9 =	smul.u32 $0xF7A, s1;
	s8 =	simm.s32 @!p0 $0x1BF5;
	p2 =	por !p2, p0  }
0x20: {  	[sflag:s8] =	ssyncset.s32 @!p0 $0xFFFFF086;
	s6 =	sadd.s32 @!p0 s3, s7;
	s7 =	simm.s32 @!p0 $0x108  }
0x21: {  	s3 =	sadd.s32 s3, s9;
	s6 =	sadd.s32 @!p0 $0x88, s6;
	s7 =	simm.s32 @p2 $0x1082  }
0x22: {  	[simem:s7], [sflag:s8] =	dma.local @!p0 [hbm:s6], $0xF7A  }
0x23: {  	s9 =	sor.u32 $0xD0000000, s2;
	s6 =	simm.s32 $0x108;
	_ =	swait.ge @!p0 [sflag:s8], $0x0  }
0x24: {  	s3 =	sadd.s32 $0x88, s3;
	s6 =	simm.s32 @!p1 $0x1082;
	[sflag:s4] =	ssyncset.s32 $0xFFFFF086  }
0x25: {  	[simem:s6], [sflag:s4] =	dma.local [hbm:s3], $0xF7A  }
0x26: {  	[smem:$0x3F95] =	sst s1;
	(tag) =	ssettag s2;
	_ =	strace s9  }
0x27: {  	s1 =	sld [smem:$0x3FA5]  }
0x28: {  	s2 =	sld [smem:$0x3FA6]  }
0x29: {  	s4 =	sld [smem:$0x3FA8]  }
0x2a: {  	p0 =	seq.s32 s5, $0x0;
	s5 =	sld [smem:$0x3FA9]  }
0x2b: {  	s6 =	sld [smem:$0x3FAA]  }
0x2c: {  	s7 =	sld [smem:$0x3FAB]  }
0x2d: {  	s3 =	simm.s32 $0x108;
	s8 =	sld [smem:$0x3FAC]  }
0x2e: {  	s3 =	simm.s32 @!p0 $0x1082;
	s9 =	sld [smem:$0x3FAD]  }
0x2f: {  	lr =	sadd.s32 s0, s3;
	s0 =	sld [smem:$0x3FA4]  }
0x30: {  	s3 =	sld [smem:$0x3FA7]  }
0x31: {  	[smem:$0x3FB0] =	sst s10  }
0x32: {  	s10 =	sld [smem:$0x3FAE];
	_ =	sdelay $0x3  }
0x33: {  	p0 =	seq.s32 s10, $0x1;
	s10 =	sld [smem:$0x3FB0];
	_ =	sdelay $0x3  }
0x34: {  	[smem:$0x3FB0] =	sst s10  }
0x35: {  	s10 =	sld [smem:$0x3FAF];
	_ =	sdelay $0x3  }
0x36: {  	p1 =	seq.s32 s10, $0x1;
	s10 =	sld [smem:$0x3FB0];
	_ =	sdelay $0x3  }
0x37: {  	[smem:$0x3FB0] =	sst s10  }
0x38: {  	s10 =	sld [smem:$0x3FB1]  }
0x39: {  	_ = 	snop;
	(pc) =	sbr.ind lr, $3  }
0x3a: {  	_ = 	snop  }
0x3b: {  	_ = 	snop  }
0x3c: {  	p2 =	seq.s32 s10, $0x1;
	s10 =	sld [smem:$0x3FB0]  }
0x3d: {  	_ =	shalt  }
0x3e: {  	_ =	shalt  }
0x3f: {  	_ =	shalt  }
0x40: {  	_ =	shalt  }
0x41: {  	_ =	shalt  }
0x42: {  	_ =	shalt  }
0x43: {  	_ =	shalt  }
0x44: {  	_ =	shalt  }
0x45: {  	_ =	shalt  }
0x46: {  	_ =	shalt  }
0x47: {  	_ =	shalt  }
0x48: {  	_ =	shalt  }
0x49: {  	_ =	shalt  }
0x4a: {  	_ =	shalt  }
0x4b: {  	_ =	shalt  }
0x4c: {  	_ =	shalt  }
0x4d: {  	_ =	shalt  }
0x4e: {  	_ =	shalt  }
0x4f: {  	_ =	shalt  }
0x50: {  	_ =	shalt  }
0x51: {  	_ =	shalt  }
0x52: {  	_ =	shalt  }
0x53: {  	_ =	shalt  }
0x54: {  	_ =	shalt  }
0x55: {  	_ =	shalt  }
0x56: {  	_ =	shalt  }
0x57: {  	_ =	shalt  }
0x58: {  	_ =	shalt  }
0x59: {  	_ =	shalt  }
0x5a: {  	_ =	shalt  }
0x5b: {  	_ =	shalt  }
0x5c: {  	_ =	shalt  }
0x5d: {  	_ =	shalt  }
0x5e: {  	_ =	shalt  }
0x5f: {  	_ =	shalt  }
0x60: {  	_ =	shalt  }
0x61: {  	_ =	shalt  }
0x62: {  	_ =	shalt  }
0x63: {  	_ =	shalt  }
0x64: {  	_ =	shalt  }
0x65: {  	_ =	shalt  }
0x66: {  	_ =	shalt  }
0x67: {  	_ =	shalt  }
0x68: {  	_ =	shalt  }
0x69: {  	_ =	shalt  }
0x6a: {  	_ =	shalt  }
0x6b: {  	_ =	shalt  }
0x6c: {  	_ =	shalt  }
0x6d: {  	_ =	shalt  }
0x6e: {  	_ =	shalt  }
0x6f: {  	_ =	shalt  }
0x70: {  	_ =	shalt  }
0x71: {  	_ =	shalt  }
0x72: {  	_ =	shalt  }
0x73: {  	_ =	shalt  }
0x74: {  	_ =	shalt  }
0x75: {  	_ =	shalt  }
0x76: {  	_ =	shalt  }
0x77: {  	_ =	shalt  }
0x78: {  	_ =	shalt  }
0x79: {  	_ =	shalt  }
0x7a: {  	_ =	shalt  }
0x7b: {  	_ =	shalt  }
0x7c: {  	_ =	shalt  }
0x7d: {  	_ =	shalt  }
0x7e: {  	_ =	shalt  }
0x7f: {  	_ =	shalt  }
0x80: {  	_ =	shalt  }
0x81: {  	_ =	shalt  }
0x82: {  	_ =	shalt  }
0x83: {  	_ =	shalt  }
0x84: {  	_ =	shalt  }
0x85: {  	_ =	shalt  }
0x86: {  	_ =	shalt  }
0x87: {  	_ =	shalt  }
.Lfunc_end0:
.L_simem_size_0:
called_computation.1_lowered:
.L_overlay_start_0:
0x88: {  	s2 =	sld [smem:$0x3FD9]  }
0x89: {  	s3 =	sld [smem:$0x3FFE];
	_ =	sdelay $0x1  }
0x8a: {  	s1 =	srdreg.scid  }
0x8b: {  	s0 =	sand.u32 $0x1, s1  }
0x8c: {  	s14 =	sshll.u32 s0, $0xA;
	s2 =	sadd.s32 s3, s2  }
0x8d: {  	s2 =	sadd.s32 s2, s14  }
0x8e: {  	[smem:$0x3FBC] =	sst s2  }
0x8f: {  	_ = 	snop  }
0x90: {  	s2 =	sld [smem:$0x3FD0];
	_ =	sdelay $0x2  }
0x91: {  	s15 =	simm.s32 $0xA;
	s4 =	simm.s32 $0x10  }
0x92: {  	[smem:s4], [sflag:s15] =	dma.local [hbm:s2], $0x1  }
0x93: {  	_ =	swait.eq [sflag:s15], $0x1  }
0x94: {  	[sflag:s15] =	ssyncset.done $0x0  }
0x95: {  	s16 =	sld [smem:$0x10];
	[sflag:s15] =	ssyncadd.s32 $0xFFFFFFFF  }
0x96: {  	s17 =	sld [smem:$0x12];
	(tm) =	ssettm $0x1  }
0x97: {  	s18 =	sld [smem:$0x3FFB];
	_ =	sdelay $0x3  }
0x98: {  	_ =	strace s18  }
0x99: {  	s4 =	sld [smem:$0x3FFC];
	_ =	sdelay $0x3  }
0x9a: {  	_ =	strace s4  }
0x9b: {  	s4 =	sld [smem:$0x3FFD];
	_ =	sdelay $0x3  }
0x9c: {  	_ =	strace s4  }
0x9d: {  	_ =	strace $0x8FFFFFFF  }
0x9e: {  	s19 =	sld [smem:$0x3FDB];
	_ =	sdelay $0x1  }
0x9f: {  	s5 =	simm.s32 $_scs_section_size  }
0xa0: {  	s6 =	simm.s32 $_size__tile_overlayer_lowered;
	s7 =	simm.s32 $_tile_overlayer_lowered  }
0xa1: {  	s22 =	simm.s32 $0x1BFF;
	s21 =	sshll.u32 s7, $0x1;
	s4 =	sadd.s32 s5, s19  }
0xa2: {  	s8 =	simm.s32 $0x0;
	s20 =	sshll.u32 s6, $0x1;
	s6 =	sadd.s32 s21, s4  }
0xa3: {  	[timem:s8], [sflag:s22] =	dma.local [hbm:s6], s20  }
0xa4: {  	_ =	swait.ge [sflag:s22], s20  }
0xa5: {  	s5 =	ssub.s32 $0x0, s20;
	[sflag:s22] =	ssyncset.done $0x0  }
0xa6: {  	[sflag:s22] =	ssyncadd.s32 s5;
	_ =	sdelay $0x1  }
0xa7: {  	s23 =	simm.s32 $0x1B8B  }
0xa8: {  	_ =	swait.ge [sflag:s23], $0x1  }
0xa9: {  	[sflag:s23] =	ssyncset.done $0x0  }
0xaa: {  	s25 =	simm.s32 $0x1B8E;
	s24 =	sld [smem:$0x3FFE];
	[sflag:s23] =	ssyncadd.s32 $0xFFFFFFFF  }
0xab: {  	s26 =	simm.s32 $execute0_lowered;
	[smem:$0x3FD2] =	sst s25  }
0xac: {  	s6 =	sshll.u32 s26, $0x1;
	_ =	strace $0x80000049;
	[dreg:$0x1] =	wrdreg $0xFFFFFFFF  }
0xad: {  	s28 =	simm.s32 $_size_execute0_lowered;
	s4 =	sadd.s32 s4, s6;
	[dreg:$0x0] =	wrdreg $0x0  }
0xae: {  	s6 =	sshll.u32 s28, $0x1;
	[dreg:$0x2] =	wrdreg s4  }
0xaf: {  	[dreg:$0x3] =	wrdreg s6  }
0xb0: {  	[dreg:$0x4] =	wrdreg $0xC0  }
0xb1: {  	_ =	task [dreg:s8], $0x5FFFF  }
0xb2: {  	[dreg:$0x1] =	wrdreg $0xFFFFFFFF  }
0xb3: {  	[dreg:$0x0] =	wrdreg $0x60  }
0xb4: {  	[dreg:$0x2] =	wrdreg s17  }
0xb5: {  	[dreg:$0x3] =	wrdreg s24  }
0xb6: {  	[dreg:$0x4] =	wrdreg s16  }
0xb7: {  	[dreg:$0x5] =	wrdreg $0x0  }
0xb8: {  	[dreg:$0x6] =	wrdreg $0x9  }
0xb9: {  	_ =	task.clear_ibuf [dreg:s8], $0x7FFFF;
	_ =	strace $0x90000049  }
0xba: {  	s29 =	simm.s32 $0x9;
	_ =	strace $0x8000004B  }
0xbb: {  	_ =	swait.ge [sflag:s29], $0x1  }
0xbc: {  	[sflag:s29] =	ssyncadd.s32 $0xFFFFFFFF  }
0xbd: {  	_ =	strace $0x9000004B  }
0xbe: {  	_ =	sfence  }
0xbf: {  	s30 =	sld [smem:$0x0];
	_ =	sdelay $0x2  }
0xc0: {  	s31 =	sshll.u32 s1, $0xD;
	s1 =	sshrl.u32 s1, $0x2  }
0xc1: {  	s3 =	sand.u32 $0x4000, s31;
	s1 =	sadd.s32 s1, s30  }
0xc2: {  	s0 =	sor.u32 s3, s0;
	s1 =	sshll.u32 s1, $0x11  }
0xc3: {  	s0 =	sor.u32 s1, s0  }
0xc4: {  	s0 =	sadd.s32 $0x8F2B, s0  }
0xc5: {  	[sflag:s0] =	ssyncadd.remote.s32 $0x1  }
0xc6: {  	_ =	sfence.sel $0xFFFF  }
0xc7: {  	[dreg:$0x0] =	wrdreg $0xFFFFFFFF;
	(pc) =	sbr.abs _section_cstart, $3  }
0xc8: {  	[dreg:$0x1] =	wrdreg $0xFFFFFFFF  }
0xc9: {  	_ =	task.clear_ibuf [dreg:s8], $0x2FFFF;
	_ =	strace $0x9FFFFFFF  }
0xca: {  	(tm) =	ssettm $0x7FFFFFFF  }
0xcb: {  	_ =	shalt  }
tec
execute0_lowered:
.L_overlay_start_1:
0x0: {  	(tag) =	ssettag $0x1  }
0x1: {  	s11 =	rddreg [dreg:$0x0]  }
0x2: {  	s3 =	rddreg [dreg:$0x1]  }
0x3: {  	s5 =	rddreg [dreg:$0x2]  }
0x4: {  	s1 =	rddreg [dreg:$0x3];
	s2 =	simm.s32 $0x0;
	s4 =	srdreg.scid  }
0x5: {  	s14 =	stileid.u32;
	s19 =	simm.s32 $0x1A080;
	s20 =	simm.s32 $0x1  }
0x6: {  	s28 =	simm.s32 $0x0;
	[smem:$0x7FF] =	sst s2;
	s8 =	smul.u32 $0x4E000, s14  }
0x7: {  	s9 =	sand.u32 $0x1, s4;
	s21 =	sshll.u32 s14, $0x1;
	s12 =	smul.u32 $0x13800, s14  }
0x8: {  	s13 =	sadd.s32 $0x4800, s3;
	s25 =	sshll.u32 s14, $0x6;
	s16 =	sadd.s32 $0x138000, s1  }
0x9: {  	s18 =	smul.u32 $0x4E200, s14;
	p0 =	sne.s32 s14, $0x0;
	_ =	strace $0x8000004A  }
0xa: {  	s4 =	sor.u32 s9, s21;
	s7 =	ssub.s32 $0x2, s9;
	s26 =	smul.u32 $0x138800, s9  }
0xb: {  	s30 =	smul.u32 $0x27100, s9;
	s16 =	sshrl.u32 @!p0 s16, $0x3;
	s21 =	simm.s32 $0x50  }
0xc: {  	s6 =	sshll.u32 s4, $0xB;
	s10 =	sshrl.u32 s7, $0x1;
	s22 =	sshrl.u32 s8, $0x2  }
0xd: {  	s23 =	sshrl.u32 s12, $0x3;
	s24 =	smul.u32 $0x27100, s4;
	s4 =	sor.u32 $0x1C05, s25  }
0xe: {  	s31 =	sadd.s32 s18, s11;
	s18 =	simm.s32 $0x17880;
	s25 =	simm.s32 $0x4  }
0xf: {  	s6 =	sadd.s32 s6, s3;
	s10 =	ssub.s32 s7, s10;
	s15 =	sadd.s32 s22, s1  }
0x10: {  	s3 =	sadd.s32 s5, s23;
	s5 =	sadd.s32 $0x27000, s5;
	s12 =	sadd.s32 s12, s26  }
0x11: {  	s17 =	sshrl.u32 s26, $0x3;
	s22 =	simm.s32 $0x2;
	s23 =	simm.s32 $0x13900  }
0x12: {  	s26 =	simm.s32 $0x17680;
	s6 =	sadd.s32 $0x31BE00, s6;
	s7 =	sadd.s32 s11, s24  }
0x13: {  	s12 =	sshrl.u32 s12, $0x3;
	s29 =	sadd.s32 s13, s17;
	s10 =	smax.u32 s10, $0x1  }
0x14: {  	s14 =	sshrl.u32 s15, $0x3;
	s15 =	simm.s32 $0x5;
	s17 =	simm.s32 $0x13880  }
0x15: {  	s24 =	simm.s32 $0x3;
	s8 =	sadd.s32 s13, s12;
	s9 =	sadd.s32 $0x27000, s29  }
0x16: {  	s11 =	sadd.s32 $0x500, s7;
	s12 =	sadd.s32 $0xA00, s7;
	s13 =	sadd.s32 s30, s31  }
.LBB2_1:
0x17: {  	[spmem:s14], [sflag:s4] =	dma.local [hbm:s3], $0x2700  }
0x18: {  	_ =	swait.ge [sflag:s15], $0x2700  }
0x19: {  	[sflag:s15] =	ssyncset.done $0x0  }
0x1a: {  	s29 =	simm.s32 @!p0 $0x5;
	[sflag:s15] =	ssyncadd.s32 $0xFFFFD900  }
0x1b: {  	[spmem:s16], [sflag:s4] =	dma.local @!p0 [hbm:s5], $0x100  }
0x1c: {  	_ =	swait.ge @!p0 [sflag:s29], $0x100  }
0x1d: {  	[sflag:s29] =	ssyncset.done @!p0 $0x0  }
0x1e: {  	[sflag:s29] =	ssyncadd.s32 @!p0 $0xFFFFFF00  }
0x1f: {  	[tilespmem:s17], [sflag:$0x5] =	stream.linear.gather [hbm4b:s6+s2], $0x3E80, $0x38;
	[tilespmem:$0x1C880] =	vst v63  }
0x20: {  	_ =	swait.ge [sflag:s15], $0x3E80  }
0x21: {  	[sflag:s15] =	ssyncset.done $0x0  }
0x22: {  	[sflag:s15] =	ssyncadd.s32 $0xFFFFC180  }
0x23: {  	[bflag:$0x0] =	sbarrier.arrive $0xFFFF  }
0x24: {  	[tilespmem:s18], [sflag:$0x1] =	stream.linear.gather [hbm4b:s7+s2], $0x2800, $0x38;
	[tilespmem:$0x1C880] =	vst v63  }
0x25: {  	_ = 	snop  }
0x26: {  	[tilespmem:s19], [sflag:$0x2] =	stream.linear.gather [hbm4b:s11+s2], $0x2800, $0x38;
	[tilespmem:$0x1C880] =	vst v63  }
0x27: {  	_ =	swait.ge [sflag:s20], $0x2800  }
0x28: {  	[sflag:s20] =	ssyncset.done $0x0  }
0x29: {  	[sflag:s20] =	ssyncadd.s32 $0xFFFFD800  }
0x2a: {  	[spmem:s1] =	stream.indirect.scatter.add.f32 [tilespmem:s18], [sflag:$0x3], $0x80, s17, s21, $0xb8;
	[tilespmem:$0x1C880] =	vst v63  }
0x2b: {  	_ =	swait.ge [sflag:s22], $0x2800  }
0x2c: {  	[sflag:s22] =	ssyncset.done $0x0  }
0x2d: {  	[sflag:s22] =	ssyncadd.s32 $0xFFFFD800  }
0x2e: {  	[spmem:s1] =	stream.indirect.scatter.add.f32 [tilespmem:s19], [sflag:$0x4], $0x80, s23, s21, $0xb8;
	[tilespmem:$0x1C880] =	vst v63  }
0x2f: {  	_ =	swait.ge [sflag:s24], $0x2800  }
0x30: {  	[sflag:s24] =	ssyncset.done $0x0  }
0x31: {  	[sflag:s24] =	ssyncadd.s32 $0xFFFFD800  }
0x32: {  	[tilespmem:s18], [sflag:$0x1] =	stream.linear.gather [hbm4b:s12+s2], $0x2800, $0x38;
	[tilespmem:$0x1C880] =	vst v63  }
0x33: {  	_ =	swait.ge [sflag:s25], $0x2800  }
0x34: {  	s30 =	sadd.s32 $0x0, s13;
	[sflag:s25] =	ssyncset.done $0x0  }
0x35: {  	s29 =	sadd.s32 $0xF00, s30;
	[sflag:s25] =	ssyncadd.s32 $0xFFFFD800  }
0x36: {  	[tilespmem:s19], [sflag:$0x2] =	stream.linear.gather [hbm4b:s29+s2], $0x2800, $0x38;
	[tilespmem:$0x1C880] =	vst v63  }
0x37: {  	_ =	swait.ge [sflag:s20], $0x2800  }
0x38: {  	[sflag:s20] =	ssyncset.done $0x0  }
0x39: {  	s29 =	simm.s32 $0x13980;
	[sflag:s20] =	ssyncadd.s32 $0xFFFFD800  }
0x3a: {  	[spmem:s1] =	stream.indirect.scatter.add.f32 [tilespmem:s18], [sflag:$0x3], $0x80, s29, s21, $0xb8;
	[tilespmem:$0x1C880] =	vst v63  }
0x3b: {  	_ =	swait.ge [sflag:s22], $0x2800  }
0x3c: {  	[sflag:s22] =	ssyncset.done $0x0  }
0x3d: {  	s29 =	simm.s32 $0x13A00;
	[sflag:s22] =	ssyncadd.s32 $0xFFFFD800  }
0x3e: {  	[spmem:s1] =	stream.indirect.scatter.add.f32 [tilespmem:s19], [sflag:$0x4], $0x80, s29, s21, $0xb8;
	[tilespmem:$0x1C880] =	vst v63  }
0x3f: {  	_ =	swait.ge [sflag:s24], $0x2800  }
0x40: {  	s31 =	sadd.s32 $0x1400, s30;
	[sflag:s24] =	ssyncset.done $0x0  }
0x41: {  	s30 =	simm.s32 $0x13A80;
	s29 =	simm.s32 $0xA00;
	[sflag:s24] =	ssyncadd.s32 $0xFFFFD800  }
.LBB2_2:
0x42: {  	[tilespmem:s18], [sflag:$0x1] =	stream.linear.gather [hbm4b:s31+s2], $0x2800, $0x38;
	[tilespmem:$0x1C880] =	vst v63  }
0x43: {  	s31 =	smov.u32 s29  }
0x44: {  	p1 =	sne.s32 s29, $0x25800;
	s29 =	sadd.s32 $0xA00, s29;
	_ =	swait.ge [sflag:s25], $0x2800  }
0x45: {  	s31 =	sadd.s32 s31, s13;
	[sflag:s25] =	ssyncset.done $0x0  }
0x46: {  	s0 =	sadd.s32 $0xF00, s31;
	[sflag:s25] =	ssyncadd.s32 $0xFFFFD800  }
0x47: {  	[tilespmem:s19], [sflag:$0x2] =	stream.linear.gather [hbm4b:s0+s2], $0x2800, $0x38;
	[tilespmem:$0x1C880] =	vst v63  }
0x48: {  	_ =	swait.ge [sflag:s20], $0x2800  }
0x49: {  	[sflag:s20] =	ssyncset.done $0x0  }
0x4a: {  	[sflag:s20] =	ssyncadd.s32 $0xFFFFD800  }
0x4b: {  	[spmem:s1] =	stream.indirect.scatter.add.f32 [tilespmem:s18], [sflag:$0x3], $0x80, s30, s21, $0xb8;
	[tilespmem:$0x1C880] =	vst v63  }
0x4c: {  	_ =	swait.ge [sflag:s22], $0x2800  }
0x4d: {  	[sflag:s22] =	ssyncset.done $0x0  }
.Ltmp0:
0x4e: {  	s0 =	sadd.s32 $0x80, s30;
	[sflag:s22] =	ssyncadd.s32 $0xFFFFD800;
	(pc) =	sbr.rel @p1 .LBB2_2-.Ltmp0, $4  }
0x4f: {  	[spmem:s1] =	stream.indirect.scatter.add.f32 [tilespmem:s19], [sflag:$0x4], $0x80, s0, s21, $0xb8;
	[tilespmem:$0x1C880] =	vst v63  }
0x50: {  	_ =	swait.ge [sflag:s24], $0x2800  }
0x51: {  	[sflag:s24] =	ssyncset.done $0x0  }
0x52: {  	s31 =	sadd.s32 $0x1400, s31;
	s30 =	sadd.s32 $0x100, s30;
	[sflag:s24] =	ssyncadd.s32 $0xFFFFD800  }
0x53: {  	[tilespmem:s18], [sflag:$0x1] =	stream.linear.gather [hbm4b:s31+s2], $0x2800, $0x38;
	[tilespmem:$0x1C880] =	vst v63  }
0x54: {  	_ =	swait.ge [sflag:s20], $0x2800  }
0x55: {  	[sflag:s20] =	ssyncset.done $0x0  }
0x56: {  	[sflag:s20] =	ssyncadd.s32 $0xFFFFD800  }
0x57: {  	[spmem:s1] =	stream.indirect.scatter.add.f32 [tilespmem:s18], [sflag:$0x3], $0x80, s26, s21, $0xb8;
	[tilespmem:$0x1C880] =	vst v63  }
0x58: {  	_ =	swait.ge [sflag:s25], $0x2800  }
0x59: {  	[sflag:s25] =	ssyncset.done $0x0  }
0x5a: {  	[sflag:s25] =	ssyncadd.s32 $0xFFFFD800  }
0x5b: {  	_ =	swait.ge [sflag:s24], $0x2800  }
0x5c: {  	[sflag:s24] =	ssyncset.done $0x0  }
0x5d: {  	[sflag:s24] =	ssyncadd.s32 $0xFFFFD800  }
0x5e: {  	[bflag:$0x0] =	sbarrier.arrive $0xFFFF  }
0x5f: {  	[hbm:s8], [sflag:s4] =	dma.local [spmem:s14], $0x2700  }
0x60: {  	s28 =	sadd.s32 $0x1, s28;
	_ =	swait.ge [sflag:s15], $0x2700  }
0x61: {  	p1 =	sne.s32 s28, s10;
	[sflag:s15] =	ssyncset.done $0x0  }
.Ltmp1:
0x62: {  	s0 =	simm.s32 @!p0 $0x5;
	[sflag:s15] =	ssyncadd.s32 $0xFFFFD900;
	(pc) =	sbr.rel @p1 .LBB2_1-.Ltmp1, $4  }
0x63: {  	[hbm:s9], [sflag:s4] =	dma.local @!p0 [spmem:s16], $0x100  }
0x64: {  	_ =	swait.ge @!p0 [sflag:s0], $0x100  }
0x65: {  	[sflag:s0] =	ssyncset.done @!p0 $0x0  }
0x66: {  	[sflag:s0] =	ssyncadd.s32 @!p0 $0xFFFFFF00  }
0x67: {  	_ =	sfence.sel $0x180000  }
0x68: {  	[bflag:$0x0] =	sbarrier.arrive $0xFFFF  }
0x69: {  	_ =	strace $0x9000004A  }
0x6a: {  	[bflag:$0x2] =	sbarrier.arrive $0xFFFF  }
0x6b: {  	s0 =	rddreg [dreg:$0x4]  }
0x6c: {  	s0 =	sadd.s32 @!p0 $0x100000, s0  }
0x6d: {  	[sflag:s0] =	ssyncadd.tile.s32 @!p0 $0x1;
	_ =	shalt  }
.Lfunc_end2:
_tile_overlayer_lowered:
.L_overlay_start_2:
0x6e: {  	(tag) =	ssettag $0x2  }
0x6f: {  	s0 =	rddreg [dreg:$0x0];
	s2 =	stileid.u32  }
0x70: {  	s1 =	rddreg [dreg:$0x1];
	p0 =	sne.s32 s2, $0x0  }
0x71: {  	s3 =	rddreg [dreg:$0x2];
	[bflag:$0x3] =	sbarrier.arrive $0xFFFF;
	s2 =	simm.s32 @!p0 $0x1C05  }
0x72: {  	[timem:s3], [sflag:s2] =	dma.local @!p0 [hbm:s0], s1  }
0x73: {  	s0 =	simm.s32 @!p0 $0x5  }
0x74: {  	_ =	swait.ge @!p0 [sflag:s0], s1  }
0x75: {  	s1 =	ssub.s32 @!p0 $0x0, s1;
	[sflag:s0] =	ssyncset.done @!p0 $0x0  }
0x76: {  	[sflag:s0] =	ssyncadd.s32 @!p0 s1  }
0x77: {  	[bflag:$0x3] =	sbarrier.arrive $0xFFFF  }
0x78: {  	_ =	shalt  }

// kernel: kernel.7.cloned.1.call-start
scs
__scs_entry_jumppad:
0x0: {  	(pc) =	sbr.rel $0x88, $3  }
0x1: {  	(tag) =	ssettag $0x0;
	lr =	simm.s32 $0x1  }
0x2: {  	[smem:$0x3F95] =	sst lr;
	_ =	strace $0xD0000000  }
0x3: {  	_ = 	snop  }
0x4: {  	_ = 	snop  }
0x5: {  	_ = 	snop  }
0x6: {  	_ = 	snop  }
0x7: {  	_ = 	snop  }
__scs_overlays_trampoline_lowered:
0x8: {  	[smem:$0x3FA4] =	sst s0  }
0x9: {  	[smem:$0x3FA5] =	sst s1  }
0xa: {  	[smem:$0x3FA6] =	sst s2  }
0xb: {  	[smem:$0x3FA7] =	sst s3  }
0xc: {  	[smem:$0x3FA8] =	sst s4  }
0xd: {  	[smem:$0x3FA9] =	sst s5  }
0xe: {  	[smem:$0x3FAA] =	sst s6  }
0xf: {  	[smem:$0x3FAB] =	sst s7  }
0x10: {  	[smem:$0x3FAC] =	sst s8  }
0x11: {  	[smem:$0x3FAD] =	sst s9;
	s0 =	simm.s32 @!p0 $0x0  }
0x12: {  	s1 =	sld [smem:$0x3F93];
	s0 =	simm.s32 @p0 $0x1  }
0x13: {  	[smem:$0x3FAE] =	sst s0;
	s0 =	simm.s32 @!p1 $0x0  }
0x14: {  	s2 =	sld [smem:$0x3F92];
	s0 =	simm.s32 @p1 $0x1  }
0x15: {  	[smem:$0x3FAF] =	sst s0;
	s0 =	simm.s32 @!p2 $0x0  }
0x16: {  	s3 =	sld [smem:$0x3FDB];
	s0 =	simm.s32 @p2 $0x1  }
0x17: {  	s4 =	simm.s32 $0x1BF5;
	[smem:$0x3FB1] =	sst s0  }
0x18: {  	s0 =	sld [smem:$0x3F94];
	_ =	swait.ge [sflag:s4], $0x0  }
0x19: {  	s7 =	sld [smem:$0x3F95]  }
0x1a: {  	s8 =	sadd.s32 $0xFFFFE003, lr  }
0x1b: {  	s9 =	sadd.s32 $0xFFFFFEF7, lr;
	s5 =	simm.s32 $0xFFFFFFFF;
	p2 =	slt.u32 s8, $0xFFFFF086  }
0x1c: {  	p1 =	slt.u32 s9, $0xF7A;
	s5 =	simm.s32 @!p2 $0x0  }
0x1d: {  	s5 =	simm.s32 @p1 $0x1;
	p0 =	seq.s32 s7, s2  }
0x1e: {  	s7 =	smul.u32 @!p0 $0xF7A, s2;
	p2 =	seq.s32 @!p0 s5, $0x0  }
0x1f: {  	s9 =	smul.u32 $0xF7A, s1;
	s8 =	simm.s32 @!p0 $0x1BF5;
	p2 =	por !p2, p0  }
0x20: {  	[sflag:s8] =	ssyncset.s32 @!p0 $0xFFFFF086;
	s6 =	sadd.s32 @!p0 s3, s7;
	s7 =	simm.s32 @!p0 $0x108  }
0x21: {  	s3 =	sadd.s32 s3, s9;
	s6 =	sadd.s32 @!p0 $0x88, s6;
	s7 =	simm.s32 @p2 $0x1082  }
0x22: {  	[simem:s7], [sflag:s8] =	dma.local @!p0 [hbm:s6], $0xF7A  }
0x23: {  	s9 =	sor.u32 $0xD0000000, s2;
	s6 =	simm.s32 $0x108;
	_ =	swait.ge @!p0 [sflag:s8], $0x0  }
0x24: {  	s3 =	sadd.s32 $0x88, s3;
	s6 =	simm.s32 @!p1 $0x1082;
	[sflag:s4] =	ssyncset.s32 $0xFFFFF086  }
0x25: {  	[simem:s6], [sflag:s4] =	dma.local [hbm:s3], $0xF7A  }
0x26: {  	[smem:$0x3F95] =	sst s1;
	(tag) =	ssettag s2;
	_ =	strace s9  }
0x27: {  	s1 =	sld [smem:$0x3FA5]  }
0x28: {  	s2 =	sld [smem:$0x3FA6]  }
0x29: {  	s4 =	sld [smem:$0x3FA8]  }
0x2a: {  	p0 =	seq.s32 s5, $0x0;
	s5 =	sld [smem:$0x3FA9]  }
0x2b: {  	s6 =	sld [smem:$0x3FAA]  }
0x2c: {  	s7 =	sld [smem:$0x3FAB]  }
0x2d: {  	s3 =	simm.s32 $0x108;
	s8 =	sld [smem:$0x3FAC]  }
0x2e: {  	s3 =	simm.s32 @!p0 $0x1082;
	s9 =	sld [smem:$0x3FAD]  }
0x2f: {  	lr =	sadd.s32 s0, s3;
	s0 =	sld [smem:$0x3FA4]  }
0x30: {  	s3 =	sld [smem:$0x3FA7]  }
0x31: {  	[smem:$0x3FB0] =	sst s10  }
0x32: {  	s10 =	sld [smem:$0x3FAE];
	_ =	sdelay $0x3  }
0x33: {  	p0 =	seq.s32 s10, $0x1;
	s10 =	sld [smem:$0x3FB0];
	_ =	sdelay $0x3  }
0x34: {  	[smem:$0x3FB0] =	sst s10  }
0x35: {  	s10 =	sld [smem:$0x3FAF];
	_ =	sdelay $0x3  }
0x36: {  	p1 =	seq.s32 s10, $0x1;
	s10 =	sld [smem:$0x3FB0];
	_ =	sdelay $0x3  }
0x37: {  	[smem:$0x3FB0] =	sst s10  }
0x38: {  	s10 =	sld [smem:$0x3FB1]  }
0x39: {  	_ = 	snop;
	(pc) =	sbr.ind lr, $3  }
0x3a: {  	_ = 	snop  }
0x3b: {  	_ = 	snop  }
0x3c: {  	p2 =	seq.s32 s10, $0x1;
	s10 =	sld [smem:$0x3FB0]  }
0x3d: {  	_ =	shalt  }
0x3e: {  	_ =	shalt  }
0x3f: {  	_ =	shalt  }
0x40: {  	_ =	shalt  }
0x41: {  	_ =	shalt  }
0x42: {  	_ =	shalt  }
0x43: {  	_ =	shalt  }
0x44: {  	_ =	shalt  }
0x45: {  	_ =	shalt  }
0x46: {  	_ =	shalt  }
0x47: {  	_ =	shalt  }
0x48: {  	_ =	shalt  }
0x49: {  	_ =	shalt  }
0x4a: {  	_ =	shalt  }
0x4b: {  	_ =	shalt  }
0x4c: {  	_ =	shalt  }
0x4d: {  	_ =	shalt  }
0x4e: {  	_ =	shalt  }
0x4f: {  	_ =	shalt  }
0x50: {  	_ =	shalt  }
0x51: {  	_ =	shalt  }
0x52: {  	_ =	shalt  }
0x53: {  	_ =	shalt  }
0x54: {  	_ =	shalt  }
0x55: {  	_ =	shalt  }
0x56: {  	_ =	shalt  }
0x57: {  	_ =	shalt  }
0x58: {  	_ =	shalt  }
0x59: {  	_ =	shalt  }
0x5a: {  	_ =	shalt  }
0x5b: {  	_ =	shalt  }
0x5c: {  	_ =	shalt  }
0x5d: {  	_ =	shalt  }
0x5e: {  	_ =	shalt  }
0x5f: {  	_ =	shalt  }
0x60: {  	_ =	shalt  }
0x61: {  	_ =	shalt  }
0x62: {  	_ =	shalt  }
0x63: {  	_ =	shalt  }
0x64: {  	_ =	shalt  }
0x65: {  	_ =	shalt  }
0x66: {  	_ =	shalt  }
0x67: {  	_ =	shalt  }
0x68: {  	_ =	shalt  }
0x69: {  	_ =	shalt  }
0x6a: {  	_ =	shalt  }
0x6b: {  	_ =	shalt  }
0x6c: {  	_ =	shalt  }
0x6d: {  	_ =	shalt  }
0x6e: {  	_ =	shalt  }
0x6f: {  	_ =	shalt  }
0x70: {  	_ =	shalt  }
0x71: {  	_ =	shalt  }
0x72: {  	_ =	shalt  }
0x73: {  	_ =	shalt  }
0x74: {  	_ =	shalt  }
0x75: {  	_ =	shalt  }
0x76: {  	_ =	shalt  }
0x77: {  	_ =	shalt  }
0x78: {  	_ =	shalt  }
0x79: {  	_ =	shalt  }
0x7a: {  	_ =	shalt  }
0x7b: {  	_ =	shalt  }
0x7c: {  	_ =	shalt  }
0x7d: {  	_ =	shalt  }
0x7e: {  	_ =	shalt  }
0x7f: {  	_ =	shalt  }
0x80: {  	_ =	shalt  }
0x81: {  	_ =	shalt  }
0x82: {  	_ =	shalt  }
0x83: {  	_ =	shalt  }
0x84: {  	_ =	shalt  }
0x85: {  	_ =	shalt  }
0x86: {  	_ =	shalt  }
0x87: {  	_ =	shalt  }
.Lfunc_end0:
.L_simem_size_0:
called_computation_lowered:
.L_overlay_start_0:
0x88: {  	s2 =	sld [smem:$0x3FD9]  }
0x89: {  	s3 =	sld [smem:$0x3FFE];
	_ =	sdelay $0x1  }
0x8a: {  	s1 =	srdreg.scid  }
0x8b: {  	s0 =	sand.u32 $0x1, s1  }
0x8c: {  	s14 =	sshll.u32 s0, $0xA;
	s2 =	sadd.s32 s3, s2  }
0x8d: {  	s2 =	sadd.s32 s2, s14  }
0x8e: {  	[smem:$0x3FBC] =	sst s2  }
0x8f: {  	_ = 	snop  }
0x90: {  	s2 =	sld [smem:$0x3FD0];
	_ =	sdelay $0x2  }
0x91: {  	s15 =	simm.s32 $0xA;
	s4 =	simm.s32 $0x10  }
0x92: {  	[smem:s4], [sflag:s15] =	dma.local [hbm:s2], $0x1  }
0x93: {  	_ =	swait.eq [sflag:s15], $0x1  }
0x94: {  	[sflag:s15] =	ssyncset.done $0x0  }
0x95: {  	s16 =	sld [smem:$0x10];
	[sflag:s15] =	ssyncadd.s32 $0xFFFFFFFF  }
0x96: {  	s17 =	sld [smem:$0x12];
	(tm) =	ssettm $0x1  }
0x97: {  	s18 =	sld [smem:$0x3FFB];
	_ =	sdelay $0x3  }
0x98: {  	_ =	strace s18  }
0x99: {  	s4 =	sld [smem:$0x3FFC];
	_ =	sdelay $0x3  }
0x9a: {  	_ =	strace s4  }
0x9b: {  	s4 =	sld [smem:$0x3FFD];
	_ =	sdelay $0x3  }
0x9c: {  	_ =	strace s4  }
0x9d: {  	_ =	strace $0x8FFFFFFF  }
0x9e: {  	s19 =	sld [smem:$0x3FDB];
	_ =	sdelay $0x1  }
0x9f: {  	s5 =	simm.s32 $_scs_section_size  }
0xa0: {  	s6 =	simm.s32 $_size__tile_overlayer_lowered;
	s7 =	simm.s32 $_tile_overlayer_lowered  }
0xa1: {  	s22 =	simm.s32 $0x1BFF;
	s21 =	sshll.u32 s7, $0x1;
	s4 =	sadd.s32 s5, s19  }
0xa2: {  	s8 =	simm.s32 $0x0;
	s20 =	sshll.u32 s6, $0x1;
	s6 =	sadd.s32 s21, s4  }
0xa3: {  	[timem:s8], [sflag:s22] =	dma.local [hbm:s6], s20  }
0xa4: {  	_ =	swait.ge [sflag:s22], s20  }
0xa5: {  	s5 =	ssub.s32 $0x0, s20;
	[sflag:s22] =	ssyncset.done $0x0  }
0xa6: {  	[sflag:s22] =	ssyncadd.s32 s5;
	_ =	sdelay $0x1  }
0xa7: {  	s23 =	simm.s32 $0x1B8B  }
0xa8: {  	_ =	swait.ge [sflag:s23], $0x1  }
0xa9: {  	[sflag:s23] =	ssyncset.done $0x0  }
0xaa: {  	s25 =	simm.s32 $0x1B8E;
	s24 =	sld [smem:$0x3FFE];
	[sflag:s23] =	ssyncadd.s32 $0xFFFFFFFF  }
0xab: {  	s26 =	simm.s32 $execute0_lowered;
	[smem:$0x3FD2] =	sst s25  }
0xac: {  	s6 =	sshll.u32 s26, $0x1;
	_ =	strace $0x80000046;
	[dreg:$0x1] =	wrdreg $0xFFFFFFFF  }
0xad: {  	s28 =	simm.s32 $_size_execute0_lowered;
	s4 =	sadd.s32 s4, s6;
	[dreg:$0x0] =	wrdreg $0x0  }
0xae: {  	s6 =	sshll.u32 s28, $0x1;
	[dreg:$0x2] =	wrdreg s4  }
0xaf: {  	[dreg:$0x3] =	wrdreg s6  }
0xb0: {  	[dreg:$0x4] =	wrdreg $0xC0  }
0xb1: {  	_ =	task [dreg:s8], $0x5FFFF  }
0xb2: {  	[dreg:$0x1] =	wrdreg $0xFFFFFFFF  }
0xb3: {  	[dreg:$0x0] =	wrdreg $0x60  }
0xb4: {  	[dreg:$0x2] =	wrdreg s17  }
0xb5: {  	[dreg:$0x3] =	wrdreg s16  }
0xb6: {  	[dreg:$0x4] =	wrdreg s24  }
0xb7: {  	[dreg:$0x5] =	wrdreg $0x0  }
0xb8: {  	[dreg:$0x6] =	wrdreg $0x9  }
0xb9: {  	_ =	task.clear_ibuf [dreg:s8], $0x7FFFF;
	_ =	strace $0x90000046  }
0xba: {  	s29 =	simm.s32 $0x9;
	_ =	strace $0x80000048  }
0xbb: {  	_ =	swait.ge [sflag:s29], $0x1  }
0xbc: {  	[sflag:s29] =	ssyncadd.s32 $0xFFFFFFFF  }
0xbd: {  	_ =	strace $0x90000048  }
0xbe: {  	_ =	sfence  }
0xbf: {  	s30 =	sld [smem:$0x0];
	_ =	sdelay $0x2  }
0xc0: {  	s31 =	sshll.u32 s1, $0xD;
	s1 =	sshrl.u32 s1, $0x2  }
0xc1: {  	s3 =	sand.u32 $0x4000, s31;
	s1 =	sadd.s32 s1, s30  }
0xc2: {  	s0 =	sor.u32 s3, s0;
	s1 =	sshll.u32 s1, $0x11  }
0xc3: {  	s0 =	sor.u32 s1, s0  }
0xc4: {  	s0 =	sadd.s32 $0x8F2B, s0  }
0xc5: {  	[sflag:s0] =	ssyncadd.remote.s32 $0x1  }
0xc6: {  	_ =	sfence.sel $0xFFFF  }
0xc7: {  	[dreg:$0x0] =	wrdreg $0xFFFFFFFF;
	(pc) =	sbr.abs _section_cstart, $3  }
0xc8: {  	[dreg:$0x1] =	wrdreg $0xFFFFFFFF  }
0xc9: {  	_ =	task.clear_ibuf [dreg:s8], $0x2FFFF;
	_ =	strace $0x9FFFFFFF  }
0xca: {  	(tm) =	ssettm $0x7FFFFFFF  }
0xcb: {  	_ =	shalt  }
tec
execute0_lowered:
.L_overlay_start_1:
0x0: {  	(tag) =	ssettag $0x1  }
0x1: {  	s0 =	rddreg [dreg:$0x0]  }
0x2: {  	s2 =	rddreg [dreg:$0x1]  }
0x3: {  	s4 =	rddreg [dreg:$0x2]  }
0x4: {  	s1 =	rddreg [dreg:$0x3]  }
0x5: {  	s3 =	simm.s32 $0x0;
	s5 =	srdreg.scid;
	s10 =	stileid.u32  }
0x6: {  	s28 =	simm.s32 $0x19640;
	s29 =	simm.s32 $0x1C840;
	s30 =	simm.s32 $0x1  }
0x7: {  	s31 =	simm.s32 $0x2;
	[smem:$0x7FF] =	sst s3;
	s5 =	sand.u32 $0x1, s5  }
0x8: {  	s7 =	sshll.u32 s10, $0x1;
	s8 =	smul.u32 $0x30D40, s10;
	s4 =	sadd.s32 $0xE600, s4  }
0x9: {  	s21 =	sshll.u32 s10, $0x6;
	s6 =	ssub.s32 $0x2, s5;
	s5 =	sor.u32 s5, s7  }
0xa: {  	_ =	strace $0x80000047;
	s9 =	sshrl.u32 s6, $0x1;
	s18 =	smul.u32 $0x186A00, s5  }
0xb: {  	s17 =	sshrl.u32 s8, $0x1;
	s19 =	sshrl.u32 s8, $0x4;
	s20 =	smul.u32 $0x4E20, s5  }
0xc: {  	s14 =	ssub.s32 s6, s9;
	s11 =	sadd.s32 s17, s1;
	s0 =	sadd.s32 s0, s19  }
0xd: {  	s6 =	smul.u32 $0x2710, s5;
	s5 =	simm.s32 $0x0;
	[dreg:$0x5] =	wrdreg s0  }
0xe: {  	s9 =	sshrl.u32 s18, $0x4;
	s22 =	sshrl.u32 s20, $0x3;
	s0 =	sor.u32 $0x1C05, s21  }
0xf: {  	s9 =	sadd.s32 s4, s9;
	[dreg:$0x6] =	wrdreg s0;
	s8 =	sadd.s32 s2, s22  }
0x10: {  	s10 =	sadd.s32 $0x7D0, s6;
	s13 =	sadd.s32 $0xFA0, s6;
	s16 =	sadd.s32 $0x1770, s6  }
0x11: {  	s19 =	sadd.s32 $0x1F40, s6;
	s22 =	smax.u32 s14, $0x1;
	s0 =	simm.s32 $0x3  }
0x12: {  	s2 =	simm.s32 $0x4;
	s23 =	sadd.s32 $0x4B00, s9;
	s24 =	sadd.s32 $0x1F4, s8  }
0x13: {  	s25 =	sadd.s32 $0x9920, s9;
	s26 =	sadd.s32 $0x3E8, s8;
	[dreg:$0x7] =	wrdreg s23  }
0x14: {  	s15 =	sadd.s32 $0xE740, s9;
	s17 =	sadd.s32 $0x5DC, s8;
	[dreg:$0x8] =	wrdreg s24  }
0x15: {  	s18 =	sadd.s32 $0x13560, s9;
	s20 =	sadd.s32 $0x7D0, s8;
	[dreg:$0x9] =	wrdreg s25  }
0x16: {  	s21 =	sadd.s32 $0x18380, s9;
	[dreg:$0xa] =	wrdreg s26;
	s23 =	sshrl.u32 s11, $0x3  }
0x17: {  	s24 =	simm.s32 $0x5;
	s25 =	simm.s32 $0x186A0;
	s26 =	simm.s32 $0xA0  }
.LBB2_1:
0x18: {  	s7 =	rddreg [dreg:$0x5]  }
0x19: {  	s9 =	rddreg [dreg:$0x6]  }
0x1a: {  	[spmem:s23], [sflag:s9] =	dma.local [hbm:s7], $0x30D4  }
0x1b: {  	_ =	swait.ge [sflag:s24], $0x30D4  }
0x1c: {  	[sflag:s24] =	ssyncset.done $0x0  }
0x1d: {  	[sflag:s24] =	ssyncadd.s32 $0xFFFFCF2C  }
0x1e: {  	[bflag:$0x0] =	sbarrier.arrive $0xFFFF  }
0x1f: {  	[tilespmem:s25], [sflag:$0x5] =	stream.linear.gather [hbm4b:s8+s3], $0xFA0, $0x38;
	[tilespmem:$0x1FA40] =	vst v63  }
0x20: {  	_ =	swait.ge [sflag:s24], $0xFA0  }
0x21: {  	[sflag:s24] =	ssyncset.done $0x0  }
0x22: {  	s7 =	simm.s32 $0x0;
	[sflag:s24] =	ssyncadd.s32 $0xFFFFF060  }
0x23: {  	[tilespmem:s28], [sflag:$0x1] =	stream.indirect.gather [spmem:s1], $0x50, s25, s26, $0xb8;
	[tilespmem:$0x1FA40] =	vst v63  }
.LBB2_2:
0x24: {  	s9 =	sshllo.u32 s7, $0x1;
	p0 =	seq.s32 s7, $0x0  }
0x25: {  	s11 =	simm.s32 @!p0 $0x4;
	s12 =	smul.u32 $0x280, s9  }
0x26: {  	_ =	swait.ge @!p0 [sflag:s11], $0x1900  }
0x27: {  	[sflag:s11] =	ssyncset.done @!p0 $0x0;
	s12 =	sshra.s32 s12, $0x2  }
0x28: {  	[sflag:s11] =	ssyncadd.s32 @!p0 $0xFFFFE700;
	s14 =	sadd.s32 $0x186A0, s12  }
0x29: {  	[tilespmem:s29], [sflag:$0x2] =	stream.indirect.gather [spmem:s1], $0x50, s14, s26, $0xb8;
	[tilespmem:$0x1FA40] =	vst v63  }
0x2a: {  	_ =	swait.ge [sflag:s30], $0x3200  }
0x2b: {  	[sflag:s30] =	ssyncset.done $0x0  }
0x2c: {  	s11 =	simm.s32 $0x19640;
	[sflag:s30] =	ssyncadd.s32 $0xFFFFCE00  }
0x2d: {  	v7 =	vld [tilespmem:s11+$0x1900]  }
0x2e: {  	v0 =	vld [tilespmem:s11+$0x1960]  }
0x2f: {  	v5 =	vld [tilespmem:s11+$0x1990]  }
0x30: {  	v6 =	vld [tilespmem:s11+$0x90]  }
0x31: {  	v1 =	vld [tilespmem:s11+$0x1980]  }
0x32: {  	v3 =	vld [tilespmem:s11+$0x80]  }
0x33: {  	v9 =	vld [tilespmem:s11+$0x10]  }
0x34: {  	v2 =	vld [tilespmem:s11+$0x70]  }
0x35: {  	v10 =	vld [tilespmem:s11+$0x0]  }
0x36: {  	v11 =	vld [tilespmem:s11+$0x1910]  }
0x37: {  	v4 =	vld [tilespmem:s11+$0x1930]  }
0x38: {  	v12 =	vld [tilespmem:s11+$0x40]  }
0x39: {  	v13 =	vld [tilespmem:s11+$0x1940]  }
0x3a: {  	v14 =	vld [tilespmem:s11+$0x50]  }
0x3b: {  	v15 =	vld [tilespmem:s11+$0x1950]  }
0x3c: {  	v8 =	vld [tilespmem:s11+$0x60];
	v5 =	vadd.bf16 v5, v6  }
0x3d: {  	v6 =	vld [tilespmem:s11+$0x1970]  }
0x3e: {  	v9 =	vadd.bf16 v11, v9;
	[tilespmem:s11+$0x90] =	vst v5;
	v5 =	vld [tilespmem:s11+$0x30]  }
0x3f: {  	v11 =	vadd.bf16 v7, v10;
	v7 =	vld [tilespmem:s11+$0x1920]  }
0x40: {  	s12 =	simm.s32 $0x0;
	s14 =	simm.s32 $0x196E0;
	v10 =	vld [tilespmem:s11+$0x20];
	[tilespmem:s11+$0x10] =	vst v9;
	v9 =	vadd.bf16 v13, v12;
	v12 =	vadd.bf16 v15, v14  }
.LBB2_3:
0x41: {  	v13 =	vld [tilespmem:s14+$0x1900];
	s12 =	sadd.s32 $0x2, s12;
	v8 =	vadd.bf16 v0, v8;
	v1 =	vadd.bf16 v1, v3  }
0x42: {  	v0 =	vld [tilespmem:s14+$0x1960];
	p0 =	slt.u32 s12, $0x4E;
	[tilespmem:s11+$0x50] =	vst v12  }
0x43: {  	v2 =	vadd.bf16 v6, v2;
	v12 =	vld [tilespmem:s14+$0x1990];
	[tilespmem:s11+$0x0] =	vst v11;
	v4 =	vadd.bf16 v4, v5  }
0x44: {  	v5 =	vld [tilespmem:s14+$0x90];
	[tilespmem:s11+$0x80] =	vst v1  }
0x45: {  	v1 =	vld [tilespmem:s14+$0x1980];
	v6 =	vadd.bf16 v7, v10;
	[tilespmem:s11+$0x70] =	vst v2  }
0x46: {  	v3 =	vld [tilespmem:s14+$0x80];
	[tilespmem:s11+$0x40] =	vst v9  }
0x47: {  	v7 =	vld [tilespmem:s14+$0x10];
	[tilespmem:s11+$0x20] =	vst v6  }
0x48: {  	v2 =	vld [tilespmem:s14+$0x70];
	[tilespmem:s11+$0x60] =	vst v8  }
0x49: {  	v9 =	vld [tilespmem:s14+$0x0];
	v5 =	vadd.bf16 v12, v5;
	[tilespmem:s11+$0x30] =	vst v4;
	s11 =	smov.u32 s14  }
0x4a: {  	v10 =	vld [tilespmem:s14+$0x1910]  }
0x4b: {  	v4 =	vld [tilespmem:s14+$0x1930];
	[tilespmem:s14+$0x90] =	vst v5  }
0x4c: {  	v12 =	vld [tilespmem:s14+$0x40]  }
0x4d: {  	v14 =	vld [tilespmem:s14+$0x1940]  }
0x4e: {  	v15 =	vld [tilespmem:s14+$0x50]  }
0x4f: {  	v16 =	vld [tilespmem:s14+$0x1950]  }
.Ltmp0:
0x50: {  	v8 =	vld [tilespmem:s14+$0x60];
	(pc) =	sbr.rel @p0 .LBB2_3-.Ltmp0, $4  }
0x51: {  	v6 =	vld [tilespmem:s14+$0x1970]  }
0x52: {  	v10 =	vadd.bf16 v10, v7;
	v5 =	vld [tilespmem:s14+$0x30]  }
0x53: {  	v11 =	vadd.bf16 v13, v9;
	v7 =	vld [tilespmem:s14+$0x1920]  }
0x54: {  	v9 =	vadd.bf16 v14, v12;
	s14 =	sadd.s32 $0xA0, s14;
	[tilespmem:s11+$0x10] =	vst v10;
	v10 =	vld [tilespmem:s11+$0x20];
	v12 =	vadd.bf16 v16, v15  }
0x55: {  	[tilespmem:s11+$0x0] =	vst v11  }
0x56: {  	v1 =	vadd.bf16 v1, v3;
	[tilespmem:s11+$0x50] =	vst v12  }
0x57: {  	s12 =	smul.u32 $0xA0, s7;
	v2 =	vadd.bf16 v6, v2;
	[tilespmem:s11+$0x40] =	vst v9  }
0x58: {  	v0 =	vadd.bf16 v0, v8;
	[tilespmem:s11+$0x80] =	vst v1  }
0x59: {  	s12 =	sadd.s32 s6, s12;
	[tilespmem:s11+$0x70] =	vst v2;
	v2 =	vadd.bf16 v4, v5  }
0x5a: {  	[tilespmem:s11+$0x60] =	vst v0;
	s12 =	smul.u32 $0xA, s12;
	v1 =	vadd.bf16 v7, v10  }
0x5b: {  	[tilespmem:s11+$0x30] =	vst v2  }
0x5c: {  	s14 =	sadd.s32 s4, s12;
	[tilespmem:s11+$0x20] =	vst v1  }
0x5d: {  	[hbm4b:s14+s3] =	stream.linear.scatter [tilespmem:s28], [sflag:$0x3], $0x1900, $0x38;
	[tilespmem:$0x1FA40] =	vst v63  }
0x5e: {  	_ =	swait.ge [sflag:s31], $0x3200  }
0x5f: {  	[sflag:s31] =	ssyncset.done $0x0  }
0x60: {  	s11 =	simm.s32 $0x1C840;
	[sflag:s31] =	ssyncadd.s32 $0xFFFFCE00  }
0x61: {  	v7 =	vld [tilespmem:s11+$0x1900]  }
0x62: {  	v0 =	vld [tilespmem:s11+$0x1960]  }
0x63: {  	v5 =	vld [tilespmem:s11+$0x1990]  }
0x64: {  	v6 =	vld [tilespmem:s11+$0x90]  }
0x65: {  	v1 =	vld [tilespmem:s11+$0x1980]  }
0x66: {  	v3 =	vld [tilespmem:s11+$0x80]  }
0x67: {  	v9 =	vld [tilespmem:s11+$0x10]  }
0x68: {  	v2 =	vld [tilespmem:s11+$0x70]  }
0x69: {  	v10 =	vld [tilespmem:s11+$0x0]  }
0x6a: {  	v11 =	vld [tilespmem:s11+$0x1910]  }
0x6b: {  	v4 =	vld [tilespmem:s11+$0x1930]  }
0x6c: {  	v12 =	vld [tilespmem:s11+$0x40]  }
0x6d: {  	v13 =	vld [tilespmem:s11+$0x1940]  }
0x6e: {  	v14 =	vld [tilespmem:s11+$0x50]  }
0x6f: {  	v15 =	vld [tilespmem:s11+$0x1950]  }
0x70: {  	v8 =	vld [tilespmem:s11+$0x60];
	v5 =	vadd.bf16 v5, v6  }
0x71: {  	v6 =	vld [tilespmem:s11+$0x1970]  }
0x72: {  	v9 =	vadd.bf16 v11, v9;
	[tilespmem:s11+$0x90] =	vst v5;
	v5 =	vld [tilespmem:s11+$0x30]  }
0x73: {  	v11 =	vadd.bf16 v7, v10;
	v7 =	vld [tilespmem:s11+$0x1920]  }
0x74: {  	s12 =	simm.s32 $0x0;
	s14 =	simm.s32 $0x1C8E0;
	v10 =	vld [tilespmem:s11+$0x20];
	[tilespmem:s11+$0x10] =	vst v9;
	v9 =	vadd.bf16 v13, v12;
	v12 =	vadd.bf16 v15, v14  }
.LBB2_5:
0x75: {  	v13 =	vld [tilespmem:s14+$0x1900];
	s12 =	sadd.s32 $0x2, s12;
	v8 =	vadd.bf16 v0, v8;
	v1 =	vadd.bf16 v1, v3  }
0x76: {  	v0 =	vld [tilespmem:s14+$0x1960];
	p0 =	slt.u32 s12, $0x4E;
	[tilespmem:s11+$0x50] =	vst v12  }
0x77: {  	v2 =	vadd.bf16 v6, v2;
	v12 =	vld [tilespmem:s14+$0x1990];
	[tilespmem:s11+$0x0] =	vst v11;
	v4 =	vadd.bf16 v4, v5  }
0x78: {  	v5 =	vld [tilespmem:s14+$0x90];
	[tilespmem:s11+$0x80] =	vst v1  }
0x79: {  	v1 =	vld [tilespmem:s14+$0x1980];
	v6 =	vadd.bf16 v7, v10;
	[tilespmem:s11+$0x70] =	vst v2  }
0x7a: {  	v3 =	vld [tilespmem:s14+$0x80];
	[tilespmem:s11+$0x40] =	vst v9  }
0x7b: {  	v7 =	vld [tilespmem:s14+$0x10];
	[tilespmem:s11+$0x20] =	vst v6  }
0x7c: {  	v2 =	vld [tilespmem:s14+$0x70];
	[tilespmem:s11+$0x60] =	vst v8  }
0x7d: {  	v9 =	vld [tilespmem:s14+$0x0];
	v5 =	vadd.bf16 v12, v5;
	[tilespmem:s11+$0x30] =	vst v4;
	s11 =	smov.u32 s14  }
0x7e: {  	v10 =	vld [tilespmem:s14+$0x1910]  }
0x7f: {  	v4 =	vld [tilespmem:s14+$0x1930];
	[tilespmem:s14+$0x90] =	vst v5  }
0x80: {  	v12 =	vld [tilespmem:s14+$0x40]  }
0x81: {  	v14 =	vld [tilespmem:s14+$0x1940]  }
0x82: {  	v15 =	vld [tilespmem:s14+$0x50]  }
0x83: {  	v16 =	vld [tilespmem:s14+$0x1950]  }
.Ltmp1:
0x84: {  	v8 =	vld [tilespmem:s14+$0x60];
	(pc) =	sbr.rel @p0 .LBB2_5-.Ltmp1, $4  }
0x85: {  	v6 =	vld [tilespmem:s14+$0x1970]  }
0x86: {  	v10 =	vadd.bf16 v10, v7;
	v5 =	vld [tilespmem:s14+$0x30]  }
0x87: {  	v11 =	vadd.bf16 v13, v9;
	v7 =	vld [tilespmem:s14+$0x1920]  }
0x88: {  	v9 =	vadd.bf16 v14, v12;
	s14 =	sadd.s32 $0xA0, s14;
	[tilespmem:s11+$0x10] =	vst v10;
	v10 =	vld [tilespmem:s11+$0x20];
	v12 =	vadd.bf16 v16, v15  }
0x89: {  	[tilespmem:s11+$0x0] =	vst v11  }
0x8a: {  	v1 =	vadd.bf16 v1, v3;
	[tilespmem:s11+$0x50] =	vst v12  }
0x8b: {  	s9 =	smul.u32 $0x50, s9;
	v0 =	vadd.bf16 v0, v8;
	[tilespmem:s11+$0x40] =	vst v9  }
0x8c: {  	v2 =	vadd.bf16 v6, v2;
	[tilespmem:s11+$0x80] =	vst v1  }
0x8d: {  	s9 =	sadd.s32 s6, s9;
	v63 =	vadd.bf16 v4, v5;
	[tilespmem:s11+$0x60] =	vst v0  }
0x8e: {  	[tilespmem:s11+$0x70] =	vst v2;
	s9 =	smul.u32 $0xA, s9;
	v62 =	vadd.bf16 v7, v10  }
0x8f: {  	s14 =	smul.u32 $0x500, s7;
	s7 =	sadd.s32 $0x1, s7;
	[tilespmem:s11+$0x30] =	vst v63  }
0x90: {  	p0 =	sne.s32 s7, $0xC;
	s9 =	sadd.s32 s4, s9;
	[tilespmem:s11+$0x20] =	vst v62  }
0x91: {  	[hbm4b:s9+s3] =	stream.linear.scatter [tilespmem:s29], [sflag:$0x4], $0x1900, $0x38;
	[tilespmem:$0x1FA40] =	vst v63  }
.Ltmp2:
0x92: {  	_ = 	snop;
	(pc) =	sbr.rel @p0 .LBB2_2-.Ltmp2, $4  }
0x93: {  	_ =	swait.ge [sflag:s0], $0x1900  }
0x94: {  	s9 =	sshra.s32 s14, $0x2;
	[sflag:s0] =	ssyncset.done $0x0  }
0x95: {  	s9 =	sadd.s32 $0x187E0, s9;
	[sflag:s0] =	ssyncadd.s32 $0xFFFFE700  }
0x96: {  	[tilespmem:s28], [sflag:$0x1] =	stream.indirect.gather [spmem:s1], $0x50, s9, s26, $0xb8;
	[tilespmem:$0x1FA40] =	vst v63  }
0x97: {  	_ =	swait.ge [sflag:s30], $0x3200  }
0x98: {  	[sflag:s30] =	ssyncset.done $0x0  }
0x99: {  	s7 =	simm.s32 $0x19640;
	[sflag:s30] =	ssyncadd.s32 $0xFFFFCE00  }
0x9a: {  	v7 =	vld [tilespmem:s7+$0x1900]  }
0x9b: {  	v0 =	vld [tilespmem:s7+$0x1960]  }
0x9c: {  	v5 =	vld [tilespmem:s7+$0x1990]  }
0x9d: {  	v6 =	vld [tilespmem:s7+$0x90]  }
0x9e: {  	v1 =	vld [tilespmem:s7+$0x1980]  }
0x9f: {  	v3 =	vld [tilespmem:s7+$0x80]  }
0xa0: {  	v9 =	vld [tilespmem:s7+$0x10]  }
0xa1: {  	v2 =	vld [tilespmem:s7+$0x70]  }
0xa2: {  	v10 =	vld [tilespmem:s7+$0x0]  }
0xa3: {  	v11 =	vld [tilespmem:s7+$0x1910]  }
0xa4: {  	v4 =	vld [tilespmem:s7+$0x1930]  }
0xa5: {  	v12 =	vld [tilespmem:s7+$0x40]  }
0xa6: {  	v13 =	vld [tilespmem:s7+$0x1940]  }
0xa7: {  	v14 =	vld [tilespmem:s7+$0x50]  }
0xa8: {  	v15 =	vld [tilespmem:s7+$0x1950]  }
0xa9: {  	v8 =	vld [tilespmem:s7+$0x60];
	v5 =	vadd.bf16 v5, v6  }
0xaa: {  	v6 =	vld [tilespmem:s7+$0x1970]  }
0xab: {  	v9 =	vadd.bf16 v11, v9;
	[tilespmem:s7+$0x90] =	vst v5;
	v5 =	vld [tilespmem:s7+$0x30]  }
0xac: {  	v11 =	vadd.bf16 v7, v10;
	v7 =	vld [tilespmem:s7+$0x1920]  }
0xad: {  	s9 =	simm.s32 $0x0;
	s11 =	simm.s32 $0x196E0;
	v10 =	vld [tilespmem:s7+$0x20];
	[tilespmem:s7+$0x10] =	vst v9;
	v9 =	vadd.bf16 v13, v12;
	v12 =	vadd.bf16 v15, v14  }
.LBB2_8:
0xae: {  	v13 =	vld [tilespmem:s11+$0x1900];
	s9 =	sadd.s32 $0x2, s9;
	v8 =	vadd.bf16 v0, v8;
	v1 =	vadd.bf16 v1, v3  }
0xaf: {  	v0 =	vld [tilespmem:s11+$0x1960];
	p0 =	slt.u32 s9, $0x4E;
	[tilespmem:s7+$0x50] =	vst v12  }
0xb0: {  	v2 =	vadd.bf16 v6, v2;
	v12 =	vld [tilespmem:s11+$0x1990];
	[tilespmem:s7+$0x0] =	vst v11;
	v4 =	vadd.bf16 v4, v5  }
0xb1: {  	v5 =	vld [tilespmem:s11+$0x90];
	[tilespmem:s7+$0x80] =	vst v1  }
0xb2: {  	v1 =	vld [tilespmem:s11+$0x1980];
	v6 =	vadd.bf16 v7, v10;
	[tilespmem:s7+$0x70] =	vst v2  }
0xb3: {  	v3 =	vld [tilespmem:s11+$0x80];
	[tilespmem:s7+$0x40] =	vst v9  }
0xb4: {  	v7 =	vld [tilespmem:s11+$0x10];
	[tilespmem:s7+$0x20] =	vst v6  }
0xb5: {  	v2 =	vld [tilespmem:s11+$0x70];
	[tilespmem:s7+$0x60] =	vst v8  }
0xb6: {  	v9 =	vld [tilespmem:s11+$0x0];
	v5 =	vadd.bf16 v12, v5;
	[tilespmem:s7+$0x30] =	vst v4;
	s7 =	smov.u32 s11  }
0xb7: {  	v10 =	vld [tilespmem:s11+$0x1910]  }
0xb8: {  	v4 =	vld [tilespmem:s11+$0x1930];
	[tilespmem:s11+$0x90] =	vst v5  }
0xb9: {  	v12 =	vld [tilespmem:s11+$0x40]  }
0xba: {  	v14 =	vld [tilespmem:s11+$0x1940]  }
0xbb: {  	v15 =	vld [tilespmem:s11+$0x50]  }
0xbc: {  	v16 =	vld [tilespmem:s11+$0x1950]  }
.Ltmp3:
0xbd: {  	v8 =	vld [tilespmem:s11+$0x60];
	(pc) =	sbr.rel @p0 .LBB2_8-.Ltmp3, $4  }
0xbe: {  	v6 =	vld [tilespmem:s11+$0x1970]  }
0xbf: {  	v10 =	vadd.bf16 v10, v7;
	v5 =	vld [tilespmem:s11+$0x30]  }
0xc0: {  	v11 =	vadd.bf16 v13, v9;
	v7 =	vld [tilespmem:s11+$0x1920]  }
0xc1: {  	v9 =	vadd.bf16 v14, v12;
	s11 =	sadd.s32 $0xA0, s11;
	[tilespmem:s7+$0x10] =	vst v10;
	v10 =	vld [tilespmem:s7+$0x20];
	v12 =	vadd.bf16 v16, v15  }
0xc2: {  	[tilespmem:s7+$0x0] =	vst v11  }
0xc3: {  	v1 =	vadd.bf16 v1, v3;
	[tilespmem:s7+$0x50] =	vst v12  }
0xc4: {  	v0 =	vadd.bf16 v0, v8;
	[tilespmem:s7+$0x40] =	vst v9  }
0xc5: {  	v2 =	vadd.bf16 v6, v2;
	[tilespmem:s7+$0x80] =	vst v1  }
0xc6: {  	v63 =	vadd.bf16 v4, v5;
	[tilespmem:s7+$0x60] =	vst v0  }
0xc7: {  	[tilespmem:s7+$0x70] =	vst v2;
	v62 =	vadd.bf16 v7, v10  }
0xc8: {  	[tilespmem:s7+$0x30] =	vst v63  }
0xc9: {  	s9 =	rddreg [dreg:$0x7];
	[tilespmem:s7+$0x20] =	vst v62;
	s7 =	simm.s32 $0x0  }
0xca: {  	[hbm4b:s9+s7] =	stream.linear.scatter [tilespmem:s28], [sflag:$0x3], $0x1900, $0x38;
	[tilespmem:$0x1FA40] =	vst v63  }
0xcb: {  	_ =	swait.ge [sflag:s2], $0x1900  }
0xcc: {  	[sflag:s2] =	ssyncset.done $0x0  }
0xcd: {  	[sflag:s2] =	ssyncadd.s32 $0xFFFFE700  }
0xce: {  	_ =	swait.ge [sflag:s0], $0x1900  }
0xcf: {  	[sflag:s0] =	ssyncset.done $0x0  }
0xd0: {  	s14 =	rddreg [dreg:$0x8];
	[sflag:s0] =	ssyncadd.s32 $0xFFFFE700  }
0xd1: {  	[tilespmem:s25], [sflag:$0x5] =	stream.linear.gather [hbm4b:s14+s7], $0xFA0, $0x38;
	[tilespmem:$0x1FA40] =	vst v63  }
0xd2: {  	_ =	swait.ge [sflag:s24], $0xFA0  }
0xd3: {  	[sflag:s24] =	ssyncset.done $0x0  }
0xd4: {  	[sflag:s24] =	ssyncadd.s32 $0xFFFFF060  }
0xd5: {  	[tilespmem:s28], [sflag:$0x1] =	stream.indirect.gather [spmem:s1], $0x50, s25, s26, $0xb8;
	[tilespmem:$0x1FA40] =	vst v63  }
.LBB2_10:
0xd6: {  	s9 =	sshllo.u32 s7, $0x1;
	p0 =	seq.s32 s7, $0x0  }
0xd7: {  	s11 =	simm.s32 @!p0 $0x4;
	s12 =	smul.u32 $0x280, s9  }
0xd8: {  	_ =	swait.ge @!p0 [sflag:s11], $0x1900  }
0xd9: {  	[sflag:s11] =	ssyncset.done @!p0 $0x0;
	s12 =	sshra.s32 s12, $0x2  }
0xda: {  	[sflag:s11] =	ssyncadd.s32 @!p0 $0xFFFFE700;
	s14 =	sadd.s32 $0x186A0, s12  }
0xdb: {  	[tilespmem:s29], [sflag:$0x2] =	stream.indirect.gather [spmem:s1], $0x50, s14, s26, $0xb8;
	[tilespmem:$0x1FA40] =	vst v63  }
0xdc: {  	_ =	swait.ge [sflag:s30], $0x3200  }
0xdd: {  	[sflag:s30] =	ssyncset.done $0x0  }
0xde: {  	s11 =	simm.s32 $0x19640;
	[sflag:s30] =	ssyncadd.s32 $0xFFFFCE00  }
0xdf: {  	v7 =	vld [tilespmem:s11+$0x1900]  }
0xe0: {  	v0 =	vld [tilespmem:s11+$0x1960]  }
0xe1: {  	v5 =	vld [tilespmem:s11+$0x1990]  }
0xe2: {  	v6 =	vld [tilespmem:s11+$0x90]  }
0xe3: {  	v1 =	vld [tilespmem:s11+$0x1980]  }
0xe4: {  	v3 =	vld [tilespmem:s11+$0x80]  }
0xe5: {  	v9 =	vld [tilespmem:s11+$0x10]  }
0xe6: {  	v2 =	vld [tilespmem:s11+$0x70]  }
0xe7: {  	v10 =	vld [tilespmem:s11+$0x0]  }
0xe8: {  	v11 =	vld [tilespmem:s11+$0x1910]  }
0xe9: {  	v4 =	vld [tilespmem:s11+$0x1930]  }
0xea: {  	v12 =	vld [tilespmem:s11+$0x40]  }
0xeb: {  	v13 =	vld [tilespmem:s11+$0x1940]  }
0xec: {  	v14 =	vld [tilespmem:s11+$0x50]  }
0xed: {  	v15 =	vld [tilespmem:s11+$0x1950]  }
0xee: {  	v8 =	vld [tilespmem:s11+$0x60];
	v5 =	vadd.bf16 v5, v6  }
0xef: {  	v6 =	vld [tilespmem:s11+$0x1970]  }
0xf0: {  	v9 =	vadd.bf16 v11, v9;
	[tilespmem:s11+$0x90] =	vst v5;
	v5 =	vld [tilespmem:s11+$0x30]  }
0xf1: {  	v11 =	vadd.bf16 v7, v10;
	v7 =	vld [tilespmem:s11+$0x1920]  }
0xf2: {  	s12 =	simm.s32 $0x0;
	s14 =	simm.s32 $0x196E0;
	v10 =	vld [tilespmem:s11+$0x20];
	[tilespmem:s11+$0x10] =	vst v9;
	v9 =	vadd.bf16 v13, v12;
	v12 =	vadd.bf16 v15, v14  }
.LBB2_11:
0xf3: {  	v13 =	vld [tilespmem:s14+$0x1900];
	s12 =	sadd.s32 $0x2, s12;
	v8 =	vadd.bf16 v0, v8;
	v1 =	vadd.bf16 v1, v3  }
0xf4: {  	v0 =	vld [tilespmem:s14+$0x1960];
	p0 =	slt.u32 s12, $0x4E;
	[tilespmem:s11+$0x50] =	vst v12  }
0xf5: {  	v2 =	vadd.bf16 v6, v2;
	v12 =	vld [tilespmem:s14+$0x1990];
	[tilespmem:s11+$0x0] =	vst v11;
	v4 =	vadd.bf16 v4, v5  }
0xf6: {  	v5 =	vld [tilespmem:s14+$0x90];
	[tilespmem:s11+$0x80] =	vst v1  }
0xf7: {  	v1 =	vld [tilespmem:s14+$0x1980];
	v6 =	vadd.bf16 v7, v10;
	[tilespmem:s11+$0x70] =	vst v2  }
0xf8: {  	v3 =	vld [tilespmem:s14+$0x80];
	[tilespmem:s11+$0x40] =	vst v9  }
0xf9: {  	v7 =	vld [tilespmem:s14+$0x10];
	[tilespmem:s11+$0x20] =	vst v6  }
0xfa: {  	v2 =	vld [tilespmem:s14+$0x70];
	[tilespmem:s11+$0x60] =	vst v8  }
0xfb: {  	v9 =	vld [tilespmem:s14+$0x0];
	v5 =	vadd.bf16 v12, v5;
	[tilespmem:s11+$0x30] =	vst v4;
	s11 =	smov.u32 s14  }
0xfc: {  	v10 =	vld [tilespmem:s14+$0x1910]  }
0xfd: {  	v4 =	vld [tilespmem:s14+$0x1930];
	[tilespmem:s14+$0x90] =	vst v5  }
0xfe: {  	v12 =	vld [tilespmem:s14+$0x40]  }
0xff: {  	v14 =	vld [tilespmem:s14+$0x1940]  }
0x100: {  	v15 =	vld [tilespmem:s14+$0x50]  }
0x101: {  	v16 =	vld [tilespmem:s14+$0x1950]  }
.Ltmp4:
0x102: {  	v8 =	vld [tilespmem:s14+$0x60];
	(pc) =	sbr.rel @p0 .LBB2_11-.Ltmp4, $4  }
0x103: {  	v6 =	vld [tilespmem:s14+$0x1970]  }
0x104: {  	v10 =	vadd.bf16 v10, v7;
	v5 =	vld [tilespmem:s14+$0x30]  }
0x105: {  	v11 =	vadd.bf16 v13, v9;
	v7 =	vld [tilespmem:s14+$0x1920]  }
0x106: {  	v9 =	vadd.bf16 v14, v12;
	s14 =	sadd.s32 $0xA0, s14;
	[tilespmem:s11+$0x10] =	vst v10;
	v10 =	vld [tilespmem:s11+$0x20];
	v12 =	vadd.bf16 v16, v15  }
0x107: {  	[tilespmem:s11+$0x0] =	vst v11  }
0x108: {  	v1 =	vadd.bf16 v1, v3;
	[tilespmem:s11+$0x50] =	vst v12  }
0x109: {  	s12 =	smul.u32 $0xA0, s7;
	v2 =	vadd.bf16 v6, v2;
	[tilespmem:s11+$0x40] =	vst v9  }
0x10a: {  	v0 =	vadd.bf16 v0, v8;
	[tilespmem:s11+$0x80] =	vst v1  }
0x10b: {  	s12 =	sadd.s32 s10, s12;
	[tilespmem:s11+$0x70] =	vst v2;
	v2 =	vadd.bf16 v4, v5  }
0x10c: {  	[tilespmem:s11+$0x60] =	vst v0;
	s12 =	smul.u32 $0xA, s12;
	v1 =	vadd.bf16 v7, v10  }
0x10d: {  	[tilespmem:s11+$0x30] =	vst v2  }
0x10e: {  	s14 =	sadd.s32 s4, s12;
	[tilespmem:s11+$0x20] =	vst v1  }
0x10f: {  	[hbm4b:s14+s3] =	stream.linear.scatter [tilespmem:s28], [sflag:$0x3], $0x1900, $0x38;
	[tilespmem:$0x1FA40] =	vst v63  }
0x110: {  	_ =	swait.ge [sflag:s31], $0x3200  }
0x111: {  	[sflag:s31] =	ssyncset.done $0x0  }
0x112: {  	s11 =	simm.s32 $0x1C840;
	[sflag:s31] =	ssyncadd.s32 $0xFFFFCE00  }
0x113: {  	v7 =	vld [tilespmem:s11+$0x1900]  }
0x114: {  	v0 =	vld [tilespmem:s11+$0x1960]  }
0x115: {  	v5 =	vld [tilespmem:s11+$0x1990]  }
0x116: {  	v6 =	vld [tilespmem:s11+$0x90]  }
0x117: {  	v1 =	vld [tilespmem:s11+$0x1980]  }
0x118: {  	v3 =	vld [tilespmem:s11+$0x80]  }
0x119: {  	v9 =	vld [tilespmem:s11+$0x10]  }
0x11a: {  	v2 =	vld [tilespmem:s11+$0x70]  }
0x11b: {  	v10 =	vld [tilespmem:s11+$0x0]  }
0x11c: {  	v11 =	vld [tilespmem:s11+$0x1910]  }
0x11d: {  	v4 =	vld [tilespmem:s11+$0x1930]  }
0x11e: {  	v12 =	vld [tilespmem:s11+$0x40]  }
0x11f: {  	v13 =	vld [tilespmem:s11+$0x1940]  }
0x120: {  	v14 =	vld [tilespmem:s11+$0x50]  }
0x121: {  	v15 =	vld [tilespmem:s11+$0x1950]  }
0x122: {  	v8 =	vld [tilespmem:s11+$0x60];
	v5 =	vadd.bf16 v5, v6  }
0x123: {  	v6 =	vld [tilespmem:s11+$0x1970]  }
0x124: {  	v9 =	vadd.bf16 v11, v9;
	[tilespmem:s11+$0x90] =	vst v5;
	v5 =	vld [tilespmem:s11+$0x30]  }
0x125: {  	v11 =	vadd.bf16 v7, v10;
	v7 =	vld [tilespmem:s11+$0x1920]  }
0x126: {  	s12 =	simm.s32 $0x0;
	s14 =	simm.s32 $0x1C8E0;
	v10 =	vld [tilespmem:s11+$0x20];
	[tilespmem:s11+$0x10] =	vst v9;
	v9 =	vadd.bf16 v13, v12;
	v12 =	vadd.bf16 v15, v14  }
.LBB2_13:
0x127: {  	v13 =	vld [tilespmem:s14+$0x1900];
	s12 =	sadd.s32 $0x2, s12;
	v8 =	vadd.bf16 v0, v8;
	v1 =	vadd.bf16 v1, v3  }
0x128: {  	v0 =	vld [tilespmem:s14+$0x1960];
	p0 =	slt.u32 s12, $0x4E;
	[tilespmem:s11+$0x50] =	vst v12  }
0x129: {  	v2 =	vadd.bf16 v6, v2;
	v12 =	vld [tilespmem:s14+$0x1990];
	[tilespmem:s11+$0x0] =	vst v11;
	v4 =	vadd.bf16 v4, v5  }
0x12a: {  	v5 =	vld [tilespmem:s14+$0x90];
	[tilespmem:s11+$0x80] =	vst v1  }
0x12b: {  	v1 =	vld [tilespmem:s14+$0x1980];
	v6 =	vadd.bf16 v7, v10;
	[tilespmem:s11+$0x70] =	vst v2  }
0x12c: {  	v3 =	vld [tilespmem:s14+$0x80];
	[tilespmem:s11+$0x40] =	vst v9  }
0x12d: {  	v7 =	vld [tilespmem:s14+$0x10];
	[tilespmem:s11+$0x20] =	vst v6  }
0x12e: {  	v2 =	vld [tilespmem:s14+$0x70];
	[tilespmem:s11+$0x60] =	vst v8  }
0x12f: {  	v9 =	vld [tilespmem:s14+$0x0];
	v5 =	vadd.bf16 v12, v5;
	[tilespmem:s11+$0x30] =	vst v4;
	s11 =	smov.u32 s14  }
0x130: {  	v10 =	vld [tilespmem:s14+$0x1910]  }
0x131: {  	v4 =	vld [tilespmem:s14+$0x1930];
	[tilespmem:s14+$0x90] =	vst v5  }
0x132: {  	v12 =	vld [tilespmem:s14+$0x40]  }
0x133: {  	v14 =	vld [tilespmem:s14+$0x1940]  }
0x134: {  	v15 =	vld [tilespmem:s14+$0x50]  }
0x135: {  	v16 =	vld [tilespmem:s14+$0x1950]  }
.Ltmp5:
0x136: {  	v8 =	vld [tilespmem:s14+$0x60];
	(pc) =	sbr.rel @p0 .LBB2_13-.Ltmp5, $4  }
0x137: {  	v6 =	vld [tilespmem:s14+$0x1970]  }
0x138: {  	v10 =	vadd.bf16 v10, v7;
	v5 =	vld [tilespmem:s14+$0x30]  }
0x139: {  	v11 =	vadd.bf16 v13, v9;
	v7 =	vld [tilespmem:s14+$0x1920]  }
0x13a: {  	v9 =	vadd.bf16 v14, v12;
	s14 =	sadd.s32 $0xA0, s14;
	[tilespmem:s11+$0x10] =	vst v10;
	v10 =	vld [tilespmem:s11+$0x20];
	v12 =	vadd.bf16 v16, v15  }
0x13b: {  	[tilespmem:s11+$0x0] =	vst v11  }
0x13c: {  	v1 =	vadd.bf16 v1, v3;
	[tilespmem:s11+$0x50] =	vst v12  }
0x13d: {  	s9 =	smul.u32 $0x50, s9;
	v0 =	vadd.bf16 v0, v8;
	[tilespmem:s11+$0x40] =	vst v9  }
0x13e: {  	v2 =	vadd.bf16 v6, v2;
	[tilespmem:s11+$0x80] =	vst v1  }
0x13f: {  	s9 =	sadd.s32 s10, s9;
	v63 =	vadd.bf16 v4, v5;
	[tilespmem:s11+$0x60] =	vst v0  }
0x140: {  	[tilespmem:s11+$0x70] =	vst v2;
	s9 =	smul.u32 $0xA, s9;
	v62 =	vadd.bf16 v7, v10  }
0x141: {  	s14 =	smul.u32 $0x500, s7;
	s7 =	sadd.s32 $0x1, s7;
	[tilespmem:s11+$0x30] =	vst v63  }
0x142: {  	p0 =	sne.s32 s7, $0xC;
	s9 =	sadd.s32 s4, s9;
	[tilespmem:s11+$0x20] =	vst v62  }
0x143: {  	[hbm4b:s9+s3] =	stream.linear.scatter [tilespmem:s29], [sflag:$0x4], $0x1900, $0x38;
	[tilespmem:$0x1FA40] =	vst v63  }
.Ltmp6:
0x144: {  	_ = 	snop;
	(pc) =	sbr.rel @p0 .LBB2_10-.Ltmp6, $4  }
0x145: {  	_ =	swait.ge [sflag:s0], $0x1900  }
0x146: {  	s9 =	sshra.s32 s14, $0x2;
	[sflag:s0] =	ssyncset.done $0x0  }
0x147: {  	s9 =	sadd.s32 $0x187E0, s9;
	[sflag:s0] =	ssyncadd.s32 $0xFFFFE700  }
0x148: {  	[tilespmem:s28], [sflag:$0x1] =	stream.indirect.gather [spmem:s1], $0x50, s9, s26, $0xb8;
	[tilespmem:$0x1FA40] =	vst v63  }
0x149: {  	_ =	swait.ge [sflag:s30], $0x3200  }
0x14a: {  	[sflag:s30] =	ssyncset.done $0x0  }
0x14b: {  	s7 =	simm.s32 $0x19640;
	[sflag:s30] =	ssyncadd.s32 $0xFFFFCE00  }
0x14c: {  	v7 =	vld [tilespmem:s7+$0x1900]  }
0x14d: {  	v0 =	vld [tilespmem:s7+$0x1960]  }
0x14e: {  	v5 =	vld [tilespmem:s7+$0x1990]  }
0x14f: {  	v6 =	vld [tilespmem:s7+$0x90]  }
0x150: {  	v1 =	vld [tilespmem:s7+$0x1980]  }
0x151: {  	v3 =	vld [tilespmem:s7+$0x80]  }
0x152: {  	v9 =	vld [tilespmem:s7+$0x10]  }
0x153: {  	v2 =	vld [tilespmem:s7+$0x70]  }
0x154: {  	v10 =	vld [tilespmem:s7+$0x0]  }
0x155: {  	v11 =	vld [tilespmem:s7+$0x1910]  }
0x156: {  	v4 =	vld [tilespmem:s7+$0x1930]  }
0x157: {  	v12 =	vld [tilespmem:s7+$0x40]  }
0x158: {  	v13 =	vld [tilespmem:s7+$0x1940]  }
0x159: {  	v14 =	vld [tilespmem:s7+$0x50]  }
0x15a: {  	v15 =	vld [tilespmem:s7+$0x1950]  }
0x15b: {  	v8 =	vld [tilespmem:s7+$0x60];
	v5 =	vadd.bf16 v5, v6  }
0x15c: {  	v6 =	vld [tilespmem:s7+$0x1970]  }
0x15d: {  	v9 =	vadd.bf16 v11, v9;
	[tilespmem:s7+$0x90] =	vst v5;
	v5 =	vld [tilespmem:s7+$0x30]  }
0x15e: {  	v11 =	vadd.bf16 v7, v10;
	v7 =	vld [tilespmem:s7+$0x1920]  }
0x15f: {  	s9 =	simm.s32 $0x0;
	s11 =	simm.s32 $0x196E0;
	v10 =	vld [tilespmem:s7+$0x20];
	[tilespmem:s7+$0x10] =	vst v9;
	v9 =	vadd.bf16 v13, v12;
	v12 =	vadd.bf16 v15, v14  }
.LBB2_16:
0x160: {  	v13 =	vld [tilespmem:s11+$0x1900];
	s9 =	sadd.s32 $0x2, s9;
	v8 =	vadd.bf16 v0, v8;
	v1 =	vadd.bf16 v1, v3  }
0x161: {  	v0 =	vld [tilespmem:s11+$0x1960];
	p0 =	slt.u32 s9, $0x4E;
	[tilespmem:s7+$0x50] =	vst v12  }
0x162: {  	v2 =	vadd.bf16 v6, v2;
	v12 =	vld [tilespmem:s11+$0x1990];
	[tilespmem:s7+$0x0] =	vst v11;
	v4 =	vadd.bf16 v4, v5  }
0x163: {  	v5 =	vld [tilespmem:s11+$0x90];
	[tilespmem:s7+$0x80] =	vst v1  }
0x164: {  	v1 =	vld [tilespmem:s11+$0x1980];
	v6 =	vadd.bf16 v7, v10;
	[tilespmem:s7+$0x70] =	vst v2  }
0x165: {  	v3 =	vld [tilespmem:s11+$0x80];
	[tilespmem:s7+$0x40] =	vst v9  }
0x166: {  	v7 =	vld [tilespmem:s11+$0x10];
	[tilespmem:s7+$0x20] =	vst v6  }
0x167: {  	v2 =	vld [tilespmem:s11+$0x70];
	[tilespmem:s7+$0x60] =	vst v8  }
0x168: {  	v9 =	vld [tilespmem:s11+$0x0];
	v5 =	vadd.bf16 v12, v5;
	[tilespmem:s7+$0x30] =	vst v4;
	s7 =	smov.u32 s11  }
0x169: {  	v10 =	vld [tilespmem:s11+$0x1910]  }
0x16a: {  	v4 =	vld [tilespmem:s11+$0x1930];
	[tilespmem:s11+$0x90] =	vst v5  }
0x16b: {  	v12 =	vld [tilespmem:s11+$0x40]  }
0x16c: {  	v14 =	vld [tilespmem:s11+$0x1940]  }
0x16d: {  	v15 =	vld [tilespmem:s11+$0x50]  }
0x16e: {  	v16 =	vld [tilespmem:s11+$0x1950]  }
.Ltmp7:
0x16f: {  	v8 =	vld [tilespmem:s11+$0x60];
	(pc) =	sbr.rel @p0 .LBB2_16-.Ltmp7, $4  }
0x170: {  	v6 =	vld [tilespmem:s11+$0x1970]  }
0x171: {  	v10 =	vadd.bf16 v10, v7;
	v5 =	vld [tilespmem:s11+$0x30]  }
0x172: {  	v11 =	vadd.bf16 v13, v9;
	v7 =	vld [tilespmem:s11+$0x1920]  }
0x173: {  	v9 =	vadd.bf16 v14, v12;
	s11 =	sadd.s32 $0xA0, s11;
	[tilespmem:s7+$0x10] =	vst v10;
	v10 =	vld [tilespmem:s7+$0x20];
	v12 =	vadd.bf16 v16, v15  }
0x174: {  	[tilespmem:s7+$0x0] =	vst v11  }
0x175: {  	v1 =	vadd.bf16 v1, v3;
	[tilespmem:s7+$0x50] =	vst v12  }
0x176: {  	v0 =	vadd.bf16 v0, v8;
	[tilespmem:s7+$0x40] =	vst v9  }
0x177: {  	v2 =	vadd.bf16 v6, v2;
	[tilespmem:s7+$0x80] =	vst v1  }
0x178: {  	v63 =	vadd.bf16 v4, v5;
	[tilespmem:s7+$0x60] =	vst v0  }
0x179: {  	[tilespmem:s7+$0x70] =	vst v2;
	v62 =	vadd.bf16 v7, v10  }
0x17a: {  	[tilespmem:s7+$0x30] =	vst v63  }
0x17b: {  	s9 =	rddreg [dreg:$0x9];
	[tilespmem:s7+$0x20] =	vst v62;
	s7 =	simm.s32 $0x0  }
0x17c: {  	[hbm4b:s9+s7] =	stream.linear.scatter [tilespmem:s28], [sflag:$0x3], $0x1900, $0x38;
	[tilespmem:$0x1FA40] =	vst v63  }
0x17d: {  	_ =	swait.ge [sflag:s2], $0x1900  }
0x17e: {  	[sflag:s2] =	ssyncset.done $0x0  }
0x17f: {  	[sflag:s2] =	ssyncadd.s32 $0xFFFFE700  }
0x180: {  	_ =	swait.ge [sflag:s0], $0x1900  }
0x181: {  	[sflag:s0] =	ssyncset.done $0x0  }
0x182: {  	s14 =	rddreg [dreg:$0xa];
	[sflag:s0] =	ssyncadd.s32 $0xFFFFE700  }
0x183: {  	[tilespmem:s25], [sflag:$0x5] =	stream.linear.gather [hbm4b:s14+s7], $0xFA0, $0x38;
	[tilespmem:$0x1FA40] =	vst v63  }
0x184: {  	_ =	swait.ge [sflag:s24], $0xFA0  }
0x185: {  	[sflag:s24] =	ssyncset.done $0x0  }
0x186: {  	[sflag:s24] =	ssyncadd.s32 $0xFFFFF060  }
0x187: {  	[tilespmem:s28], [sflag:$0x1] =	stream.indirect.gather [spmem:s1], $0x50, s25, s26, $0xb8;
	[tilespmem:$0x1FA40] =	vst v63  }
.LBB2_18:
0x188: {  	s9 =	sshllo.u32 s7, $0x1;
	p0 =	seq.s32 s7, $0x0  }
0x189: {  	s11 =	simm.s32 @!p0 $0x4;
	s12 =	smul.u32 $0x280, s9  }
0x18a: {  	_ =	swait.ge @!p0 [sflag:s11], $0x1900  }
0x18b: {  	[sflag:s11] =	ssyncset.done @!p0 $0x0;
	s12 =	sshra.s32 s12, $0x2  }
0x18c: {  	[sflag:s11] =	ssyncadd.s32 @!p0 $0xFFFFE700;
	s14 =	sadd.s32 $0x186A0, s12  }
0x18d: {  	[tilespmem:s29], [sflag:$0x2] =	stream.indirect.gather [spmem:s1], $0x50, s14, s26, $0xb8;
	[tilespmem:$0x1FA40] =	vst v63  }
0x18e: {  	_ =	swait.ge [sflag:s30], $0x3200  }
0x18f: {  	[sflag:s30] =	ssyncset.done $0x0  }
0x190: {  	s11 =	simm.s32 $0x19640;
	[sflag:s30] =	ssyncadd.s32 $0xFFFFCE00  }
0x191: {  	v7 =	vld [tilespmem:s11+$0x1900]  }
0x192: {  	v0 =	vld [tilespmem:s11+$0x1960]  }
0x193: {  	v5 =	vld [tilespmem:s11+$0x1990]  }
0x194: {  	v6 =	vld [tilespmem:s11+$0x90]  }
0x195: {  	v1 =	vld [tilespmem:s11+$0x1980]  }
0x196: {  	v3 =	vld [tilespmem:s11+$0x80]  }
0x197: {  	v9 =	vld [tilespmem:s11+$0x10]  }
0x198: {  	v2 =	vld [tilespmem:s11+$0x70]  }
0x199: {  	v10 =	vld [tilespmem:s11+$0x0]  }
0x19a: {  	v11 =	vld [tilespmem:s11+$0x1910]  }
0x19b: {  	v4 =	vld [tilespmem:s11+$0x1930]  }
0x19c: {  	v12 =	vld [tilespmem:s11+$0x40]  }
0x19d: {  	v13 =	vld [tilespmem:s11+$0x1940]  }
0x19e: {  	v14 =	vld [tilespmem:s11+$0x50]  }
0x19f: {  	v15 =	vld [tilespmem:s11+$0x1950]  }
0x1a0: {  	v8 =	vld [tilespmem:s11+$0x60];
	v5 =	vadd.bf16 v5, v6  }
0x1a1: {  	v6 =	vld [tilespmem:s11+$0x1970]  }
0x1a2: {  	v9 =	vadd.bf16 v11, v9;
	[tilespmem:s11+$0x90] =	vst v5;
	v5 =	vld [tilespmem:s11+$0x30]  }
0x1a3: {  	v11 =	vadd.bf16 v7, v10;
	v7 =	vld [tilespmem:s11+$0x1920]  }
0x1a4: {  	s12 =	simm.s32 $0x0;
	s14 =	simm.s32 $0x196E0;
	v10 =	vld [tilespmem:s11+$0x20];
	[tilespmem:s11+$0x10] =	vst v9;
	v9 =	vadd.bf16 v13, v12;
	v12 =	vadd.bf16 v15, v14  }
.LBB2_19:
0x1a5: {  	v13 =	vld [tilespmem:s14+$0x1900];
	s12 =	sadd.s32 $0x2, s12;
	v8 =	vadd.bf16 v0, v8;
	v1 =	vadd.bf16 v1, v3  }
0x1a6: {  	v0 =	vld [tilespmem:s14+$0x1960];
	p0 =	slt.u32 s12, $0x4E;
	[tilespmem:s11+$0x50] =	vst v12  }
0x1a7: {  	v2 =	vadd.bf16 v6, v2;
	v12 =	vld [tilespmem:s14+$0x1990];
	[tilespmem:s11+$0x0] =	vst v11;
	v4 =	vadd.bf16 v4, v5  }
0x1a8: {  	v5 =	vld [tilespmem:s14+$0x90];
	[tilespmem:s11+$0x80] =	vst v1  }
0x1a9: {  	v1 =	vld [tilespmem:s14+$0x1980];
	v6 =	vadd.bf16 v7, v10;
	[tilespmem:s11+$0x70] =	vst v2  }
0x1aa: {  	v3 =	vld [tilespmem:s14+$0x80];
	[tilespmem:s11+$0x40] =	vst v9  }
0x1ab: {  	v7 =	vld [tilespmem:s14+$0x10];
	[tilespmem:s11+$0x20] =	vst v6  }
0x1ac: {  	v2 =	vld [tilespmem:s14+$0x70];
	[tilespmem:s11+$0x60] =	vst v8  }
0x1ad: {  	v9 =	vld [tilespmem:s14+$0x0];
	v5 =	vadd.bf16 v12, v5;
	[tilespmem:s11+$0x30] =	vst v4;
	s11 =	smov.u32 s14  }
0x1ae: {  	v10 =	vld [tilespmem:s14+$0x1910]  }
0x1af: {  	v4 =	vld [tilespmem:s14+$0x1930];
	[tilespmem:s14+$0x90] =	vst v5  }
0x1b0: {  	v12 =	vld [tilespmem:s14+$0x40]  }
0x1b1: {  	v14 =	vld [tilespmem:s14+$0x1940]  }
0x1b2: {  	v15 =	vld [tilespmem:s14+$0x50]  }
0x1b3: {  	v16 =	vld [tilespmem:s14+$0x1950]  }
.Ltmp8:
0x1b4: {  	v8 =	vld [tilespmem:s14+$0x60];
	(pc) =	sbr.rel @p0 .LBB2_19-.Ltmp8, $4  }
0x1b5: {  	v6 =	vld [tilespmem:s14+$0x1970]  }
0x1b6: {  	v10 =	vadd.bf16 v10, v7;
	v5 =	vld [tilespmem:s14+$0x30]  }
0x1b7: {  	v11 =	vadd.bf16 v13, v9;
	v7 =	vld [tilespmem:s14+$0x1920]  }
0x1b8: {  	v9 =	vadd.bf16 v14, v12;
	s14 =	sadd.s32 $0xA0, s14;
	[tilespmem:s11+$0x10] =	vst v10;
	v10 =	vld [tilespmem:s11+$0x20];
	v12 =	vadd.bf16 v16, v15  }
0x1b9: {  	[tilespmem:s11+$0x0] =	vst v11  }
0x1ba: {  	v1 =	vadd.bf16 v1, v3;
	[tilespmem:s11+$0x50] =	vst v12  }
0x1bb: {  	s12 =	smul.u32 $0xA0, s7;
	v2 =	vadd.bf16 v6, v2;
	[tilespmem:s11+$0x40] =	vst v9  }
0x1bc: {  	v0 =	vadd.bf16 v0, v8;
	[tilespmem:s11+$0x80] =	vst v1  }
0x1bd: {  	s12 =	sadd.s32 s13, s12;
	[tilespmem:s11+$0x70] =	vst v2;
	v2 =	vadd.bf16 v4, v5  }
0x1be: {  	[tilespmem:s11+$0x60] =	vst v0;
	s12 =	smul.u32 $0xA, s12;
	v1 =	vadd.bf16 v7, v10  }
0x1bf: {  	[tilespmem:s11+$0x30] =	vst v2  }
0x1c0: {  	s14 =	sadd.s32 s4, s12;
	[tilespmem:s11+$0x20] =	vst v1  }
0x1c1: {  	[hbm4b:s14+s3] =	stream.linear.scatter [tilespmem:s28], [sflag:$0x3], $0x1900, $0x38;
	[tilespmem:$0x1FA40] =	vst v63  }
0x1c2: {  	_ =	swait.ge [sflag:s31], $0x3200  }
0x1c3: {  	[sflag:s31] =	ssyncset.done $0x0  }
0x1c4: {  	s11 =	simm.s32 $0x1C840;
	[sflag:s31] =	ssyncadd.s32 $0xFFFFCE00  }
0x1c5: {  	v7 =	vld [tilespmem:s11+$0x1900]  }
0x1c6: {  	v0 =	vld [tilespmem:s11+$0x1960]  }
0x1c7: {  	v5 =	vld [tilespmem:s11+$0x1990]  }
0x1c8: {  	v6 =	vld [tilespmem:s11+$0x90]  }
0x1c9: {  	v1 =	vld [tilespmem:s11+$0x1980]  }
0x1ca: {  	v3 =	vld [tilespmem:s11+$0x80]  }
0x1cb: {  	v9 =	vld [tilespmem:s11+$0x10]  }
0x1cc: {  	v2 =	vld [tilespmem:s11+$0x70]  }
0x1cd: {  	v10 =	vld [tilespmem:s11+$0x0]  }
0x1ce: {  	v11 =	vld [tilespmem:s11+$0x1910]  }
0x1cf: {  	v4 =	vld [tilespmem:s11+$0x1930]  }
0x1d0: {  	v12 =	vld [tilespmem:s11+$0x40]  }
0x1d1: {  	v13 =	vld [tilespmem:s11+$0x1940]  }
0x1d2: {  	v14 =	vld [tilespmem:s11+$0x50]  }
0x1d3: {  	v15 =	vld [tilespmem:s11+$0x1950]  }
0x1d4: {  	v8 =	vld [tilespmem:s11+$0x60];
	v5 =	vadd.bf16 v5, v6  }
0x1d5: {  	v6 =	vld [tilespmem:s11+$0x1970]  }
0x1d6: {  	v9 =	vadd.bf16 v11, v9;
	[tilespmem:s11+$0x90] =	vst v5;
	v5 =	vld [tilespmem:s11+$0x30]  }
0x1d7: {  	v11 =	vadd.bf16 v7, v10;
	v7 =	vld [tilespmem:s11+$0x1920]  }
0x1d8: {  	s12 =	simm.s32 $0x0;
	s14 =	simm.s32 $0x1C8E0;
	v10 =	vld [tilespmem:s11+$0x20];
	[tilespmem:s11+$0x10] =	vst v9;
	v9 =	vadd.bf16 v13, v12;
	v12 =	vadd.bf16 v15, v14  }
.LBB2_21:
0x1d9: {  	v13 =	vld [tilespmem:s14+$0x1900];
	s12 =	sadd.s32 $0x2, s12;
	v8 =	vadd.bf16 v0, v8;
	v1 =	vadd.bf16 v1, v3  }
0x1da: {  	v0 =	vld [tilespmem:s14+$0x1960];
	p0 =	slt.u32 s12, $0x4E;
	[tilespmem:s11+$0x50] =	vst v12  }
0x1db: {  	v2 =	vadd.bf16 v6, v2;
	v12 =	vld [tilespmem:s14+$0x1990];
	[tilespmem:s11+$0x0] =	vst v11;
	v4 =	vadd.bf16 v4, v5  }
0x1dc: {  	v5 =	vld [tilespmem:s14+$0x90];
	[tilespmem:s11+$0x80] =	vst v1  }
0x1dd: {  	v1 =	vld [tilespmem:s14+$0x1980];
	v6 =	vadd.bf16 v7, v10;
	[tilespmem:s11+$0x70] =	vst v2  }
0x1de: {  	v3 =	vld [tilespmem:s14+$0x80];
	[tilespmem:s11+$0x40] =	vst v9  }
0x1df: {  	v7 =	vld [tilespmem:s14+$0x10];
	[tilespmem:s11+$0x20] =	vst v6  }
0x1e0: {  	v2 =	vld [tilespmem:s14+$0x70];
	[tilespmem:s11+$0x60] =	vst v8  }
0x1e1: {  	v9 =	vld [tilespmem:s14+$0x0];
	v5 =	vadd.bf16 v12, v5;
	[tilespmem:s11+$0x30] =	vst v4;
	s11 =	smov.u32 s14  }
0x1e2: {  	v10 =	vld [tilespmem:s14+$0x1910]  }
0x1e3: {  	v4 =	vld [tilespmem:s14+$0x1930];
	[tilespmem:s14+$0x90] =	vst v5  }
0x1e4: {  	v12 =	vld [tilespmem:s14+$0x40]  }
0x1e5: {  	v14 =	vld [tilespmem:s14+$0x1940]  }
0x1e6: {  	v15 =	vld [tilespmem:s14+$0x50]  }
0x1e7: {  	v16 =	vld [tilespmem:s14+$0x1950]  }
.Ltmp9:
0x1e8: {  	v8 =	vld [tilespmem:s14+$0x60];
	(pc) =	sbr.rel @p0 .LBB2_21-.Ltmp9, $4  }
0x1e9: {  	v6 =	vld [tilespmem:s14+$0x1970]  }
0x1ea: {  	v10 =	vadd.bf16 v10, v7;
	v5 =	vld [tilespmem:s14+$0x30]  }
0x1eb: {  	v11 =	vadd.bf16 v13, v9;
	v7 =	vld [tilespmem:s14+$0x1920]  }
0x1ec: {  	v9 =	vadd.bf16 v14, v12;
	s14 =	sadd.s32 $0xA0, s14;
	[tilespmem:s11+$0x10] =	vst v10;
	v10 =	vld [tilespmem:s11+$0x20];
	v12 =	vadd.bf16 v16, v15  }
0x1ed: {  	[tilespmem:s11+$0x0] =	vst v11  }
0x1ee: {  	v1 =	vadd.bf16 v1, v3;
	[tilespmem:s11+$0x50] =	vst v12  }
0x1ef: {  	s9 =	smul.u32 $0x50, s9;
	v0 =	vadd.bf16 v0, v8;
	[tilespmem:s11+$0x40] =	vst v9  }
0x1f0: {  	v2 =	vadd.bf16 v6, v2;
	[tilespmem:s11+$0x80] =	vst v1  }
0x1f1: {  	s9 =	sadd.s32 s13, s9;
	v63 =	vadd.bf16 v4, v5;
	[tilespmem:s11+$0x60] =	vst v0  }
0x1f2: {  	[tilespmem:s11+$0x70] =	vst v2;
	s9 =	smul.u32 $0xA, s9;
	v62 =	vadd.bf16 v7, v10  }
0x1f3: {  	s14 =	smul.u32 $0x500, s7;
	s7 =	sadd.s32 $0x1, s7;
	[tilespmem:s11+$0x30] =	vst v63  }
0x1f4: {  	p0 =	sne.s32 s7, $0xC;
	s9 =	sadd.s32 s4, s9;
	[tilespmem:s11+$0x20] =	vst v62  }
0x1f5: {  	[hbm4b:s9+s3] =	stream.linear.scatter [tilespmem:s29], [sflag:$0x4], $0x1900, $0x38;
	[tilespmem:$0x1FA40] =	vst v63  }
.Ltmp10:
0x1f6: {  	_ = 	snop;
	(pc) =	sbr.rel @p0 .LBB2_18-.Ltmp10, $4  }
0x1f7: {  	_ =	swait.ge [sflag:s0], $0x1900  }
0x1f8: {  	s9 =	sshra.s32 s14, $0x2;
	[sflag:s0] =	ssyncset.done $0x0  }
0x1f9: {  	s9 =	sadd.s32 $0x187E0, s9;
	[sflag:s0] =	ssyncadd.s32 $0xFFFFE700  }
0x1fa: {  	[tilespmem:s28], [sflag:$0x1] =	stream.indirect.gather [spmem:s1], $0x50, s9, s26, $0xb8;
	[tilespmem:$0x1FA40] =	vst v63  }
0x1fb: {  	_ =	swait.ge [sflag:s30], $0x3200  }
0x1fc: {  	[sflag:s30] =	ssyncset.done $0x0  }
0x1fd: {  	s7 =	simm.s32 $0x19640;
	[sflag:s30] =	ssyncadd.s32 $0xFFFFCE00  }
0x1fe: {  	v7 =	vld [tilespmem:s7+$0x1900]  }
0x1ff: {  	v0 =	vld [tilespmem:s7+$0x1960]  }
0x200: {  	v5 =	vld [tilespmem:s7+$0x1990]  }
0x201: {  	v6 =	vld [tilespmem:s7+$0x90]  }
0x202: {  	v1 =	vld [tilespmem:s7+$0x1980]  }
0x203: {  	v3 =	vld [tilespmem:s7+$0x80]  }
0x204: {  	v9 =	vld [tilespmem:s7+$0x10]  }
0x205: {  	v2 =	vld [tilespmem:s7+$0x70]  }
0x206: {  	v10 =	vld [tilespmem:s7+$0x0]  }
0x207: {  	v11 =	vld [tilespmem:s7+$0x1910]  }
0x208: {  	v4 =	vld [tilespmem:s7+$0x1930]  }
0x209: {  	v12 =	vld [tilespmem:s7+$0x40]  }
0x20a: {  	v13 =	vld [tilespmem:s7+$0x1940]  }
0x20b: {  	v14 =	vld [tilespmem:s7+$0x50]  }
0x20c: {  	v15 =	vld [tilespmem:s7+$0x1950]  }
0x20d: {  	v8 =	vld [tilespmem:s7+$0x60];
	v5 =	vadd.bf16 v5, v6  }
0x20e: {  	v6 =	vld [tilespmem:s7+$0x1970]  }
0x20f: {  	v9 =	vadd.bf16 v11, v9;
	[tilespmem:s7+$0x90] =	vst v5;
	v5 =	vld [tilespmem:s7+$0x30]  }
0x210: {  	v11 =	vadd.bf16 v7, v10;
	v7 =	vld [tilespmem:s7+$0x1920]  }
0x211: {  	s9 =	simm.s32 $0x0;
	s11 =	simm.s32 $0x196E0;
	v10 =	vld [tilespmem:s7+$0x20];
	[tilespmem:s7+$0x10] =	vst v9;
	v9 =	vadd.bf16 v13, v12;
	v12 =	vadd.bf16 v15, v14  }
.LBB2_24:
0x212: {  	v13 =	vld [tilespmem:s11+$0x1900];
	s9 =	sadd.s32 $0x2, s9;
	v8 =	vadd.bf16 v0, v8;
	v1 =	vadd.bf16 v1, v3  }
0x213: {  	v0 =	vld [tilespmem:s11+$0x1960];
	p0 =	slt.u32 s9, $0x4E;
	[tilespmem:s7+$0x50] =	vst v12  }
0x214: {  	v2 =	vadd.bf16 v6, v2;
	v12 =	vld [tilespmem:s11+$0x1990];
	[tilespmem:s7+$0x0] =	vst v11;
	v4 =	vadd.bf16 v4, v5  }
0x215: {  	v5 =	vld [tilespmem:s11+$0x90];
	[tilespmem:s7+$0x80] =	vst v1  }
0x216: {  	v1 =	vld [tilespmem:s11+$0x1980];
	v6 =	vadd.bf16 v7, v10;
	[tilespmem:s7+$0x70] =	vst v2  }
0x217: {  	v3 =	vld [tilespmem:s11+$0x80];
	[tilespmem:s7+$0x40] =	vst v9  }
0x218: {  	v7 =	vld [tilespmem:s11+$0x10];
	[tilespmem:s7+$0x20] =	vst v6  }
0x219: {  	v2 =	vld [tilespmem:s11+$0x70];
	[tilespmem:s7+$0x60] =	vst v8  }
0x21a: {  	v9 =	vld [tilespmem:s11+$0x0];
	v5 =	vadd.bf16 v12, v5;
	[tilespmem:s7+$0x30] =	vst v4;
	s7 =	smov.u32 s11  }
0x21b: {  	v10 =	vld [tilespmem:s11+$0x1910]  }
0x21c: {  	v4 =	vld [tilespmem:s11+$0x1930];
	[tilespmem:s11+$0x90] =	vst v5  }
0x21d: {  	v12 =	vld [tilespmem:s11+$0x40]  }
0x21e: {  	v14 =	vld [tilespmem:s11+$0x1940]  }
0x21f: {  	v15 =	vld [tilespmem:s11+$0x50]  }
0x220: {  	v16 =	vld [tilespmem:s11+$0x1950]  }
.Ltmp11:
0x221: {  	v8 =	vld [tilespmem:s11+$0x60];
	(pc) =	sbr.rel @p0 .LBB2_24-.Ltmp11, $4  }
0x222: {  	v6 =	vld [tilespmem:s11+$0x1970]  }
0x223: {  	v10 =	vadd.bf16 v10, v7;
	v5 =	vld [tilespmem:s11+$0x30]  }
0x224: {  	v11 =	vadd.bf16 v13, v9;
	v7 =	vld [tilespmem:s11+$0x1920]  }
0x225: {  	v9 =	vadd.bf16 v14, v12;
	s11 =	sadd.s32 $0xA0, s11;
	[tilespmem:s7+$0x10] =	vst v10;
	v10 =	vld [tilespmem:s7+$0x20];
	v12 =	vadd.bf16 v16, v15  }
0x226: {  	[tilespmem:s7+$0x0] =	vst v11  }
0x227: {  	v1 =	vadd.bf16 v1, v3;
	[tilespmem:s7+$0x50] =	vst v12  }
0x228: {  	v0 =	vadd.bf16 v0, v8;
	[tilespmem:s7+$0x40] =	vst v9  }
0x229: {  	v2 =	vadd.bf16 v6, v2;
	[tilespmem:s7+$0x80] =	vst v1  }
0x22a: {  	v63 =	vadd.bf16 v4, v5;
	[tilespmem:s7+$0x60] =	vst v0  }
0x22b: {  	[tilespmem:s7+$0x70] =	vst v2;
	v62 =	vadd.bf16 v7, v10  }
0x22c: {  	[tilespmem:s7+$0x30] =	vst v63  }
0x22d: {  	[tilespmem:s7+$0x20] =	vst v62;
	s7 =	simm.s32 $0x0  }
0x22e: {  	[hbm4b:s15+s7] =	stream.linear.scatter [tilespmem:s28], [sflag:$0x3], $0x1900, $0x38;
	[tilespmem:$0x1FA40] =	vst v63  }
0x22f: {  	_ =	swait.ge [sflag:s2], $0x1900  }
0x230: {  	[sflag:s2] =	ssyncset.done $0x0  }
0x231: {  	[sflag:s2] =	ssyncadd.s32 $0xFFFFE700  }
0x232: {  	_ =	swait.ge [sflag:s0], $0x1900  }
0x233: {  	[sflag:s0] =	ssyncset.done $0x0  }
0x234: {  	[sflag:s0] =	ssyncadd.s32 $0xFFFFE700  }
0x235: {  	[tilespmem:s25], [sflag:$0x5] =	stream.linear.gather [hbm4b:s17+s7], $0xFA0, $0x38;
	[tilespmem:$0x1FA40] =	vst v63  }
0x236: {  	_ =	swait.ge [sflag:s24], $0xFA0  }
0x237: {  	[sflag:s24] =	ssyncset.done $0x0  }
0x238: {  	[sflag:s24] =	ssyncadd.s32 $0xFFFFF060  }
0x239: {  	[tilespmem:s28], [sflag:$0x1] =	stream.indirect.gather [spmem:s1], $0x50, s25, s26, $0xb8;
	[tilespmem:$0x1FA40] =	vst v63  }
.LBB2_26:
0x23a: {  	s9 =	sshllo.u32 s7, $0x1;
	p0 =	seq.s32 s7, $0x0  }
0x23b: {  	s11 =	simm.s32 @!p0 $0x4;
	s12 =	smul.u32 $0x280, s9  }
0x23c: {  	_ =	swait.ge @!p0 [sflag:s11], $0x1900  }
0x23d: {  	[sflag:s11] =	ssyncset.done @!p0 $0x0;
	s12 =	sshra.s32 s12, $0x2  }
0x23e: {  	[sflag:s11] =	ssyncadd.s32 @!p0 $0xFFFFE700;
	s14 =	sadd.s32 $0x186A0, s12  }
0x23f: {  	[tilespmem:s29], [sflag:$0x2] =	stream.indirect.gather [spmem:s1], $0x50, s14, s26, $0xb8;
	[tilespmem:$0x1FA40] =	vst v63  }
0x240: {  	_ =	swait.ge [sflag:s30], $0x3200  }
0x241: {  	[sflag:s30] =	ssyncset.done $0x0  }
0x242: {  	s11 =	simm.s32 $0x19640;
	[sflag:s30] =	ssyncadd.s32 $0xFFFFCE00  }
0x243: {  	v7 =	vld [tilespmem:s11+$0x1900]  }
0x244: {  	v0 =	vld [tilespmem:s11+$0x1960]  }
0x245: {  	v5 =	vld [tilespmem:s11+$0x1990]  }
0x246: {  	v6 =	vld [tilespmem:s11+$0x90]  }
0x247: {  	v1 =	vld [tilespmem:s11+$0x1980]  }
0x248: {  	v3 =	vld [tilespmem:s11+$0x80]  }
0x249: {  	v9 =	vld [tilespmem:s11+$0x10]  }
0x24a: {  	v2 =	vld [tilespmem:s11+$0x70]  }
0x24b: {  	v10 =	vld [tilespmem:s11+$0x0]  }
0x24c: {  	v11 =	vld [tilespmem:s11+$0x1910]  }
0x24d: {  	v4 =	vld [tilespmem:s11+$0x1930]  }
0x24e: {  	v12 =	vld [tilespmem:s11+$0x40]  }
0x24f: {  	v13 =	vld [tilespmem:s11+$0x1940]  }
0x250: {  	v14 =	vld [tilespmem:s11+$0x50]  }
0x251: {  	v15 =	vld [tilespmem:s11+$0x1950]  }
0x252: {  	v8 =	vld [tilespmem:s11+$0x60];
	v5 =	vadd.bf16 v5, v6  }
0x253: {  	v6 =	vld [tilespmem:s11+$0x1970]  }
0x254: {  	v9 =	vadd.bf16 v11, v9;
	[tilespmem:s11+$0x90] =	vst v5;
	v5 =	vld [tilespmem:s11+$0x30]  }
0x255: {  	v11 =	vadd.bf16 v7, v10;
	v7 =	vld [tilespmem:s11+$0x1920]  }
0x256: {  	s12 =	simm.s32 $0x0;
	s14 =	simm.s32 $0x196E0;
	v10 =	vld [tilespmem:s11+$0x20];
	[tilespmem:s11+$0x10] =	vst v9;
	v9 =	vadd.bf16 v13, v12;
	v12 =	vadd.bf16 v15, v14  }
.LBB2_27:
0x257: {  	v13 =	vld [tilespmem:s14+$0x1900];
	s12 =	sadd.s32 $0x2, s12;
	v8 =	vadd.bf16 v0, v8;
	v1 =	vadd.bf16 v1, v3  }
0x258: {  	v0 =	vld [tilespmem:s14+$0x1960];
	p0 =	slt.u32 s12, $0x4E;
	[tilespmem:s11+$0x50] =	vst v12  }
0x259: {  	v2 =	vadd.bf16 v6, v2;
	v12 =	vld [tilespmem:s14+$0x1990];
	[tilespmem:s11+$0x0] =	vst v11;
	v4 =	vadd.bf16 v4, v5  }
0x25a: {  	v5 =	vld [tilespmem:s14+$0x90];
	[tilespmem:s11+$0x80] =	vst v1  }
0x25b: {  	v1 =	vld [tilespmem:s14+$0x1980];
	v6 =	vadd.bf16 v7, v10;
	[tilespmem:s11+$0x70] =	vst v2  }
0x25c: {  	v3 =	vld [tilespmem:s14+$0x80];
	[tilespmem:s11+$0x40] =	vst v9  }
0x25d: {  	v7 =	vld [tilespmem:s14+$0x10];
	[tilespmem:s11+$0x20] =	vst v6  }
0x25e: {  	v2 =	vld [tilespmem:s14+$0x70];
	[tilespmem:s11+$0x60] =	vst v8  }
0x25f: {  	v9 =	vld [tilespmem:s14+$0x0];
	v5 =	vadd.bf16 v12, v5;
	[tilespmem:s11+$0x30] =	vst v4;
	s11 =	smov.u32 s14  }
0x260: {  	v10 =	vld [tilespmem:s14+$0x1910]  }
0x261: {  	v4 =	vld [tilespmem:s14+$0x1930];
	[tilespmem:s14+$0x90] =	vst v5  }
0x262: {  	v12 =	vld [tilespmem:s14+$0x40]  }
0x263: {  	v14 =	vld [tilespmem:s14+$0x1940]  }
0x264: {  	v15 =	vld [tilespmem:s14+$0x50]  }
0x265: {  	v16 =	vld [tilespmem:s14+$0x1950]  }
.Ltmp12:
0x266: {  	v8 =	vld [tilespmem:s14+$0x60];
	(pc) =	sbr.rel @p0 .LBB2_27-.Ltmp12, $4  }
0x267: {  	v6 =	vld [tilespmem:s14+$0x1970]  }
0x268: {  	v10 =	vadd.bf16 v10, v7;
	v5 =	vld [tilespmem:s14+$0x30]  }
0x269: {  	v11 =	vadd.bf16 v13, v9;
	v7 =	vld [tilespmem:s14+$0x1920]  }
0x26a: {  	v9 =	vadd.bf16 v14, v12;
	s14 =	sadd.s32 $0xA0, s14;
	[tilespmem:s11+$0x10] =	vst v10;
	v10 =	vld [tilespmem:s11+$0x20];
	v12 =	vadd.bf16 v16, v15  }
0x26b: {  	[tilespmem:s11+$0x0] =	vst v11  }
0x26c: {  	v1 =	vadd.bf16 v1, v3;
	[tilespmem:s11+$0x50] =	vst v12  }
0x26d: {  	s12 =	smul.u32 $0xA0, s7;
	v2 =	vadd.bf16 v6, v2;
	[tilespmem:s11+$0x40] =	vst v9  }
0x26e: {  	v0 =	vadd.bf16 v0, v8;
	[tilespmem:s11+$0x80] =	vst v1  }
0x26f: {  	s12 =	sadd.s32 s16, s12;
	[tilespmem:s11+$0x70] =	vst v2;
	v2 =	vadd.bf16 v4, v5  }
0x270: {  	[tilespmem:s11+$0x60] =	vst v0;
	s12 =	smul.u32 $0xA, s12;
	v1 =	vadd.bf16 v7, v10  }
0x271: {  	[tilespmem:s11+$0x30] =	vst v2  }
0x272: {  	s14 =	sadd.s32 s4, s12;
	[tilespmem:s11+$0x20] =	vst v1  }
0x273: {  	[hbm4b:s14+s3] =	stream.linear.scatter [tilespmem:s28], [sflag:$0x3], $0x1900, $0x38;
	[tilespmem:$0x1FA40] =	vst v63  }
0x274: {  	_ =	swait.ge [sflag:s31], $0x3200  }
0x275: {  	[sflag:s31] =	ssyncset.done $0x0  }
0x276: {  	s11 =	simm.s32 $0x1C840;
	[sflag:s31] =	ssyncadd.s32 $0xFFFFCE00  }
0x277: {  	v7 =	vld [tilespmem:s11+$0x1900]  }
0x278: {  	v0 =	vld [tilespmem:s11+$0x1960]  }
0x279: {  	v5 =	vld [tilespmem:s11+$0x1990]  }
0x27a: {  	v6 =	vld [tilespmem:s11+$0x90]  }
0x27b: {  	v1 =	vld [tilespmem:s11+$0x1980]  }
0x27c: {  	v3 =	vld [tilespmem:s11+$0x80]  }
0x27d: {  	v9 =	vld [tilespmem:s11+$0x10]  }
0x27e: {  	v2 =	vld [tilespmem:s11+$0x70]  }
0x27f: {  	v10 =	vld [tilespmem:s11+$0x0]  }
0x280: {  	v11 =	vld [tilespmem:s11+$0x1910]  }
0x281: {  	v4 =	vld [tilespmem:s11+$0x1930]  }
0x282: {  	v12 =	vld [tilespmem:s11+$0x40]  }
0x283: {  	v13 =	vld [tilespmem:s11+$0x1940]  }
0x284: {  	v14 =	vld [tilespmem:s11+$0x50]  }
0x285: {  	v15 =	vld [tilespmem:s11+$0x1950]  }
0x286: {  	v8 =	vld [tilespmem:s11+$0x60];
	v5 =	vadd.bf16 v5, v6  }
0x287: {  	v6 =	vld [tilespmem:s11+$0x1970]  }
0x288: {  	v9 =	vadd.bf16 v11, v9;
	[tilespmem:s11+$0x90] =	vst v5;
	v5 =	vld [tilespmem:s11+$0x30]  }
0x289: {  	v11 =	vadd.bf16 v7, v10;
	v7 =	vld [tilespmem:s11+$0x1920]  }
0x28a: {  	s12 =	simm.s32 $0x0;
	s14 =	simm.s32 $0x1C8E0;
	v10 =	vld [tilespmem:s11+$0x20];
	[tilespmem:s11+$0x10] =	vst v9;
	v9 =	vadd.bf16 v13, v12;
	v12 =	vadd.bf16 v15, v14  }
.LBB2_29:
0x28b: {  	v13 =	vld [tilespmem:s14+$0x1900];
	s12 =	sadd.s32 $0x2, s12;
	v8 =	vadd.bf16 v0, v8;
	v1 =	vadd.bf16 v1, v3  }
0x28c: {  	v0 =	vld [tilespmem:s14+$0x1960];
	p0 =	slt.u32 s12, $0x4E;
	[tilespmem:s11+$0x50] =	vst v12  }
0x28d: {  	v2 =	vadd.bf16 v6, v2;
	v12 =	vld [tilespmem:s14+$0x1990];
	[tilespmem:s11+$0x0] =	vst v11;
	v4 =	vadd.bf16 v4, v5  }
0x28e: {  	v5 =	vld [tilespmem:s14+$0x90];
	[tilespmem:s11+$0x80] =	vst v1  }
0x28f: {  	v1 =	vld [tilespmem:s14+$0x1980];
	v6 =	vadd.bf16 v7, v10;
	[tilespmem:s11+$0x70] =	vst v2  }
0x290: {  	v3 =	vld [tilespmem:s14+$0x80];
	[tilespmem:s11+$0x40] =	vst v9  }
0x291: {  	v7 =	vld [tilespmem:s14+$0x10];
	[tilespmem:s11+$0x20] =	vst v6  }
0x292: {  	v2 =	vld [tilespmem:s14+$0x70];
	[tilespmem:s11+$0x60] =	vst v8  }
0x293: {  	v9 =	vld [tilespmem:s14+$0x0];
	v5 =	vadd.bf16 v12, v5;
	[tilespmem:s11+$0x30] =	vst v4;
	s11 =	smov.u32 s14  }
0x294: {  	v10 =	vld [tilespmem:s14+$0x1910]  }
0x295: {  	v4 =	vld [tilespmem:s14+$0x1930];
	[tilespmem:s14+$0x90] =	vst v5  }
0x296: {  	v12 =	vld [tilespmem:s14+$0x40]  }
0x297: {  	v14 =	vld [tilespmem:s14+$0x1940]  }
0x298: {  	v15 =	vld [tilespmem:s14+$0x50]  }
0x299: {  	v16 =	vld [tilespmem:s14+$0x1950]  }
.Ltmp13:
0x29a: {  	v8 =	vld [tilespmem:s14+$0x60];
	(pc) =	sbr.rel @p0 .LBB2_29-.Ltmp13, $4  }
0x29b: {  	v6 =	vld [tilespmem:s14+$0x1970]  }
0x29c: {  	v10 =	vadd.bf16 v10, v7;
	v5 =	vld [tilespmem:s14+$0x30]  }
0x29d: {  	v11 =	vadd.bf16 v13, v9;
	v7 =	vld [tilespmem:s14+$0x1920]  }
0x29e: {  	v9 =	vadd.bf16 v14, v12;
	s14 =	sadd.s32 $0xA0, s14;
	[tilespmem:s11+$0x10] =	vst v10;
	v10 =	vld [tilespmem:s11+$0x20];
	v12 =	vadd.bf16 v16, v15  }
0x29f: {  	[tilespmem:s11+$0x0] =	vst v11  }
0x2a0: {  	v1 =	vadd.bf16 v1, v3;
	[tilespmem:s11+$0x50] =	vst v12  }
0x2a1: {  	s9 =	smul.u32 $0x50, s9;
	v0 =	vadd.bf16 v0, v8;
	[tilespmem:s11+$0x40] =	vst v9  }
0x2a2: {  	v2 =	vadd.bf16 v6, v2;
	[tilespmem:s11+$0x80] =	vst v1  }
0x2a3: {  	s9 =	sadd.s32 s16, s9;
	v63 =	vadd.bf16 v4, v5;
	[tilespmem:s11+$0x60] =	vst v0  }
0x2a4: {  	[tilespmem:s11+$0x70] =	vst v2;
	s9 =	smul.u32 $0xA, s9;
	v62 =	vadd.bf16 v7, v10  }
0x2a5: {  	s14 =	smul.u32 $0x500, s7;
	s7 =	sadd.s32 $0x1, s7;
	[tilespmem:s11+$0x30] =	vst v63  }
0x2a6: {  	p0 =	sne.s32 s7, $0xC;
	s9 =	sadd.s32 s4, s9;
	[tilespmem:s11+$0x20] =	vst v62  }
0x2a7: {  	[hbm4b:s9+s3] =	stream.linear.scatter [tilespmem:s29], [sflag:$0x4], $0x1900, $0x38;
	[tilespmem:$0x1FA40] =	vst v63  }
.Ltmp14:
0x2a8: {  	_ = 	snop;
	(pc) =	sbr.rel @p0 .LBB2_26-.Ltmp14, $4  }
0x2a9: {  	_ =	swait.ge [sflag:s0], $0x1900  }
0x2aa: {  	s9 =	sshra.s32 s14, $0x2;
	[sflag:s0] =	ssyncset.done $0x0  }
0x2ab: {  	s9 =	sadd.s32 $0x187E0, s9;
	[sflag:s0] =	ssyncadd.s32 $0xFFFFE700  }
0x2ac: {  	[tilespmem:s28], [sflag:$0x1] =	stream.indirect.gather [spmem:s1], $0x50, s9, s26, $0xb8;
	[tilespmem:$0x1FA40] =	vst v63  }
0x2ad: {  	_ =	swait.ge [sflag:s30], $0x3200  }
0x2ae: {  	[sflag:s30] =	ssyncset.done $0x0  }
0x2af: {  	s7 =	simm.s32 $0x19640;
	[sflag:s30] =	ssyncadd.s32 $0xFFFFCE00  }
0x2b0: {  	v7 =	vld [tilespmem:s7+$0x1900]  }
0x2b1: {  	v0 =	vld [tilespmem:s7+$0x1960]  }
0x2b2: {  	v5 =	vld [tilespmem:s7+$0x1990]  }
0x2b3: {  	v6 =	vld [tilespmem:s7+$0x90]  }
0x2b4: {  	v1 =	vld [tilespmem:s7+$0x1980]  }
0x2b5: {  	v3 =	vld [tilespmem:s7+$0x80]  }
0x2b6: {  	v9 =	vld [tilespmem:s7+$0x10]  }
0x2b7: {  	v2 =	vld [tilespmem:s7+$0x70]  }
0x2b8: {  	v10 =	vld [tilespmem:s7+$0x0]  }
0x2b9: {  	v11 =	vld [tilespmem:s7+$0x1910]  }
0x2ba: {  	v4 =	vld [tilespmem:s7+$0x1930]  }
0x2bb: {  	v12 =	vld [tilespmem:s7+$0x40]  }
0x2bc: {  	v13 =	vld [tilespmem:s7+$0x1940]  }
0x2bd: {  	v14 =	vld [tilespmem:s7+$0x50]  }
0x2be: {  	v15 =	vld [tilespmem:s7+$0x1950]  }
0x2bf: {  	v8 =	vld [tilespmem:s7+$0x60];
	v5 =	vadd.bf16 v5, v6  }
0x2c0: {  	v6 =	vld [tilespmem:s7+$0x1970]  }
0x2c1: {  	v9 =	vadd.bf16 v11, v9;
	[tilespmem:s7+$0x90] =	vst v5;
	v5 =	vld [tilespmem:s7+$0x30]  }
0x2c2: {  	v11 =	vadd.bf16 v7, v10;
	v7 =	vld [tilespmem:s7+$0x1920]  }
0x2c3: {  	s9 =	simm.s32 $0x0;
	s11 =	simm.s32 $0x196E0;
	v10 =	vld [tilespmem:s7+$0x20];
	[tilespmem:s7+$0x10] =	vst v9;
	v9 =	vadd.bf16 v13, v12;
	v12 =	vadd.bf16 v15, v14  }
.LBB2_32:
0x2c4: {  	v13 =	vld [tilespmem:s11+$0x1900];
	s9 =	sadd.s32 $0x2, s9;
	v8 =	vadd.bf16 v0, v8;
	v1 =	vadd.bf16 v1, v3  }
0x2c5: {  	v0 =	vld [tilespmem:s11+$0x1960];
	p0 =	slt.u32 s9, $0x4E;
	[tilespmem:s7+$0x50] =	vst v12  }
0x2c6: {  	v2 =	vadd.bf16 v6, v2;
	v12 =	vld [tilespmem:s11+$0x1990];
	[tilespmem:s7+$0x0] =	vst v11;
	v4 =	vadd.bf16 v4, v5  }
0x2c7: {  	v5 =	vld [tilespmem:s11+$0x90];
	[tilespmem:s7+$0x80] =	vst v1  }
0x2c8: {  	v1 =	vld [tilespmem:s11+$0x1980];
	v6 =	vadd.bf16 v7, v10;
	[tilespmem:s7+$0x70] =	vst v2  }
0x2c9: {  	v3 =	vld [tilespmem:s11+$0x80];
	[tilespmem:s7+$0x40] =	vst v9  }
0x2ca: {  	v7 =	vld [tilespmem:s11+$0x10];
	[tilespmem:s7+$0x20] =	vst v6  }
0x2cb: {  	v2 =	vld [tilespmem:s11+$0x70];
	[tilespmem:s7+$0x60] =	vst v8  }
0x2cc: {  	v9 =	vld [tilespmem:s11+$0x0];
	v5 =	vadd.bf16 v12, v5;
	[tilespmem:s7+$0x30] =	vst v4;
	s7 =	smov.u32 s11  }
0x2cd: {  	v10 =	vld [tilespmem:s11+$0x1910]  }
0x2ce: {  	v4 =	vld [tilespmem:s11+$0x1930];
	[tilespmem:s11+$0x90] =	vst v5  }
0x2cf: {  	v12 =	vld [tilespmem:s11+$0x40]  }
0x2d0: {  	v14 =	vld [tilespmem:s11+$0x1940]  }
0x2d1: {  	v15 =	vld [tilespmem:s11+$0x50]  }
0x2d2: {  	v16 =	vld [tilespmem:s11+$0x1950]  }
.Ltmp15:
0x2d3: {  	v8 =	vld [tilespmem:s11+$0x60];
	(pc) =	sbr.rel @p0 .LBB2_32-.Ltmp15, $4  }
0x2d4: {  	v6 =	vld [tilespmem:s11+$0x1970]  }
0x2d5: {  	v10 =	vadd.bf16 v10, v7;
	v5 =	vld [tilespmem:s11+$0x30]  }
0x2d6: {  	v11 =	vadd.bf16 v13, v9;
	v7 =	vld [tilespmem:s11+$0x1920]  }
0x2d7: {  	v9 =	vadd.bf16 v14, v12;
	s11 =	sadd.s32 $0xA0, s11;
	[tilespmem:s7+$0x10] =	vst v10;
	v10 =	vld [tilespmem:s7+$0x20];
	v12 =	vadd.bf16 v16, v15  }
0x2d8: {  	[tilespmem:s7+$0x0] =	vst v11  }
0x2d9: {  	v1 =	vadd.bf16 v1, v3;
	[tilespmem:s7+$0x50] =	vst v12  }
0x2da: {  	v0 =	vadd.bf16 v0, v8;
	[tilespmem:s7+$0x40] =	vst v9  }
0x2db: {  	v2 =	vadd.bf16 v6, v2;
	[tilespmem:s7+$0x80] =	vst v1  }
0x2dc: {  	v63 =	vadd.bf16 v4, v5;
	[tilespmem:s7+$0x60] =	vst v0  }
0x2dd: {  	[tilespmem:s7+$0x70] =	vst v2;
	v62 =	vadd.bf16 v7, v10  }
0x2de: {  	[tilespmem:s7+$0x30] =	vst v63  }
0x2df: {  	[tilespmem:s7+$0x20] =	vst v62;
	s7 =	simm.s32 $0x0  }
0x2e0: {  	[hbm4b:s18+s7] =	stream.linear.scatter [tilespmem:s28], [sflag:$0x3], $0x1900, $0x38;
	[tilespmem:$0x1FA40] =	vst v63  }
0x2e1: {  	_ =	swait.ge [sflag:s2], $0x1900  }
0x2e2: {  	[sflag:s2] =	ssyncset.done $0x0  }
0x2e3: {  	[sflag:s2] =	ssyncadd.s32 $0xFFFFE700  }
0x2e4: {  	_ =	swait.ge [sflag:s0], $0x1900  }
0x2e5: {  	[sflag:s0] =	ssyncset.done $0x0  }
0x2e6: {  	[sflag:s0] =	ssyncadd.s32 $0xFFFFE700  }
0x2e7: {  	[tilespmem:s25], [sflag:$0x5] =	stream.linear.gather [hbm4b:s20+s7], $0xFA0, $0x38;
	[tilespmem:$0x1FA40] =	vst v63  }
0x2e8: {  	_ =	swait.ge [sflag:s24], $0xFA0  }
0x2e9: {  	[sflag:s24] =	ssyncset.done $0x0  }
0x2ea: {  	[sflag:s24] =	ssyncadd.s32 $0xFFFFF060  }
0x2eb: {  	[tilespmem:s28], [sflag:$0x1] =	stream.indirect.gather [spmem:s1], $0x50, s25, s26, $0xb8;
	[tilespmem:$0x1FA40] =	vst v63  }
.LBB2_34:
0x2ec: {  	s9 =	sshllo.u32 s7, $0x1;
	p0 =	seq.s32 s7, $0x0  }
0x2ed: {  	s11 =	simm.s32 @!p0 $0x4;
	s12 =	smul.u32 $0x280, s9  }
0x2ee: {  	_ =	swait.ge @!p0 [sflag:s11], $0x1900  }
0x2ef: {  	[sflag:s11] =	ssyncset.done @!p0 $0x0;
	s12 =	sshra.s32 s12, $0x2  }
0x2f0: {  	[sflag:s11] =	ssyncadd.s32 @!p0 $0xFFFFE700;
	s14 =	sadd.s32 $0x186A0, s12  }
0x2f1: {  	[tilespmem:s29], [sflag:$0x2] =	stream.indirect.gather [spmem:s1], $0x50, s14, s26, $0xb8;
	[tilespmem:$0x1FA40] =	vst v63  }
0x2f2: {  	_ =	swait.ge [sflag:s30], $0x3200  }
0x2f3: {  	[sflag:s30] =	ssyncset.done $0x0  }
0x2f4: {  	s11 =	simm.s32 $0x19640;
	[sflag:s30] =	ssyncadd.s32 $0xFFFFCE00  }
0x2f5: {  	v7 =	vld [tilespmem:s11+$0x1900]  }
0x2f6: {  	v0 =	vld [tilespmem:s11+$0x1960]  }
0x2f7: {  	v5 =	vld [tilespmem:s11+$0x1990]  }
0x2f8: {  	v6 =	vld [tilespmem:s11+$0x90]  }
0x2f9: {  	v1 =	vld [tilespmem:s11+$0x1980]  }
0x2fa: {  	v3 =	vld [tilespmem:s11+$0x80]  }
0x2fb: {  	v9 =	vld [tilespmem:s11+$0x10]  }
0x2fc: {  	v2 =	vld [tilespmem:s11+$0x70]  }
0x2fd: {  	v10 =	vld [tilespmem:s11+$0x0]  }
0x2fe: {  	v11 =	vld [tilespmem:s11+$0x1910]  }
0x2ff: {  	v4 =	vld [tilespmem:s11+$0x1930]  }
0x300: {  	v12 =	vld [tilespmem:s11+$0x40]  }
0x301: {  	v13 =	vld [tilespmem:s11+$0x1940]  }
0x302: {  	v14 =	vld [tilespmem:s11+$0x50]  }
0x303: {  	v15 =	vld [tilespmem:s11+$0x1950]  }
0x304: {  	v8 =	vld [tilespmem:s11+$0x60];
	v5 =	vadd.bf16 v5, v6  }
0x305: {  	v6 =	vld [tilespmem:s11+$0x1970]  }
0x306: {  	v9 =	vadd.bf16 v11, v9;
	[tilespmem:s11+$0x90] =	vst v5;
	v5 =	vld [tilespmem:s11+$0x30]  }
0x307: {  	v11 =	vadd.bf16 v7, v10;
	v7 =	vld [tilespmem:s11+$0x1920]  }
0x308: {  	s12 =	simm.s32 $0x0;
	s14 =	simm.s32 $0x196E0;
	v10 =	vld [tilespmem:s11+$0x20];
	[tilespmem:s11+$0x10] =	vst v9;
	v9 =	vadd.bf16 v13, v12;
	v12 =	vadd.bf16 v15, v14  }
.LBB2_35:
0x309: {  	v13 =	vld [tilespmem:s14+$0x1900];
	s12 =	sadd.s32 $0x2, s12;
	v8 =	vadd.bf16 v0, v8;
	v1 =	vadd.bf16 v1, v3  }
0x30a: {  	v0 =	vld [tilespmem:s14+$0x1960];
	p0 =	slt.u32 s12, $0x4E;
	[tilespmem:s11+$0x50] =	vst v12  }
0x30b: {  	v2 =	vadd.bf16 v6, v2;
	v12 =	vld [tilespmem:s14+$0x1990];
	[tilespmem:s11+$0x0] =	vst v11;
	v4 =	vadd.bf16 v4, v5  }
0x30c: {  	v5 =	vld [tilespmem:s14+$0x90];
	[tilespmem:s11+$0x80] =	vst v1  }
0x30d: {  	v1 =	vld [tilespmem:s14+$0x1980];
	v6 =	vadd.bf16 v7, v10;
	[tilespmem:s11+$0x70] =	vst v2  }
0x30e: {  	v3 =	vld [tilespmem:s14+$0x80];
	[tilespmem:s11+$0x40] =	vst v9  }
0x30f: {  	v7 =	vld [tilespmem:s14+$0x10];
	[tilespmem:s11+$0x20] =	vst v6  }
0x310: {  	v2 =	vld [tilespmem:s14+$0x70];
	[tilespmem:s11+$0x60] =	vst v8  }
0x311: {  	v9 =	vld [tilespmem:s14+$0x0];
	v5 =	vadd.bf16 v12, v5;
	[tilespmem:s11+$0x30] =	vst v4;
	s11 =	smov.u32 s14  }
0x312: {  	v10 =	vld [tilespmem:s14+$0x1910]  }
0x313: {  	v4 =	vld [tilespmem:s14+$0x1930];
	[tilespmem:s14+$0x90] =	vst v5  }
0x314: {  	v12 =	vld [tilespmem:s14+$0x40]  }
0x315: {  	v14 =	vld [tilespmem:s14+$0x1940]  }
0x316: {  	v15 =	vld [tilespmem:s14+$0x50]  }
0x317: {  	v16 =	vld [tilespmem:s14+$0x1950]  }
.Ltmp16:
0x318: {  	v8 =	vld [tilespmem:s14+$0x60];
	(pc) =	sbr.rel @p0 .LBB2_35-.Ltmp16, $4  }
0x319: {  	v6 =	vld [tilespmem:s14+$0x1970]  }
0x31a: {  	v10 =	vadd.bf16 v10, v7;
	v5 =	vld [tilespmem:s14+$0x30]  }
0x31b: {  	v11 =	vadd.bf16 v13, v9;
	v7 =	vld [tilespmem:s14+$0x1920]  }
0x31c: {  	v9 =	vadd.bf16 v14, v12;
	s14 =	sadd.s32 $0xA0, s14;
	[tilespmem:s11+$0x10] =	vst v10;
	v10 =	vld [tilespmem:s11+$0x20];
	v12 =	vadd.bf16 v16, v15  }
0x31d: {  	[tilespmem:s11+$0x0] =	vst v11  }
0x31e: {  	v1 =	vadd.bf16 v1, v3;
	[tilespmem:s11+$0x50] =	vst v12  }
0x31f: {  	s12 =	smul.u32 $0xA0, s7;
	v2 =	vadd.bf16 v6, v2;
	[tilespmem:s11+$0x40] =	vst v9  }
0x320: {  	v0 =	vadd.bf16 v0, v8;
	[tilespmem:s11+$0x80] =	vst v1  }
0x321: {  	s12 =	sadd.s32 s19, s12;
	[tilespmem:s11+$0x70] =	vst v2;
	v2 =	vadd.bf16 v4, v5  }
0x322: {  	[tilespmem:s11+$0x60] =	vst v0;
	s12 =	smul.u32 $0xA, s12;
	v1 =	vadd.bf16 v7, v10  }
0x323: {  	[tilespmem:s11+$0x30] =	vst v2  }
0x324: {  	s14 =	sadd.s32 s4, s12;
	[tilespmem:s11+$0x20] =	vst v1  }
0x325: {  	[hbm4b:s14+s3] =	stream.linear.scatter [tilespmem:s28], [sflag:$0x3], $0x1900, $0x38;
	[tilespmem:$0x1FA40] =	vst v63  }
0x326: {  	_ =	swait.ge [sflag:s31], $0x3200  }
0x327: {  	[sflag:s31] =	ssyncset.done $0x0  }
0x328: {  	s11 =	simm.s32 $0x1C840;
	[sflag:s31] =	ssyncadd.s32 $0xFFFFCE00  }
0x329: {  	v7 =	vld [tilespmem:s11+$0x1900]  }
0x32a: {  	v0 =	vld [tilespmem:s11+$0x1960]  }
0x32b: {  	v5 =	vld [tilespmem:s11+$0x1990]  }
0x32c: {  	v6 =	vld [tilespmem:s11+$0x90]  }
0x32d: {  	v1 =	vld [tilespmem:s11+$0x1980]  }
0x32e: {  	v3 =	vld [tilespmem:s11+$0x80]  }
0x32f: {  	v9 =	vld [tilespmem:s11+$0x10]  }
0x330: {  	v2 =	vld [tilespmem:s11+$0x70]  }
0x331: {  	v10 =	vld [tilespmem:s11+$0x0]  }
0x332: {  	v11 =	vld [tilespmem:s11+$0x1910]  }
0x333: {  	v4 =	vld [tilespmem:s11+$0x1930]  }
0x334: {  	v12 =	vld [tilespmem:s11+$0x40]  }
0x335: {  	v13 =	vld [tilespmem:s11+$0x1940]  }
0x336: {  	v14 =	vld [tilespmem:s11+$0x50]  }
0x337: {  	v15 =	vld [tilespmem:s11+$0x1950]  }
0x338: {  	v8 =	vld [tilespmem:s11+$0x60];
	v5 =	vadd.bf16 v5, v6  }
0x339: {  	v6 =	vld [tilespmem:s11+$0x1970]  }
0x33a: {  	v9 =	vadd.bf16 v11, v9;
	[tilespmem:s11+$0x90] =	vst v5;
	v5 =	vld [tilespmem:s11+$0x30]  }
0x33b: {  	v11 =	vadd.bf16 v7, v10;
	v7 =	vld [tilespmem:s11+$0x1920]  }
0x33c: {  	s12 =	simm.s32 $0x0;
	s14 =	simm.s32 $0x1C8E0;
	v10 =	vld [tilespmem:s11+$0x20];
	[tilespmem:s11+$0x10] =	vst v9;
	v9 =	vadd.bf16 v13, v12;
	v12 =	vadd.bf16 v15, v14  }
.LBB2_37:
0x33d: {  	v13 =	vld [tilespmem:s14+$0x1900];
	s12 =	sadd.s32 $0x2, s12;
	v8 =	vadd.bf16 v0, v8;
	v1 =	vadd.bf16 v1, v3  }
0x33e: {  	v0 =	vld [tilespmem:s14+$0x1960];
	p0 =	slt.u32 s12, $0x4E;
	[tilespmem:s11+$0x50] =	vst v12  }
0x33f: {  	v2 =	vadd.bf16 v6, v2;
	v12 =	vld [tilespmem:s14+$0x1990];
	[tilespmem:s11+$0x0] =	vst v11;
	v4 =	vadd.bf16 v4, v5  }
0x340: {  	v5 =	vld [tilespmem:s14+$0x90];
	[tilespmem:s11+$0x80] =	vst v1  }
0x341: {  	v1 =	vld [tilespmem:s14+$0x1980];
	v6 =	vadd.bf16 v7, v10;
	[tilespmem:s11+$0x70] =	vst v2  }
0x342: {  	v3 =	vld [tilespmem:s14+$0x80];
	[tilespmem:s11+$0x40] =	vst v9  }
0x343: {  	v7 =	vld [tilespmem:s14+$0x10];
	[tilespmem:s11+$0x20] =	vst v6  }
0x344: {  	v2 =	vld [tilespmem:s14+$0x70];
	[tilespmem:s11+$0x60] =	vst v8  }
0x345: {  	v9 =	vld [tilespmem:s14+$0x0];
	v5 =	vadd.bf16 v12, v5;
	[tilespmem:s11+$0x30] =	vst v4;
	s11 =	smov.u32 s14  }
0x346: {  	v10 =	vld [tilespmem:s14+$0x1910]  }
0x347: {  	v4 =	vld [tilespmem:s14+$0x1930];
	[tilespmem:s14+$0x90] =	vst v5  }
0x348: {  	v12 =	vld [tilespmem:s14+$0x40]  }
0x349: {  	v14 =	vld [tilespmem:s14+$0x1940]  }
0x34a: {  	v15 =	vld [tilespmem:s14+$0x50]  }
0x34b: {  	v16 =	vld [tilespmem:s14+$0x1950]  }
.Ltmp17:
0x34c: {  	v8 =	vld [tilespmem:s14+$0x60];
	(pc) =	sbr.rel @p0 .LBB2_37-.Ltmp17, $4  }
0x34d: {  	v6 =	vld [tilespmem:s14+$0x1970]  }
0x34e: {  	v10 =	vadd.bf16 v10, v7;
	v5 =	vld [tilespmem:s14+$0x30]  }
0x34f: {  	v11 =	vadd.bf16 v13, v9;
	v7 =	vld [tilespmem:s14+$0x1920]  }
0x350: {  	v9 =	vadd.bf16 v14, v12;
	s14 =	sadd.s32 $0xA0, s14;
	[tilespmem:s11+$0x10] =	vst v10;
	v10 =	vld [tilespmem:s11+$0x20];
	v12 =	vadd.bf16 v16, v15  }
0x351: {  	[tilespmem:s11+$0x0] =	vst v11  }
0x352: {  	v1 =	vadd.bf16 v1, v3;
	[tilespmem:s11+$0x50] =	vst v12  }
0x353: {  	s9 =	smul.u32 $0x50, s9;
	v0 =	vadd.bf16 v0, v8;
	[tilespmem:s11+$0x40] =	vst v9  }
0x354: {  	v2 =	vadd.bf16 v6, v2;
	[tilespmem:s11+$0x80] =	vst v1  }
0x355: {  	s9 =	sadd.s32 s19, s9;
	v63 =	vadd.bf16 v4, v5;
	[tilespmem:s11+$0x60] =	vst v0  }
0x356: {  	[tilespmem:s11+$0x70] =	vst v2;
	s9 =	smul.u32 $0xA, s9;
	v62 =	vadd.bf16 v7, v10  }
0x357: {  	s14 =	smul.u32 $0x500, s7;
	s7 =	sadd.s32 $0x1, s7;
	[tilespmem:s11+$0x30] =	vst v63  }
0x358: {  	p0 =	sne.s32 s7, $0xC;
	s9 =	sadd.s32 s4, s9;
	[tilespmem:s11+$0x20] =	vst v62  }
0x359: {  	[hbm4b:s9+s3] =	stream.linear.scatter [tilespmem:s29], [sflag:$0x4], $0x1900, $0x38;
	[tilespmem:$0x1FA40] =	vst v63  }
.Ltmp18:
0x35a: {  	_ = 	snop;
	(pc) =	sbr.rel @p0 .LBB2_34-.Ltmp18, $4  }
0x35b: {  	_ =	swait.ge [sflag:s0], $0x1900  }
0x35c: {  	s9 =	sshra.s32 s14, $0x2;
	[sflag:s0] =	ssyncset.done $0x0  }
0x35d: {  	s9 =	sadd.s32 $0x187E0, s9;
	[sflag:s0] =	ssyncadd.s32 $0xFFFFE700  }
0x35e: {  	[tilespmem:s28], [sflag:$0x1] =	stream.indirect.gather [spmem:s1], $0x50, s9, s26, $0xb8;
	[tilespmem:$0x1FA40] =	vst v63  }
0x35f: {  	_ =	swait.ge [sflag:s30], $0x3200  }
0x360: {  	[sflag:s30] =	ssyncset.done $0x0  }
0x361: {  	s7 =	simm.s32 $0x19640;
	[sflag:s30] =	ssyncadd.s32 $0xFFFFCE00  }
0x362: {  	v7 =	vld [tilespmem:s7+$0x1900]  }
0x363: {  	v0 =	vld [tilespmem:s7+$0x1960]  }
0x364: {  	v5 =	vld [tilespmem:s7+$0x1990]  }
0x365: {  	v6 =	vld [tilespmem:s7+$0x90]  }
0x366: {  	v1 =	vld [tilespmem:s7+$0x1980]  }
0x367: {  	v3 =	vld [tilespmem:s7+$0x80]  }
0x368: {  	v9 =	vld [tilespmem:s7+$0x10]  }
0x369: {  	v2 =	vld [tilespmem:s7+$0x70]  }
0x36a: {  	v10 =	vld [tilespmem:s7+$0x0]  }
0x36b: {  	v11 =	vld [tilespmem:s7+$0x1910]  }
0x36c: {  	v4 =	vld [tilespmem:s7+$0x1930]  }
0x36d: {  	v12 =	vld [tilespmem:s7+$0x40]  }
0x36e: {  	v13 =	vld [tilespmem:s7+$0x1940]  }
0x36f: {  	v14 =	vld [tilespmem:s7+$0x50]  }
0x370: {  	v15 =	vld [tilespmem:s7+$0x1950]  }
0x371: {  	v8 =	vld [tilespmem:s7+$0x60];
	v5 =	vadd.bf16 v5, v6  }
0x372: {  	v6 =	vld [tilespmem:s7+$0x1970]  }
0x373: {  	v9 =	vadd.bf16 v11, v9;
	[tilespmem:s7+$0x90] =	vst v5;
	v5 =	vld [tilespmem:s7+$0x30]  }
0x374: {  	v11 =	vadd.bf16 v7, v10;
	v7 =	vld [tilespmem:s7+$0x1920]  }
0x375: {  	s9 =	simm.s32 $0x0;
	s11 =	simm.s32 $0x196E0;
	v10 =	vld [tilespmem:s7+$0x20];
	[tilespmem:s7+$0x10] =	vst v9;
	v9 =	vadd.bf16 v13, v12;
	v12 =	vadd.bf16 v15, v14  }
.LBB2_40:
0x376: {  	v13 =	vld [tilespmem:s11+$0x1900];
	s9 =	sadd.s32 $0x2, s9;
	v8 =	vadd.bf16 v0, v8;
	v1 =	vadd.bf16 v1, v3  }
0x377: {  	v0 =	vld [tilespmem:s11+$0x1960];
	p0 =	slt.u32 s9, $0x4E;
	[tilespmem:s7+$0x50] =	vst v12  }
0x378: {  	v2 =	vadd.bf16 v6, v2;
	v12 =	vld [tilespmem:s11+$0x1990];
	[tilespmem:s7+$0x0] =	vst v11;
	v4 =	vadd.bf16 v4, v5  }
0x379: {  	v5 =	vld [tilespmem:s11+$0x90];
	[tilespmem:s7+$0x80] =	vst v1  }
0x37a: {  	v1 =	vld [tilespmem:s11+$0x1980];
	v6 =	vadd.bf16 v7, v10;
	[tilespmem:s7+$0x70] =	vst v2  }
0x37b: {  	v3 =	vld [tilespmem:s11+$0x80];
	[tilespmem:s7+$0x40] =	vst v9  }
0x37c: {  	v7 =	vld [tilespmem:s11+$0x10];
	[tilespmem:s7+$0x20] =	vst v6  }
0x37d: {  	v2 =	vld [tilespmem:s11+$0x70];
	[tilespmem:s7+$0x60] =	vst v8  }
0x37e: {  	v9 =	vld [tilespmem:s11+$0x0];
	v5 =	vadd.bf16 v12, v5;
	[tilespmem:s7+$0x30] =	vst v4;
	s7 =	smov.u32 s11  }
0x37f: {  	v10 =	vld [tilespmem:s11+$0x1910]  }
0x380: {  	v4 =	vld [tilespmem:s11+$0x1930];
	[tilespmem:s11+$0x90] =	vst v5  }
0x381: {  	v12 =	vld [tilespmem:s11+$0x40]  }
0x382: {  	v14 =	vld [tilespmem:s11+$0x1940]  }
0x383: {  	v15 =	vld [tilespmem:s11+$0x50]  }
0x384: {  	v16 =	vld [tilespmem:s11+$0x1950]  }
.Ltmp19:
0x385: {  	v8 =	vld [tilespmem:s11+$0x60];
	(pc) =	sbr.rel @p0 .LBB2_40-.Ltmp19, $4  }
0x386: {  	v6 =	vld [tilespmem:s11+$0x1970]  }
0x387: {  	v10 =	vadd.bf16 v10, v7;
	v5 =	vld [tilespmem:s11+$0x30]  }
0x388: {  	v11 =	vadd.bf16 v13, v9;
	v7 =	vld [tilespmem:s11+$0x1920]  }
0x389: {  	v9 =	vadd.bf16 v14, v12;
	s11 =	sadd.s32 $0xA0, s11;
	[tilespmem:s7+$0x10] =	vst v10;
	v10 =	vld [tilespmem:s7+$0x20];
	v12 =	vadd.bf16 v16, v15  }
0x38a: {  	[tilespmem:s7+$0x0] =	vst v11  }
0x38b: {  	v1 =	vadd.bf16 v1, v3;
	[tilespmem:s7+$0x50] =	vst v12  }
0x38c: {  	v0 =	vadd.bf16 v0, v8;
	[tilespmem:s7+$0x40] =	vst v9  }
0x38d: {  	v2 =	vadd.bf16 v6, v2;
	[tilespmem:s7+$0x80] =	vst v1  }
0x38e: {  	v63 =	vadd.bf16 v4, v5;
	[tilespmem:s7+$0x60] =	vst v0  }
0x38f: {  	[tilespmem:s7+$0x70] =	vst v2;
	v62 =	vadd.bf16 v7, v10  }
0x390: {  	[tilespmem:s7+$0x30] =	vst v63  }
0x391: {  	s5 =	sadd.s32 $0x1, s5;
	[tilespmem:s7+$0x20] =	vst v62  }
0x392: {  	[hbm4b:s21+s3] =	stream.linear.scatter [tilespmem:s28], [sflag:$0x3], $0x1900, $0x38;
	[tilespmem:$0x1FA40] =	vst v63  }
0x393: {  	p0 =	sne.s32 s5, s22;
	_ =	swait.ge [sflag:s2], $0x1900  }
.Ltmp20:
0x394: {  	[sflag:s2] =	ssyncset.done $0x0;
	(pc) =	sbr.rel @p0 .LBB2_1-.Ltmp20, $4  }
0x395: {  	[sflag:s2] =	ssyncadd.s32 $0xFFFFE700  }
0x396: {  	_ =	swait.ge [sflag:s0], $0x1900  }
0x397: {  	[sflag:s0] =	ssyncset.done $0x0  }
0x398: {  	[sflag:s0] =	ssyncadd.s32 $0xFFFFE700  }
0x399: {  	_ =	sfence.sel $0x180000  }
0x39a: {  	[bflag:$0x0] =	sbarrier.arrive $0xFFFF  }
0x39b: {  	_ =	strace $0x90000047  }
0x39c: {  	s0 =	stileid.u32;
	[bflag:$0x2] =	sbarrier.arrive $0xFFFF  }
0x39d: {  	p0 =	sne.s32 s0, $0x0;
	s0 =	rddreg [dreg:$0x4]  }
0x39e: {  	s0 =	sadd.s32 @!p0 $0x100000, s0  }
0x39f: {  	[sflag:s0] =	ssyncadd.tile.s32 @!p0 $0x1;
	_ =	shalt  }
.Lfunc_end2:
_tile_overlayer_lowered:
.L_overlay_start_2:
0x3a0: {  	(tag) =	ssettag $0x2  }
0x3a1: {  	s0 =	rddreg [dreg:$0x0];
	s2 =	stileid.u32  }
0x3a2: {  	s1 =	rddreg [dreg:$0x1];
	p0 =	sne.s32 s2, $0x0  }
0x3a3: {  	s3 =	rddreg [dreg:$0x2];
	[bflag:$0x3] =	sbarrier.arrive $0xFFFF;
	s2 =	simm.s32 @!p0 $0x1C05  }
0x3a4: {  	[timem:s3], [sflag:s2] =	dma.local @!p0 [hbm:s0], s1  }
0x3a5: {  	s0 =	simm.s32 @!p0 $0x5  }
0x3a6: {  	_ =	swait.ge @!p0 [sflag:s0], s1  }
0x3a7: {  	s1 =	ssub.s32 @!p0 $0x0, s1;
	[sflag:s0] =	ssyncset.done @!p0 $0x0  }
0x3a8: {  	[sflag:s0] =	ssyncadd.s32 @!p0 s1  }
0x3a9: {  	[bflag:$0x3] =	sbarrier.arrive $0xFFFF  }
0x3aa: {  	_ =	shalt  }

</sc_bundles>
